<compile_context>
chip_gen: v7x
topology: tpu7x:2x2x1
jax: 0.10.2.dev20260603
libtpu: 0.0.44.dev20260713+nightly
codegen_flags: <defaults>
</compile_context>

<pallas_src>
import functools

import jax
import jax.numpy as jnp
from jax import lax
from jax.experimental import pallas as pl
from jax.experimental.pallas import tpu as pltpu
from jax.experimental.pallas import tpu_sc as plsc

N = 50000
NP = 51200
E = 800000
EP = 819200
B = 64
D = 64
Q = 16
NC, NS, L = 2, 16, 16

_EPS = EP // NS
_CH = 512
_NCH = _EPS // _CH
_RED = NP // NS
_YCH = 1600

_EPS1 = EP // (NC * NS)
_CH1 = 2560
_NPS1 = NP // (NC * NS)

_NLP = pltpu.CompilerParams(needs_layout_passes=False, use_tc_tiling_on_sc=False)


def _l2n(x):
    n = jnp.sqrt(jnp.sum(x * x, axis=1, keepdims=True))
    return x / jnp.maximum(n, 1e-12)


def _fold(pc, pc2, p3):
    a = jnp.dot(pc, p3[:D], preferred_element_type=jnp.float32)
    c = jnp.dot(pc2, p3[D:], preferred_element_type=jnp.float32)
    return a, c


def _prep_body(row_h, val_h, srow_h, sval_h, z1_h, rs_o, ys_o,
               acc, yacc, rowb, valb, srowb, svalb, sem):
    c = lax.axis_index("c")
    s = lax.axis_index("s")
    w = s * NC + c

    pltpu.sync_copy(z1_h.at[pl.ds(s * _RED, _RED)], acc.at[pl.ds(s * _RED, _RED)])

    @pl.when(s == 0)
    def _():
        pltpu.sync_copy(z1_h.at[pl.ds(0, 128)], yacc)
    plsc.subcore_barrier()

    e0 = w * _EPS1

    def chunk(k, carry):
        base = e0 + k * _CH1
        descs = []
        for u in range(_CH1 // 128):
            descs.append(pltpu.async_copy(
                row_h.at[pl.ds(base + u * 128, 128)], rowb.at[u], sem))
        descs.append(pltpu.async_copy(val_h.at[pl.ds(base, _CH1)], valb, sem))
        for d_ in descs:
            d_.wait()
        descs = []
        for u in range(_CH1 // 128):
            descs.append(pltpu.async_copy(
                valb.at[pl.ds(u * 128, 128)], acc.at[rowb.at[u]], sem,
                add=True))
        for d_ in descs:
            d_.wait()
        return carry
    lax.fori_loop(0, _EPS1 // _CH1, chunk, 0)

    n0 = w * _NPS1
    descs = []
    for u in range(_NPS1 // 80):
        descs.append(pltpu.async_copy(
            srow_h.at[pl.ds(n0 + u * 80, 80)], srowb.at[u], sem))
    descs.append(pltpu.async_copy(sval_h.at[pl.ds(n0, _NPS1)], svalb, sem))
    for d_ in descs:
        d_.wait()
    descs = []
    for u in range(_NPS1 // 80):
        descs.append(pltpu.async_copy(
            svalb.at[pl.ds(u * 80, 80)], yacc.at[srowb.at[u]], sem, add=True))
    for d_ in descs:
        d_.wait()

    plsc.subcore_barrier()
    pltpu.sync_copy(acc.at[pl.ds(s * _RED, _RED)],
                    rs_o.at[pl.ds(c * NP + s * _RED, _RED)])

    @pl.when(s == 0)
    def _():
        pltpu.sync_copy(yacc, ys_o.at[pl.ds(c * 128, 128)])


@jax.jit
def _sc_prep(rowp, valp, srowp, svalp, z1):
    mesh = plsc.VectorSubcoreMesh(core_axis_name="c", subcore_axis_name="s",
                                  num_cores=NC, num_subcores=NS)
    f = pl.kernel(
        _prep_body,
        out_type=(jax.ShapeDtypeStruct((NC * NP,), jnp.float32),
                  jax.ShapeDtypeStruct((NC * 128,), jnp.float32)),
        mesh=mesh,
        compiler_params=_NLP,
        scratch_types=[
            pltpu.VMEM_SHARED((NP,), jnp.float32),
            pltpu.VMEM_SHARED((128,), jnp.float32),
            pltpu.VMEM((_CH1 // 128, 128), jnp.int32),
            pltpu.VMEM((_CH1,), jnp.float32),
            pltpu.VMEM((_NPS1 // 80, 80), jnp.int32),
            pltpu.VMEM((_NPS1,), jnp.float32),
            pltpu.SemaphoreType.DMA,
        ],
    )
    return f(rowp, valp, srowp, svalp, z1)


def _iter1_body(rs_ref, ys_ref, w_ref, pc_ref, pc2_ref, p3_ref,
                curq_ref, ycur_ref):
    a, cmat = _fold(pc_ref[...], pc2_ref[...], p3_ref[...])
    v0 = jax.nn.relu(w_ref[0] + w_ref[1])
    v0 = v0 / jnp.maximum(jnp.sqrt(jnp.sum(v0 * v0)), 1e-12)
    ua = jnp.dot(v0[None, :], a, preferred_element_type=jnp.float32)
    uc = jnp.dot(v0[None, :], cmat, preferred_element_type=jnp.float32)

    rs = rs_ref[...]
    rowsum = rs[0] + rs[1]
    cur = _l2n(jax.nn.relu(rowsum * ua + uc))
    for q_ in range(4):
        curq_ref[q_] = cur[:, q_ * Q:(q_ + 1) * Q]

    ys = ys_ref[...]
    ysum = ys[0] + ys[1]
    ycur_ref[...] = _l2n(jax.nn.relu(ysum * ua + uc))


@jax.jit
def _tc_iter1(rs, ys, w_n2l, pc, pc2, p3):
    blk = 1600
    grid = NP // blk
    return pl.pallas_call(
        _iter1_body,
        grid=(grid,),
        in_specs=[
            pl.BlockSpec((NC, blk, 1), lambda i: (0, i, 0)),
            pl.BlockSpec((NC, 64, 1), lambda i: (0, 0, 0)),
            pl.BlockSpec((2, D), lambda i: (0, 0)),
            pl.BlockSpec((D, D), lambda i: (0, 0)),
            pl.BlockSpec((D, D), lambda i: (0, 0)),
            pl.BlockSpec((2 * D, D), lambda i: (0, 0)),
        ],
        out_specs=[
            pl.BlockSpec((4, blk, Q), lambda i: (0, i, 0)),
            pl.BlockSpec((B, D), lambda i: (0, 0)),
        ],
        out_shape=[
            jax.ShapeDtypeStruct((4, NP, Q), jnp.float32),
            jax.ShapeDtypeStruct((B, D), jnp.float32),
        ],
    )(rs, ys, w_n2l, pc, pc2, p3)


_SCK = 640
_CHK = 80
_NG = _EPS // _CHK
_NSC = _EPS // _SCK
_YN = _RED // _CHK


def _spmm_body(curq_h, col_h, row_h, val_h, srow_h, sval_h, acol_h, iot_h,
               pool_o, ypool_o, apool_o, acur_o,
               table, acc, yacc, gt0, gt1, colsc, rowsc, valsc, srowb, svalb,
               acolb, vstage, semi0, semi1, semg0, semg1, sems0, sems1, sem):
    c = lax.axis_index("c")
    s = lax.axis_index("s")
    iota = lax.iota(jnp.int32, L)
    zvec = jnp.zeros((L,), jnp.float32)

    def gtp(b):
        return gt0 if b == 0 else gt1

    def scale_plane(b, voff, vref):
        def st(t, carry2):
            rows = iota + t * L
            vv = vref[pl.ds(voff + t * L, L)]
            for j in range(Q):
                colsj = jnp.full((L,), j, jnp.int32)
                x = plsc.load_gather(gtp(b), [rows, colsj])
                plsc.store_scatter(gtp(b), [rows, colsj], x * vv)
            return carry2
        lax.fori_loop(0, _CHK // L, st, 0)

    def bridge_in(b):
        def st(t, carry2):
            v = vstage[pl.ds(t * L, L)]
            plsc.store_scatter(gtp(b), [jnp.full((L,), t, jnp.int32), iota], v)
            return carry2
        lax.fori_loop(0, _CHK, st, 0)

    def bridge_out(b):
        def st(t, carry2):
            x = plsc.load_gather(gtp(b), [jnp.full((L,), t, jnp.int32), iota])
            vstage[pl.ds(t * L, L)] = x
            return carry2
        lax.fori_loop(0, _CHK, st, 0)

    def _pass(p, pcarry):
        q = c * 2 + p
        n0 = s * _RED

        def _load_iot(r):
            descs = []
            for j in range(8):
                descs.append(pltpu.async_copy(
                    iot_h.at[pl.ds(n0 + r * 640 + j * _CHK, _CHK)],
                    rowsc.at[j], sem))
            for d_ in descs:
                d_.wait()

        def _zt(t, carry2):
            rows = iota + t * L
            for j in range(Q):
                plsc.store_scatter(gt0, [rows, jnp.full((L,), j, jnp.int32)],
                                   zvec)
            return carry2
        lax.fori_loop(0, _CHK // L, _zt, 0)

        def _zr(r, carry2):
            _load_iot(r)
            for j in range(8):
                pltpu.sync_copy(gt0, acc.at[rowsc.at[j]])
            return carry2
        lax.fori_loop(0, 5, _zr, 0)

        @pl.when(s == 0)
        def _():
            for j in range(2):
                pltpu.sync_copy(iot_h.at[pl.ds(j * _CHK, _CHK)], rowsc.at[j])
            for j in range(2):
                pltpu.sync_copy(gt0, yacc.at[rowsc.at[j]])

        def _tl(r, carry2):
            _load_iot(r)
            for j in range(8):
                base = q * NP + n0 + r * 640 + j * _CHK
                pltpu.sync_copy(curq_h.at[pl.ds(base * Q, _CHK * Q)], vstage)
                bridge_in(0)
                pltpu.sync_copy(gt0, table.at[rowsc.at[j]])
            return carry2
        lax.fori_loop(0, 5, _tl, 0)
        plsc.subcore_barrier()

        e0 = s * _EPS

        def issue_idx(m, slot):
            base = e0 + m * _SCK
            smi = semi0 if slot == 0 else semi1
            pltpu.async_copy(col_h.at[pl.ds(base, _SCK)],
                             colsc.at[pl.ds(slot * _SCK, _SCK)], smi)
            pltpu.async_copy(val_h.at[pl.ds(base, _SCK)],
                             valsc.at[pl.ds(slot * _SCK, _SCK)], smi)
            for j in range(8):
                pltpu.async_copy(row_h.at[pl.ds(base + j * _CHK, _CHK)],
                                 rowsc.at[slot * 8 + j], smi)

        def wait_idx(slot):
            smi = semi0 if slot == 0 else semi1
            pltpu.make_async_copy(col_h.at[pl.ds(0, _SCK)],
                                  colsc.at[pl.ds(slot * _SCK, _SCK)],
                                  smi).wait()
            pltpu.make_async_copy(val_h.at[pl.ds(0, _SCK)],
                                  valsc.at[pl.ds(slot * _SCK, _SCK)],
                                  smi).wait()
            for j in range(8):
                pltpu.make_async_copy(row_h.at[pl.ds(0, _CHK)],
                                      rowsc.at[slot * 8 + j], smi).wait()

        def _gref(slot, l, b):
            idx = colsc.at[pl.ds(slot * _SCK + l * _CHK, _CHK)]
            smg = semg0 if b == 0 else semg1
            return (table.at[idx], gtp(b), smg)

        def issue_gather(slot, l, b):
            src, dst, sm = _gref(slot, l, b)
            pltpu.async_copy(src, dst, sm)

        def wait_gather(slot, l, b):
            src, dst, sm = _gref(slot, l, b)
            pltpu.make_async_copy(src, dst, sm).wait()

        def _sref(slot, l, b):
            sms = sems0 if b == 0 else sems1
            return (gtp(b), acc.at[rowsc.at[slot * 8 + l]], sms)

        def issue_scatter(slot, l, b):
            src, dst, sm = _sref(slot, l, b)
            pltpu.async_copy(src, dst, sm, add=True)

        def wait_scatter(slot, l, b):
            src, dst, sm = _sref(slot, l, b)
            pltpu.make_async_copy(src, dst, sm).wait()

        issue_idx(0, 0)
        wait_idx(0)
        issue_gather(0, 0, 0)

        def chunk16(mm, carry):
            for m2 in range(2):
                m = mm * 2 + m2
                for jj in range(8):
                    b = jj % 2
                    last = (m2 == 1) and (jj == 7)
                    pl_ = (m2, jj)

                    def _prev(pl2):
                        m2p, jjp = pl2
                        if jjp > 0:
                            return (m2p, jjp - 1)
                        return (1 - m2p, 7)

                    if not last:
                        nm2, njj = (m2, jj + 1) if jj < 7 else (1 - m2, 0)
                        if jj == 7:
                            wait_idx(1 - m2)
                        pm2, pjj = _prev(pl_)

                        @pl.when((mm > 0) | (m2 > 0) | (jj > 0))
                        def _():
                            wait_scatter(pm2, pjj, 1 - b)
                        if jj == 0:
                            @pl.when(m + 1 < _NSC)
                            def _():
                                issue_idx(m + 1, 1 - m2)
                        issue_gather(nm2, njj, 1 - b)
                    else:
                        wait_scatter(1, 6, 1 - b)

                        @pl.when(mm + 1 < _NSC // 2)
                        def _():
                            wait_idx(0)
                            issue_gather(0, 0, 1 - b)

                    wait_gather(m2, jj, b)
                    scale_plane(b, m2 * _SCK + jj * _CHK, valsc)
                    issue_scatter(m2, jj, b)
            return carry
        lax.fori_loop(0, _NSC // 2, chunk16, 0)
        wait_scatter(1, 7, 1)

        def issue_yload(ch, b):
            nb = n0 + ch * _CHK
            smi = semi0 if b == 0 else semi1
            pltpu.async_copy(iot_h.at[pl.ds(nb, _CHK)], rowsc.at[b], smi)
            pltpu.async_copy(srow_h.at[pl.ds(nb, _CHK)], srowb.at[b], smi)
            pltpu.async_copy(sval_h.at[pl.ds(nb, _CHK)],
                             svalb.at[pl.ds(b * _CHK, _CHK)], smi)

        def wait_yload(b):
            smi = semi0 if b == 0 else semi1
            pltpu.make_async_copy(iot_h.at[pl.ds(0, _CHK)], rowsc.at[b],
                                  smi).wait()
            pltpu.make_async_copy(srow_h.at[pl.ds(0, _CHK)], srowb.at[b],
                                  smi).wait()
            pltpu.make_async_copy(sval_h.at[pl.ds(0, _CHK)],
                                  svalb.at[pl.ds(b * _CHK, _CHK)],
                                  smi).wait()

        def issue_ygather(b):
            smg = semg0 if b == 0 else semg1
            pltpu.async_copy(table.at[rowsc.at[b]], gtp(b), smg)

        def wait_ygather(b):
            smg = semg0 if b == 0 else semg1
            pltpu.make_async_copy(table.at[rowsc.at[b]], gtp(b), smg).wait()

        def issue_yscatter(b):
            sms = sems0 if b == 0 else sems1
            pltpu.async_copy(gtp(b), yacc.at[srowb.at[b]], sms, add=True)

        def wait_yscatter(b):
            sms = sems0 if b == 0 else sems1
            pltpu.make_async_copy(gtp(b), yacc.at[srowb.at[b]], sms).wait()

        issue_yload(0, 0)

        def ychunk2(cc, carry):
            for b in range(2):
                ch = cc * 2 + b
                wait_yload(b)
                issue_ygather(b)

                @pl.when(ch + 1 < _YN)
                def _():
                    @pl.when(ch >= 1)
                    def _():
                        wait_yscatter(1 - b)

                    issue_yload(ch + 1, 1 - b)

                wait_ygather(b)
                scale_plane(b, b * _CHK, svalb)
                issue_yscatter(b)
            return carry
        lax.fori_loop(0, _YN // 2, ychunk2, 0)
        wait_yscatter(0)
        wait_yscatter(1)

        plsc.subcore_barrier()

        def _wb(r, carry2):
            _load_iot(r)
            for j in range(8):
                base = q * NP + n0 + r * 640 + j * _CHK
                pltpu.sync_copy(acc.at[rowsc.at[j]], gt0)
                bridge_out(0)
                pltpu.sync_copy(vstage, pool_o.at[pl.ds(base * Q, _CHK * Q)])
            return carry2
        lax.fori_loop(0, 5, _wb, 0)

        @pl.when(s == 0)
        def _():
            for j in range(2):
                pltpu.sync_copy(iot_h.at[pl.ds(j * _CHK, _CHK)], rowsc.at[j])
            for j in range(2):
                pltpu.sync_copy(yacc.at[rowsc.at[j]], gt0)
                bridge_out(0)
                pltpu.sync_copy(
                    vstage,
                    ypool_o.at[pl.ds((q * 160 + j * _CHK) * Q, _CHK * Q)])
            pltpu.sync_copy(acol_h, acolb.at[pl.ds(0, 64)])
            plsc.store_scatter(acolb, [iota + 64], jnp.zeros((L,), jnp.int32))
            pltpu.sync_copy(acc.at[acolb], gt0)
            bridge_out(0)
            pltpu.sync_copy(vstage,
                            apool_o.at[pl.ds(q * _CHK * Q, _CHK * Q)])
            pltpu.sync_copy(table.at[acolb], gt0)
            bridge_out(0)
            pltpu.sync_copy(vstage,
                            acur_o.at[pl.ds(q * _CHK * Q, _CHK * Q)])
        plsc.subcore_barrier()
        return pcarry
    lax.fori_loop(0, 2, _pass, 0)


@jax.jit
def _sc_spmm(curq, colp, rowp, valp, srowp, svalp, acol, iot):
    mesh = plsc.VectorSubcoreMesh(core_axis_name="c", subcore_axis_name="s",
                                  num_cores=NC, num_subcores=NS)
    f = pl.kernel(
        _spmm_body,
        out_type=(jax.ShapeDtypeStruct((4 * NP * Q,), jnp.float32),
                  jax.ShapeDtypeStruct((4 * 160 * Q,), jnp.float32),
                  jax.ShapeDtypeStruct((4 * _CHK * Q,), jnp.float32),
                  jax.ShapeDtypeStruct((4 * _CHK * Q,), jnp.float32)),
        mesh=mesh,
        compiler_params=_NLP,
        scratch_types=[
            pltpu.VMEM_SHARED((NP, Q), jnp.float32),
            pltpu.VMEM_SHARED((NP, Q), jnp.float32),
            pltpu.VMEM_SHARED((160, Q), jnp.float32),
            pltpu.VMEM((_CHK, Q), jnp.float32),
            pltpu.VMEM((_CHK, Q), jnp.float32),
            pltpu.VMEM((2 * _SCK,), jnp.int32),
            pltpu.VMEM((16, _CHK), jnp.int32),
            pltpu.VMEM((2 * _SCK,), jnp.float32),
            pltpu.VMEM((2, _CHK), jnp.int32),
            pltpu.VMEM((2 * _CHK,), jnp.float32),
            pltpu.VMEM((_CHK,), jnp.int32),
            pltpu.VMEM((_CHK * Q,), jnp.float32),
            pltpu.SemaphoreType.DMA,
            pltpu.SemaphoreType.DMA,
            pltpu.SemaphoreType.DMA,
            pltpu.SemaphoreType.DMA,
            pltpu.SemaphoreType.DMA,
            pltpu.SemaphoreType.DMA,
            pltpu.SemaphoreType.DMA,
        ],
    )
    return f(curq, colp, rowp, valp, srowp, svalp, acol, iot)


def _iter_body(pool_ref, curq_ref, ypool_ref, ycur_ref,
               pc_ref, pc2_ref, p3_ref, curq_o, ycur_o):
    a, cmat = _fold(pc_ref[...], pc2_ref[...], p3_ref[...])
    pool = jnp.concatenate([pool_ref[q_] for q_ in range(4)], axis=1)
    cur = jnp.concatenate([curq_ref[q_] for q_ in range(4)], axis=1)
    z = (jnp.dot(pool, a, preferred_element_type=jnp.float32)
         + jnp.dot(cur, cmat, preferred_element_type=jnp.float32))
    nxt = _l2n(jax.nn.relu(z))
    for q_ in range(4):
        curq_o[q_] = nxt[:, q_ * Q:(q_ + 1) * Q]

    ypool = jnp.concatenate([ypool_ref[q_] for q_ in range(4)], axis=1)
    yz = (jnp.dot(ypool, a, preferred_element_type=jnp.float32)
          + jnp.dot(ycur_ref[...], cmat, preferred_element_type=jnp.float32))
    ycur_o[...] = _l2n(jax.nn.relu(yz))


@jax.jit
def _tc_iter(pool, curq, ypool, ycur, pc, pc2, p3):
    blk = 1600
    grid = NP // blk
    return pl.pallas_call(
        _iter_body,
        grid=(grid,),
        in_specs=[
            pl.BlockSpec((4, blk, Q), lambda i: (0, i, 0)),
            pl.BlockSpec((4, blk, Q), lambda i: (0, i, 0)),
            pl.BlockSpec((4, B, Q), lambda i: (0, 0, 0)),
            pl.BlockSpec((B, D), lambda i: (0, 0)),
            pl.BlockSpec((D, D), lambda i: (0, 0)),
            pl.BlockSpec((D, D), lambda i: (0, 0)),
            pl.BlockSpec((2 * D, D), lambda i: (0, 0)),
        ],
        out_specs=[
            pl.BlockSpec((4, blk, Q), lambda i: (0, i, 0)),
            pl.BlockSpec((B, D), lambda i: (0, 0)),
        ],
        out_shape=[
            jax.ShapeDtypeStruct((4, NP, Q), jnp.float32),
            jax.ShapeDtypeStruct((B, D), jnp.float32),
        ],
    )(pool, curq, ypool, ycur, pc, pc2, p3)


def _final_body(pool_ref, curq_ref, ypool_ref, ycur_ref, apool_ref, acur_ref,
                av_ref, aux_ref, pc_ref, pc2_ref, p3_ref, h1_ref, h2_ref,
                cp_ref, cur_o, q_o):
    a, cmat = _fold(pc_ref[...], pc2_ref[...], p3_ref[...])
    pool = jnp.concatenate([pool_ref[q_] for q_ in range(4)], axis=1)
    cur = jnp.concatenate([curq_ref[q_] for q_ in range(4)], axis=1)
    z = (jnp.dot(pool, a, preferred_element_type=jnp.float32)
         + jnp.dot(cur, cmat, preferred_element_type=jnp.float32))
    cur_o[...] = _l2n(jax.nn.relu(z))

    ypool = jnp.concatenate([ypool_ref[q_] for q_ in range(4)], axis=1)
    yz = (jnp.dot(ypool, a, preferred_element_type=jnp.float32)
          + jnp.dot(ycur_ref[...], cmat, preferred_element_type=jnp.float32))
    ycur3 = _l2n(jax.nn.relu(yz))

    apool = jnp.concatenate([apool_ref[q_] for q_ in range(4)], axis=1)
    acur = jnp.concatenate([acur_ref[q_] for q_ in range(4)], axis=1)
    az = (jnp.dot(apool, a, preferred_element_type=jnp.float32)
          + jnp.dot(acur, cmat, preferred_element_type=jnp.float32))
    acur3 = _l2n(jax.nn.relu(az))

    scal = jnp.dot(ycur3, cp_ref[...], preferred_element_type=jnp.float32)
    m = av_ref[...] * scal
    es = acur3 * m
    hidden = jax.nn.relu(jnp.dot(es, h1_ref[...],
                                 preferred_element_type=jnp.float32))
    last = jnp.concatenate([hidden, aux_ref[...]], axis=1)
    q_o[...] = jnp.dot(last, h2_ref[...], preferred_element_type=jnp.float32)


@jax.jit
def _tc_final(pool, curq, ypool, ycur, apool, acur, av, aux,
              pc, pc2, p3, h1, h2, cp):
    blk = 2000
    grid = N // blk
    naux = aux.shape[1]
    return pl.pallas_call(
        _final_body,
        grid=(grid,),
        in_specs=[
            pl.BlockSpec((4, blk, Q), lambda i: (0, i, 0)),
            pl.BlockSpec((4, blk, Q), lambda i: (0, i, 0)),
            pl.BlockSpec((4, B, Q), lambda i: (0, 0, 0)),
            pl.BlockSpec((B, D), lambda i: (0, 0)),
            pl.BlockSpec((4, B, Q), lambda i: (0, 0, 0)),
            pl.BlockSpec((4, B, Q), lambda i: (0, 0, 0)),
            pl.BlockSpec((B, 1), lambda i: (0, 0)),
            pl.BlockSpec((B, naux), lambda i: (0, 0)),
            pl.BlockSpec((D, D), lambda i: (0, 0)),
            pl.BlockSpec((D, D), lambda i: (0, 0)),
            pl.BlockSpec((2 * D, D), lambda i: (0, 0)),
            pl.BlockSpec((D, 32), lambda i: (0, 0)),
            pl.BlockSpec((36, 1), lambda i: (0, 0)),
            pl.BlockSpec((D, 1), lambda i: (0, 0)),
        ],
        out_specs=[
            pl.BlockSpec((blk, D), lambda i: (i, 0)),
            pl.BlockSpec((B, 1), lambda i: (0, 0)),
        ],
        out_shape=[
            jax.ShapeDtypeStruct((N, D), jnp.float32),
            jax.ShapeDtypeStruct((B, 1), jnp.float32),
        ],
    )(pool, curq, ypool, ycur, apool, acur, av, aux, pc, pc2, p3, h1, h2, cp)


def kernel(node_input, n2n_index, n2n_value, subg_index, subg_value,
           act_index, act_value, aux_input, w_n2l, p_node_conv,
           p_node_conv2, p_node_conv3, h1_weight, h2_weight, cross_product):
    row = n2n_index[0].astype(jnp.int32)
    col = n2n_index[1].astype(jnp.int32)
    rowp = jnp.concatenate([row, jnp.zeros(EP - E, jnp.int32)])
    colp = jnp.concatenate([col, jnp.zeros(EP - E, jnp.int32)])
    valp = jnp.concatenate([n2n_value, jnp.zeros(EP - E, jnp.float32)])
    srowp = jnp.concatenate([subg_index[0].astype(jnp.int32),
                             jnp.zeros(NP - N, jnp.int32)])
    svalp = jnp.concatenate([subg_value, jnp.zeros(NP - N, jnp.float32)])
    acol = act_index[1].astype(jnp.int32)
    z1 = jnp.zeros((NP,), jnp.float32)
    iot = jnp.arange(NP, dtype=jnp.int32)

    rs, ys = _sc_prep(rowp, valp, srowp, svalp, z1)
    curq, ycur = _tc_iter1(rs.reshape(NC, NP, 1), ys.reshape(NC, 128, 1),
                           w_n2l, p_node_conv, p_node_conv2, p_node_conv3)

    pool, ypool, _, _ = _sc_spmm(curq.reshape(4 * NP * Q), colp, rowp,
                                 valp, srowp, svalp, acol, iot)
    ypool = ypool.reshape(4, 160, Q)[:, :64].reshape(4 * 64, Q)
    curq, ycur = _tc_iter(pool.reshape(4, NP, Q), curq,
                          ypool.reshape(4, B, Q), ycur,
                          p_node_conv, p_node_conv2, p_node_conv3)

    pool, ypool, apool, acur = _sc_spmm(curq.reshape(4 * NP * Q), colp,
                                        rowp, valp, srowp, svalp, acol, iot)
    ypool = ypool.reshape(4, 160, Q)[:, :64].reshape(4 * 64, Q)
    cur_out, q_pred = _tc_final(pool.reshape(4, NP, Q), curq,
                                ypool.reshape(4, B, Q), ycur,
                                apool.reshape(4, 80, Q),
                                acur.reshape(4, 80, Q),
                                act_value.reshape(B, 1), aux_input,
                                p_node_conv, p_node_conv2, p_node_conv3,
                                h1_weight, h2_weight, cross_product)
    return (q_pred, cur_out)

# --- scband reference (transcript-rebuilt; emitter-appended) ---
"""Pipeline reference for scband-finder-net-31112743092386 (READ-ONLY COPY).

The authoritative reference and input builder live on the scoring server;
editing this copy changes nothing except your own understanding.
"""

import jax, jax.numpy as jnp
import numpy as np

N = 50000
E = 800000
B = 64
D = 64
REG_HIDDEN = 32
AUX = 4
MAX_BP_ITER = 3


def _fmod_normal(key, shape, std=1.0):
    return jnp.fmod(jax.random.normal(key, shape) * std, 2.0)


def spmm(index, value, m, x):
    # sparse [m, n] (COO: index[0]=row, index[1]=col) times dense x [n, d]
    return jnp.zeros((m, x.shape[1]), x.dtype).at[index[0]].add(value[:, None] * x[index[1]])


def l2_normalize(x):
    # torch F.normalize(p=2, dim=1, eps=1e-12)
    n = jnp.linalg.norm(x, axis=1, keepdims=True)
    return x / jnp.maximum(n, 1e-12)


def setup_inputs(seed: int = 0) -> dict:
    key = jax.random.key(seed)
    ks = jax.random.split(key, 16)
    node_input = jax.random.normal(ks[0], (N, 2), dtype=jnp.float32)
    n2n_index = jax.random.randint(ks[1], (2, E), 0, N, dtype=jnp.int64) if jax.config.read('jax_enable_x64') else jax.random.randint(ks[1], (2, E), 0, N).astype(jnp.int32)
    n2n_value = jax.random.uniform(ks[2], (E,), dtype=jnp.float32)
    subg_row = jax.random.randint(ks[3], (N,), 0, B).astype(jnp.int32)
    subg_col = jnp.arange(N, dtype=jnp.int32)
    subg_index = jnp.stack([subg_row, subg_col], axis=0)
    subg_value = jax.random.uniform(ks[4], (N,), dtype=jnp.float32)
    act_row = jnp.arange(B, dtype=jnp.int32)
    act_col = jax.random.randint(ks[5], (B,), 0, N).astype(jnp.int32)
    act_index = jnp.stack([act_row, act_col], axis=0)
    act_value = jnp.ones((B,), dtype=jnp.float32)
    aux_input = jax.random.normal(ks[6], (B, AUX), dtype=jnp.float32)
    # learned parameters (match FINDER_net init sizes)
    w_n2l = _fmod_normal(ks[7], (2, D))
    p_node_conv = _fmod_normal(ks[8], (D, D))
    p_node_conv2 = _fmod_normal(ks[9], (D, D))
    p_node_conv3 = _fmod_normal(ks[10], (2 * D, D))
    h1_weight = _fmod_normal(ks[11], (D, REG_HIDDEN))
    h2_weight = _fmod_normal(ks[12], (REG_HIDDEN + AUX, 1))
    cross_product = _fmod_normal(ks[13], (D, 1))
    return {
        'node_input': node_input,
        'n2n_index': n2n_index, 'n2n_value': n2n_value,
        'subg_index': subg_index, 'subg_value': subg_value,
        'act_index': act_index, 'act_value': act_value,
        'aux_input': aux_input,
        'w_n2l': w_n2l, 'p_node_conv': p_node_conv,
        'p_node_conv2': p_node_conv2, 'p_node_conv3': p_node_conv3,
        'h1_weight': h1_weight, 'h2_weight': h2_weight,
        'cross_product': cross_product,
    }


def reference(node_input, n2n_index, n2n_value, subg_index, subg_value,
              act_index, act_value, aux_input, w_n2l, p_node_conv,
              p_node_conv2, p_node_conv3, h1_weight, h2_weight, cross_product):
    n_nodes = node_input.shape[0]
    b = aux_input.shape[0]
    # node_attr == False: overwrite node_input with ones
    node_in = jnp.ones((n_nodes, 2), dtype=jnp.float32)
    y_node_in = jnp.ones((b, 2), dtype=jnp.float32)
    input_message = node_in @ w_n2l
    cur = l2_normalize(jax.nn.relu(input_message))
    y_input_message = y_node_in @ w_n2l
    y_cur = l2_normalize(jax.nn.relu(y_input_message))
    for _ in range(MAX_BP_ITER):
        n2npool = spmm(n2n_index, n2n_value, n_nodes, cur)
        node_linear = n2npool @ p_node_conv
        y_n2npool = spmm(subg_index, subg_value, b, cur)
        y_node_linear = y_n2npool @ p_node_conv
        # embeddingMethod == 1
        cur_lin = cur @ p_node_conv2
        merged = jnp.concatenate([node_linear, cur_lin], axis=1)
        cur = jax.nn.relu(merged @ p_node_conv3)
        y_cur_lin = y_cur @ p_node_conv2
        y_merged = jnp.concatenate([y_node_linear, y_cur_lin], axis=1)
        y_cur = jax.nn.relu(y_merged @ p_node_conv3)
        cur = l2_normalize(cur)
        y_cur = l2_normalize(y_cur)
    y_potential = y_cur
    action_embed = spmm(act_index, act_value, b, cur)
    temp = jnp.matmul(action_embed[:, :, None], y_potential[:, None, :])  # [B, D, D]
    shape0, shape1 = action_embed.shape
    w_tiled = jnp.reshape(jnp.tile(cross_product, (shape0, 1)), (shape0, shape1, 1))
    embed_s_a = jnp.reshape(jnp.matmul(temp, w_tiled), (shape0, shape1))
    # reg_hidden > 0
    hidden = jax.nn.relu(embed_s_a @ h1_weight)
    last_output = jnp.concatenate([hidden, aux_input], axis=1)
    q_pred = last_output @ h2_weight
    return (q_pred, cur)

if __name__ == "__main__":
    import jax
    _d = setup_inputs()
    print(jax.jit(kernel)(*tuple(_d.values())))

</pallas_src>

<mosaic_0001>
#map = affine_map<(d0, d1) -> (0)>
module attributes {stable_mosaic.version = 14 : i64} {
  func.func @_prep_body(%arg0: i32, %arg1: i32, %arg2: memref<819200xi32, #tpu.memory_space<hbm>>, %arg3: memref<819200xf32, #tpu.memory_space<hbm>>, %arg4: memref<51200xi32, #tpu.memory_space<hbm>>, %arg5: memref<51200xf32, #tpu.memory_space<hbm>>, %arg6: memref<51200xf32, #tpu.memory_space<hbm>>, %arg7: memref<102400xf32, #tpu.memory_space<hbm>>, %arg8: memref<256xf32, #tpu.memory_space<hbm>>, %arg9: memref<51200xf32, #tpu.memory_space<vmem_shared>>, %arg10: memref<128xf32, #tpu.memory_space<vmem_shared>>, %arg11: memref<20x128xi32, #tpu.memory_space<vmem>>, %arg12: memref<2560xf32, #tpu.memory_space<vmem>>, %arg13: memref<20x80xi32, #tpu.memory_space<vmem>>, %arg14: memref<1600xf32, #tpu.memory_space<vmem>>, %arg15: memref<!tpu.dma_semaphore, #tpu.memory_space<semaphore_mem>>) attributes {dimension_semantics = [#tpu.dimension_semantics<core_parallel>, #tpu.dimension_semantics<subcore_parallel>], iteration_bounds = array<i64: 2, 16>, scalar_prefetch = 0 : i64, scratch_operands = 7 : i64, tpu.core_type = #tpu.core_type<sc_vector_subcore>, window_params = [{transform_indices = #map}, {transform_indices = #map}, {transform_indices = #map}, {transform_indices = #map}, {transform_indices = #map}, {transform_indices = #map}, {transform_indices = #map}]} {
    %mul3A = arith.constant 2 : i32
    %mul3A_0 = arith.muli %arg1, %mul3A : i32
    %add3A = arith.addi %mul3A_0, %arg0 : i32
    %mul3A_1 = arith.constant 3200 : i32
    %mul3A_2 = arith.muli %arg1, %mul3A_1 : i32
    %mul3A_3 = arith.constant 3200 : i32
    %mul3A_4 = arith.muli %arg1, %mul3A_3 : i32
    "tpu.region"() ({
      %run_scoped3A = tpu.sem_alloc : memref<!tpu.dma_semaphore, #tpu.memory_space<semaphore_mem>>
      %dma_start3A_751 = tpu.memref_slice %arg9[%mul3A_4] : memref<51200xf32, #tpu.memory_space<vmem_shared>> -> memref<3200xf32, #tpu.memory_space<vmem_shared>>
      %dma_start3A_752 = tpu.memref_slice %arg6[%mul3A_2] : memref<51200xf32, #tpu.memory_space<hbm>> -> memref<3200xf32, #tpu.memory_space<hbm>>
      tpu.enqueue_dma source(%dma_start3A_752 : memref<3200xf32, #tpu.memory_space<hbm>>) target(%dma_start3A_751 : memref<3200xf32, #tpu.memory_space<vmem_shared>>) target_semaphore(%run_scoped3A : memref<!tpu.dma_semaphore, #tpu.memory_space<semaphore_mem>>)
      %dma_wait3A_753 = tpu.memref_slice %arg9[%mul3A_4] : memref<51200xf32, #tpu.memory_space<vmem_shared>> -> memref<3200xf32, #tpu.memory_space<vmem_shared>>
      %dma_wait3A_754 = tpu.memref_slice %arg6[%mul3A_2] : memref<51200xf32, #tpu.memory_space<hbm>> -> memref<3200xf32, #tpu.memory_space<hbm>>
      tpu.wait_dma2 semaphore(%run_scoped3A : memref<!tpu.dma_semaphore, #tpu.memory_space<semaphore_mem>>) src(%dma_wait3A_754 : memref<3200xf32, #tpu.memory_space<hbm>>) dst(%dma_wait3A_753 : memref<3200xf32, #tpu.memory_space<vmem_shared>>)
      tpu.yield
    }) : () -> ()
    %eq3A = arith.constant 0 : i32
    %eq3A_5 = arith.cmpi eq, %arg1, %eq3A : i32
    %convert_element_type3A = arith.extui %eq3A_5 : i1 to i32
    %cond3A = arith.constant 0 : i32
    %cond3A_6 = arith.cmpi ne, %convert_element_type3A, %cond3A : i32
    scf.if %cond3A_6 {
      "tpu.region"() ({
        %run_scoped3A = tpu.sem_alloc : memref<!tpu.dma_semaphore, #tpu.memory_space<semaphore_mem>>
        %dma_start3A_751 = arith.constant 0 : i32
        %dma_start3A_752 = tpu.memref_slice %arg6[%dma_start3A_751] : memref<51200xf32, #tpu.memory_space<hbm>> -> memref<128xf32, #tpu.memory_space<hbm>>
        tpu.enqueue_dma source(%dma_start3A_752 : memref<128xf32, #tpu.memory_space<hbm>>) target(%arg10 : memref<128xf32, #tpu.memory_space<vmem_shared>>) target_semaphore(%run_scoped3A : memref<!tpu.dma_semaphore, #tpu.memory_space<semaphore_mem>>)
        %dma_wait3A_753 = arith.constant 0 : i32
        %dma_wait3A_754 = tpu.memref_slice %arg6[%dma_wait3A_753] : memref<51200xf32, #tpu.memory_space<hbm>> -> memref<128xf32, #tpu.memory_space<hbm>>
        tpu.wait_dma2 semaphore(%run_scoped3A : memref<!tpu.dma_semaphore, #tpu.memory_space<semaphore_mem>>) src(%dma_wait3A_754 : memref<128xf32, #tpu.memory_space<hbm>>) dst(%arg10 : memref<128xf32, #tpu.memory_space<vmem_shared>>)
        tpu.yield
      }) : () -> ()
    } else {
    }
    %barrier3A = arith.constant 0 : index
    tpu.barrier barrier_id(%barrier3A)
    %mul3A_7 = arith.constant 25600 : i32
    %mul3A_8 = arith.muli %add3A, %mul3A_7 : i32
    %scan3A = arith.constant 0 : i32
    %scan3A_9 = arith.constant 0 : i32
    %scan3A_10 = arith.constant 10 : i32
    %scan3A_11 = arith.addi %scan3A_9, %scan3A_10 : i32
    %scan3A_12 = arith.constant 1 : i32
    scf.for %scan3A_751 = %scan3A_9 to %scan3A_11 step %scan3A_12  : i32 {
      %mul3A_752 = arith.constant 2560 : i32
      %mul3A_753 = arith.muli %scan3A_751, %mul3A_752 : i32
      %add3A_754 = arith.addi %mul3A_8, %mul3A_753 : i32
      %add3A_755 = arith.constant 0 : i32
      %add3A_756 = arith.addi %add3A_754, %add3A_755 : i32
      %dma_start3A_757 = arith.constant 0 : i32
      %dma_start3A_758 = arith.constant 0 : i32
      %dma_start3A_759 = tpu.memref_slice %arg11[%dma_start3A_757, %dma_start3A_758] : memref<20x128xi32, #tpu.memory_space<vmem>> -> memref<1x128xi32, #tpu.memory_space<vmem>>
      %dma_start3A_760 = tpu.memref_squeeze %dma_start3A_759 : memref<1x128xi32, #tpu.memory_space<vmem>> -> memref<128xi32, #tpu.memory_space<vmem>>
      %dma_start3A_761 = tpu.memref_slice %arg2[%add3A_756] : memref<819200xi32, #tpu.memory_space<hbm>> -> memref<128xi32, #tpu.memory_space<hbm>>
      %dma_start3A_762 = arith.constant 0 : i32
      %dma_start3A_763 = tpu.memref_slice %arg11[%dma_start3A_757, %dma_start3A_762] : memref<20x128xi32, #tpu.memory_space<vmem>> -> memref<1x128xi32, #tpu.memory_space<vmem>>
      %dma_start3A_764 = tpu.memref_squeeze %dma_start3A_763 : memref<1x128xi32, #tpu.memory_space<vmem>> -> memref<128xi32, #tpu.memory_space<vmem>>
      %dma_start3A_765 = tpu.memref_slice %arg2[%add3A_756] : memref<819200xi32, #tpu.memory_space<hbm>> -> memref<128xi32, #tpu.memory_space<hbm>>
      tpu.enqueue_dma source(%dma_start3A_765 : memref<128xi32, #tpu.memory_space<hbm>>) target(%dma_start3A_764 : memref<128xi32, #tpu.memory_space<vmem>>) target_semaphore(%arg15 : memref<!tpu.dma_semaphore, #tpu.memory_space<semaphore_mem>>)
      %add3A_766 = arith.constant 128 : i32
      %add3A_767 = arith.addi %add3A_754, %add3A_766 : i32
      %dma_start3A_768 = arith.constant 1 : i32
      %dma_start3A_769 = arith.constant 0 : i32
      %dma_start3A_770 = tpu.memref_slice %arg11[%dma_start3A_768, %dma_start3A_769] : memref<20x128xi32, #tpu.memory_space<vmem>> -> memref<1x128xi32, #tpu.memory_space<vmem>>
      %dma_start3A_771 = tpu.memref_squeeze %dma_start3A_770 : memref<1x128xi32, #tpu.memory_space<vmem>> -> memref<128xi32, #tpu.memory_space<vmem>>
      %dma_start3A_772 = tpu.memref_slice %arg2[%add3A_767] : memref<819200xi32, #tpu.memory_space<hbm>> -> memref<128xi32, #tpu.memory_space<hbm>>
      %dma_start3A_773 = arith.constant 0 : i32
      %dma_start3A_774 = tpu.memref_slice %arg11[%dma_start3A_768, %dma_start3A_773] : memref<20x128xi32, #tpu.memory_space<vmem>> -> memref<1x128xi32, #tpu.memory_space<vmem>>
      %dma_start3A_775 = tpu.memref_squeeze %dma_start3A_774 : memref<1x128xi32, #tpu.memory_space<vmem>> -> memref<128xi32, #tpu.memory_space<vmem>>
      %dma_start3A_776 = tpu.memref_slice %arg2[%add3A_767] : memref<819200xi32, #tpu.memory_space<hbm>> -> memref<128xi32, #tpu.memory_space<hbm>>
      tpu.enqueue_dma source(%dma_start3A_776 : memref<128xi32, #tpu.memory_space<hbm>>) target(%dma_start3A_775 : memref<128xi32, #tpu.memory_space<vmem>>) target_semaphore(%arg15 : memref<!tpu.dma_semaphore, #tpu.memory_space<semaphore_mem>>)
      %add3A_777 = arith.constant 256 : i32
      %add3A_778 = arith.addi %add3A_754, %add3A_777 : i32
      %dma_start3A_779 = arith.constant 2 : i32
      %dma_start3A_780 = arith.constant 0 : i32
      %dma_start3A_781 = tpu.memref_slice %arg11[%dma_start3A_779, %dma_start3A_780] : memref<20x128xi32, #tpu.memory_space<vmem>> -> memref<1x128xi32, #tpu.memory_space<vmem>>
      %dma_start3A_782 = tpu.memref_squeeze %dma_start3A_781 : memref<1x128xi32, #tpu.memory_space<vmem>> -> memref<128xi32, #tpu.memory_space<vmem>>
      %dma_start3A_783 = tpu.memref_slice %arg2[%add3A_778] : memref<819200xi32, #tpu.memory_space<hbm>> -> memref<128xi32, #tpu.memory_space<hbm>>
      %dma_start3A_784 = arith.constant 0 : i32
      %dma_start3A_785 = tpu.memref_slice %arg11[%dma_start3A_779, %dma_start3A_784] : memref<20x128xi32, #tpu.memory_space<vmem>> -> memref<1x128xi32, #tpu.memory_space<vmem>>
      %dma_start3A_786 = tpu.memref_squeeze %dma_start3A_785 : memref<1x128xi32, #tpu.memory_space<vmem>> -> memref<128xi32, #tpu.memory_space<vmem>>
      %dma_start3A_787 = tpu.memref_slice %arg2[%add3A_778] : memref<819200xi32, #tpu.memory_space<hbm>> -> memref<128xi32, #tpu.memory_space<hbm>>
      tpu.enqueue_dma source(%dma_start3A_787 : memref<128xi32, #tpu.memory_space<hbm>>) target(%dma_start3A_786 : memref<128xi32, #tpu.memory_space<vmem>>) target_semaphore(%arg15 : memref<!tpu.dma_semaphore, #tpu.memory_space<semaphore_mem>>)
      %add3A_788 = arith.constant 384 : i32
      %add3A_789 = arith.addi %add3A_754, %add3A_788 : i32
      %dma_start3A_790 = arith.constant 3 : i32
      %dma_start3A_791 = arith.constant 0 : i32
      %dma_start3A_792 = tpu.memref_slice %arg11[%dma_start3A_790, %dma_start3A_791] : memref<20x128xi32, #tpu.memory_space<vmem>> -> memref<1x128xi32, #tpu.memory_space<vmem>>
      %dma_start3A_793 = tpu.memref_squeeze %dma_start3A_792 : memref<1x128xi32, #tpu.memory_space<vmem>> -> memref<128xi32, #tpu.memory_space<vmem>>
      %dma_start3A_794 = tpu.memref_slice %arg2[%add3A_789] : memref<819200xi32, #tpu.memory_space<hbm>> -> memref<128xi32, #tpu.memory_space<hbm>>
      %dma_start3A_795 = arith.constant 0 : i32
      %dma_start3A_796 = tpu.memref_slice %arg11[%dma_start3A_790, %dma_start3A_795] : memref<20x128xi32, #tpu.memory_space<vmem>> -> memref<1x128xi32, #tpu.memory_space<vmem>>
      %dma_start3A_797 = tpu.memref_squeeze %dma_start3A_796 : memref<1x128xi32, #tpu.memory_space<vmem>> -> memref<128xi32, #tpu.memory_space<vmem>>
      %dma_start3A_798 = tpu.memref_slice %arg2[%add3A_789] : memref<819200xi32, #tpu.memory_space<hbm>> -> memref<128xi32, #tpu.memory_space<hbm>>
      tpu.enqueue_dma source(%dma_start3A_798 : memref<128xi32, #tpu.memory_space<hbm>>) target(%dma_start3A_797 : memref<128xi32, #tpu.memory_space<vmem>>) target_semaphore(%arg15 : memref<!tpu.dma_semaphore, #tpu.memory_space<semaphore_mem>>)
      %add3A_799 = arith.constant 512 : i32
      %add3A_800 = arith.addi %add3A_754, %add3A_799 : i32
      %dma_start3A_801 = arith.constant 4 : i32
      %dma_start3A_802 = arith.constant 0 : i32
      %dma_start3A_803 = tpu.memref_slice %arg11[%dma_start3A_801, %dma_start3A_802] : memref<20x128xi32, #tpu.memory_space<vmem>> -> memref<1x128xi32, #tpu.memory_space<vmem>>
      %dma_start3A_804 = tpu.memref_squeeze %dma_start3A_803 : memref<1x128xi32, #tpu.memory_space<vmem>> -> memref<128xi32, #tpu.memory_space<vmem>>
      %dma_start3A_805 = tpu.memref_slice %arg2[%add3A_800] : memref<819200xi32, #tpu.memory_space<hbm>> -> memref<128xi32, #tpu.memory_space<hbm>>
      %dma_start3A_806 = arith.constant 0 : i32
      %dma_start3A_807 = tpu.memref_slice %arg11[%dma_start3A_801, %dma_start3A_806] : memref<20x128xi32, #tpu.memory_space<vmem>> -> memref<1x128xi32, #tpu.memory_space<vmem>>
      %dma_start3A_808 = tpu.memref_squeeze %dma_start3A_807 : memref<1x128xi32, #tpu.memory_space<vmem>> -> memref<128xi32, #tpu.memory_space<vmem>>
      %dma_start3A_809 = tpu.memref_slice %arg2[%add3A_800] : memref<819200xi32, #tpu.memory_space<hbm>> -> memref<128xi32, #tpu.memory_space<hbm>>
      tpu.enqueue_dma source(%dma_start3A_809 : memref<128xi32, #tpu.memory_space<hbm>>) target(%dma_start3A_808 : memref<128xi32, #tpu.memory_space<vmem>>) target_semaphore(%arg15 : memref<!tpu.dma_semaphore, #tpu.memory_space<semaphore_mem>>)
      %add3A_810 = arith.constant 640 : i32
      %add3A_811 = arith.addi %add3A_754, %add3A_810 : i32
      %dma_start3A_812 = arith.constant 5 : i32
      %dma_start3A_813 = arith.constant 0 : i32
      %dma_start3A_814 = tpu.memref_slice %arg11[%dma_start3A_812, %dma_start3A_813] : memref<20x128xi32, #tpu.memory_space<vmem>> -> memref<1x128xi32, #tpu.memory_space<vmem>>
      %dma_start3A_815 = tpu.memref_squeeze %dma_start3A_814 : memref<1x128xi32, #tpu.memory_space<vmem>> -> memref<128xi32, #tpu.memory_space<vmem>>
      %dma_start3A_816 = tpu.memref_slice %arg2[%add3A_811] : memref<819200xi32, #tpu.memory_space<hbm>> -> memref<128xi32, #tpu.memory_space<hbm>>
      %dma_start3A_817 = arith.constant 0 : i32
      %dma_start3A_818 = tpu.memref_slice %arg11[%dma_start3A_812, %dma_start3A_817] : memref<20x128xi32, #tpu.memory_space<vmem>> -> memref<1x128xi32, #tpu.memory_space<vmem>>
      %dma_start3A_819 = tpu.memref_squeeze %dma_start3A_818 : memref<1x128xi32, #tpu.memory_space<vmem>> -> memref<128xi32, #tpu.memory_space<vmem>>
      %dma_start3A_820 = tpu.memref_slice %arg2[%add3A_811] : memref<819200xi32, #tpu.memory_space<hbm>> -> memref<128xi32, #tpu.memory_space<hbm>>
      tpu.enqueue_dma source(%dma_start3A_820 : memref<128xi32, #tpu.memory_space<hbm>>) target(%dma_start3A_819 : memref<128xi32, #tpu.memory_space<vmem>>) target_semaphore(%arg15 : memref<!tpu.dma_semaphore, #tpu.memory_space<semaphore_mem>>)
      %add3A_821 = arith.constant 768 : i32
      %add3A_822 = arith.addi %add3A_754, %add3A_821 : i32
      %dma_start3A_823 = arith.constant 6 : i32
      %dma_start3A_824 = arith.constant 0 : i32
      %dma_start3A_825 = tpu.memref_slice %arg11[%dma_start3A_823, %dma_start3A_824] : memref<20x128xi32, #tpu.memory_space<vmem>> -> memref<1x128xi32, #tpu.memory_space<vmem>>
      %dma_start3A_826 = tpu.memref_squeeze %dma_start3A_825 : memref<1x128xi32, #tpu.memory_space<vmem>> -> memref<128xi32, #tpu.memory_space<vmem>>
      %dma_start3A_827 = tpu.memref_slice %arg2[%add3A_822] : memref<819200xi32, #tpu.memory_space<hbm>> -> memref<128xi32, #tpu.memory_space<hbm>>
      %dma_start3A_828 = arith.constant 0 : i32
      %dma_start3A_829 = tpu.memref_slice %arg11[%dma_start3A_823, %dma_start3A_828] : memref<20x128xi32, #tpu.memory_space<vmem>> -> memref<1x128xi32, #tpu.memory_space<vmem>>
      %dma_start3A_830 = tpu.memref_squeeze %dma_start3A_829 : memref<1x128xi32, #tpu.memory_space<vmem>> -> memref<128xi32, #tpu.memory_space<vmem>>
      %dma_start3A_831 = tpu.memref_slice %arg2[%add3A_822] : memref<819200xi32, #tpu.memory_space<hbm>> -> memref<128xi32, #tpu.memory_space<hbm>>
      tpu.enqueue_dma source(%dma_start3A_831 : memref<128xi32, #tpu.memory_space<hbm>>) target(%dma_start3A_830 : memref<128xi32, #tpu.memory_space<vmem>>) target_semaphore(%arg15 : memref<!tpu.dma_semaphore, #tpu.memory_space<semaphore_mem>>)
      %add3A_832 = arith.constant 896 : i32
      %add3A_833 = arith.addi %add3A_754, %add3A_832 : i32
      %dma_start3A_834 = arith.constant 7 : i32
      %dma_start3A_835 = arith.constant 0 : i32
      %dma_start3A_836 = tpu.memref_slice %arg11[%dma_start3A_834, %dma_start3A_835] : memref<20x128xi32, #tpu.memory_space<vmem>> -> memref<1x128xi32, #tpu.memory_space<vmem>>
      %dma_start3A_837 = tpu.memref_squeeze %dma_start3A_836 : memref<1x128xi32, #tpu.memory_space<vmem>> -> memref<128xi32, #tpu.memory_space<vmem>>
      %dma_start3A_838 = tpu.memref_slice %arg2[%add3A_833] : memref<819200xi32, #tpu.memory_space<hbm>> -> memref<128xi32, #tpu.memory_space<hbm>>
      %dma_start3A_839 = arith.constant 0 : i32
      %dma_start3A_840 = tpu.memref_slice %arg11[%dma_start3A_834, %dma_start3A_839] : memref<20x128xi32, #tpu.memory_space<vmem>> -> memref<1x128xi32, #tpu.memory_space<vmem>>
      %dma_start3A_841 = tpu.memref_squeeze %dma_start3A_840 : memref<1x128xi32, #tpu.memory_space<vmem>> -> memref<128xi32, #tpu.memory_space<vmem>>
      %dma_start3A_842 = tpu.memref_slice %arg2[%add3A_833] : memref<819200xi32, #tpu.memory_space<hbm>> -> memref<128xi32, #tpu.memory_space<hbm>>
      tpu.enqueue_dma source(%dma_start3A_842 : memref<128xi32, #tpu.memory_space<hbm>>) target(%dma_start3A_841 : memref<128xi32, #tpu.memory_space<vmem>>) target_semaphore(%arg15 : memref<!tpu.dma_semaphore, #tpu.memory_space<semaphore_mem>>)
      %add3A_843 = arith.constant 1024 : i32
      %add3A_844 = arith.addi %add3A_754, %add3A_843 : i32
      %dma_start3A_845 = arith.constant 8 : i32
      %dma_start3A_846 = arith.constant 0 : i32
      %dma_start3A_847 = tpu.memref_slice %arg11[%dma_start3A_845, %dma_start3A_846] : memref<20x128xi32, #tpu.memory_space<vmem>> -> memref<1x128xi32, #tpu.memory_space<vmem>>
      %dma_start3A_848 = tpu.memref_squeeze %dma_start3A_847 : memref<1x128xi32, #tpu.memory_space<vmem>> -> memref<128xi32, #tpu.memory_space<vmem>>
      %dma_start3A_849 = tpu.memref_slice %arg2[%add3A_844] : memref<819200xi32, #tpu.memory_space<hbm>> -> memref<128xi32, #tpu.memory_space<hbm>>
      %dma_start3A_850 = arith.constant 0 : i32
      %dma_start3A_851 = tpu.memref_slice %arg11[%dma_start3A_845, %dma_start3A_850] : memref<20x128xi32, #tpu.memory_space<vmem>> -> memref<1x128xi32, #tpu.memory_space<vmem>>
      %dma_start3A_852 = tpu.memref_squeeze %dma_start3A_851 : memref<1x128xi32, #tpu.memory_space<vmem>> -> memref<128xi32, #tpu.memory_space<vmem>>
      %dma_start3A_853 = tpu.memref_slice %arg2[%add3A_844] : memref<819200xi32, #tpu.memory_space<hbm>> -> memref<128xi32, #tpu.memory_space<hbm>>
      tpu.enqueue_dma source(%dma_start3A_853 : memref<128xi32, #tpu.memory_space<hbm>>) target(%dma_start3A_852 : memref<128xi32, #tpu.memory_space<vmem>>) target_semaphore(%arg15 : memref<!tpu.dma_semaphore, #tpu.memory_space<semaphore_mem>>)
      %add3A_854 = arith.constant 1152 : i32
      %add3A_855 = arith.addi %add3A_754, %add3A_854 : i32
      %dma_start3A_856 = arith.constant 9 : i32
      %dma_start3A_857 = arith.constant 0 : i32
      %dma_start3A_858 = tpu.memref_slice %arg11[%dma_start3A_856, %dma_start3A_857] : memref<20x128xi32, #tpu.memory_space<vmem>> -> memref<1x128xi32, #tpu.memory_space<vmem>>
      %dma_start3A_859 = tpu.memref_squeeze %dma_start3A_858 : memref<1x128xi32, #tpu.memory_space<vmem>> -> memref<128xi32, #tpu.memory_space<vmem>>
      %dma_start3A_860 = tpu.memref_slice %arg2[%add3A_855] : memref<819200xi32, #tpu.memory_space<hbm>> -> memref<128xi32, #tpu.memory_space<hbm>>
      %dma_start3A_861 = arith.constant 0 : i32
      %dma_start3A_862 = tpu.memref_slice %arg11[%dma_start3A_856, %dma_start3A_861] : memref<20x128xi32, #tpu.memory_space<vmem>> -> memref<1x128xi32, #tpu.memory_space<vmem>>
      %dma_start3A_863 = tpu.memref_squeeze %dma_start3A_862 : memref<1x128xi32, #tpu.memory_space<vmem>> -> memref<128xi32, #tpu.memory_space<vmem>>
      %dma_start3A_864 = tpu.memref_slice %arg2[%add3A_855] : memref<819200xi32, #tpu.memory_space<hbm>> -> memref<128xi32, #tpu.memory_space<hbm>>
      tpu.enqueue_dma source(%dma_start3A_864 : memref<128xi32, #tpu.memory_space<hbm>>) target(%dma_start3A_863 : memref<128xi32, #tpu.memory_space<vmem>>) target_semaphore(%arg15 : memref<!tpu.dma_semaphore, #tpu.memory_space<semaphore_mem>>)
      %add3A_865 = arith.constant 1280 : i32
      %add3A_866 = arith.addi %add3A_754, %add3A_865 : i32
      %dma_start3A_867 = arith.constant 10 : i32
      %dma_start3A_868 = arith.constant 0 : i32
      %dma_start3A_869 = tpu.memref_slice %arg11[%dma_start3A_867, %dma_start3A_868] : memref<20x128xi32, #tpu.memory_space<vmem>> -> memref<1x128xi32, #tpu.memory_space<vmem>>
      %dma_start3A_870 = tpu.memref_squeeze %dma_start3A_869 : memref<1x128xi32, #tpu.memory_space<vmem>> -> memref<128xi32, #tpu.memory_space<vmem>>
      %dma_start3A_871 = tpu.memref_slice %arg2[%add3A_866] : memref<819200xi32, #tpu.memory_space<hbm>> -> memref<128xi32, #tpu.memory_space<hbm>>
      %dma_start3A_872 = arith.constant 0 : i32
      %dma_start3A_873 = tpu.memref_slice %arg11[%dma_start3A_867, %dma_start3A_872] : memref<20x128xi32, #tpu.memory_space<vmem>> -> memref<1x128xi32, #tpu.memory_space<vmem>>
      %dma_start3A_874 = tpu.memref_squeeze %dma_start3A_873 : memref<1x128xi32, #tpu.memory_space<vmem>> -> memref<128xi32, #tpu.memory_space<vmem>>
      %dma_start3A_875 = tpu.memref_slice %arg2[%add3A_866] : memref<819200xi32, #tpu.memory_space<hbm>> -> memref<128xi32, #tpu.memory_space<hbm>>
      tpu.enqueue_dma source(%dma_start3A_875 : memref<128xi32, #tpu.memory_space<hbm>>) target(%dma_start3A_874 : memref<128xi32, #tpu.memory_space<vmem>>) target_semaphore(%arg15 : memref<!tpu.dma_semaphore, #tpu.memory_space<semaphore_mem>>)
      %add3A_876 = arith.constant 1408 : i32
      %add3A_877 = arith.addi %add3A_754, %add3A_876 : i32
      %dma_start3A_878 = arith.constant 11 : i32
      %dma_start3A_879 = arith.constant 0 : i32
      %dma_start3A_880 = tpu.memref_slice %arg11[%dma_start3A_878, %dma_start3A_879] : memref<20x128xi32, #tpu.memory_space<vmem>> -> memref<1x128xi32, #tpu.memory_space<vmem>>
      %dma_start3A_881 = tpu.memref_squeeze %dma_start3A_880 : memref<1x128xi32, #tpu.memory_space<vmem>> -> memref<128xi32, #tpu.memory_space<vmem>>
      %dma_start3A_882 = tpu.memref_slice %arg2[%add3A_877] : memref<819200xi32, #tpu.memory_space<hbm>> -> memref<128xi32, #tpu.memory_space<hbm>>
      %dma_start3A_883 = arith.constant 0 : i32
      %dma_start3A_884 = tpu.memref_slice %arg11[%dma_start3A_878, %dma_start3A_883] : memref<20x128xi32, #tpu.memory_space<vmem>> -> memref<1x128xi32, #tpu.memory_space<vmem>>
      %dma_start3A_885 = tpu.memref_squeeze %dma_start3A_884 : memref<1x128xi32, #tpu.memory_space<vmem>> -> memref<128xi32, #tpu.memory_space<vmem>>
      %dma_start3A_886 = tpu.memref_slice %arg2[%add3A_877] : memref<819200xi32, #tpu.memory_space<hbm>> -> memref<128xi32, #tpu.memory_space<hbm>>
      tpu.enqueue_dma source(%dma_start3A_886 : memref<128xi32, #tpu.memory_space<hbm>>) target(%dma_start3A_885 : memref<128xi32, #tpu.memory_space<vmem>>) target_semaphore(%arg15 : memref<!tpu.dma_semaphore, #tpu.memory_space<semaphore_mem>>)
      %add3A_887 = arith.constant 1536 : i32
      %add3A_888 = arith.addi %add3A_754, %add3A_887 : i32
      %dma_start3A_889 = arith.constant 12 : i32
      %dma_start3A_890 = arith.constant 0 : i32
      %dma_start3A_891 = tpu.memref_slice %arg11[%dma_start3A_889, %dma_start3A_890] : memref<20x128xi32, #tpu.memory_space<vmem>> -> memref<1x128xi32, #tpu.memory_space<vmem>>
      %dma_start3A_892 = tpu.memref_squeeze %dma_start3A_891 : memref<1x128xi32, #tpu.memory_space<vmem>> -> memref<128xi32, #tpu.memory_space<vmem>>
      %dma_start3A_893 = tpu.memref_slice %arg2[%add3A_888] : memref<819200xi32, #tpu.memory_space<hbm>> -> memref<128xi32, #tpu.memory_space<hbm>>
      %dma_start3A_894 = arith.constant 0 : i32
      %dma_start3A_895 = tpu.memref_slice %arg11[%dma_start3A_889, %dma_start3A_894] : memref<20x128xi32, #tpu.memory_space<vmem>> -> memref<1x128xi32, #tpu.memory_space<vmem>>
      %dma_start3A_896 = tpu.memref_squeeze %dma_start3A_895 : memref<1x128xi32, #tpu.memory_space<vmem>> -> memref<128xi32, #tpu.memory_space<vmem>>
      %dma_start3A_897 = tpu.memref_slice %arg2[%add3A_888] : memref<819200xi32, #tpu.memory_space<hbm>> -> memref<128xi32, #tpu.memory_space<hbm>>
      tpu.enqueue_dma source(%dma_start3A_897 : memref<128xi32, #tpu.memory_space<hbm>>) target(%dma_start3A_896 : memref<128xi32, #tpu.memory_space<vmem>>) target_semaphore(%arg15 : memref<!tpu.dma_semaphore, #tpu.memory_space<semaphore_mem>>)
      %add3A_898 = arith.constant 1664 : i32
      %add3A_899 = arith.addi %add3A_754, %add3A_898 : i32
      %dma_start3A_900 = arith.constant 13 : i32
      %dma_start3A_901 = arith.constant 0 : i32
      %dma_start3A_902 = tpu.memref_slice %arg11[%dma_start3A_900, %dma_start3A_901] : memref<20x128xi32, #tpu.memory_space<vmem>> -> memref<1x128xi32, #tpu.memory_space<vmem>>
      %dma_start3A_903 = tpu.memref_squeeze %dma_start3A_902 : memref<1x128xi32, #tpu.memory_space<vmem>> -> memref<128xi32, #tpu.memory_space<vmem>>
      %dma_start3A_904 = tpu.memref_slice %arg2[%add3A_899] : memref<819200xi32, #tpu.memory_space<hbm>> -> memref<128xi32, #tpu.memory_space<hbm>>
      %dma_start3A_905 = arith.constant 0 : i32
      %dma_start3A_906 = tpu.memref_slice %arg11[%dma_start3A_900, %dma_start3A_905] : memref<20x128xi32, #tpu.memory_space<vmem>> -> memref<1x128xi32, #tpu.memory_space<vmem>>
      %dma_start3A_907 = tpu.memref_squeeze %dma_start3A_906 : memref<1x128xi32, #tpu.memory_space<vmem>> -> memref<128xi32, #tpu.memory_space<vmem>>
      %dma_start3A_908 = tpu.memref_slice %arg2[%add3A_899] : memref<819200xi32, #tpu.memory_space<hbm>> -> memref<128xi32, #tpu.memory_space<hbm>>
      tpu.enqueue_dma source(%dma_start3A_908 : memref<128xi32, #tpu.memory_space<hbm>>) target(%dma_start3A_907 : memref<128xi32, #tpu.memory_space<vmem>>) target_semaphore(%arg15 : memref<!tpu.dma_semaphore, #tpu.memory_space<semaphore_mem>>)
      %add3A_909 = arith.constant 1792 : i32
      %add3A_910 = arith.addi %add3A_754, %add3A_909 : i32
      %dma_start3A_911 = arith.constant 14 : i32
      %dma_start3A_912 = arith.constant 0 : i32
      %dma_start3A_913 = tpu.memref_slice %arg11[%dma_start3A_911, %dma_start3A_912] : memref<20x128xi32, #tpu.memory_space<vmem>> -> memref<1x128xi32, #tpu.memory_space<vmem>>
      %dma_start3A_914 = tpu.memref_squeeze %dma_start3A_913 : memref<1x128xi32, #tpu.memory_space<vmem>> -> memref<128xi32, #tpu.memory_space<vmem>>
      %dma_start3A_915 = tpu.memref_slice %arg2[%add3A_910] : memref<819200xi32, #tpu.memory_space<hbm>> -> memref<128xi32, #tpu.memory_space<hbm>>
      %dma_start3A_916 = arith.constant 0 : i32
      %dma_start3A_917 = tpu.memref_slice %arg11[%dma_start3A_911, %dma_start3A_916] : memref<20x128xi32, #tpu.memory_space<vmem>> -> memref<1x128xi32, #tpu.memory_space<vmem>>
      %dma_start3A_918 = tpu.memref_squeeze %dma_start3A_917 : memref<1x128xi32, #tpu.memory_space<vmem>> -> memref<128xi32, #tpu.memory_space<vmem>>
      %dma_start3A_919 = tpu.memref_slice %arg2[%add3A_910] : memref<819200xi32, #tpu.memory_space<hbm>> -> memref<128xi32, #tpu.memory_space<hbm>>
      tpu.enqueue_dma source(%dma_start3A_919 : memref<128xi32, #tpu.memory_space<hbm>>) target(%dma_start3A_918 : memref<128xi32, #tpu.memory_space<vmem>>) target_semaphore(%arg15 : memref<!tpu.dma_semaphore, #tpu.memory_space<semaphore_mem>>)
      %add3A_920 = arith.constant 1920 : i32
      %add3A_921 = arith.addi %add3A_754, %add3A_920 : i32
      %dma_start3A_922 = arith.constant 15 : i32
      %dma_start3A_923 = arith.constant 0 : i32
      %dma_start3A_924 = tpu.memref_slice %arg11[%dma_start3A_922, %dma_start3A_923] : memref<20x128xi32, #tpu.memory_space<vmem>> -> memref<1x128xi32, #tpu.memory_space<vmem>>
      %dma_start3A_925 = tpu.memref_squeeze %dma_start3A_924 : memref<1x128xi32, #tpu.memory_space<vmem>> -> memref<128xi32, #tpu.memory_space<vmem>>
      %dma_start3A_926 = tpu.memref_slice %arg2[%add3A_921] : memref<819200xi32, #tpu.memory_space<hbm>> -> memref<128xi32, #tpu.memory_space<hbm>>
      %dma_start3A_927 = arith.constant 0 : i32
      %dma_start3A_928 = tpu.memref_slice %arg11[%dma_start3A_922, %dma_start3A_927] : memref<20x128xi32, #tpu.memory_space<vmem>> -> memref<1x128xi32, #tpu.memory_space<vmem>>
      %dma_start3A_929 = tpu.memref_squeeze %dma_start3A_928 : memref<1x128xi32, #tpu.memory_space<vmem>> -> memref<128xi32, #tpu.memory_space<vmem>>
      %dma_start3A_930 = tpu.memref_slice %arg2[%add3A_921] : memref<819200xi32, #tpu.memory_space<hbm>> -> memref<128xi32, #tpu.memory_space<hbm>>
      tpu.enqueue_dma source(%dma_start3A_930 : memref<128xi32, #tpu.memory_space<hbm>>) target(%dma_start3A_929 : memref<128xi32, #tpu.memory_space<vmem>>) target_semaphore(%arg15 : memref<!tpu.dma_semaphore, #tpu.memory_space<semaphore_mem>>)
      %add3A_931 = arith.constant 2048 : i32
      %add3A_932 = arith.addi %add3A_754, %add3A_931 : i32
      %dma_start3A_933 = arith.constant 16 : i32
      %dma_start3A_934 = arith.constant 0 : i32
      %dma_start3A_935 = tpu.memref_slice %arg11[%dma_start3A_933, %dma_start3A_934] : memref<20x128xi32, #tpu.memory_space<vmem>> -> memref<1x128xi32, #tpu.memory_space<vmem>>
      %dma_start3A_936 = tpu.memref_squeeze %dma_start3A_935 : memref<1x128xi32, #tpu.memory_space<vmem>> -> memref<128xi32, #tpu.memory_space<vmem>>
      %dma_start3A_937 = tpu.memref_slice %arg2[%add3A_932] : memref<819200xi32, #tpu.memory_space<hbm>> -> memref<128xi32, #tpu.memory_space<hbm>>
      %dma_start3A_938 = arith.constant 0 : i32
      %dma_start3A_939 = tpu.memref_slice %arg11[%dma_start3A_933, %dma_start3A_938] : memref<20x128xi32, #tpu.memory_space<vmem>> -> memref<1x128xi32, #tpu.memory_space<vmem>>
      %dma_start3A_940 = tpu.memref_squeeze %dma_start3A_939 : memref<1x128xi32, #tpu.memory_space<vmem>> -> memref<128xi32, #tpu.memory_space<vmem>>
      %dma_start3A_941 = tpu.memref_slice %arg2[%add3A_932] : memref<819200xi32, #tpu.memory_space<hbm>> -> memref<128xi32, #tpu.memory_space<hbm>>
      tpu.enqueue_dma source(%dma_start3A_941 : memref<128xi32, #tpu.memory_space<hbm>>) target(%dma_start3A_940 : memref<128xi32, #tpu.memory_space<vmem>>) target_semaphore(%arg15 : memref<!tpu.dma_semaphore, #tpu.memory_space<semaphore_mem>>)
      %add3A_942 = arith.constant 2176 : i32
      %add3A_943 = arith.addi %add3A_754, %add3A_942 : i32
      %dma_start3A_944 = arith.constant 17 : i32
      %dma_start3A_945 = arith.constant 0 : i32
      %dma_start3A_946 = tpu.memref_slice %arg11[%dma_start3A_944, %dma_start3A_945] : memref<20x128xi32, #tpu.memory_space<vmem>> -> memref<1x128xi32, #tpu.memory_space<vmem>>
      %dma_start3A_947 = tpu.memref_squeeze %dma_start3A_946 : memref<1x128xi32, #tpu.memory_space<vmem>> -> memref<128xi32, #tpu.memory_space<vmem>>
      %dma_start3A_948 = tpu.memref_slice %arg2[%add3A_943] : memref<819200xi32, #tpu.memory_space<hbm>> -> memref<128xi32, #tpu.memory_space<hbm>>
      %dma_start3A_949 = arith.constant 0 : i32
      %dma_start3A_950 = tpu.memref_slice %arg11[%dma_start3A_944, %dma_start3A_949] : memref<20x128xi32, #tpu.memory_space<vmem>> -> memref<1x128xi32, #tpu.memory_space<vmem>>
      %dma_start3A_951 = tpu.memref_squeeze %dma_start3A_950 : memref<1x128xi32, #tpu.memory_space<vmem>> -> memref<128xi32, #tpu.memory_space<vmem>>
      %dma_start3A_952 = tpu.memref_slice %arg2[%add3A_943] : memref<819200xi32, #tpu.memory_space<hbm>> -> memref<128xi32, #tpu.memory_space<hbm>>
      tpu.enqueue_dma source(%dma_start3A_952 : memref<128xi32, #tpu.memory_space<hbm>>) target(%dma_start3A_951 : memref<128xi32, #tpu.memory_space<vmem>>) target_semaphore(%arg15 : memref<!tpu.dma_semaphore, #tpu.memory_space<semaphore_mem>>)
      %add3A_953 = arith.constant 2304 : i32
      %add3A_954 = arith.addi %add3A_754, %add3A_953 : i32
      %dma_start3A_955 = arith.constant 18 : i32
      %dma_start3A_956 = arith.constant 0 : i32
      %dma_start3A_957 = tpu.memref_slice %arg11[%dma_start3A_955, %dma_start3A_956] : memref<20x128xi32, #tpu.memory_space<vmem>> -> memref<1x128xi32, #tpu.memory_space<vmem>>
      %dma_start3A_958 = tpu.memref_squeeze %dma_start3A_957 : memref<1x128xi32, #tpu.memory_space<vmem>> -> memref<128xi32, #tpu.memory_space<vmem>>
      %dma_start3A_959 = tpu.memref_slice %arg2[%add3A_954] : memref<819200xi32, #tpu.memory_space<hbm>> -> memref<128xi32, #tpu.memory_space<hbm>>
      %dma_start3A_960 = arith.constant 0 : i32
      %dma_start3A_961 = tpu.memref_slice %arg11[%dma_start3A_955, %dma_start3A_960] : memref<20x128xi32, #tpu.memory_space<vmem>> -> memref<1x128xi32, #tpu.memory_space<vmem>>
      %dma_start3A_962 = tpu.memref_squeeze %dma_start3A_961 : memref<1x128xi32, #tpu.memory_space<vmem>> -> memref<128xi32, #tpu.memory_space<vmem>>
      %dma_start3A_963 = tpu.memref_slice %arg2[%add3A_954] : memref<819200xi32, #tpu.memory_space<hbm>> -> memref<128xi32, #tpu.memory_space<hbm>>
      tpu.enqueue_dma source(%dma_start3A_963 : memref<128xi32, #tpu.memory_space<hbm>>) target(%dma_start3A_962 : memref<128xi32, #tpu.memory_space<vmem>>) target_semaphore(%arg15 : memref<!tpu.dma_semaphore, #tpu.memory_space<semaphore_mem>>)
      %add3A_964 = arith.constant 2432 : i32
      %add3A_965 = arith.addi %add3A_754, %add3A_964 : i32
      %dma_start3A_966 = arith.constant 19 : i32
      %dma_start3A_967 = arith.constant 0 : i32
      %dma_start3A_968 = tpu.memref_slice %arg11[%dma_start3A_966, %dma_start3A_967] : memref<20x128xi32, #tpu.memory_space<vmem>> -> memref<1x128xi32, #tpu.memory_space<vmem>>
      %dma_start3A_969 = tpu.memref_squeeze %dma_start3A_968 : memref<1x128xi32, #tpu.memory_space<vmem>> -> memref<128xi32, #tpu.memory_space<vmem>>
      %dma_start3A_970 = tpu.memref_slice %arg2[%add3A_965] : memref<819200xi32, #tpu.memory_space<hbm>> -> memref<128xi32, #tpu.memory_space<hbm>>
      %dma_start3A_971 = arith.constant 0 : i32
      %dma_start3A_972 = tpu.memref_slice %arg11[%dma_start3A_966, %dma_start3A_971] : memref<20x128xi32, #tpu.memory_space<vmem>> -> memref<1x128xi32, #tpu.memory_space<vmem>>
      %dma_start3A_973 = tpu.memref_squeeze %dma_start3A_972 : memref<1x128xi32, #tpu.memory_space<vmem>> -> memref<128xi32, #tpu.memory_space<vmem>>
      %dma_start3A_974 = tpu.memref_slice %arg2[%add3A_965] : memref<819200xi32, #tpu.memory_space<hbm>> -> memref<128xi32, #tpu.memory_space<hbm>>
      tpu.enqueue_dma source(%dma_start3A_974 : memref<128xi32, #tpu.memory_space<hbm>>) target(%dma_start3A_973 : memref<128xi32, #tpu.memory_space<vmem>>) target_semaphore(%arg15 : memref<!tpu.dma_semaphore, #tpu.memory_space<semaphore_mem>>)
      %dma_start3A_975 = tpu.memref_slice %arg3[%add3A_754] : memref<819200xf32, #tpu.memory_space<hbm>> -> memref<2560xf32, #tpu.memory_space<hbm>>
      %dma_start3A_976 = tpu.memref_slice %arg3[%add3A_754] : memref<819200xf32, #tpu.memory_space<hbm>> -> memref<2560xf32, #tpu.memory_space<hbm>>
      tpu.enqueue_dma source(%dma_start3A_976 : memref<2560xf32, #tpu.memory_space<hbm>>) target(%arg12 : memref<2560xf32, #tpu.memory_space<vmem>>) target_semaphore(%arg15 : memref<!tpu.dma_semaphore, #tpu.memory_space<semaphore_mem>>)
      %dma_wait3A_977 = arith.constant 0 : i32
      %dma_wait3A_978 = arith.constant 0 : i32
      %dma_wait3A_979 = tpu.memref_slice %arg11[%dma_wait3A_977, %dma_wait3A_978] : memref<20x128xi32, #tpu.memory_space<vmem>> -> memref<1x128xi32, #tpu.memory_space<vmem>>
      %dma_wait3A_980 = tpu.memref_squeeze %dma_wait3A_979 : memref<1x128xi32, #tpu.memory_space<vmem>> -> memref<128xi32, #tpu.memory_space<vmem>>
      %dma_wait3A_981 = tpu.memref_slice %arg2[%add3A_756] : memref<819200xi32, #tpu.memory_space<hbm>> -> memref<128xi32, #tpu.memory_space<hbm>>
      %dma_wait3A_982 = arith.constant 0 : i32
      %dma_wait3A_983 = tpu.memref_slice %arg11[%dma_wait3A_977, %dma_wait3A_982] : memref<20x128xi32, #tpu.memory_space<vmem>> -> memref<1x128xi32, #tpu.memory_space<vmem>>
      %dma_wait3A_984 = tpu.memref_squeeze %dma_wait3A_983 : memref<1x128xi32, #tpu.memory_space<vmem>> -> memref<128xi32, #tpu.memory_space<vmem>>
      %dma_wait3A_985 = tpu.memref_slice %arg2[%add3A_756] : memref<819200xi32, #tpu.memory_space<hbm>> -> memref<128xi32, #tpu.memory_space<hbm>>
      tpu.wait_dma2 semaphore(%arg15 : memref<!tpu.dma_semaphore, #tpu.memory_space<semaphore_mem>>) src(%dma_wait3A_985 : memref<128xi32, #tpu.memory_space<hbm>>) dst(%dma_wait3A_984 : memref<128xi32, #tpu.memory_space<vmem>>)
      %dma_wait3A_986 = arith.constant 1 : i32
      %dma_wait3A_987 = arith.constant 0 : i32
      %dma_wait3A_988 = tpu.memref_slice %arg11[%dma_wait3A_986, %dma_wait3A_987] : memref<20x128xi32, #tpu.memory_space<vmem>> -> memref<1x128xi32, #tpu.memory_space<vmem>>
      %dma_wait3A_989 = tpu.memref_squeeze %dma_wait3A_988 : memref<1x128xi32, #tpu.memory_space<vmem>> -> memref<128xi32, #tpu.memory_space<vmem>>
      %dma_wait3A_990 = tpu.memref_slice %arg2[%add3A_767] : memref<819200xi32, #tpu.memory_space<hbm>> -> memref<128xi32, #tpu.memory_space<hbm>>
      %dma_wait3A_991 = arith.constant 0 : i32
      %dma_wait3A_992 = tpu.memref_slice %arg11[%dma_wait3A_986, %dma_wait3A_991] : memref<20x128xi32, #tpu.memory_space<vmem>> -> memref<1x128xi32, #tpu.memory_space<vmem>>
      %dma_wait3A_993 = tpu.memref_squeeze %dma_wait3A_992 : memref<1x128xi32, #tpu.memory_space<vmem>> -> memref<128xi32, #tpu.memory_space<vmem>>
      %dma_wait3A_994 = tpu.memref_slice %arg2[%add3A_767] : memref<819200xi32, #tpu.memory_space<hbm>> -> memref<128xi32, #tpu.memory_space<hbm>>
      tpu.wait_dma2 semaphore(%arg15 : memref<!tpu.dma_semaphore, #tpu.memory_space<semaphore_mem>>) src(%dma_wait3A_994 : memref<128xi32, #tpu.memory_space<hbm>>) dst(%dma_wait3A_993 : memref<128xi32, #tpu.memory_space<vmem>>)
      %dma_wait3A_995 = arith.constant 2 : i32
      %dma_wait3A_996 = arith.constant 0 : i32
      %dma_wait3A_997 = tpu.memref_slice %arg11[%dma_wait3A_995, %dma_wait3A_996] : memref<20x128xi32, #tpu.memory_space<vmem>> -> memref<1x128xi32, #tpu.memory_space<vmem>>
      %dma_wait3A_998 = tpu.memref_squeeze %dma_wait3A_997 : memref<1x128xi32, #tpu.memory_space<vmem>> -> memref<128xi32, #tpu.memory_space<vmem>>
      %dma_wait3A_999 = tpu.memref_slice %arg2[%add3A_778] : memref<819200xi32, #tpu.memory_space<hbm>> -> memref<128xi32, #tpu.memory_space<hbm>>
      %dma_wait3A_1000 = arith.constant 0 : i32
      %dma_wait3A_1001 = tpu.memref_slice %arg11[%dma_wait3A_995, %dma_wait3A_1000] : memref<20x128xi32, #tpu.memory_space<vmem>> -> memref<1x128xi32, #tpu.memory_space<vmem>>
      %dma_wait3A_1002 = tpu.memref_squeeze %dma_wait3A_1001 : memref<1x128xi32, #tpu.memory_space<vmem>> -> memref<128xi32, #tpu.memory_space<vmem>>
      %dma_wait3A_1003 = tpu.memref_slice %arg2[%add3A_778] : memref<819200xi32, #tpu.memory_space<hbm>> -> memref<128xi32, #tpu.memory_space<hbm>>
      tpu.wait_dma2 semaphore(%arg15 : memref<!tpu.dma_semaphore, #tpu.memory_space<semaphore_mem>>) src(%dma_wait3A_1003 : memref<128xi32, #tpu.memory_space<hbm>>) dst(%dma_wait3A_1002 : memref<128xi32, #tpu.memory_space<vmem>>)
      %dma_wait3A_1004 = arith.constant 3 : i32
      %dma_wait3A_1005 = arith.constant 0 : i32
      %dma_wait3A_1006 = tpu.memref_slice %arg11[%dma_wait3A_1004, %dma_wait3A_1005] : memref<20x128xi32, #tpu.memory_space<vmem>> -> memref<1x128xi32, #tpu.memory_space<vmem>>
      %dma_wait3A_1007 = tpu.memref_squeeze %dma_wait3A_1006 : memref<1x128xi32, #tpu.memory_space<vmem>> -> memref<128xi32, #tpu.memory_space<vmem>>
      %dma_wait3A_1008 = tpu.memref_slice %arg2[%add3A_789] : memref<819200xi32, #tpu.memory_space<hbm>> -> memref<128xi32, #tpu.memory_space<hbm>>
      %dma_wait3A_1009 = arith.constant 0 : i32
      %dma_wait3A_1010 = tpu.memref_slice %arg11[%dma_wait3A_1004, %dma_wait3A_1009] : memref<20x128xi32, #tpu.memory_space<vmem>> -> memref<1x128xi32, #tpu.memory_space<vmem>>
      %dma_wait3A_1011 = tpu.memref_squeeze %dma_wait3A_1010 : memref<1x128xi32, #tpu.memory_space<vmem>> -> memref<128xi32, #tpu.memory_space<vmem>>
      %dma_wait3A_1012 = tpu.memref_slice %arg2[%add3A_789] : memref<819200xi32, #tpu.memory_space<hbm>> -> memref<128xi32, #tpu.memory_space<hbm>>
      tpu.wait_dma2 semaphore(%arg15 : memref<!tpu.dma_semaphore, #tpu.memory_space<semaphore_mem>>) src(%dma_wait3A_1012 : memref<128xi32, #tpu.memory_space<hbm>>) dst(%dma_wait3A_1011 : memref<128xi32, #tpu.memory_space<vmem>>)
      %dma_wait3A_1013 = arith.constant 4 : i32
      %dma_wait3A_1014 = arith.constant 0 : i32
      %dma_wait3A_1015 = tpu.memref_slice %arg11[%dma_wait3A_1013, %dma_wait3A_1014] : memref<20x128xi32, #tpu.memory_space<vmem>> -> memref<1x128xi32, #tpu.memory_space<vmem>>
      %dma_wait3A_1016 = tpu.memref_squeeze %dma_wait3A_1015 : memref<1x128xi32, #tpu.memory_space<vmem>> -> memref<128xi32, #tpu.memory_space<vmem>>
      %dma_wait3A_1017 = tpu.memref_slice %arg2[%add3A_800] : memref<819200xi32, #tpu.memory_space<hbm>> -> memref<128xi32, #tpu.memory_space<hbm>>
      %dma_wait3A_1018 = arith.constant 0 : i32
      %dma_wait3A_1019 = tpu.memref_slice %arg11[%dma_wait3A_1013, %dma_wait3A_1018] : memref<20x128xi32, #tpu.memory_space<vmem>> -> memref<1x128xi32, #tpu.memory_space<vmem>>
      %dma_wait3A_1020 = tpu.memref_squeeze %dma_wait3A_1019 : memref<1x128xi32, #tpu.memory_space<vmem>> -> memref<128xi32, #tpu.memory_space<vmem>>
      %dma_wait3A_1021 = tpu.memref_slice %arg2[%add3A_800] : memref<819200xi32, #tpu.memory_space<hbm>> -> memref<128xi32, #tpu.memory_space<hbm>>
      tpu.wait_dma2 semaphore(%arg15 : memref<!tpu.dma_semaphore, #tpu.memory_space<semaphore_mem>>) src(%dma_wait3A_1021 : memref<128xi32, #tpu.memory_space<hbm>>) dst(%dma_wait3A_1020 : memref<128xi32, #tpu.memory_space<vmem>>)
      %dma_wait3A_1022 = arith.constant 5 : i32
      %dma_wait3A_1023 = arith.constant 0 : i32
      %dma_wait3A_1024 = tpu.memref_slice %arg11[%dma_wait3A_1022, %dma_wait3A_1023] : memref<20x128xi32, #tpu.memory_space<vmem>> -> memref<1x128xi32, #tpu.memory_space<vmem>>
      %dma_wait3A_1025 = tpu.memref_squeeze %dma_wait3A_1024 : memref<1x128xi32, #tpu.memory_space<vmem>> -> memref<128xi32, #tpu.memory_space<vmem>>
      %dma_wait3A_1026 = tpu.memref_slice %arg2[%add3A_811] : memref<819200xi32, #tpu.memory_space<hbm>> -> memref<128xi32, #tpu.memory_space<hbm>>
      %dma_wait3A_1027 = arith.constant 0 : i32
      %dma_wait3A_1028 = tpu.memref_slice %arg11[%dma_wait3A_1022, %dma_wait3A_1027] : memref<20x128xi32, #tpu.memory_space<vmem>> -> memref<1x128xi32, #tpu.memory_space<vmem>>
      %dma_wait3A_1029 = tpu.memref_squeeze %dma_wait3A_1028 : memref<1x128xi32, #tpu.memory_space<vmem>> -> memref<128xi32, #tpu.memory_space<vmem>>
      %dma_wait3A_1030 = tpu.memref_slice %arg2[%add3A_811] : memref<819200xi32, #tpu.memory_space<hbm>> -> memref<128xi32, #tpu.memory_space<hbm>>
      tpu.wait_dma2 semaphore(%arg15 : memref<!tpu.dma_semaphore, #tpu.memory_space<semaphore_mem>>) src(%dma_wait3A_1030 : memref<128xi32, #tpu.memory_space<hbm>>) dst(%dma_wait3A_1029 : memref<128xi32, #tpu.memory_space<vmem>>)
      %dma_wait3A_1031 = arith.constant 6 : i32
      %dma_wait3A_1032 = arith.constant 0 : i32
      %dma_wait3A_1033 = tpu.memref_slice %arg11[%dma_wait3A_1031, %dma_wait3A_1032] : memref<20x128xi32, #tpu.memory_space<vmem>> -> memref<1x128xi32, #tpu.memory_space<vmem>>
      %dma_wait3A_1034 = tpu.memref_squeeze %dma_wait3A_1033 : memref<1x128xi32, #tpu.memory_space<vmem>> -> memref<128xi32, #tpu.memory_space<vmem>>
      %dma_wait3A_1035 = tpu.memref_slice %arg2[%add3A_822] : memref<819200xi32, #tpu.memory_space<hbm>> -> memref<128xi32, #tpu.memory_space<hbm>>
      %dma_wait3A_1036 = arith.constant 0 : i32
      %dma_wait3A_1037 = tpu.memref_slice %arg11[%dma_wait3A_1031, %dma_wait3A_1036] : memref<20x128xi32, #tpu.memory_space<vmem>> -> memref<1x128xi32, #tpu.memory_space<vmem>>
      %dma_wait3A_1038 = tpu.memref_squeeze %dma_wait3A_1037 : memref<1x128xi32, #tpu.memory_space<vmem>> -> memref<128xi32, #tpu.memory_space<vmem>>
      %dma_wait3A_1039 = tpu.memref_slice %arg2[%add3A_822] : memref<819200xi32, #tpu.memory_space<hbm>> -> memref<128xi32, #tpu.memory_space<hbm>>
      tpu.wait_dma2 semaphore(%arg15 : memref<!tpu.dma_semaphore, #tpu.memory_space<semaphore_mem>>) src(%dma_wait3A_1039 : memref<128xi32, #tpu.memory_space<hbm>>) dst(%dma_wait3A_1038 : memref<128xi32, #tpu.memory_space<vmem>>)
      %dma_wait3A_1040 = arith.constant 7 : i32
      %dma_wait3A_1041 = arith.constant 0 : i32
      %dma_wait3A_1042 = tpu.memref_slice %arg11[%dma_wait3A_1040, %dma_wait3A_1041] : memref<20x128xi32, #tpu.memory_space<vmem>> -> memref<1x128xi32, #tpu.memory_space<vmem>>
      %dma_wait3A_1043 = tpu.memref_squeeze %dma_wait3A_1042 : memref<1x128xi32, #tpu.memory_space<vmem>> -> memref<128xi32, #tpu.memory_space<vmem>>
      %dma_wait3A_1044 = tpu.memref_slice %arg2[%add3A_833] : memref<819200xi32, #tpu.memory_space<hbm>> -> memref<128xi32, #tpu.memory_space<hbm>>
      %dma_wait3A_1045 = arith.constant 0 : i32
      %dma_wait3A_1046 = tpu.memref_slice %arg11[%dma_wait3A_1040, %dma_wait3A_1045] : memref<20x128xi32, #tpu.memory_space<vmem>> -> memref<1x128xi32, #tpu.memory_space<vmem>>
      %dma_wait3A_1047 = tpu.memref_squeeze %dma_wait3A_1046 : memref<1x128xi32, #tpu.memory_space<vmem>> -> memref<128xi32, #tpu.memory_space<vmem>>
      %dma_wait3A_1048 = tpu.memref_slice %arg2[%add3A_833] : memref<819200xi32, #tpu.memory_space<hbm>> -> memref<128xi32, #tpu.memory_space<hbm>>
      tpu.wait_dma2 semaphore(%arg15 : memref<!tpu.dma_semaphore, #tpu.memory_space<semaphore_mem>>) src(%dma_wait3A_1048 : memref<128xi32, #tpu.memory_space<hbm>>) dst(%dma_wait3A_1047 : memref<128xi32, #tpu.memory_space<vmem>>)
      %dma_wait3A_1049 = arith.constant 8 : i32
      %dma_wait3A_1050 = arith.constant 0 : i32
      %dma_wait3A_1051 = tpu.memref_slice %arg11[%dma_wait3A_1049, %dma_wait3A_1050] : memref<20x128xi32, #tpu.memory_space<vmem>> -> memref<1x128xi32, #tpu.memory_space<vmem>>
      %dma_wait3A_1052 = tpu.memref_squeeze %dma_wait3A_1051 : memref<1x128xi32, #tpu.memory_space<vmem>> -> memref<128xi32, #tpu.memory_space<vmem>>
      %dma_wait3A_1053 = tpu.memref_slice %arg2[%add3A_844] : memref<819200xi32, #tpu.memory_space<hbm>> -> memref<128xi32, #tpu.memory_space<hbm>>
      %dma_wait3A_1054 = arith.constant 0 : i32
      %dma_wait3A_1055 = tpu.memref_slice %arg11[%dma_wait3A_1049, %dma_wait3A_1054] : memref<20x128xi32, #tpu.memory_space<vmem>> -> memref<1x128xi32, #tpu.memory_space<vmem>>
      %dma_wait3A_1056 = tpu.memref_squeeze %dma_wait3A_1055 : memref<1x128xi32, #tpu.memory_space<vmem>> -> memref<128xi32, #tpu.memory_space<vmem>>
      %dma_wait3A_1057 = tpu.memref_slice %arg2[%add3A_844] : memref<819200xi32, #tpu.memory_space<hbm>> -> memref<128xi32, #tpu.memory_space<hbm>>
      tpu.wait_dma2 semaphore(%arg15 : memref<!tpu.dma_semaphore, #tpu.memory_space<semaphore_mem>>) src(%dma_wait3A_1057 : memref<128xi32, #tpu.memory_space<hbm>>) dst(%dma_wait3A_1056 : memref<128xi32, #tpu.memory_space<vmem>>)
      %dma_wait3A_1058 = arith.constant 9 : i32
      %dma_wait3A_1059 = arith.constant 0 : i32
      %dma_wait3A_1060 = tpu.memref_slice %arg11[%dma_wait3A_1058, %dma_wait3A_1059] : memref<20x128xi32, #tpu.memory_space<vmem>> -> memref<1x128xi32, #tpu.memory_space<vmem>>
      %dma_wait3A_1061 = tpu.memref_squeeze %dma_wait3A_1060 : memref<1x128xi32, #tpu.memory_space<vmem>> -> memref<128xi32, #tpu.memory_space<vmem>>
      %dma_wait3A_1062 = tpu.memref_slice %arg2[%add3A_855] : memref<819200xi32, #tpu.memory_space<hbm>> -> memref<128xi32, #tpu.memory_space<hbm>>
      %dma_wait3A_1063 = arith.constant 0 : i32
      %dma_wait3A_1064 = tpu.memref_slice %arg11[%dma_wait3A_1058, %dma_wait3A_1063] : memref<20x128xi32, #tpu.memory_space<vmem>> -> memref<1x128xi32, #tpu.memory_space<vmem>>
      %dma_wait3A_1065 = tpu.memref_squeeze %dma_wait3A_1064 : memref<1x128xi32, #tpu.memory_space<vmem>> -> memref<128xi32, #tpu.memory_space<vmem>>
      %dma_wait3A_1066 = tpu.memref_slice %arg2[%add3A_855] : memref<819200xi32, #tpu.memory_space<hbm>> -> memref<128xi32, #tpu.memory_space<hbm>>
      tpu.wait_dma2 semaphore(%arg15 : memref<!tpu.dma_semaphore, #tpu.memory_space<semaphore_mem>>) src(%dma_wait3A_1066 : memref<128xi32, #tpu.memory_space<hbm>>) dst(%dma_wait3A_1065 : memref<128xi32, #tpu.memory_space<vmem>>)
      %dma_wait3A_1067 = arith.constant 10 : i32
      %dma_wait3A_1068 = arith.constant 0 : i32
      %dma_wait3A_1069 = tpu.memref_slice %arg11[%dma_wait3A_1067, %dma_wait3A_1068] : memref<20x128xi32, #tpu.memory_space<vmem>> -> memref<1x128xi32, #tpu.memory_space<vmem>>
      %dma_wait3A_1070 = tpu.memref_squeeze %dma_wait3A_1069 : memref<1x128xi32, #tpu.memory_space<vmem>> -> memref<128xi32, #tpu.memory_space<vmem>>
      %dma_wait3A_1071 = tpu.memref_slice %arg2[%add3A_866] : memref<819200xi32, #tpu.memory_space<hbm>> -> memref<128xi32, #tpu.memory_space<hbm>>
      %dma_wait3A_1072 = arith.constant 0 : i32
      %dma_wait3A_1073 = tpu.memref_slice %arg11[%dma_wait3A_1067, %dma_wait3A_1072] : memref<20x128xi32, #tpu.memory_space<vmem>> -> memref<1x128xi32, #tpu.memory_space<vmem>>
      %dma_wait3A_1074 = tpu.memref_squeeze %dma_wait3A_1073 : memref<1x128xi32, #tpu.memory_space<vmem>> -> memref<128xi32, #tpu.memory_space<vmem>>
      %dma_wait3A_1075 = tpu.memref_slice %arg2[%add3A_866] : memref<819200xi32, #tpu.memory_space<hbm>> -> memref<128xi32, #tpu.memory_space<hbm>>
      tpu.wait_dma2 semaphore(%arg15 : memref<!tpu.dma_semaphore, #tpu.memory_space<semaphore_mem>>) src(%dma_wait3A_1075 : memref<128xi32, #tpu.memory_space<hbm>>) dst(%dma_wait3A_1074 : memref<128xi32, #tpu.memory_space<vmem>>)
      %dma_wait3A_1076 = arith.constant 11 : i32
      %dma_wait3A_1077 = arith.constant 0 : i32
      %dma_wait3A_1078 = tpu.memref_slice %arg11[%dma_wait3A_1076, %dma_wait3A_1077] : memref<20x128xi32, #tpu.memory_space<vmem>> -> memref<1x128xi32, #tpu.memory_space<vmem>>
      %dma_wait3A_1079 = tpu.memref_squeeze %dma_wait3A_1078 : memref<1x128xi32, #tpu.memory_space<vmem>> -> memref<128xi32, #tpu.memory_space<vmem>>
      %dma_wait3A_1080 = tpu.memref_slice %arg2[%add3A_877] : memref<819200xi32, #tpu.memory_space<hbm>> -> memref<128xi32, #tpu.memory_space<hbm>>
      %dma_wait3A_1081 = arith.constant 0 : i32
      %dma_wait3A_1082 = tpu.memref_slice %arg11[%dma_wait3A_1076, %dma_wait3A_1081] : memref<20x128xi32, #tpu.memory_space<vmem>> -> memref<1x128xi32, #tpu.memory_space<vmem>>
      %dma_wait3A_1083 = tpu.memref_squeeze %dma_wait3A_1082 : memref<1x128xi32, #tpu.memory_space<vmem>> -> memref<128xi32, #tpu.memory_space<vmem>>
      %dma_wait3A_1084 = tpu.memref_slice %arg2[%add3A_877] : memref<819200xi32, #tpu.memory_space<hbm>> -> memref<128xi32, #tpu.memory_space<hbm>>
      tpu.wait_dma2 semaphore(%arg15 : memref<!tpu.dma_semaphore, #tpu.memory_space<semaphore_mem>>) src(%dma_wait3A_1084 : memref<128xi32, #tpu.memory_space<hbm>>) dst(%dma_wait3A_1083 : memref<128xi32, #tpu.memory_space<vmem>>)
      %dma_wait3A_1085 = arith.constant 12 : i32
      %dma_wait3A_1086 = arith.constant 0 : i32
      %dma_wait3A_1087 = tpu.memref_slice %arg11[%dma_wait3A_1085, %dma_wait3A_1086] : memref<20x128xi32, #tpu.memory_space<vmem>> -> memref<1x128xi32, #tpu.memory_space<vmem>>
      %dma_wait3A_1088 = tpu.memref_squeeze %dma_wait3A_1087 : memref<1x128xi32, #tpu.memory_space<vmem>> -> memref<128xi32, #tpu.memory_space<vmem>>
      %dma_wait3A_1089 = tpu.memref_slice %arg2[%add3A_888] : memref<819200xi32, #tpu.memory_space<hbm>> -> memref<128xi32, #tpu.memory_space<hbm>>
      %dma_wait3A_1090 = arith.constant 0 : i32
      %dma_wait3A_1091 = tpu.memref_slice %arg11[%dma_wait3A_1085, %dma_wait3A_1090] : memref<20x128xi32, #tpu.memory_space<vmem>> -> memref<1x128xi32, #tpu.memory_space<vmem>>
      %dma_wait3A_1092 = tpu.memref_squeeze %dma_wait3A_1091 : memref<1x128xi32, #tpu.memory_space<vmem>> -> memref<128xi32, #tpu.memory_space<vmem>>
      %dma_wait3A_1093 = tpu.memref_slice %arg2[%add3A_888] : memref<819200xi32, #tpu.memory_space<hbm>> -> memref<128xi32, #tpu.memory_space<hbm>>
      tpu.wait_dma2 semaphore(%arg15 : memref<!tpu.dma_semaphore, #tpu.memory_space<semaphore_mem>>) src(%dma_wait3A_1093 : memref<128xi32, #tpu.memory_space<hbm>>) dst(%dma_wait3A_1092 : memref<128xi32, #tpu.memory_space<vmem>>)
      %dma_wait3A_1094 = arith.constant 13 : i32
      %dma_wait3A_1095 = arith.constant 0 : i32
      %dma_wait3A_1096 = tpu.memref_slice %arg11[%dma_wait3A_1094, %dma_wait3A_1095] : memref<20x128xi32, #tpu.memory_space<vmem>> -> memref<1x128xi32, #tpu.memory_space<vmem>>
      %dma_wait3A_1097 = tpu.memref_squeeze %dma_wait3A_1096 : memref<1x128xi32, #tpu.memory_space<vmem>> -> memref<128xi32, #tpu.memory_space<vmem>>
      %dma_wait3A_1098 = tpu.memref_slice %arg2[%add3A_899] : memref<819200xi32, #tpu.memory_space<hbm>> -> memref<128xi32, #tpu.memory_space<hbm>>
      %dma_wait3A_1099 = arith.constant 0 : i32
      %dma_wait3A_1100 = tpu.memref_slice %arg11[%dma_wait3A_1094, %dma_wait3A_1099] : memref<20x128xi32, #tpu.memory_space<vmem>> -> memref<1x128xi32, #tpu.memory_space<vmem>>
      %dma_wait3A_1101 = tpu.memref_squeeze %dma_wait3A_1100 : memref<1x128xi32, #tpu.memory_space<vmem>> -> memref<128xi32, #tpu.memory_space<vmem>>
      %dma_wait3A_1102 = tpu.memref_slice %arg2[%add3A_899] : memref<819200xi32, #tpu.memory_space<hbm>> -> memref<128xi32, #tpu.memory_space<hbm>>
      tpu.wait_dma2 semaphore(%arg15 : memref<!tpu.dma_semaphore, #tpu.memory_space<semaphore_mem>>) src(%dma_wait3A_1102 : memref<128xi32, #tpu.memory_space<hbm>>) dst(%dma_wait3A_1101 : memref<128xi32, #tpu.memory_space<vmem>>)
      %dma_wait3A_1103 = arith.constant 14 : i32
      %dma_wait3A_1104 = arith.constant 0 : i32
      %dma_wait3A_1105 = tpu.memref_slice %arg11[%dma_wait3A_1103, %dma_wait3A_1104] : memref<20x128xi32, #tpu.memory_space<vmem>> -> memref<1x128xi32, #tpu.memory_space<vmem>>
      %dma_wait3A_1106 = tpu.memref_squeeze %dma_wait3A_1105 : memref<1x128xi32, #tpu.memory_space<vmem>> -> memref<128xi32, #tpu.memory_space<vmem>>
      %dma_wait3A_1107 = tpu.memref_slice %arg2[%add3A_910] : memref<819200xi32, #tpu.memory_space<hbm>> -> memref<128xi32, #tpu.memory_space<hbm>>
      %dma_wait3A_1108 = arith.constant 0 : i32
      %dma_wait3A_1109 = tpu.memref_slice %arg11[%dma_wait3A_1103, %dma_wait3A_1108] : memref<20x128xi32, #tpu.memory_space<vmem>> -> memref<1x128xi32, #tpu.memory_space<vmem>>
      %dma_wait3A_1110 = tpu.memref_squeeze %dma_wait3A_1109 : memref<1x128xi32, #tpu.memory_space<vmem>> -> memref<128xi32, #tpu.memory_space<vmem>>
      %dma_wait3A_1111 = tpu.memref_slice %arg2[%add3A_910] : memref<819200xi32, #tpu.memory_space<hbm>> -> memref<128xi32, #tpu.memory_space<hbm>>
      tpu.wait_dma2 semaphore(%arg15 : memref<!tpu.dma_semaphore, #tpu.memory_space<semaphore_mem>>) src(%dma_wait3A_1111 : memref<128xi32, #tpu.memory_space<hbm>>) dst(%dma_wait3A_1110 : memref<128xi32, #tpu.memory_space<vmem>>)
      %dma_wait3A_1112 = arith.constant 15 : i32
      %dma_wait3A_1113 = arith.constant 0 : i32
      %dma_wait3A_1114 = tpu.memref_slice %arg11[%dma_wait3A_1112, %dma_wait3A_1113] : memref<20x128xi32, #tpu.memory_space<vmem>> -> memref<1x128xi32, #tpu.memory_space<vmem>>
      %dma_wait3A_1115 = tpu.memref_squeeze %dma_wait3A_1114 : memref<1x128xi32, #tpu.memory_space<vmem>> -> memref<128xi32, #tpu.memory_space<vmem>>
      %dma_wait3A_1116 = tpu.memref_slice %arg2[%add3A_921] : memref<819200xi32, #tpu.memory_space<hbm>> -> memref<128xi32, #tpu.memory_space<hbm>>
      %dma_wait3A_1117 = arith.constant 0 : i32
      %dma_wait3A_1118 = tpu.memref_slice %arg11[%dma_wait3A_1112, %dma_wait3A_1117] : memref<20x128xi32, #tpu.memory_space<vmem>> -> memref<1x128xi32, #tpu.memory_space<vmem>>
      %dma_wait3A_1119 = tpu.memref_squeeze %dma_wait3A_1118 : memref<1x128xi32, #tpu.memory_space<vmem>> -> memref<128xi32, #tpu.memory_space<vmem>>
      %dma_wait3A_1120 = tpu.memref_slice %arg2[%add3A_921] : memref<819200xi32, #tpu.memory_space<hbm>> -> memref<128xi32, #tpu.memory_space<hbm>>
      tpu.wait_dma2 semaphore(%arg15 : memref<!tpu.dma_semaphore, #tpu.memory_space<semaphore_mem>>) src(%dma_wait3A_1120 : memref<128xi32, #tpu.memory_space<hbm>>) dst(%dma_wait3A_1119 : memref<128xi32, #tpu.memory_space<vmem>>)
      %dma_wait3A_1121 = arith.constant 16 : i32
      %dma_wait3A_1122 = arith.constant 0 : i32
      %dma_wait3A_1123 = tpu.memref_slice %arg11[%dma_wait3A_1121, %dma_wait3A_1122] : memref<20x128xi32, #tpu.memory_space<vmem>> -> memref<1x128xi32, #tpu.memory_space<vmem>>
      %dma_wait3A_1124 = tpu.memref_squeeze %dma_wait3A_1123 : memref<1x128xi32, #tpu.memory_space<vmem>> -> memref<128xi32, #tpu.memory_space<vmem>>
      %dma_wait3A_1125 = tpu.memref_slice %arg2[%add3A_932] : memref<819200xi32, #tpu.memory_space<hbm>> -> memref<128xi32, #tpu.memory_space<hbm>>
      %dma_wait3A_1126 = arith.constant 0 : i32
      %dma_wait3A_1127 = tpu.memref_slice %arg11[%dma_wait3A_1121, %dma_wait3A_1126] : memref<20x128xi32, #tpu.memory_space<vmem>> -> memref<1x128xi32, #tpu.memory_space<vmem>>
      %dma_wait3A_1128 = tpu.memref_squeeze %dma_wait3A_1127 : memref<1x128xi32, #tpu.memory_space<vmem>> -> memref<128xi32, #tpu.memory_space<vmem>>
      %dma_wait3A_1129 = tpu.memref_slice %arg2[%add3A_932] : memref<819200xi32, #tpu.memory_space<hbm>> -> memref<128xi32, #tpu.memory_space<hbm>>
      tpu.wait_dma2 semaphore(%arg15 : memref<!tpu.dma_semaphore, #tpu.memory_space<semaphore_mem>>) src(%dma_wait3A_1129 : memref<128xi32, #tpu.memory_space<hbm>>) dst(%dma_wait3A_1128 : memref<128xi32, #tpu.memory_space<vmem>>)
      %dma_wait3A_1130 = arith.constant 17 : i32
      %dma_wait3A_1131 = arith.constant 0 : i32
      %dma_wait3A_1132 = tpu.memref_slice %arg11[%dma_wait3A_1130, %dma_wait3A_1131] : memref<20x128xi32, #tpu.memory_space<vmem>> -> memref<1x128xi32, #tpu.memory_space<vmem>>
      %dma_wait3A_1133 = tpu.memref_squeeze %dma_wait3A_1132 : memref<1x128xi32, #tpu.memory_space<vmem>> -> memref<128xi32, #tpu.memory_space<vmem>>
      %dma_wait3A_1134 = tpu.memref_slice %arg2[%add3A_943] : memref<819200xi32, #tpu.memory_space<hbm>> -> memref<128xi32, #tpu.memory_space<hbm>>
      %dma_wait3A_1135 = arith.constant 0 : i32
      %dma_wait3A_1136 = tpu.memref_slice %arg11[%dma_wait3A_1130, %dma_wait3A_1135] : memref<20x128xi32, #tpu.memory_space<vmem>> -> memref<1x128xi32, #tpu.memory_space<vmem>>
      %dma_wait3A_1137 = tpu.memref_squeeze %dma_wait3A_1136 : memref<1x128xi32, #tpu.memory_space<vmem>> -> memref<128xi32, #tpu.memory_space<vmem>>
      %dma_wait3A_1138 = tpu.memref_slice %arg2[%add3A_943] : memref<819200xi32, #tpu.memory_space<hbm>> -> memref<128xi32, #tpu.memory_space<hbm>>
      tpu.wait_dma2 semaphore(%arg15 : memref<!tpu.dma_semaphore, #tpu.memory_space<semaphore_mem>>) src(%dma_wait3A_1138 : memref<128xi32, #tpu.memory_space<hbm>>) dst(%dma_wait3A_1137 : memref<128xi32, #tpu.memory_space<vmem>>)
      %dma_wait3A_1139 = arith.constant 18 : i32
      %dma_wait3A_1140 = arith.constant 0 : i32
      %dma_wait3A_1141 = tpu.memref_slice %arg11[%dma_wait3A_1139, %dma_wait3A_1140] : memref<20x128xi32, #tpu.memory_space<vmem>> -> memref<1x128xi32, #tpu.memory_space<vmem>>
      %dma_wait3A_1142 = tpu.memref_squeeze %dma_wait3A_1141 : memref<1x128xi32, #tpu.memory_space<vmem>> -> memref<128xi32, #tpu.memory_space<vmem>>
      %dma_wait3A_1143 = tpu.memref_slice %arg2[%add3A_954] : memref<819200xi32, #tpu.memory_space<hbm>> -> memref<128xi32, #tpu.memory_space<hbm>>
      %dma_wait3A_1144 = arith.constant 0 : i32
      %dma_wait3A_1145 = tpu.memref_slice %arg11[%dma_wait3A_1139, %dma_wait3A_1144] : memref<20x128xi32, #tpu.memory_space<vmem>> -> memref<1x128xi32, #tpu.memory_space<vmem>>
      %dma_wait3A_1146 = tpu.memref_squeeze %dma_wait3A_1145 : memref<1x128xi32, #tpu.memory_space<vmem>> -> memref<128xi32, #tpu.memory_space<vmem>>
      %dma_wait3A_1147 = tpu.memref_slice %arg2[%add3A_954] : memref<819200xi32, #tpu.memory_space<hbm>> -> memref<128xi32, #tpu.memory_space<hbm>>
      tpu.wait_dma2 semaphore(%arg15 : memref<!tpu.dma_semaphore, #tpu.memory_space<semaphore_mem>>) src(%dma_wait3A_1147 : memref<128xi32, #tpu.memory_space<hbm>>) dst(%dma_wait3A_1146 : memref<128xi32, #tpu.memory_space<vmem>>)
      %dma_wait3A_1148 = arith.constant 19 : i32
      %dma_wait3A_1149 = arith.constant 0 : i32
      %dma_wait3A_1150 = tpu.memref_slice %arg11[%dma_wait3A_1148, %dma_wait3A_1149] : memref<20x128xi32, #tpu.memory_space<vmem>> -> memref<1x128xi32, #tpu.memory_space<vmem>>
      %dma_wait3A_1151 = tpu.memref_squeeze %dma_wait3A_1150 : memref<1x128xi32, #tpu.memory_space<vmem>> -> memref<128xi32, #tpu.memory_space<vmem>>
      %dma_wait3A_1152 = tpu.memref_slice %arg2[%add3A_965] : memref<819200xi32, #tpu.memory_space<hbm>> -> memref<128xi32, #tpu.memory_space<hbm>>
      %dma_wait3A_1153 = arith.constant 0 : i32
      %dma_wait3A_1154 = tpu.memref_slice %arg11[%dma_wait3A_1148, %dma_wait3A_1153] : memref<20x128xi32, #tpu.memory_space<vmem>> -> memref<1x128xi32, #tpu.memory_space<vmem>>
      %dma_wait3A_1155 = tpu.memref_squeeze %dma_wait3A_1154 : memref<1x128xi32, #tpu.memory_space<vmem>> -> memref<128xi32, #tpu.memory_space<vmem>>
      %dma_wait3A_1156 = tpu.memref_slice %arg2[%add3A_965] : memref<819200xi32, #tpu.memory_space<hbm>> -> memref<128xi32, #tpu.memory_space<hbm>>
      tpu.wait_dma2 semaphore(%arg15 : memref<!tpu.dma_semaphore, #tpu.memory_space<semaphore_mem>>) src(%dma_wait3A_1156 : memref<128xi32, #tpu.memory_space<hbm>>) dst(%dma_wait3A_1155 : memref<128xi32, #tpu.memory_space<vmem>>)
      %dma_wait3A_1157 = tpu.memref_slice %arg3[%add3A_754] : memref<819200xf32, #tpu.memory_space<hbm>> -> memref<2560xf32, #tpu.memory_space<hbm>>
      %dma_wait3A_1158 = tpu.memref_slice %arg3[%add3A_754] : memref<819200xf32, #tpu.memory_space<hbm>> -> memref<2560xf32, #tpu.memory_space<hbm>>
      tpu.wait_dma2 semaphore(%arg15 : memref<!tpu.dma_semaphore, #tpu.memory_space<semaphore_mem>>) src(%dma_wait3A_1158 : memref<2560xf32, #tpu.memory_space<hbm>>) dst(%arg12 : memref<2560xf32, #tpu.memory_space<vmem>>)
      %dma_start3A_1159 = arith.constant 0 : i32
      %dma_start3A_1160 = arith.constant 0 : i32
      %dma_start3A_1161 = tpu.memref_slice %arg12[%dma_start3A_1160] : memref<2560xf32, #tpu.memory_space<vmem>> -> memref<128xf32, #tpu.memory_space<vmem>>
      %dma_start3A_1162 = arith.constant 0 : i32
      %dma_start3A_1163 = tpu.memref_slice %arg11[%dma_start3A_1159, %dma_start3A_1162] : memref<20x128xi32, #tpu.memory_space<vmem>> -> memref<1x128xi32, #tpu.memory_space<vmem>>
      %dma_start3A_1164 = tpu.memref_squeeze %dma_start3A_1163 : memref<1x128xi32, #tpu.memory_space<vmem>> -> memref<128xi32, #tpu.memory_space<vmem>>
      %dma_start3A_1165 = arith.constant 0 : i32
      %dma_start3A_1166 = tpu.memref_slice %arg9[%dma_start3A_1165] : memref<51200xf32, #tpu.memory_space<vmem_shared>> -> memref<51200xf32, #tpu.memory_space<vmem_shared>>
      tpu.enqueue_indirect_dma source(%dma_start3A_1161 : memref<128xf32, #tpu.memory_space<vmem>>) target(%dma_start3A_1166 : memref<51200xf32, #tpu.memory_space<vmem_shared>>) offsets(%dma_start3A_1164 : memref<128xi32, #tpu.memory_space<vmem>>) semaphore(%arg15 : memref<!tpu.dma_semaphore, #tpu.memory_space<semaphore_mem>>) {add = true}
      %dma_start3A_1167 = arith.constant 1 : i32
      %dma_start3A_1168 = arith.constant 128 : i32
      %dma_start3A_1169 = tpu.memref_slice %arg12[%dma_start3A_1168] : memref<2560xf32, #tpu.memory_space<vmem>> -> memref<128xf32, #tpu.memory_space<vmem>>
      %dma_start3A_1170 = arith.constant 0 : i32
      %dma_start3A_1171 = tpu.memref_slice %arg11[%dma_start3A_1167, %dma_start3A_1170] : memref<20x128xi32, #tpu.memory_space<vmem>> -> memref<1x128xi32, #tpu.memory_space<vmem>>
      %dma_start3A_1172 = tpu.memref_squeeze %dma_start3A_1171 : memref<1x128xi32, #tpu.memory_space<vmem>> -> memref<128xi32, #tpu.memory_space<vmem>>
      %dma_start3A_1173 = arith.constant 0 : i32
      %dma_start3A_1174 = tpu.memref_slice %arg9[%dma_start3A_1173] : memref<51200xf32, #tpu.memory_space<vmem_shared>> -> memref<51200xf32, #tpu.memory_space<vmem_shared>>
      tpu.enqueue_indirect_dma source(%dma_start3A_1169 : memref<128xf32, #tpu.memory_space<vmem>>) target(%dma_start3A_1174 : memref<51200xf32, #tpu.memory_space<vmem_shared>>) offsets(%dma_start3A_1172 : memref<128xi32, #tpu.memory_space<vmem>>) semaphore(%arg15 : memref<!tpu.dma_semaphore, #tpu.memory_space<semaphore_mem>>) {add = true}
      %dma_start3A_1175 = arith.constant 2 : i32
      %dma_start3A_1176 = arith.constant 256 : i32
      %dma_start3A_1177 = tpu.memref_slice %arg12[%dma_start3A_1176] : memref<2560xf32, #tpu.memory_space<vmem>> -> memref<128xf32, #tpu.memory_space<vmem>>
      %dma_start3A_1178 = arith.constant 0 : i32
      %dma_start3A_1179 = tpu.memref_slice %arg11[%dma_start3A_1175, %dma_start3A_1178] : memref<20x128xi32, #tpu.memory_space<vmem>> -> memref<1x128xi32, #tpu.memory_space<vmem>>
      %dma_start3A_1180 = tpu.memref_squeeze %dma_start3A_1179 : memref<1x128xi32, #tpu.memory_space<vmem>> -> memref<128xi32, #tpu.memory_space<vmem>>
      %dma_start3A_1181 = arith.constant 0 : i32
      %dma_start3A_1182 = tpu.memref_slice %arg9[%dma_start3A_1181] : memref<51200xf32, #tpu.memory_space<vmem_shared>> -> memref<51200xf32, #tpu.memory_space<vmem_shared>>
      tpu.enqueue_indirect_dma source(%dma_start3A_1177 : memref<128xf32, #tpu.memory_space<vmem>>) target(%dma_start3A_1182 : memref<51200xf32, #tpu.memory_space<vmem_shared>>) offsets(%dma_start3A_1180 : memref<128xi32, #tpu.memory_space<vmem>>) semaphore(%arg15 : memref<!tpu.dma_semaphore, #tpu.memory_space<semaphore_mem>>) {add = true}
      %dma_start3A_1183 = arith.constant 3 : i32
      %dma_start3A_1184 = arith.constant 384 : i32
      %dma_start3A_1185 = tpu.memref_slice %arg12[%dma_start3A_1184] : memref<2560xf32, #tpu.memory_space<vmem>> -> memref<128xf32, #tpu.memory_space<vmem>>
      %dma_start3A_1186 = arith.constant 0 : i32
      %dma_start3A_1187 = tpu.memref_slice %arg11[%dma_start3A_1183, %dma_start3A_1186] : memref<20x128xi32, #tpu.memory_space<vmem>> -> memref<1x128xi32, #tpu.memory_space<vmem>>
      %dma_start3A_1188 = tpu.memref_squeeze %dma_start3A_1187 : memref<1x128xi32, #tpu.memory_space<vmem>> -> memref<128xi32, #tpu.memory_space<vmem>>
      %dma_start3A_1189 = arith.constant 0 : i32
      %dma_start3A_1190 = tpu.memref_slice %arg9[%dma_start3A_1189] : memref<51200xf32, #tpu.memory_space<vmem_shared>> -> memref<51200xf32, #tpu.memory_space<vmem_shared>>
      tpu.enqueue_indirect_dma source(%dma_start3A_1185 : memref<128xf32, #tpu.memory_space<vmem>>) target(%dma_start3A_1190 : memref<51200xf32, #tpu.memory_space<vmem_shared>>) offsets(%dma_start3A_1188 : memref<128xi32, #tpu.memory_space<vmem>>) semaphore(%arg15 : memref<!tpu.dma_semaphore, #tpu.memory_space<semaphore_mem>>) {add = true}
      %dma_start3A_1191 = arith.constant 4 : i32
      %dma_start3A_1192 = arith.constant 512 : i32
      %dma_start3A_1193 = tpu.memref_slice %arg12[%dma_start3A_1192] : memref<2560xf32, #tpu.memory_space<vmem>> -> memref<128xf32, #tpu.memory_space<vmem>>
      %dma_start3A_1194 = arith.constant 0 : i32
      %dma_start3A_1195 = tpu.memref_slice %arg11[%dma_start3A_1191, %dma_start3A_1194] : memref<20x128xi32, #tpu.memory_space<vmem>> -> memref<1x128xi32, #tpu.memory_space<vmem>>
      %dma_start3A_1196 = tpu.memref_squeeze %dma_start3A_1195 : memref<1x128xi32, #tpu.memory_space<vmem>> -> memref<128xi32, #tpu.memory_space<vmem>>
      %dma_start3A_1197 = arith.constant 0 : i32
      %dma_start3A_1198 = tpu.memref_slice %arg9[%dma_start3A_1197] : memref<51200xf32, #tpu.memory_space<vmem_shared>> -> memref<51200xf32, #tpu.memory_space<vmem_shared>>
      tpu.enqueue_indirect_dma source(%dma_start3A_1193 : memref<128xf32, #tpu.memory_space<vmem>>) target(%dma_start3A_1198 : memref<51200xf32, #tpu.memory_space<vmem_shared>>) offsets(%dma_start3A_1196 : memref<128xi32, #tpu.memory_space<vmem>>) semaphore(%arg15 : memref<!tpu.dma_semaphore, #tpu.memory_space<semaphore_mem>>) {add = true}
      %dma_start3A_1199 = arith.constant 5 : i32
      %dma_start3A_1200 = arith.constant 640 : i32
      %dma_start3A_1201 = tpu.memref_slice %arg12[%dma_start3A_1200] : memref<2560xf32, #tpu.memory_space<vmem>> -> memref<128xf32, #tpu.memory_space<vmem>>
      %dma_start3A_1202 = arith.constant 0 : i32
      %dma_start3A_1203 = tpu.memref_slice %arg11[%dma_start3A_1199, %dma_start3A_1202] : memref<20x128xi32, #tpu.memory_space<vmem>> -> memref<1x128xi32, #tpu.memory_space<vmem>>
      %dma_start3A_1204 = tpu.memref_squeeze %dma_start3A_1203 : memref<1x128xi32, #tpu.memory_space<vmem>> -> memref<128xi32, #tpu.memory_space<vmem>>
      %dma_start3A_1205 = arith.constant 0 : i32
      %dma_start3A_1206 = tpu.memref_slice %arg9[%dma_start3A_1205] : memref<51200xf32, #tpu.memory_space<vmem_shared>> -> memref<51200xf32, #tpu.memory_space<vmem_shared>>
      tpu.enqueue_indirect_dma source(%dma_start3A_1201 : memref<128xf32, #tpu.memory_space<vmem>>) target(%dma_start3A_1206 : memref<51200xf32, #tpu.memory_space<vmem_shared>>) offsets(%dma_start3A_1204 : memref<128xi32, #tpu.memory_space<vmem>>) semaphore(%arg15 : memref<!tpu.dma_semaphore, #tpu.memory_space<semaphore_mem>>) {add = true}
      %dma_start3A_1207 = arith.constant 6 : i32
      %dma_start3A_1208 = arith.constant 768 : i32
      %dma_start3A_1209 = tpu.memref_slice %arg12[%dma_start3A_1208] : memref<2560xf32, #tpu.memory_space<vmem>> -> memref<128xf32, #tpu.memory_space<vmem>>
      %dma_start3A_1210 = arith.constant 0 : i32
      %dma_start3A_1211 = tpu.memref_slice %arg11[%dma_start3A_1207, %dma_start3A_1210] : memref<20x128xi32, #tpu.memory_space<vmem>> -> memref<1x128xi32, #tpu.memory_space<vmem>>
      %dma_start3A_1212 = tpu.memref_squeeze %dma_start3A_1211 : memref<1x128xi32, #tpu.memory_space<vmem>> -> memref<128xi32, #tpu.memory_space<vmem>>
      %dma_start3A_1213 = arith.constant 0 : i32
      %dma_start3A_1214 = tpu.memref_slice %arg9[%dma_start3A_1213] : memref<51200xf32, #tpu.memory_space<vmem_shared>> -> memref<51200xf32, #tpu.memory_space<vmem_shared>>
      tpu.enqueue_indirect_dma source(%dma_start3A_1209 : memref<128xf32, #tpu.memory_space<vmem>>) target(%dma_start3A_1214 : memref<51200xf32, #tpu.memory_space<vmem_shared>>) offsets(%dma_start3A_1212 : memref<128xi32, #tpu.memory_space<vmem>>) semaphore(%arg15 : memref<!tpu.dma_semaphore, #tpu.memory_space<semaphore_mem>>) {add = true}
      %dma_start3A_1215 = arith.constant 7 : i32
      %dma_start3A_1216 = arith.constant 896 : i32
      %dma_start3A_1217 = tpu.memref_slice %arg12[%dma_start3A_1216] : memref<2560xf32, #tpu.memory_space<vmem>> -> memref<128xf32, #tpu.memory_space<vmem>>
      %dma_start3A_1218 = arith.constant 0 : i32
      %dma_start3A_1219 = tpu.memref_slice %arg11[%dma_start3A_1215, %dma_start3A_1218] : memref<20x128xi32, #tpu.memory_space<vmem>> -> memref<1x128xi32, #tpu.memory_space<vmem>>
      %dma_start3A_1220 = tpu.memref_squeeze %dma_start3A_1219 : memref<1x128xi32, #tpu.memory_space<vmem>> -> memref<128xi32, #tpu.memory_space<vmem>>
      %dma_start3A_1221 = arith.constant 0 : i32
      %dma_start3A_1222 = tpu.memref_slice %arg9[%dma_start3A_1221] : memref<51200xf32, #tpu.memory_space<vmem_shared>> -> memref<51200xf32, #tpu.memory_space<vmem_shared>>
      tpu.enqueue_indirect_dma source(%dma_start3A_1217 : memref<128xf32, #tpu.memory_space<vmem>>) target(%dma_start3A_1222 : memref<51200xf32, #tpu.memory_space<vmem_shared>>) offsets(%dma_start3A_1220 : memref<128xi32, #tpu.memory_space<vmem>>) semaphore(%arg15 : memref<!tpu.dma_semaphore, #tpu.memory_space<semaphore_mem>>) {add = true}
      %dma_start3A_1223 = arith.constant 8 : i32
      %dma_start3A_1224 = arith.constant 1024 : i32
      %dma_start3A_1225 = tpu.memref_slice %arg12[%dma_start3A_1224] : memref<2560xf32, #tpu.memory_space<vmem>> -> memref<128xf32, #tpu.memory_space<vmem>>
      %dma_start3A_1226 = arith.constant 0 : i32
      %dma_start3A_1227 = tpu.memref_slice %arg11[%dma_start3A_1223, %dma_start3A_1226] : memref<20x128xi32, #tpu.memory_space<vmem>> -> memref<1x128xi32, #tpu.memory_space<vmem>>
      %dma_start3A_1228 = tpu.memref_squeeze %dma_start3A_1227 : memref<1x128xi32, #tpu.memory_space<vmem>> -> memref<128xi32, #tpu.memory_space<vmem>>
      %dma_start3A_1229 = arith.constant 0 : i32
      %dma_start3A_1230 = tpu.memref_slice %arg9[%dma_start3A_1229] : memref<51200xf32, #tpu.memory_space<vmem_shared>> -> memref<51200xf32, #tpu.memory_space<vmem_shared>>
      tpu.enqueue_indirect_dma source(%dma_start3A_1225 : memref<128xf32, #tpu.memory_space<vmem>>) target(%dma_start3A_1230 : memref<51200xf32, #tpu.memory_space<vmem_shared>>) offsets(%dma_start3A_1228 : memref<128xi32, #tpu.memory_space<vmem>>) semaphore(%arg15 : memref<!tpu.dma_semaphore, #tpu.memory_space<semaphore_mem>>) {add = true}
      %dma_start3A_1231 = arith.constant 9 : i32
      %dma_start3A_1232 = arith.constant 1152 : i32
      %dma_start3A_1233 = tpu.memref_slice %arg12[%dma_start3A_1232] : memref<2560xf32, #tpu.memory_space<vmem>> -> memref<128xf32, #tpu.memory_space<vmem>>
      %dma_start3A_1234 = arith.constant 0 : i32
      %dma_start3A_1235 = tpu.memref_slice %arg11[%dma_start3A_1231, %dma_start3A_1234] : memref<20x128xi32, #tpu.memory_space<vmem>> -> memref<1x128xi32, #tpu.memory_space<vmem>>
      %dma_start3A_1236 = tpu.memref_squeeze %dma_start3A_1235 : memref<1x128xi32, #tpu.memory_space<vmem>> -> memref<128xi32, #tpu.memory_space<vmem>>
      %dma_start3A_1237 = arith.constant 0 : i32
      %dma_start3A_1238 = tpu.memref_slice %arg9[%dma_start3A_1237] : memref<51200xf32, #tpu.memory_space<vmem_shared>> -> memref<51200xf32, #tpu.memory_space<vmem_shared>>
      tpu.enqueue_indirect_dma source(%dma_start3A_1233 : memref<128xf32, #tpu.memory_space<vmem>>) target(%dma_start3A_1238 : memref<51200xf32, #tpu.memory_space<vmem_shared>>) offsets(%dma_start3A_1236 : memref<128xi32, #tpu.memory_space<vmem>>) semaphore(%arg15 : memref<!tpu.dma_semaphore, #tpu.memory_space<semaphore_mem>>) {add = true}
      %dma_start3A_1239 = arith.constant 10 : i32
      %dma_start3A_1240 = arith.constant 1280 : i32
      %dma_start3A_1241 = tpu.memref_slice %arg12[%dma_start3A_1240] : memref<2560xf32, #tpu.memory_space<vmem>> -> memref<128xf32, #tpu.memory_space<vmem>>
      %dma_start3A_1242 = arith.constant 0 : i32
      %dma_start3A_1243 = tpu.memref_slice %arg11[%dma_start3A_1239, %dma_start3A_1242] : memref<20x128xi32, #tpu.memory_space<vmem>> -> memref<1x128xi32, #tpu.memory_space<vmem>>
      %dma_start3A_1244 = tpu.memref_squeeze %dma_start3A_1243 : memref<1x128xi32, #tpu.memory_space<vmem>> -> memref<128xi32, #tpu.memory_space<vmem>>
      %dma_start3A_1245 = arith.constant 0 : i32
      %dma_start3A_1246 = tpu.memref_slice %arg9[%dma_start3A_1245] : memref<51200xf32, #tpu.memory_space<vmem_shared>> -> memref<51200xf32, #tpu.memory_space<vmem_shared>>
      tpu.enqueue_indirect_dma source(%dma_start3A_1241 : memref<128xf32, #tpu.memory_space<vmem>>) target(%dma_start3A_1246 : memref<51200xf32, #tpu.memory_space<vmem_shared>>) offsets(%dma_start3A_1244 : memref<128xi32, #tpu.memory_space<vmem>>) semaphore(%arg15 : memref<!tpu.dma_semaphore, #tpu.memory_space<semaphore_mem>>) {add = true}
      %dma_start3A_1247 = arith.constant 11 : i32
      %dma_start3A_1248 = arith.constant 1408 : i32
      %dma_start3A_1249 = tpu.memref_slice %arg12[%dma_start3A_1248] : memref<2560xf32, #tpu.memory_space<vmem>> -> memref<128xf32, #tpu.memory_space<vmem>>
      %dma_start3A_1250 = arith.constant 0 : i32
      %dma_start3A_1251 = tpu.memref_slice %arg11[%dma_start3A_1247, %dma_start3A_1250] : memref<20x128xi32, #tpu.memory_space<vmem>> -> memref<1x128xi32, #tpu.memory_space<vmem>>
      %dma_start3A_1252 = tpu.memref_squeeze %dma_start3A_1251 : memref<1x128xi32, #tpu.memory_space<vmem>> -> memref<128xi32, #tpu.memory_space<vmem>>
      %dma_start3A_1253 = arith.constant 0 : i32
      %dma_start3A_1254 = tpu.memref_slice %arg9[%dma_start3A_1253] : memref<51200xf32, #tpu.memory_space<vmem_shared>> -> memref<51200xf32, #tpu.memory_space<vmem_shared>>
      tpu.enqueue_indirect_dma source(%dma_start3A_1249 : memref<128xf32, #tpu.memory_space<vmem>>) target(%dma_start3A_1254 : memref<51200xf32, #tpu.memory_space<vmem_shared>>) offsets(%dma_start3A_1252 : memref<128xi32, #tpu.memory_space<vmem>>) semaphore(%arg15 : memref<!tpu.dma_semaphore, #tpu.memory_space<semaphore_mem>>) {add = true}
      %dma_start3A_1255 = arith.constant 12 : i32
      %dma_start3A_1256 = arith.constant 1536 : i32
      %dma_start3A_1257 = tpu.memref_slice %arg12[%dma_start3A_1256] : memref<2560xf32, #tpu.memory_space<vmem>> -> memref<128xf32, #tpu.memory_space<vmem>>
      %dma_start3A_1258 = arith.constant 0 : i32
      %dma_start3A_1259 = tpu.memref_slice %arg11[%dma_start3A_1255, %dma_start3A_1258] : memref<20x128xi32, #tpu.memory_space<vmem>> -> memref<1x128xi32, #tpu.memory_space<vmem>>
      %dma_start3A_1260 = tpu.memref_squeeze %dma_start3A_1259 : memref<1x128xi32, #tpu.memory_space<vmem>> -> memref<128xi32, #tpu.memory_space<vmem>>
      %dma_start3A_1261 = arith.constant 0 : i32
      %dma_start3A_1262 = tpu.memref_slice %arg9[%dma_start3A_1261] : memref<51200xf32, #tpu.memory_space<vmem_shared>> -> memref<51200xf32, #tpu.memory_space<vmem_shared>>
      tpu.enqueue_indirect_dma source(%dma_start3A_1257 : memref<128xf32, #tpu.memory_space<vmem>>) target(%dma_start3A_1262 : memref<51200xf32, #tpu.memory_space<vmem_shared>>) offsets(%dma_start3A_1260 : memref<128xi32, #tpu.memory_space<vmem>>) semaphore(%arg15 : memref<!tpu.dma_semaphore, #tpu.memory_space<semaphore_mem>>) {add = true}
      %dma_start3A_1263 = arith.constant 13 : i32
      %dma_start3A_1264 = arith.constant 1664 : i32
      %dma_start3A_1265 = tpu.memref_slice %arg12[%dma_start3A_1264] : memref<2560xf32, #tpu.memory_space<vmem>> -> memref<128xf32, #tpu.memory_space<vmem>>
      %dma_start3A_1266 = arith.constant 0 : i32
      %dma_start3A_1267 = tpu.memref_slice %arg11[%dma_start3A_1263, %dma_start3A_1266] : memref<20x128xi32, #tpu.memory_space<vmem>> -> memref<1x128xi32, #tpu.memory_space<vmem>>
      %dma_start3A_1268 = tpu.memref_squeeze %dma_start3A_1267 : memref<1x128xi32, #tpu.memory_space<vmem>> -> memref<128xi32, #tpu.memory_space<vmem>>
      %dma_start3A_1269 = arith.constant 0 : i32
      %dma_start3A_1270 = tpu.memref_slice %arg9[%dma_start3A_1269] : memref<51200xf32, #tpu.memory_space<vmem_shared>> -> memref<51200xf32, #tpu.memory_space<vmem_shared>>
      tpu.enqueue_indirect_dma source(%dma_start3A_1265 : memref<128xf32, #tpu.memory_space<vmem>>) target(%dma_start3A_1270 : memref<51200xf32, #tpu.memory_space<vmem_shared>>) offsets(%dma_start3A_1268 : memref<128xi32, #tpu.memory_space<vmem>>) semaphore(%arg15 : memref<!tpu.dma_semaphore, #tpu.memory_space<semaphore_mem>>) {add = true}
      %dma_start3A_1271 = arith.constant 14 : i32
      %dma_start3A_1272 = arith.constant 1792 : i32
      %dma_start3A_1273 = tpu.memref_slice %arg12[%dma_start3A_1272] : memref<2560xf32, #tpu.memory_space<vmem>> -> memref<128xf32, #tpu.memory_space<vmem>>
      %dma_start3A_1274 = arith.constant 0 : i32
      %dma_start3A_1275 = tpu.memref_slice %arg11[%dma_start3A_1271, %dma_start3A_1274] : memref<20x128xi32, #tpu.memory_space<vmem>> -> memref<1x128xi32, #tpu.memory_space<vmem>>
      %dma_start3A_1276 = tpu.memref_squeeze %dma_start3A_1275 : memref<1x128xi32, #tpu.memory_space<vmem>> -> memref<128xi32, #tpu.memory_space<vmem>>
      %dma_start3A_1277 = arith.constant 0 : i32
      %dma_start3A_1278 = tpu.memref_slice %arg9[%dma_start3A_1277] : memref<51200xf32, #tpu.memory_space<vmem_shared>> -> memref<51200xf32, #tpu.memory_space<vmem_shared>>
      tpu.enqueue_indirect_dma source(%dma_start3A_1273 : memref<128xf32, #tpu.memory_space<vmem>>) target(%dma_start3A_1278 : memref<51200xf32, #tpu.memory_space<vmem_shared>>) offsets(%dma_start3A_1276 : memref<128xi32, #tpu.memory_space<vmem>>) semaphore(%arg15 : memref<!tpu.dma_semaphore, #tpu.memory_space<semaphore_mem>>) {add = true}
      %dma_start3A_1279 = arith.constant 15 : i32
      %dma_start3A_1280 = arith.constant 1920 : i32
      %dma_start3A_1281 = tpu.memref_slice %arg12[%dma_start3A_1280] : memref<2560xf32, #tpu.memory_space<vmem>> -> memref<128xf32, #tpu.memory_space<vmem>>
      %dma_start3A_1282 = arith.constant 0 : i32
      %dma_start3A_1283 = tpu.memref_slice %arg11[%dma_start3A_1279, %dma_start3A_1282] : memref<20x128xi32, #tpu.memory_space<vmem>> -> memref<1x128xi32, #tpu.memory_space<vmem>>
      %dma_start3A_1284 = tpu.memref_squeeze %dma_start3A_1283 : memref<1x128xi32, #tpu.memory_space<vmem>> -> memref<128xi32, #tpu.memory_space<vmem>>
      %dma_start3A_1285 = arith.constant 0 : i32
      %dma_start3A_1286 = tpu.memref_slice %arg9[%dma_start3A_1285] : memref<51200xf32, #tpu.memory_space<vmem_shared>> -> memref<51200xf32, #tpu.memory_space<vmem_shared>>
      tpu.enqueue_indirect_dma source(%dma_start3A_1281 : memref<128xf32, #tpu.memory_space<vmem>>) target(%dma_start3A_1286 : memref<51200xf32, #tpu.memory_space<vmem_shared>>) offsets(%dma_start3A_1284 : memref<128xi32, #tpu.memory_space<vmem>>) semaphore(%arg15 : memref<!tpu.dma_semaphore, #tpu.memory_space<semaphore_mem>>) {add = true}
      %dma_start3A_1287 = arith.constant 16 : i32
      %dma_start3A_1288 = arith.constant 2048 : i32
      %dma_start3A_1289 = tpu.memref_slice %arg12[%dma_start3A_1288] : memref<2560xf32, #tpu.memory_space<vmem>> -> memref<128xf32, #tpu.memory_space<vmem>>
      %dma_start3A_1290 = arith.constant 0 : i32
      %dma_start3A_1291 = tpu.memref_slice %arg11[%dma_start3A_1287, %dma_start3A_1290] : memref<20x128xi32, #tpu.memory_space<vmem>> -> memref<1x128xi32, #tpu.memory_space<vmem>>
      %dma_start3A_1292 = tpu.memref_squeeze %dma_start3A_1291 : memref<1x128xi32, #tpu.memory_space<vmem>> -> memref<128xi32, #tpu.memory_space<vmem>>
      %dma_start3A_1293 = arith.constant 0 : i32
      %dma_start3A_1294 = tpu.memref_slice %arg9[%dma_start3A_1293] : memref<51200xf32, #tpu.memory_space<vmem_shared>> -> memref<51200xf32, #tpu.memory_space<vmem_shared>>
      tpu.enqueue_indirect_dma source(%dma_start3A_1289 : memref<128xf32, #tpu.memory_space<vmem>>) target(%dma_start3A_1294 : memref<51200xf32, #tpu.memory_space<vmem_shared>>) offsets(%dma_start3A_1292 : memref<128xi32, #tpu.memory_space<vmem>>) semaphore(%arg15 : memref<!tpu.dma_semaphore, #tpu.memory_space<semaphore_mem>>) {add = true}
      %dma_start3A_1295 = arith.constant 17 : i32
      %dma_start3A_1296 = arith.constant 2176 : i32
      %dma_start3A_1297 = tpu.memref_slice %arg12[%dma_start3A_1296] : memref<2560xf32, #tpu.memory_space<vmem>> -> memref<128xf32, #tpu.memory_space<vmem>>
      %dma_start3A_1298 = arith.constant 0 : i32
      %dma_start3A_1299 = tpu.memref_slice %arg11[%dma_start3A_1295, %dma_start3A_1298] : memref<20x128xi32, #tpu.memory_space<vmem>> -> memref<1x128xi32, #tpu.memory_space<vmem>>
      %dma_start3A_1300 = tpu.memref_squeeze %dma_start3A_1299 : memref<1x128xi32, #tpu.memory_space<vmem>> -> memref<128xi32, #tpu.memory_space<vmem>>
      %dma_start3A_1301 = arith.constant 0 : i32
      %dma_start3A_1302 = tpu.memref_slice %arg9[%dma_start3A_1301] : memref<51200xf32, #tpu.memory_space<vmem_shared>> -> memref<51200xf32, #tpu.memory_space<vmem_shared>>
      tpu.enqueue_indirect_dma source(%dma_start3A_1297 : memref<128xf32, #tpu.memory_space<vmem>>) target(%dma_start3A_1302 : memref<51200xf32, #tpu.memory_space<vmem_shared>>) offsets(%dma_start3A_1300 : memref<128xi32, #tpu.memory_space<vmem>>) semaphore(%arg15 : memref<!tpu.dma_semaphore, #tpu.memory_space<semaphore_mem>>) {add = true}
      %dma_start3A_1303 = arith.constant 18 : i32
      %dma_start3A_1304 = arith.constant 2304 : i32
      %dma_start3A_1305 = tpu.memref_slice %arg12[%dma_start3A_1304] : memref<2560xf32, #tpu.memory_space<vmem>> -> memref<128xf32, #tpu.memory_space<vmem>>
      %dma_start3A_1306 = arith.constant 0 : i32
      %dma_start3A_1307 = tpu.memref_slice %arg11[%dma_start3A_1303, %dma_start3A_1306] : memref<20x128xi32, #tpu.memory_space<vmem>> -> memref<1x128xi32, #tpu.memory_space<vmem>>
      %dma_start3A_1308 = tpu.memref_squeeze %dma_start3A_1307 : memref<1x128xi32, #tpu.memory_space<vmem>> -> memref<128xi32, #tpu.memory_space<vmem>>
      %dma_start3A_1309 = arith.constant 0 : i32
      %dma_start3A_1310 = tpu.memref_slice %arg9[%dma_start3A_1309] : memref<51200xf32, #tpu.memory_space<vmem_shared>> -> memref<51200xf32, #tpu.memory_space<vmem_shared>>
      tpu.enqueue_indirect_dma source(%dma_start3A_1305 : memref<128xf32, #tpu.memory_space<vmem>>) target(%dma_start3A_1310 : memref<51200xf32, #tpu.memory_space<vmem_shared>>) offsets(%dma_start3A_1308 : memref<128xi32, #tpu.memory_space<vmem>>) semaphore(%arg15 : memref<!tpu.dma_semaphore, #tpu.memory_space<semaphore_mem>>) {add = true}
      %dma_start3A_1311 = arith.constant 19 : i32
      %dma_start3A_1312 = arith.constant 2432 : i32
      %dma_start3A_1313 = tpu.memref_slice %arg12[%dma_start3A_1312] : memref<2560xf32, #tpu.memory_space<vmem>> -> memref<128xf32, #tpu.memory_space<vmem>>
      %dma_start3A_1314 = arith.constant 0 : i32
      %dma_start3A_1315 = tpu.memref_slice %arg11[%dma_start3A_1311, %dma_start3A_1314] : memref<20x128xi32, #tpu.memory_space<vmem>> -> memref<1x128xi32, #tpu.memory_space<vmem>>
      %dma_start3A_1316 = tpu.memref_squeeze %dma_start3A_1315 : memref<1x128xi32, #tpu.memory_space<vmem>> -> memref<128xi32, #tpu.memory_space<vmem>>
      %dma_start3A_1317 = arith.constant 0 : i32
      %dma_start3A_1318 = tpu.memref_slice %arg9[%dma_start3A_1317] : memref<51200xf32, #tpu.memory_space<vmem_shared>> -> memref<51200xf32, #tpu.memory_space<vmem_shared>>
      tpu.enqueue_indirect_dma source(%dma_start3A_1313 : memref<128xf32, #tpu.memory_space<vmem>>) target(%dma_start3A_1318 : memref<51200xf32, #tpu.memory_space<vmem_shared>>) offsets(%dma_start3A_1316 : memref<128xi32, #tpu.memory_space<vmem>>) semaphore(%arg15 : memref<!tpu.dma_semaphore, #tpu.memory_space<semaphore_mem>>) {add = true}
      %dma_wait3A_1319 = arith.constant 0 : i32
      %dma_wait3A_1320 = arith.constant 0 : i32
      %dma_wait3A_1321 = tpu.memref_slice %arg12[%dma_wait3A_1320] : memref<2560xf32, #tpu.memory_space<vmem>> -> memref<128xf32, #tpu.memory_space<vmem>>
      %dma_wait3A_1322 = arith.constant 0 : i32
      %dma_wait3A_1323 = tpu.memref_slice %arg11[%dma_wait3A_1319, %dma_wait3A_1322] : memref<20x128xi32, #tpu.memory_space<vmem>> -> memref<1x128xi32, #tpu.memory_space<vmem>>
      %dma_wait3A_1324 = tpu.memref_squeeze %dma_wait3A_1323 : memref<1x128xi32, #tpu.memory_space<vmem>> -> memref<128xi32, #tpu.memory_space<vmem>>
      %dma_wait3A_1325 = arith.constant 0 : i32
      %dma_wait3A_1326 = tpu.memref_slice %arg9[%dma_wait3A_1325] : memref<51200xf32, #tpu.memory_space<vmem_shared>> -> memref<51200xf32, #tpu.memory_space<vmem_shared>>
      tpu.wait_indirect_dma semaphore(%arg15 : memref<!tpu.dma_semaphore, #tpu.memory_space<semaphore_mem>>) src(%dma_wait3A_1321 : memref<128xf32, #tpu.memory_space<vmem>>) dst(%dma_wait3A_1326 : memref<51200xf32, #tpu.memory_space<vmem_shared>>)
      %dma_wait3A_1327 = arith.constant 1 : i32
      %dma_wait3A_1328 = arith.constant 128 : i32
      %dma_wait3A_1329 = tpu.memref_slice %arg12[%dma_wait3A_1328] : memref<2560xf32, #tpu.memory_space<vmem>> -> memref<128xf32, #tpu.memory_space<vmem>>
      %dma_wait3A_1330 = arith.constant 0 : i32
      %dma_wait3A_1331 = tpu.memref_slice %arg11[%dma_wait3A_1327, %dma_wait3A_1330] : memref<20x128xi32, #tpu.memory_space<vmem>> -> memref<1x128xi32, #tpu.memory_space<vmem>>
      %dma_wait3A_1332 = tpu.memref_squeeze %dma_wait3A_1331 : memref<1x128xi32, #tpu.memory_space<vmem>> -> memref<128xi32, #tpu.memory_space<vmem>>
      %dma_wait3A_1333 = arith.constant 0 : i32
      %dma_wait3A_1334 = tpu.memref_slice %arg9[%dma_wait3A_1333] : memref<51200xf32, #tpu.memory_space<vmem_shared>> -> memref<51200xf32, #tpu.memory_space<vmem_shared>>
      tpu.wait_indirect_dma semaphore(%arg15 : memref<!tpu.dma_semaphore, #tpu.memory_space<semaphore_mem>>) src(%dma_wait3A_1329 : memref<128xf32, #tpu.memory_space<vmem>>) dst(%dma_wait3A_1334 : memref<51200xf32, #tpu.memory_space<vmem_shared>>)
      %dma_wait3A_1335 = arith.constant 2 : i32
      %dma_wait3A_1336 = arith.constant 256 : i32
      %dma_wait3A_1337 = tpu.memref_slice %arg12[%dma_wait3A_1336] : memref<2560xf32, #tpu.memory_space<vmem>> -> memref<128xf32, #tpu.memory_space<vmem>>
      %dma_wait3A_1338 = arith.constant 0 : i32
      %dma_wait3A_1339 = tpu.memref_slice %arg11[%dma_wait3A_1335, %dma_wait3A_1338] : memref<20x128xi32, #tpu.memory_space<vmem>> -> memref<1x128xi32, #tpu.memory_space<vmem>>
      %dma_wait3A_1340 = tpu.memref_squeeze %dma_wait3A_1339 : memref<1x128xi32, #tpu.memory_space<vmem>> -> memref<128xi32, #tpu.memory_space<vmem>>
      %dma_wait3A_1341 = arith.constant 0 : i32
      %dma_wait3A_1342 = tpu.memref_slice %arg9[%dma_wait3A_1341] : memref<51200xf32, #tpu.memory_space<vmem_shared>> -> memref<51200xf32, #tpu.memory_space<vmem_shared>>
      tpu.wait_indirect_dma semaphore(%arg15 : memref<!tpu.dma_semaphore, #tpu.memory_space<semaphore_mem>>) src(%dma_wait3A_1337 : memref<128xf32, #tpu.memory_space<vmem>>) dst(%dma_wait3A_1342 : memref<51200xf32, #tpu.memory_space<vmem_shared>>)
      %dma_wait3A_1343 = arith.constant 3 : i32
      %dma_wait3A_1344 = arith.constant 384 : i32
      %dma_wait3A_1345 = tpu.memref_slice %arg12[%dma_wait3A_1344] : memref<2560xf32, #tpu.memory_space<vmem>> -> memref<128xf32, #tpu.memory_space<vmem>>
      %dma_wait3A_1346 = arith.constant 0 : i32
      %dma_wait3A_1347 = tpu.memref_slice %arg11[%dma_wait3A_1343, %dma_wait3A_1346] : memref<20x128xi32, #tpu.memory_space<vmem>> -> memref<1x128xi32, #tpu.memory_space<vmem>>
      %dma_wait3A_1348 = tpu.memref_squeeze %dma_wait3A_1347 : memref<1x128xi32, #tpu.memory_space<vmem>> -> memref<128xi32, #tpu.memory_space<vmem>>
      %dma_wait3A_1349 = arith.constant 0 : i32
      %dma_wait3A_1350 = tpu.memref_slice %arg9[%dma_wait3A_1349] : memref<51200xf32, #tpu.memory_space<vmem_shared>> -> memref<51200xf32, #tpu.memory_space<vmem_shared>>
      tpu.wait_indirect_dma semaphore(%arg15 : memref<!tpu.dma_semaphore, #tpu.memory_space<semaphore_mem>>) src(%dma_wait3A_1345 : memref<128xf32, #tpu.memory_space<vmem>>) dst(%dma_wait3A_1350 : memref<51200xf32, #tpu.memory_space<vmem_shared>>)
      %dma_wait3A_1351 = arith.constant 4 : i32
      %dma_wait3A_1352 = arith.constant 512 : i32
      %dma_wait3A_1353 = tpu.memref_slice %arg12[%dma_wait3A_1352] : memref<2560xf32, #tpu.memory_space<vmem>> -> memref<128xf32, #tpu.memory_space<vmem>>
      %dma_wait3A_1354 = arith.constant 0 : i32
      %dma_wait3A_1355 = tpu.memref_slice %arg11[%dma_wait3A_1351, %dma_wait3A_1354] : memref<20x128xi32, #tpu.memory_space<vmem>> -> memref<1x128xi32, #tpu.memory_space<vmem>>
      %dma_wait3A_1356 = tpu.memref_squeeze %dma_wait3A_1355 : memref<1x128xi32, #tpu.memory_space<vmem>> -> memref<128xi32, #tpu.memory_space<vmem>>
      %dma_wait3A_1357 = arith.constant 0 : i32
      %dma_wait3A_1358 = tpu.memref_slice %arg9[%dma_wait3A_1357] : memref<51200xf32, #tpu.memory_space<vmem_shared>> -> memref<51200xf32, #tpu.memory_space<vmem_shared>>
      tpu.wait_indirect_dma semaphore(%arg15 : memref<!tpu.dma_semaphore, #tpu.memory_space<semaphore_mem>>) src(%dma_wait3A_1353 : memref<128xf32, #tpu.memory_space<vmem>>) dst(%dma_wait3A_1358 : memref<51200xf32, #tpu.memory_space<vmem_shared>>)
      %dma_wait3A_1359 = arith.constant 5 : i32
      %dma_wait3A_1360 = arith.constant 640 : i32
      %dma_wait3A_1361 = tpu.memref_slice %arg12[%dma_wait3A_1360] : memref<2560xf32, #tpu.memory_space<vmem>> -> memref<128xf32, #tpu.memory_space<vmem>>
      %dma_wait3A_1362 = arith.constant 0 : i32
      %dma_wait3A_1363 = tpu.memref_slice %arg11[%dma_wait3A_1359, %dma_wait3A_1362] : memref<20x128xi32, #tpu.memory_space<vmem>> -> memref<1x128xi32, #tpu.memory_space<vmem>>
      %dma_wait3A_1364 = tpu.memref_squeeze %dma_wait3A_1363 : memref<1x128xi32, #tpu.memory_space<vmem>> -> memref<128xi32, #tpu.memory_space<vmem>>
      %dma_wait3A_1365 = arith.constant 0 : i32
      %dma_wait3A_1366 = tpu.memref_slice %arg9[%dma_wait3A_1365] : memref<51200xf32, #tpu.memory_space<vmem_shared>> -> memref<51200xf32, #tpu.memory_space<vmem_shared>>
      tpu.wait_indirect_dma semaphore(%arg15 : memref<!tpu.dma_semaphore, #tpu.memory_space<semaphore_mem>>) src(%dma_wait3A_1361 : memref<128xf32, #tpu.memory_space<vmem>>) dst(%dma_wait3A_1366 : memref<51200xf32, #tpu.memory_space<vmem_shared>>)
      %dma_wait3A_1367 = arith.constant 6 : i32
      %dma_wait3A_1368 = arith.constant 768 : i32
      %dma_wait3A_1369 = tpu.memref_slice %arg12[%dma_wait3A_1368] : memref<2560xf32, #tpu.memory_space<vmem>> -> memref<128xf32, #tpu.memory_space<vmem>>
      %dma_wait3A_1370 = arith.constant 0 : i32
      %dma_wait3A_1371 = tpu.memref_slice %arg11[%dma_wait3A_1367, %dma_wait3A_1370] : memref<20x128xi32, #tpu.memory_space<vmem>> -> memref<1x128xi32, #tpu.memory_space<vmem>>
      %dma_wait3A_1372 = tpu.memref_squeeze %dma_wait3A_1371 : memref<1x128xi32, #tpu.memory_space<vmem>> -> memref<128xi32, #tpu.memory_space<vmem>>
      %dma_wait3A_1373 = arith.constant 0 : i32
      %dma_wait3A_1374 = tpu.memref_slice %arg9[%dma_wait3A_1373] : memref<51200xf32, #tpu.memory_space<vmem_shared>> -> memref<51200xf32, #tpu.memory_space<vmem_shared>>
      tpu.wait_indirect_dma semaphore(%arg15 : memref<!tpu.dma_semaphore, #tpu.memory_space<semaphore_mem>>) src(%dma_wait3A_1369 : memref<128xf32, #tpu.memory_space<vmem>>) dst(%dma_wait3A_1374 : memref<51200xf32, #tpu.memory_space<vmem_shared>>)
      %dma_wait3A_1375 = arith.constant 7 : i32
      %dma_wait3A_1376 = arith.constant 896 : i32
      %dma_wait3A_1377 = tpu.memref_slice %arg12[%dma_wait3A_1376] : memref<2560xf32, #tpu.memory_space<vmem>> -> memref<128xf32, #tpu.memory_space<vmem>>
      %dma_wait3A_1378 = arith.constant 0 : i32
      %dma_wait3A_1379 = tpu.memref_slice %arg11[%dma_wait3A_1375, %dma_wait3A_1378] : memref<20x128xi32, #tpu.memory_space<vmem>> -> memref<1x128xi32, #tpu.memory_space<vmem>>
      %dma_wait3A_1380 = tpu.memref_squeeze %dma_wait3A_1379 : memref<1x128xi32, #tpu.memory_space<vmem>> -> memref<128xi32, #tpu.memory_space<vmem>>
      %dma_wait3A_1381 = arith.constant 0 : i32
      %dma_wait3A_1382 = tpu.memref_slice %arg9[%dma_wait3A_1381] : memref<51200xf32, #tpu.memory_space<vmem_shared>> -> memref<51200xf32, #tpu.memory_space<vmem_shared>>
      tpu.wait_indirect_dma semaphore(%arg15 : memref<!tpu.dma_semaphore, #tpu.memory_space<semaphore_mem>>) src(%dma_wait3A_1377 : memref<128xf32, #tpu.memory_space<vmem>>) dst(%dma_wait3A_1382 : memref<51200xf32, #tpu.memory_space<vmem_shared>>)
      %dma_wait3A_1383 = arith.constant 8 : i32
      %dma_wait3A_1384 = arith.constant 1024 : i32
      %dma_wait3A_1385 = tpu.memref_slice %arg12[%dma_wait3A_1384] : memref<2560xf32, #tpu.memory_space<vmem>> -> memref<128xf32, #tpu.memory_space<vmem>>
      %dma_wait3A_1386 = arith.constant 0 : i32
      %dma_wait3A_1387 = tpu.memref_slice %arg11[%dma_wait3A_1383, %dma_wait3A_1386] : memref<20x128xi32, #tpu.memory_space<vmem>> -> memref<1x128xi32, #tpu.memory_space<vmem>>
      %dma_wait3A_1388 = tpu.memref_squeeze %dma_wait3A_1387 : memref<1x128xi32, #tpu.memory_space<vmem>> -> memref<128xi32, #tpu.memory_space<vmem>>
      %dma_wait3A_1389 = arith.constant 0 : i32
      %dma_wait3A_1390 = tpu.memref_slice %arg9[%dma_wait3A_1389] : memref<51200xf32, #tpu.memory_space<vmem_shared>> -> memref<51200xf32, #tpu.memory_space<vmem_shared>>
      tpu.wait_indirect_dma semaphore(%arg15 : memref<!tpu.dma_semaphore, #tpu.memory_space<semaphore_mem>>) src(%dma_wait3A_1385 : memref<128xf32, #tpu.memory_space<vmem>>) dst(%dma_wait3A_1390 : memref<51200xf32, #tpu.memory_space<vmem_shared>>)
      %dma_wait3A_1391 = arith.constant 9 : i32
      %dma_wait3A_1392 = arith.constant 1152 : i32
      %dma_wait3A_1393 = tpu.memref_slice %arg12[%dma_wait3A_1392] : memref<2560xf32, #tpu.memory_space<vmem>> -> memref<128xf32, #tpu.memory_space<vmem>>
      %dma_wait3A_1394 = arith.constant 0 : i32
      %dma_wait3A_1395 = tpu.memref_slice %arg11[%dma_wait3A_1391, %dma_wait3A_1394] : memref<20x128xi32, #tpu.memory_space<vmem>> -> memref<1x128xi32, #tpu.memory_space<vmem>>
      %dma_wait3A_1396 = tpu.memref_squeeze %dma_wait3A_1395 : memref<1x128xi32, #tpu.memory_space<vmem>> -> memref<128xi32, #tpu.memory_space<vmem>>
      %dma_wait3A_1397 = arith.constant 0 : i32
      %dma_wait3A_1398 = tpu.memref_slice %arg9[%dma_wait3A_1397] : memref<51200xf32, #tpu.memory_space<vmem_shared>> -> memref<51200xf32, #tpu.memory_space<vmem_shared>>
      tpu.wait_indirect_dma semaphore(%arg15 : memref<!tpu.dma_semaphore, #tpu.memory_space<semaphore_mem>>) src(%dma_wait3A_1393 : memref<128xf32, #tpu.memory_space<vmem>>) dst(%dma_wait3A_1398 : memref<51200xf32, #tpu.memory_space<vmem_shared>>)
      %dma_wait3A_1399 = arith.constant 10 : i32
      %dma_wait3A_1400 = arith.constant 1280 : i32
      %dma_wait3A_1401 = tpu.memref_slice %arg12[%dma_wait3A_1400] : memref<2560xf32, #tpu.memory_space<vmem>> -> memref<128xf32, #tpu.memory_space<vmem>>
      %dma_wait3A_1402 = arith.constant 0 : i32
      %dma_wait3A_1403 = tpu.memref_slice %arg11[%dma_wait3A_1399, %dma_wait3A_1402] : memref<20x128xi32, #tpu.memory_space<vmem>> -> memref<1x128xi32, #tpu.memory_space<vmem>>
      %dma_wait3A_1404 = tpu.memref_squeeze %dma_wait3A_1403 : memref<1x128xi32, #tpu.memory_space<vmem>> -> memref<128xi32, #tpu.memory_space<vmem>>
      %dma_wait3A_1405 = arith.constant 0 : i32
      %dma_wait3A_1406 = tpu.memref_slice %arg9[%dma_wait3A_1405] : memref<51200xf32, #tpu.memory_space<vmem_shared>> -> memref<51200xf32, #tpu.memory_space<vmem_shared>>
      tpu.wait_indirect_dma semaphore(%arg15 : memref<!tpu.dma_semaphore, #tpu.memory_space<semaphore_mem>>) src(%dma_wait3A_1401 : memref<128xf32, #tpu.memory_space<vmem>>) dst(%dma_wait3A_1406 : memref<51200xf32, #tpu.memory_space<vmem_shared>>)
      %dma_wait3A_1407 = arith.constant 11 : i32
      %dma_wait3A_1408 = arith.constant 1408 : i32
      %dma_wait3A_1409 = tpu.memref_slice %arg12[%dma_wait3A_1408] : memref<2560xf32, #tpu.memory_space<vmem>> -> memref<128xf32, #tpu.memory_space<vmem>>
      %dma_wait3A_1410 = arith.constant 0 : i32
      %dma_wait3A_1411 = tpu.memref_slice %arg11[%dma_wait3A_1407, %dma_wait3A_1410] : memref<20x128xi32, #tpu.memory_space<vmem>> -> memref<1x128xi32, #tpu.memory_space<vmem>>
      %dma_wait3A_1412 = tpu.memref_squeeze %dma_wait3A_1411 : memref<1x128xi32, #tpu.memory_space<vmem>> -> memref<128xi32, #tpu.memory_space<vmem>>
      %dma_wait3A_1413 = arith.constant 0 : i32
      %dma_wait3A_1414 = tpu.memref_slice %arg9[%dma_wait3A_1413] : memref<51200xf32, #tpu.memory_space<vmem_shared>> -> memref<51200xf32, #tpu.memory_space<vmem_shared>>
      tpu.wait_indirect_dma semaphore(%arg15 : memref<!tpu.dma_semaphore, #tpu.memory_space<semaphore_mem>>) src(%dma_wait3A_1409 : memref<128xf32, #tpu.memory_space<vmem>>) dst(%dma_wait3A_1414 : memref<51200xf32, #tpu.memory_space<vmem_shared>>)
      %dma_wait3A_1415 = arith.constant 12 : i32
      %dma_wait3A_1416 = arith.constant 1536 : i32
      %dma_wait3A_1417 = tpu.memref_slice %arg12[%dma_wait3A_1416] : memref<2560xf32, #tpu.memory_space<vmem>> -> memref<128xf32, #tpu.memory_space<vmem>>
      %dma_wait3A_1418 = arith.constant 0 : i32
      %dma_wait3A_1419 = tpu.memref_slice %arg11[%dma_wait3A_1415, %dma_wait3A_1418] : memref<20x128xi32, #tpu.memory_space<vmem>> -> memref<1x128xi32, #tpu.memory_space<vmem>>
      %dma_wait3A_1420 = tpu.memref_squeeze %dma_wait3A_1419 : memref<1x128xi32, #tpu.memory_space<vmem>> -> memref<128xi32, #tpu.memory_space<vmem>>
      %dma_wait3A_1421 = arith.constant 0 : i32
      %dma_wait3A_1422 = tpu.memref_slice %arg9[%dma_wait3A_1421] : memref<51200xf32, #tpu.memory_space<vmem_shared>> -> memref<51200xf32, #tpu.memory_space<vmem_shared>>
      tpu.wait_indirect_dma semaphore(%arg15 : memref<!tpu.dma_semaphore, #tpu.memory_space<semaphore_mem>>) src(%dma_wait3A_1417 : memref<128xf32, #tpu.memory_space<vmem>>) dst(%dma_wait3A_1422 : memref<51200xf32, #tpu.memory_space<vmem_shared>>)
      %dma_wait3A_1423 = arith.constant 13 : i32
      %dma_wait3A_1424 = arith.constant 1664 : i32
      %dma_wait3A_1425 = tpu.memref_slice %arg12[%dma_wait3A_1424] : memref<2560xf32, #tpu.memory_space<vmem>> -> memref<128xf32, #tpu.memory_space<vmem>>
      %dma_wait3A_1426 = arith.constant 0 : i32
      %dma_wait3A_1427 = tpu.memref_slice %arg11[%dma_wait3A_1423, %dma_wait3A_1426] : memref<20x128xi32, #tpu.memory_space<vmem>> -> memref<1x128xi32, #tpu.memory_space<vmem>>
      %dma_wait3A_1428 = tpu.memref_squeeze %dma_wait3A_1427 : memref<1x128xi32, #tpu.memory_space<vmem>> -> memref<128xi32, #tpu.memory_space<vmem>>
      %dma_wait3A_1429 = arith.constant 0 : i32
      %dma_wait3A_1430 = tpu.memref_slice %arg9[%dma_wait3A_1429] : memref<51200xf32, #tpu.memory_space<vmem_shared>> -> memref<51200xf32, #tpu.memory_space<vmem_shared>>
      tpu.wait_indirect_dma semaphore(%arg15 : memref<!tpu.dma_semaphore, #tpu.memory_space<semaphore_mem>>) src(%dma_wait3A_1425 : memref<128xf32, #tpu.memory_space<vmem>>) dst(%dma_wait3A_1430 : memref<51200xf32, #tpu.memory_space<vmem_shared>>)
      %dma_wait3A_1431 = arith.constant 14 : i32
      %dma_wait3A_1432 = arith.constant 1792 : i32
      %dma_wait3A_1433 = tpu.memref_slice %arg12[%dma_wait3A_1432] : memref<2560xf32, #tpu.memory_space<vmem>> -> memref<128xf32, #tpu.memory_space<vmem>>
      %dma_wait3A_1434 = arith.constant 0 : i32
      %dma_wait3A_1435 = tpu.memref_slice %arg11[%dma_wait3A_1431, %dma_wait3A_1434] : memref<20x128xi32, #tpu.memory_space<vmem>> -> memref<1x128xi32, #tpu.memory_space<vmem>>
      %dma_wait3A_1436 = tpu.memref_squeeze %dma_wait3A_1435 : memref<1x128xi32, #tpu.memory_space<vmem>> -> memref<128xi32, #tpu.memory_space<vmem>>
      %dma_wait3A_1437 = arith.constant 0 : i32
      %dma_wait3A_1438 = tpu.memref_slice %arg9[%dma_wait3A_1437] : memref<51200xf32, #tpu.memory_space<vmem_shared>> -> memref<51200xf32, #tpu.memory_space<vmem_shared>>
      tpu.wait_indirect_dma semaphore(%arg15 : memref<!tpu.dma_semaphore, #tpu.memory_space<semaphore_mem>>) src(%dma_wait3A_1433 : memref<128xf32, #tpu.memory_space<vmem>>) dst(%dma_wait3A_1438 : memref<51200xf32, #tpu.memory_space<vmem_shared>>)
      %dma_wait3A_1439 = arith.constant 15 : i32
      %dma_wait3A_1440 = arith.constant 1920 : i32
      %dma_wait3A_1441 = tpu.memref_slice %arg12[%dma_wait3A_1440] : memref<2560xf32, #tpu.memory_space<vmem>> -> memref<128xf32, #tpu.memory_space<vmem>>
      %dma_wait3A_1442 = arith.constant 0 : i32
      %dma_wait3A_1443 = tpu.memref_slice %arg11[%dma_wait3A_1439, %dma_wait3A_1442] : memref<20x128xi32, #tpu.memory_space<vmem>> -> memref<1x128xi32, #tpu.memory_space<vmem>>
      %dma_wait3A_1444 = tpu.memref_squeeze %dma_wait3A_1443 : memref<1x128xi32, #tpu.memory_space<vmem>> -> memref<128xi32, #tpu.memory_space<vmem>>
      %dma_wait3A_1445 = arith.constant 0 : i32
      %dma_wait3A_1446 = tpu.memref_slice %arg9[%dma_wait3A_1445] : memref<51200xf32, #tpu.memory_space<vmem_shared>> -> memref<51200xf32, #tpu.memory_space<vmem_shared>>
      tpu.wait_indirect_dma semaphore(%arg15 : memref<!tpu.dma_semaphore, #tpu.memory_space<semaphore_mem>>) src(%dma_wait3A_1441 : memref<128xf32, #tpu.memory_space<vmem>>) dst(%dma_wait3A_1446 : memref<51200xf32, #tpu.memory_space<vmem_shared>>)
      %dma_wait3A_1447 = arith.constant 16 : i32
      %dma_wait3A_1448 = arith.constant 2048 : i32
      %dma_wait3A_1449 = tpu.memref_slice %arg12[%dma_wait3A_1448] : memref<2560xf32, #tpu.memory_space<vmem>> -> memref<128xf32, #tpu.memory_space<vmem>>
      %dma_wait3A_1450 = arith.constant 0 : i32
      %dma_wait3A_1451 = tpu.memref_slice %arg11[%dma_wait3A_1447, %dma_wait3A_1450] : memref<20x128xi32, #tpu.memory_space<vmem>> -> memref<1x128xi32, #tpu.memory_space<vmem>>
      %dma_wait3A_1452 = tpu.memref_squeeze %dma_wait3A_1451 : memref<1x128xi32, #tpu.memory_space<vmem>> -> memref<128xi32, #tpu.memory_space<vmem>>
      %dma_wait3A_1453 = arith.constant 0 : i32
      %dma_wait3A_1454 = tpu.memref_slice %arg9[%dma_wait3A_1453] : memref<51200xf32, #tpu.memory_space<vmem_shared>> -> memref<51200xf32, #tpu.memory_space<vmem_shared>>
      tpu.wait_indirect_dma semaphore(%arg15 : memref<!tpu.dma_semaphore, #tpu.memory_space<semaphore_mem>>) src(%dma_wait3A_1449 : memref<128xf32, #tpu.memory_space<vmem>>) dst(%dma_wait3A_1454 : memref<51200xf32, #tpu.memory_space<vmem_shared>>)
      %dma_wait3A_1455 = arith.constant 17 : i32
      %dma_wait3A_1456 = arith.constant 2176 : i32
      %dma_wait3A_1457 = tpu.memref_slice %arg12[%dma_wait3A_1456] : memref<2560xf32, #tpu.memory_space<vmem>> -> memref<128xf32, #tpu.memory_space<vmem>>
      %dma_wait3A_1458 = arith.constant 0 : i32
      %dma_wait3A_1459 = tpu.memref_slice %arg11[%dma_wait3A_1455, %dma_wait3A_1458] : memref<20x128xi32, #tpu.memory_space<vmem>> -> memref<1x128xi32, #tpu.memory_space<vmem>>
      %dma_wait3A_1460 = tpu.memref_squeeze %dma_wait3A_1459 : memref<1x128xi32, #tpu.memory_space<vmem>> -> memref<128xi32, #tpu.memory_space<vmem>>
      %dma_wait3A_1461 = arith.constant 0 : i32
      %dma_wait3A_1462 = tpu.memref_slice %arg9[%dma_wait3A_1461] : memref<51200xf32, #tpu.memory_space<vmem_shared>> -> memref<51200xf32, #tpu.memory_space<vmem_shared>>
      tpu.wait_indirect_dma semaphore(%arg15 : memref<!tpu.dma_semaphore, #tpu.memory_space<semaphore_mem>>) src(%dma_wait3A_1457 : memref<128xf32, #tpu.memory_space<vmem>>) dst(%dma_wait3A_1462 : memref<51200xf32, #tpu.memory_space<vmem_shared>>)
      %dma_wait3A_1463 = arith.constant 18 : i32
      %dma_wait3A_1464 = arith.constant 2304 : i32
      %dma_wait3A_1465 = tpu.memref_slice %arg12[%dma_wait3A_1464] : memref<2560xf32, #tpu.memory_space<vmem>> -> memref<128xf32, #tpu.memory_space<vmem>>
      %dma_wait3A_1466 = arith.constant 0 : i32
      %dma_wait3A_1467 = tpu.memref_slice %arg11[%dma_wait3A_1463, %dma_wait3A_1466] : memref<20x128xi32, #tpu.memory_space<vmem>> -> memref<1x128xi32, #tpu.memory_space<vmem>>
      %dma_wait3A_1468 = tpu.memref_squeeze %dma_wait3A_1467 : memref<1x128xi32, #tpu.memory_space<vmem>> -> memref<128xi32, #tpu.memory_space<vmem>>
      %dma_wait3A_1469 = arith.constant 0 : i32
      %dma_wait3A_1470 = tpu.memref_slice %arg9[%dma_wait3A_1469] : memref<51200xf32, #tpu.memory_space<vmem_shared>> -> memref<51200xf32, #tpu.memory_space<vmem_shared>>
      tpu.wait_indirect_dma semaphore(%arg15 : memref<!tpu.dma_semaphore, #tpu.memory_space<semaphore_mem>>) src(%dma_wait3A_1465 : memref<128xf32, #tpu.memory_space<vmem>>) dst(%dma_wait3A_1470 : memref<51200xf32, #tpu.memory_space<vmem_shared>>)
      %dma_wait3A_1471 = arith.constant 19 : i32
      %dma_wait3A_1472 = arith.constant 2432 : i32
      %dma_wait3A_1473 = tpu.memref_slice %arg12[%dma_wait3A_1472] : memref<2560xf32, #tpu.memory_space<vmem>> -> memref<128xf32, #tpu.memory_space<vmem>>
      %dma_wait3A_1474 = arith.constant 0 : i32
      %dma_wait3A_1475 = tpu.memref_slice %arg11[%dma_wait3A_1471, %dma_wait3A_1474] : memref<20x128xi32, #tpu.memory_space<vmem>> -> memref<1x128xi32, #tpu.memory_space<vmem>>
      %dma_wait3A_1476 = tpu.memref_squeeze %dma_wait3A_1475 : memref<1x128xi32, #tpu.memory_space<vmem>> -> memref<128xi32, #tpu.memory_space<vmem>>
      %dma_wait3A_1477 = arith.constant 0 : i32
      %dma_wait3A_1478 = tpu.memref_slice %arg9[%dma_wait3A_1477] : memref<51200xf32, #tpu.memory_space<vmem_shared>> -> memref<51200xf32, #tpu.memory_space<vmem_shared>>
      tpu.wait_indirect_dma semaphore(%arg15 : memref<!tpu.dma_semaphore, #tpu.memory_space<semaphore_mem>>) src(%dma_wait3A_1473 : memref<128xf32, #tpu.memory_space<vmem>>) dst(%dma_wait3A_1478 : memref<51200xf32, #tpu.memory_space<vmem_shared>>)
    }
    %scan3A_13 = arith.constant 10 : i32
    %mul3A_14 = arith.constant 1600 : i32
    %mul3A_15 = arith.muli %add3A, %mul3A_14 : i32
    %add3A_16 = arith.constant 0 : i32
    %add3A_17 = arith.addi %mul3A_15, %add3A_16 : i32
    %dma_start3A = arith.constant 0 : i32
    %dma_start3A_18 = arith.constant 0 : i32
    %dma_start3A_19 = tpu.memref_slice %arg13[%dma_start3A, %dma_start3A_18] : memref<20x80xi32, #tpu.memory_space<vmem>> -> memref<1x80xi32, #tpu.memory_space<vmem>>
    %dma_start3A_20 = tpu.memref_squeeze %dma_start3A_19 : memref<1x80xi32, #tpu.memory_space<vmem>> -> memref<80xi32, #tpu.memory_space<vmem>>
    %dma_start3A_21 = tpu.memref_slice %arg4[%add3A_17] : memref<51200xi32, #tpu.memory_space<hbm>> -> memref<80xi32, #tpu.memory_space<hbm>>
    %dma_start3A_22 = arith.constant 0 : i32
    %dma_start3A_23 = tpu.memref_slice %arg13[%dma_start3A, %dma_start3A_22] : memref<20x80xi32, #tpu.memory_space<vmem>> -> memref<1x80xi32, #tpu.memory_space<vmem>>
    %dma_start3A_24 = tpu.memref_squeeze %dma_start3A_23 : memref<1x80xi32, #tpu.memory_space<vmem>> -> memref<80xi32, #tpu.memory_space<vmem>>
    %dma_start3A_25 = tpu.memref_slice %arg4[%add3A_17] : memref<51200xi32, #tpu.memory_space<hbm>> -> memref<80xi32, #tpu.memory_space<hbm>>
    tpu.enqueue_dma source(%dma_start3A_25 : memref<80xi32, #tpu.memory_space<hbm>>) target(%dma_start3A_24 : memref<80xi32, #tpu.memory_space<vmem>>) target_semaphore(%arg15 : memref<!tpu.dma_semaphore, #tpu.memory_space<semaphore_mem>>)
    %add3A_26 = arith.constant 80 : i32
    %add3A_27 = arith.addi %mul3A_15, %add3A_26 : i32
    %dma_start3A_28 = arith.constant 1 : i32
    %dma_start3A_29 = arith.constant 0 : i32
    %dma_start3A_30 = tpu.memref_slice %arg13[%dma_start3A_28, %dma_start3A_29] : memref<20x80xi32, #tpu.memory_space<vmem>> -> memref<1x80xi32, #tpu.memory_space<vmem>>
    %dma_start3A_31 = tpu.memref_squeeze %dma_start3A_30 : memref<1x80xi32, #tpu.memory_space<vmem>> -> memref<80xi32, #tpu.memory_space<vmem>>
    %dma_start3A_32 = tpu.memref_slice %arg4[%add3A_27] : memref<51200xi32, #tpu.memory_space<hbm>> -> memref<80xi32, #tpu.memory_space<hbm>>
    %dma_start3A_33 = arith.constant 0 : i32
    %dma_start3A_34 = tpu.memref_slice %arg13[%dma_start3A_28, %dma_start3A_33] : memref<20x80xi32, #tpu.memory_space<vmem>> -> memref<1x80xi32, #tpu.memory_space<vmem>>
    %dma_start3A_35 = tpu.memref_squeeze %dma_start3A_34 : memref<1x80xi32, #tpu.memory_space<vmem>> -> memref<80xi32, #tpu.memory_space<vmem>>
    %dma_start3A_36 = tpu.memref_slice %arg4[%add3A_27] : memref<51200xi32, #tpu.memory_space<hbm>> -> memref<80xi32, #tpu.memory_space<hbm>>
    tpu.enqueue_dma source(%dma_start3A_36 : memref<80xi32, #tpu.memory_space<hbm>>) target(%dma_start3A_35 : memref<80xi32, #tpu.memory_space<vmem>>) target_semaphore(%arg15 : memref<!tpu.dma_semaphore, #tpu.memory_space<semaphore_mem>>)
    %add3A_37 = arith.constant 160 : i32
    %add3A_38 = arith.addi %mul3A_15, %add3A_37 : i32
    %dma_start3A_39 = arith.constant 2 : i32
    %dma_start3A_40 = arith.constant 0 : i32
    %dma_start3A_41 = tpu.memref_slice %arg13[%dma_start3A_39, %dma_start3A_40] : memref<20x80xi32, #tpu.memory_space<vmem>> -> memref<1x80xi32, #tpu.memory_space<vmem>>
    %dma_start3A_42 = tpu.memref_squeeze %dma_start3A_41 : memref<1x80xi32, #tpu.memory_space<vmem>> -> memref<80xi32, #tpu.memory_space<vmem>>
    %dma_start3A_43 = tpu.memref_slice %arg4[%add3A_38] : memref<51200xi32, #tpu.memory_space<hbm>> -> memref<80xi32, #tpu.memory_space<hbm>>
    %dma_start3A_44 = arith.constant 0 : i32
    %dma_start3A_45 = tpu.memref_slice %arg13[%dma_start3A_39, %dma_start3A_44] : memref<20x80xi32, #tpu.memory_space<vmem>> -> memref<1x80xi32, #tpu.memory_space<vmem>>
    %dma_start3A_46 = tpu.memref_squeeze %dma_start3A_45 : memref<1x80xi32, #tpu.memory_space<vmem>> -> memref<80xi32, #tpu.memory_space<vmem>>
    %dma_start3A_47 = tpu.memref_slice %arg4[%add3A_38] : memref<51200xi32, #tpu.memory_space<hbm>> -> memref<80xi32, #tpu.memory_space<hbm>>
    tpu.enqueue_dma source(%dma_start3A_47 : memref<80xi32, #tpu.memory_space<hbm>>) target(%dma_start3A_46 : memref<80xi32, #tpu.memory_space<vmem>>) target_semaphore(%arg15 : memref<!tpu.dma_semaphore, #tpu.memory_space<semaphore_mem>>)
    %add3A_48 = arith.constant 240 : i32
    %add3A_49 = arith.addi %mul3A_15, %add3A_48 : i32
    %dma_start3A_50 = arith.constant 3 : i32
    %dma_start3A_51 = arith.constant 0 : i32
    %dma_start3A_52 = tpu.memref_slice %arg13[%dma_start3A_50, %dma_start3A_51] : memref<20x80xi32, #tpu.memory_space<vmem>> -> memref<1x80xi32, #tpu.memory_space<vmem>>
    %dma_start3A_53 = tpu.memref_squeeze %dma_start3A_52 : memref<1x80xi32, #tpu.memory_space<vmem>> -> memref<80xi32, #tpu.memory_space<vmem>>
    %dma_start3A_54 = tpu.memref_slice %arg4[%add3A_49] : memref<51200xi32, #tpu.memory_space<hbm>> -> memref<80xi32, #tpu.memory_space<hbm>>
    %dma_start3A_55 = arith.constant 0 : i32
    %dma_start3A_56 = tpu.memref_slice %arg13[%dma_start3A_50, %dma_start3A_55] : memref<20x80xi32, #tpu.memory_space<vmem>> -> memref<1x80xi32, #tpu.memory_space<vmem>>
    %dma_start3A_57 = tpu.memref_squeeze %dma_start3A_56 : memref<1x80xi32, #tpu.memory_space<vmem>> -> memref<80xi32, #tpu.memory_space<vmem>>
    %dma_start3A_58 = tpu.memref_slice %arg4[%add3A_49] : memref<51200xi32, #tpu.memory_space<hbm>> -> memref<80xi32, #tpu.memory_space<hbm>>
    tpu.enqueue_dma source(%dma_start3A_58 : memref<80xi32, #tpu.memory_space<hbm>>) target(%dma_start3A_57 : memref<80xi32, #tpu.memory_space<vmem>>) target_semaphore(%arg15 : memref<!tpu.dma_semaphore, #tpu.memory_space<semaphore_mem>>)
    %add3A_59 = arith.constant 320 : i32
    %add3A_60 = arith.addi %mul3A_15, %add3A_59 : i32
    %dma_start3A_61 = arith.constant 4 : i32
    %dma_start3A_62 = arith.constant 0 : i32
    %dma_start3A_63 = tpu.memref_slice %arg13[%dma_start3A_61, %dma_start3A_62] : memref<20x80xi32, #tpu.memory_space<vmem>> -> memref<1x80xi32, #tpu.memory_space<vmem>>
    %dma_start3A_64 = tpu.memref_squeeze %dma_start3A_63 : memref<1x80xi32, #tpu.memory_space<vmem>> -> memref<80xi32, #tpu.memory_space<vmem>>
    %dma_start3A_65 = tpu.memref_slice %arg4[%add3A_60] : memref<51200xi32, #tpu.memory_space<hbm>> -> memref<80xi32, #tpu.memory_space<hbm>>
    %dma_start3A_66 = arith.constant 0 : i32
    %dma_start3A_67 = tpu.memref_slice %arg13[%dma_start3A_61, %dma_start3A_66] : memref<20x80xi32, #tpu.memory_space<vmem>> -> memref<1x80xi32, #tpu.memory_space<vmem>>
    %dma_start3A_68 = tpu.memref_squeeze %dma_start3A_67 : memref<1x80xi32, #tpu.memory_space<vmem>> -> memref<80xi32, #tpu.memory_space<vmem>>
    %dma_start3A_69 = tpu.memref_slice %arg4[%add3A_60] : memref<51200xi32, #tpu.memory_space<hbm>> -> memref<80xi32, #tpu.memory_space<hbm>>
    tpu.enqueue_dma source(%dma_start3A_69 : memref<80xi32, #tpu.memory_space<hbm>>) target(%dma_start3A_68 : memref<80xi32, #tpu.memory_space<vmem>>) target_semaphore(%arg15 : memref<!tpu.dma_semaphore, #tpu.memory_space<semaphore_mem>>)
    %add3A_70 = arith.constant 400 : i32
    %add3A_71 = arith.addi %mul3A_15, %add3A_70 : i32
    %dma_start3A_72 = arith.constant 5 : i32
    %dma_start3A_73 = arith.constant 0 : i32
    %dma_start3A_74 = tpu.memref_slice %arg13[%dma_start3A_72, %dma_start3A_73] : memref<20x80xi32, #tpu.memory_space<vmem>> -> memref<1x80xi32, #tpu.memory_space<vmem>>
    %dma_start3A_75 = tpu.memref_squeeze %dma_start3A_74 : memref<1x80xi32, #tpu.memory_space<vmem>> -> memref<80xi32, #tpu.memory_space<vmem>>
    %dma_start3A_76 = tpu.memref_slice %arg4[%add3A_71] : memref<51200xi32, #tpu.memory_space<hbm>> -> memref<80xi32, #tpu.memory_space<hbm>>
    %dma_start3A_77 = arith.constant 0 : i32
    %dma_start3A_78 = tpu.memref_slice %arg13[%dma_start3A_72, %dma_start3A_77] : memref<20x80xi32, #tpu.memory_space<vmem>> -> memref<1x80xi32, #tpu.memory_space<vmem>>
    %dma_start3A_79 = tpu.memref_squeeze %dma_start3A_78 : memref<1x80xi32, #tpu.memory_space<vmem>> -> memref<80xi32, #tpu.memory_space<vmem>>
    %dma_start3A_80 = tpu.memref_slice %arg4[%add3A_71] : memref<51200xi32, #tpu.memory_space<hbm>> -> memref<80xi32, #tpu.memory_space<hbm>>
    tpu.enqueue_dma source(%dma_start3A_80 : memref<80xi32, #tpu.memory_space<hbm>>) target(%dma_start3A_79 : memref<80xi32, #tpu.memory_space<vmem>>) target_semaphore(%arg15 : memref<!tpu.dma_semaphore, #tpu.memory_space<semaphore_mem>>)
    %add3A_81 = arith.constant 480 : i32
    %add3A_82 = arith.addi %mul3A_15, %add3A_81 : i32
    %dma_start3A_83 = arith.constant 6 : i32
    %dma_start3A_84 = arith.constant 0 : i32
    %dma_start3A_85 = tpu.memref_slice %arg13[%dma_start3A_83, %dma_start3A_84] : memref<20x80xi32, #tpu.memory_space<vmem>> -> memref<1x80xi32, #tpu.memory_space<vmem>>
    %dma_start3A_86 = tpu.memref_squeeze %dma_start3A_85 : memref<1x80xi32, #tpu.memory_space<vmem>> -> memref<80xi32, #tpu.memory_space<vmem>>
    %dma_start3A_87 = tpu.memref_slice %arg4[%add3A_82] : memref<51200xi32, #tpu.memory_space<hbm>> -> memref<80xi32, #tpu.memory_space<hbm>>
    %dma_start3A_88 = arith.constant 0 : i32
    %dma_start3A_89 = tpu.memref_slice %arg13[%dma_start3A_83, %dma_start3A_88] : memref<20x80xi32, #tpu.memory_space<vmem>> -> memref<1x80xi32, #tpu.memory_space<vmem>>
    %dma_start3A_90 = tpu.memref_squeeze %dma_start3A_89 : memref<1x80xi32, #tpu.memory_space<vmem>> -> memref<80xi32, #tpu.memory_space<vmem>>
    %dma_start3A_91 = tpu.memref_slice %arg4[%add3A_82] : memref<51200xi32, #tpu.memory_space<hbm>> -> memref<80xi32, #tpu.memory_space<hbm>>
    tpu.enqueue_dma source(%dma_start3A_91 : memref<80xi32, #tpu.memory_space<hbm>>) target(%dma_start3A_90 : memref<80xi32, #tpu.memory_space<vmem>>) target_semaphore(%arg15 : memref<!tpu.dma_semaphore, #tpu.memory_space<semaphore_mem>>)
    %add3A_92 = arith.constant 560 : i32
    %add3A_93 = arith.addi %mul3A_15, %add3A_92 : i32
    %dma_start3A_94 = arith.constant 7 : i32
    %dma_start3A_95 = arith.constant 0 : i32
    %dma_start3A_96 = tpu.memref_slice %arg13[%dma_start3A_94, %dma_start3A_95] : memref<20x80xi32, #tpu.memory_space<vmem>> -> memref<1x80xi32, #tpu.memory_space<vmem>>
    %dma_start3A_97 = tpu.memref_squeeze %dma_start3A_96 : memref<1x80xi32, #tpu.memory_space<vmem>> -> memref<80xi32, #tpu.memory_space<vmem>>
    %dma_start3A_98 = tpu.memref_slice %arg4[%add3A_93] : memref<51200xi32, #tpu.memory_space<hbm>> -> memref<80xi32, #tpu.memory_space<hbm>>
    %dma_start3A_99 = arith.constant 0 : i32
    %dma_start3A_100 = tpu.memref_slice %arg13[%dma_start3A_94, %dma_start3A_99] : memref<20x80xi32, #tpu.memory_space<vmem>> -> memref<1x80xi32, #tpu.memory_space<vmem>>
    %dma_start3A_101 = tpu.memref_squeeze %dma_start3A_100 : memref<1x80xi32, #tpu.memory_space<vmem>> -> memref<80xi32, #tpu.memory_space<vmem>>
    %dma_start3A_102 = tpu.memref_slice %arg4[%add3A_93] : memref<51200xi32, #tpu.memory_space<hbm>> -> memref<80xi32, #tpu.memory_space<hbm>>
    tpu.enqueue_dma source(%dma_start3A_102 : memref<80xi32, #tpu.memory_space<hbm>>) target(%dma_start3A_101 : memref<80xi32, #tpu.memory_space<vmem>>) target_semaphore(%arg15 : memref<!tpu.dma_semaphore, #tpu.memory_space<semaphore_mem>>)
    %add3A_103 = arith.constant 640 : i32
    %add3A_104 = arith.addi %mul3A_15, %add3A_103 : i32
    %dma_start3A_105 = arith.constant 8 : i32
    %dma_start3A_106 = arith.constant 0 : i32
    %dma_start3A_107 = tpu.memref_slice %arg13[%dma_start3A_105, %dma_start3A_106] : memref<20x80xi32, #tpu.memory_space<vmem>> -> memref<1x80xi32, #tpu.memory_space<vmem>>
    %dma_start3A_108 = tpu.memref_squeeze %dma_start3A_107 : memref<1x80xi32, #tpu.memory_space<vmem>> -> memref<80xi32, #tpu.memory_space<vmem>>
    %dma_start3A_109 = tpu.memref_slice %arg4[%add3A_104] : memref<51200xi32, #tpu.memory_space<hbm>> -> memref<80xi32, #tpu.memory_space<hbm>>
    %dma_start3A_110 = arith.constant 0 : i32
    %dma_start3A_111 = tpu.memref_slice %arg13[%dma_start3A_105, %dma_start3A_110] : memref<20x80xi32, #tpu.memory_space<vmem>> -> memref<1x80xi32, #tpu.memory_space<vmem>>
    %dma_start3A_112 = tpu.memref_squeeze %dma_start3A_111 : memref<1x80xi32, #tpu.memory_space<vmem>> -> memref<80xi32, #tpu.memory_space<vmem>>
    %dma_start3A_113 = tpu.memref_slice %arg4[%add3A_104] : memref<51200xi32, #tpu.memory_space<hbm>> -> memref<80xi32, #tpu.memory_space<hbm>>
    tpu.enqueue_dma source(%dma_start3A_113 : memref<80xi32, #tpu.memory_space<hbm>>) target(%dma_start3A_112 : memref<80xi32, #tpu.memory_space<vmem>>) target_semaphore(%arg15 : memref<!tpu.dma_semaphore, #tpu.memory_space<semaphore_mem>>)
    %add3A_114 = arith.constant 720 : i32
    %add3A_115 = arith.addi %mul3A_15, %add3A_114 : i32
    %dma_start3A_116 = arith.constant 9 : i32
    %dma_start3A_117 = arith.constant 0 : i32
    %dma_start3A_118 = tpu.memref_slice %arg13[%dma_start3A_116, %dma_start3A_117] : memref<20x80xi32, #tpu.memory_space<vmem>> -> memref<1x80xi32, #tpu.memory_space<vmem>>
    %dma_start3A_119 = tpu.memref_squeeze %dma_start3A_118 : memref<1x80xi32, #tpu.memory_space<vmem>> -> memref<80xi32, #tpu.memory_space<vmem>>
    %dma_start3A_120 = tpu.memref_slice %arg4[%add3A_115] : memref<51200xi32, #tpu.memory_space<hbm>> -> memref<80xi32, #tpu.memory_space<hbm>>
    %dma_start3A_121 = arith.constant 0 : i32
    %dma_start3A_122 = tpu.memref_slice %arg13[%dma_start3A_116, %dma_start3A_121] : memref<20x80xi32, #tpu.memory_space<vmem>> -> memref<1x80xi32, #tpu.memory_space<vmem>>
    %dma_start3A_123 = tpu.memref_squeeze %dma_start3A_122 : memref<1x80xi32, #tpu.memory_space<vmem>> -> memref<80xi32, #tpu.memory_space<vmem>>
    %dma_start3A_124 = tpu.memref_slice %arg4[%add3A_115] : memref<51200xi32, #tpu.memory_space<hbm>> -> memref<80xi32, #tpu.memory_space<hbm>>
    tpu.enqueue_dma source(%dma_start3A_124 : memref<80xi32, #tpu.memory_space<hbm>>) target(%dma_start3A_123 : memref<80xi32, #tpu.memory_space<vmem>>) target_semaphore(%arg15 : memref<!tpu.dma_semaphore, #tpu.memory_space<semaphore_mem>>)
    %add3A_125 = arith.constant 800 : i32
    %add3A_126 = arith.addi %mul3A_15, %add3A_125 : i32
    %dma_start3A_127 = arith.constant 10 : i32
    %dma_start3A_128 = arith.constant 0 : i32
    %dma_start3A_129 = tpu.memref_slice %arg13[%dma_start3A_127, %dma_start3A_128] : memref<20x80xi32, #tpu.memory_space<vmem>> -> memref<1x80xi32, #tpu.memory_space<vmem>>
    %dma_start3A_130 = tpu.memref_squeeze %dma_start3A_129 : memref<1x80xi32, #tpu.memory_space<vmem>> -> memref<80xi32, #tpu.memory_space<vmem>>
    %dma_start3A_131 = tpu.memref_slice %arg4[%add3A_126] : memref<51200xi32, #tpu.memory_space<hbm>> -> memref<80xi32, #tpu.memory_space<hbm>>
    %dma_start3A_132 = arith.constant 0 : i32
    %dma_start3A_133 = tpu.memref_slice %arg13[%dma_start3A_127, %dma_start3A_132] : memref<20x80xi32, #tpu.memory_space<vmem>> -> memref<1x80xi32, #tpu.memory_space<vmem>>
    %dma_start3A_134 = tpu.memref_squeeze %dma_start3A_133 : memref<1x80xi32, #tpu.memory_space<vmem>> -> memref<80xi32, #tpu.memory_space<vmem>>
    %dma_start3A_135 = tpu.memref_slice %arg4[%add3A_126] : memref<51200xi32, #tpu.memory_space<hbm>> -> memref<80xi32, #tpu.memory_space<hbm>>
    tpu.enqueue_dma source(%dma_start3A_135 : memref<80xi32, #tpu.memory_space<hbm>>) target(%dma_start3A_134 : memref<80xi32, #tpu.memory_space<vmem>>) target_semaphore(%arg15 : memref<!tpu.dma_semaphore, #tpu.memory_space<semaphore_mem>>)
    %add3A_136 = arith.constant 880 : i32
    %add3A_137 = arith.addi %mul3A_15, %add3A_136 : i32
    %dma_start3A_138 = arith.constant 11 : i32
    %dma_start3A_139 = arith.constant 0 : i32
    %dma_start3A_140 = tpu.memref_slice %arg13[%dma_start3A_138, %dma_start3A_139] : memref<20x80xi32, #tpu.memory_space<vmem>> -> memref<1x80xi32, #tpu.memory_space<vmem>>
    %dma_start3A_141 = tpu.memref_squeeze %dma_start3A_140 : memref<1x80xi32, #tpu.memory_space<vmem>> -> memref<80xi32, #tpu.memory_space<vmem>>
    %dma_start3A_142 = tpu.memref_slice %arg4[%add3A_137] : memref<51200xi32, #tpu.memory_space<hbm>> -> memref<80xi32, #tpu.memory_space<hbm>>
    %dma_start3A_143 = arith.constant 0 : i32
    %dma_start3A_144 = tpu.memref_slice %arg13[%dma_start3A_138, %dma_start3A_143] : memref<20x80xi32, #tpu.memory_space<vmem>> -> memref<1x80xi32, #tpu.memory_space<vmem>>
    %dma_start3A_145 = tpu.memref_squeeze %dma_start3A_144 : memref<1x80xi32, #tpu.memory_space<vmem>> -> memref<80xi32, #tpu.memory_space<vmem>>
    %dma_start3A_146 = tpu.memref_slice %arg4[%add3A_137] : memref<51200xi32, #tpu.memory_space<hbm>> -> memref<80xi32, #tpu.memory_space<hbm>>
    tpu.enqueue_dma source(%dma_start3A_146 : memref<80xi32, #tpu.memory_space<hbm>>) target(%dma_start3A_145 : memref<80xi32, #tpu.memory_space<vmem>>) target_semaphore(%arg15 : memref<!tpu.dma_semaphore, #tpu.memory_space<semaphore_mem>>)
    %add3A_147 = arith.constant 960 : i32
    %add3A_148 = arith.addi %mul3A_15, %add3A_147 : i32
    %dma_start3A_149 = arith.constant 12 : i32
    %dma_start3A_150 = arith.constant 0 : i32
    %dma_start3A_151 = tpu.memref_slice %arg13[%dma_start3A_149, %dma_start3A_150] : memref<20x80xi32, #tpu.memory_space<vmem>> -> memref<1x80xi32, #tpu.memory_space<vmem>>
    %dma_start3A_152 = tpu.memref_squeeze %dma_start3A_151 : memref<1x80xi32, #tpu.memory_space<vmem>> -> memref<80xi32, #tpu.memory_space<vmem>>
    %dma_start3A_153 = tpu.memref_slice %arg4[%add3A_148] : memref<51200xi32, #tpu.memory_space<hbm>> -> memref<80xi32, #tpu.memory_space<hbm>>
    %dma_start3A_154 = arith.constant 0 : i32
    %dma_start3A_155 = tpu.memref_slice %arg13[%dma_start3A_149, %dma_start3A_154] : memref<20x80xi32, #tpu.memory_space<vmem>> -> memref<1x80xi32, #tpu.memory_space<vmem>>
    %dma_start3A_156 = tpu.memref_squeeze %dma_start3A_155 : memref<1x80xi32, #tpu.memory_space<vmem>> -> memref<80xi32, #tpu.memory_space<vmem>>
    %dma_start3A_157 = tpu.memref_slice %arg4[%add3A_148] : memref<51200xi32, #tpu.memory_space<hbm>> -> memref<80xi32, #tpu.memory_space<hbm>>
    tpu.enqueue_dma source(%dma_start3A_157 : memref<80xi32, #tpu.memory_space<hbm>>) target(%dma_start3A_156 : memref<80xi32, #tpu.memory_space<vmem>>) target_semaphore(%arg15 : memref<!tpu.dma_semaphore, #tpu.memory_space<semaphore_mem>>)
    %add3A_158 = arith.constant 1040 : i32
    %add3A_159 = arith.addi %mul3A_15, %add3A_158 : i32
    %dma_start3A_160 = arith.constant 13 : i32
    %dma_start3A_161 = arith.constant 0 : i32
    %dma_start3A_162 = tpu.memref_slice %arg13[%dma_start3A_160, %dma_start3A_161] : memref<20x80xi32, #tpu.memory_space<vmem>> -> memref<1x80xi32, #tpu.memory_space<vmem>>
    %dma_start3A_163 = tpu.memref_squeeze %dma_start3A_162 : memref<1x80xi32, #tpu.memory_space<vmem>> -> memref<80xi32, #tpu.memory_space<vmem>>
    %dma_start3A_164 = tpu.memref_slice %arg4[%add3A_159] : memref<51200xi32, #tpu.memory_space<hbm>> -> memref<80xi32, #tpu.memory_space<hbm>>
    %dma_start3A_165 = arith.constant 0 : i32
    %dma_start3A_166 = tpu.memref_slice %arg13[%dma_start3A_160, %dma_start3A_165] : memref<20x80xi32, #tpu.memory_space<vmem>> -> memref<1x80xi32, #tpu.memory_space<vmem>>
    %dma_start3A_167 = tpu.memref_squeeze %dma_start3A_166 : memref<1x80xi32, #tpu.memory_space<vmem>> -> memref<80xi32, #tpu.memory_space<vmem>>
    %dma_start3A_168 = tpu.memref_slice %arg4[%add3A_159] : memref<51200xi32, #tpu.memory_space<hbm>> -> memref<80xi32, #tpu.memory_space<hbm>>
    tpu.enqueue_dma source(%dma_start3A_168 : memref<80xi32, #tpu.memory_space<hbm>>) target(%dma_start3A_167 : memref<80xi32, #tpu.memory_space<vmem>>) target_semaphore(%arg15 : memref<!tpu.dma_semaphore, #tpu.memory_space<semaphore_mem>>)
    %add3A_169 = arith.constant 1120 : i32
    %add3A_170 = arith.addi %mul3A_15, %add3A_169 : i32
    %dma_start3A_171 = arith.constant 14 : i32
    %dma_start3A_172 = arith.constant 0 : i32
    %dma_start3A_173 = tpu.memref_slice %arg13[%dma_start3A_171, %dma_start3A_172] : memref<20x80xi32, #tpu.memory_space<vmem>> -> memref<1x80xi32, #tpu.memory_space<vmem>>
    %dma_start3A_174 = tpu.memref_squeeze %dma_start3A_173 : memref<1x80xi32, #tpu.memory_space<vmem>> -> memref<80xi32, #tpu.memory_space<vmem>>
    %dma_start3A_175 = tpu.memref_slice %arg4[%add3A_170] : memref<51200xi32, #tpu.memory_space<hbm>> -> memref<80xi32, #tpu.memory_space<hbm>>
    %dma_start3A_176 = arith.constant 0 : i32
    %dma_start3A_177 = tpu.memref_slice %arg13[%dma_start3A_171, %dma_start3A_176] : memref<20x80xi32, #tpu.memory_space<vmem>> -> memref<1x80xi32, #tpu.memory_space<vmem>>
    %dma_start3A_178 = tpu.memref_squeeze %dma_start3A_177 : memref<1x80xi32, #tpu.memory_space<vmem>> -> memref<80xi32, #tpu.memory_space<vmem>>
    %dma_start3A_179 = tpu.memref_slice %arg4[%add3A_170] : memref<51200xi32, #tpu.memory_space<hbm>> -> memref<80xi32, #tpu.memory_space<hbm>>
    tpu.enqueue_dma source(%dma_start3A_179 : memref<80xi32, #tpu.memory_space<hbm>>) target(%dma_start3A_178 : memref<80xi32, #tpu.memory_space<vmem>>) target_semaphore(%arg15 : memref<!tpu.dma_semaphore, #tpu.memory_space<semaphore_mem>>)
    %add3A_180 = arith.constant 1200 : i32
    %add3A_181 = arith.addi %mul3A_15, %add3A_180 : i32
    %dma_start3A_182 = arith.constant 15 : i32
    %dma_start3A_183 = arith.constant 0 : i32
    %dma_start3A_184 = tpu.memref_slice %arg13[%dma_start3A_182, %dma_start3A_183] : memref<20x80xi32, #tpu.memory_space<vmem>> -> memref<1x80xi32, #tpu.memory_space<vmem>>
    %dma_start3A_185 = tpu.memref_squeeze %dma_start3A_184 : memref<1x80xi32, #tpu.memory_space<vmem>> -> memref<80xi32, #tpu.memory_space<vmem>>
    %dma_start3A_186 = tpu.memref_slice %arg4[%add3A_181] : memref<51200xi32, #tpu.memory_space<hbm>> -> memref<80xi32, #tpu.memory_space<hbm>>
    %dma_start3A_187 = arith.constant 0 : i32
    %dma_start3A_188 = tpu.memref_slice %arg13[%dma_start3A_182, %dma_start3A_187] : memref<20x80xi32, #tpu.memory_space<vmem>> -> memref<1x80xi32, #tpu.memory_space<vmem>>
    %dma_start3A_189 = tpu.memref_squeeze %dma_start3A_188 : memref<1x80xi32, #tpu.memory_space<vmem>> -> memref<80xi32, #tpu.memory_space<vmem>>
    %dma_start3A_190 = tpu.memref_slice %arg4[%add3A_181] : memref<51200xi32, #tpu.memory_space<hbm>> -> memref<80xi32, #tpu.memory_space<hbm>>
    tpu.enqueue_dma source(%dma_start3A_190 : memref<80xi32, #tpu.memory_space<hbm>>) target(%dma_start3A_189 : memref<80xi32, #tpu.memory_space<vmem>>) target_semaphore(%arg15 : memref<!tpu.dma_semaphore, #tpu.memory_space<semaphore_mem>>)
    %add3A_191 = arith.constant 1280 : i32
    %add3A_192 = arith.addi %mul3A_15, %add3A_191 : i32
    %dma_start3A_193 = arith.constant 16 : i32
    %dma_start3A_194 = arith.constant 0 : i32
    %dma_start3A_195 = tpu.memref_slice %arg13[%dma_start3A_193, %dma_start3A_194] : memref<20x80xi32, #tpu.memory_space<vmem>> -> memref<1x80xi32, #tpu.memory_space<vmem>>
    %dma_start3A_196 = tpu.memref_squeeze %dma_start3A_195 : memref<1x80xi32, #tpu.memory_space<vmem>> -> memref<80xi32, #tpu.memory_space<vmem>>
    %dma_start3A_197 = tpu.memref_slice %arg4[%add3A_192] : memref<51200xi32, #tpu.memory_space<hbm>> -> memref<80xi32, #tpu.memory_space<hbm>>
    %dma_start3A_198 = arith.constant 0 : i32
    %dma_start3A_199 = tpu.memref_slice %arg13[%dma_start3A_193, %dma_start3A_198] : memref<20x80xi32, #tpu.memory_space<vmem>> -> memref<1x80xi32, #tpu.memory_space<vmem>>
    %dma_start3A_200 = tpu.memref_squeeze %dma_start3A_199 : memref<1x80xi32, #tpu.memory_space<vmem>> -> memref<80xi32, #tpu.memory_space<vmem>>
    %dma_start3A_201 = tpu.memref_slice %arg4[%add3A_192] : memref<51200xi32, #tpu.memory_space<hbm>> -> memref<80xi32, #tpu.memory_space<hbm>>
    tpu.enqueue_dma source(%dma_start3A_201 : memref<80xi32, #tpu.memory_space<hbm>>) target(%dma_start3A_200 : memref<80xi32, #tpu.memory_space<vmem>>) target_semaphore(%arg15 : memref<!tpu.dma_semaphore, #tpu.memory_space<semaphore_mem>>)
    %add3A_202 = arith.constant 1360 : i32
    %add3A_203 = arith.addi %mul3A_15, %add3A_202 : i32
    %dma_start3A_204 = arith.constant 17 : i32
    %dma_start3A_205 = arith.constant 0 : i32
    %dma_start3A_206 = tpu.memref_slice %arg13[%dma_start3A_204, %dma_start3A_205] : memref<20x80xi32, #tpu.memory_space<vmem>> -> memref<1x80xi32, #tpu.memory_space<vmem>>
    %dma_start3A_207 = tpu.memref_squeeze %dma_start3A_206 : memref<1x80xi32, #tpu.memory_space<vmem>> -> memref<80xi32, #tpu.memory_space<vmem>>
    %dma_start3A_208 = tpu.memref_slice %arg4[%add3A_203] : memref<51200xi32, #tpu.memory_space<hbm>> -> memref<80xi32, #tpu.memory_space<hbm>>
    %dma_start3A_209 = arith.constant 0 : i32
    %dma_start3A_210 = tpu.memref_slice %arg13[%dma_start3A_204, %dma_start3A_209] : memref<20x80xi32, #tpu.memory_space<vmem>> -> memref<1x80xi32, #tpu.memory_space<vmem>>
    %dma_start3A_211 = tpu.memref_squeeze %dma_start3A_210 : memref<1x80xi32, #tpu.memory_space<vmem>> -> memref<80xi32, #tpu.memory_space<vmem>>
    %dma_start3A_212 = tpu.memref_slice %arg4[%add3A_203] : memref<51200xi32, #tpu.memory_space<hbm>> -> memref<80xi32, #tpu.memory_space<hbm>>
    tpu.enqueue_dma source(%dma_start3A_212 : memref<80xi32, #tpu.memory_space<hbm>>) target(%dma_start3A_211 : memref<80xi32, #tpu.memory_space<vmem>>) target_semaphore(%arg15 : memref<!tpu.dma_semaphore, #tpu.memory_space<semaphore_mem>>)
    %add3A_213 = arith.constant 1440 : i32
    %add3A_214 = arith.addi %mul3A_15, %add3A_213 : i32
    %dma_start3A_215 = arith.constant 18 : i32
    %dma_start3A_216 = arith.constant 0 : i32
    %dma_start3A_217 = tpu.memref_slice %arg13[%dma_start3A_215, %dma_start3A_216] : memref<20x80xi32, #tpu.memory_space<vmem>> -> memref<1x80xi32, #tpu.memory_space<vmem>>
    %dma_start3A_218 = tpu.memref_squeeze %dma_start3A_217 : memref<1x80xi32, #tpu.memory_space<vmem>> -> memref<80xi32, #tpu.memory_space<vmem>>
    %dma_start3A_219 = tpu.memref_slice %arg4[%add3A_214] : memref<51200xi32, #tpu.memory_space<hbm>> -> memref<80xi32, #tpu.memory_space<hbm>>
    %dma_start3A_220 = arith.constant 0 : i32
    %dma_start3A_221 = tpu.memref_slice %arg13[%dma_start3A_215, %dma_start3A_220] : memref<20x80xi32, #tpu.memory_space<vmem>> -> memref<1x80xi32, #tpu.memory_space<vmem>>
    %dma_start3A_222 = tpu.memref_squeeze %dma_start3A_221 : memref<1x80xi32, #tpu.memory_space<vmem>> -> memref<80xi32, #tpu.memory_space<vmem>>
    %dma_start3A_223 = tpu.memref_slice %arg4[%add3A_214] : memref<51200xi32, #tpu.memory_space<hbm>> -> memref<80xi32, #tpu.memory_space<hbm>>
    tpu.enqueue_dma source(%dma_start3A_223 : memref<80xi32, #tpu.memory_space<hbm>>) target(%dma_start3A_222 : memref<80xi32, #tpu.memory_space<vmem>>) target_semaphore(%arg15 : memref<!tpu.dma_semaphore, #tpu.memory_space<semaphore_mem>>)
    %add3A_224 = arith.constant 1520 : i32
    %add3A_225 = arith.addi %mul3A_15, %add3A_224 : i32
    %dma_start3A_226 = arith.constant 19 : i32
    %dma_start3A_227 = arith.constant 0 : i32
    %dma_start3A_228 = tpu.memref_slice %arg13[%dma_start3A_226, %dma_start3A_227] : memref<20x80xi32, #tpu.memory_space<vmem>> -> memref<1x80xi32, #tpu.memory_space<vmem>>
    %dma_start3A_229 = tpu.memref_squeeze %dma_start3A_228 : memref<1x80xi32, #tpu.memory_space<vmem>> -> memref<80xi32, #tpu.memory_space<vmem>>
    %dma_start3A_230 = tpu.memref_slice %arg4[%add3A_225] : memref<51200xi32, #tpu.memory_space<hbm>> -> memref<80xi32, #tpu.memory_space<hbm>>
    %dma_start3A_231 = arith.constant 0 : i32
    %dma_start3A_232 = tpu.memref_slice %arg13[%dma_start3A_226, %dma_start3A_231] : memref<20x80xi32, #tpu.memory_space<vmem>> -> memref<1x80xi32, #tpu.memory_space<vmem>>
    %dma_start3A_233 = tpu.memref_squeeze %dma_start3A_232 : memref<1x80xi32, #tpu.memory_space<vmem>> -> memref<80xi32, #tpu.memory_space<vmem>>
    %dma_start3A_234 = tpu.memref_slice %arg4[%add3A_225] : memref<51200xi32, #tpu.memory_space<hbm>> -> memref<80xi32, #tpu.memory_space<hbm>>
    tpu.enqueue_dma source(%dma_start3A_234 : memref<80xi32, #tpu.memory_space<hbm>>) target(%dma_start3A_233 : memref<80xi32, #tpu.memory_space<vmem>>) target_semaphore(%arg15 : memref<!tpu.dma_semaphore, #tpu.memory_space<semaphore_mem>>)
    %dma_start3A_235 = tpu.memref_slice %arg5[%mul3A_15] : memref<51200xf32, #tpu.memory_space<hbm>> -> memref<1600xf32, #tpu.memory_space<hbm>>
    %dma_start3A_236 = tpu.memref_slice %arg5[%mul3A_15] : memref<51200xf32, #tpu.memory_space<hbm>> -> memref<1600xf32, #tpu.memory_space<hbm>>
    tpu.enqueue_dma source(%dma_start3A_236 : memref<1600xf32, #tpu.memory_space<hbm>>) target(%arg14 : memref<1600xf32, #tpu.memory_space<vmem>>) target_semaphore(%arg15 : memref<!tpu.dma_semaphore, #tpu.memory_space<semaphore_mem>>)
    %dma_wait3A = arith.constant 0 : i32
    %dma_wait3A_237 = arith.constant 0 : i32
    %dma_wait3A_238 = tpu.memref_slice %arg13[%dma_wait3A, %dma_wait3A_237] : memref<20x80xi32, #tpu.memory_space<vmem>> -> memref<1x80xi32, #tpu.memory_space<vmem>>
    %dma_wait3A_239 = tpu.memref_squeeze %dma_wait3A_238 : memref<1x80xi32, #tpu.memory_space<vmem>> -> memref<80xi32, #tpu.memory_space<vmem>>
    %dma_wait3A_240 = tpu.memref_slice %arg4[%add3A_17] : memref<51200xi32, #tpu.memory_space<hbm>> -> memref<80xi32, #tpu.memory_space<hbm>>
    %dma_wait3A_241 = arith.constant 0 : i32
    %dma_wait3A_242 = tpu.memref_slice %arg13[%dma_wait3A, %dma_wait3A_241] : memref<20x80xi32, #tpu.memory_space<vmem>> -> memref<1x80xi32, #tpu.memory_space<vmem>>
    %dma_wait3A_243 = tpu.memref_squeeze %dma_wait3A_242 : memref<1x80xi32, #tpu.memory_space<vmem>> -> memref<80xi32, #tpu.memory_space<vmem>>
    %dma_wait3A_244 = tpu.memref_slice %arg4[%add3A_17] : memref<51200xi32, #tpu.memory_space<hbm>> -> memref<80xi32, #tpu.memory_space<hbm>>
    tpu.wait_dma2 semaphore(%arg15 : memref<!tpu.dma_semaphore, #tpu.memory_space<semaphore_mem>>) src(%dma_wait3A_244 : memref<80xi32, #tpu.memory_space<hbm>>) dst(%dma_wait3A_243 : memref<80xi32, #tpu.memory_space<vmem>>)
    %dma_wait3A_245 = arith.constant 1 : i32
    %dma_wait3A_246 = arith.constant 0 : i32
    %dma_wait3A_247 = tpu.memref_slice %arg13[%dma_wait3A_245, %dma_wait3A_246] : memref<20x80xi32, #tpu.memory_space<vmem>> -> memref<1x80xi32, #tpu.memory_space<vmem>>
    %dma_wait3A_248 = tpu.memref_squeeze %dma_wait3A_247 : memref<1x80xi32, #tpu.memory_space<vmem>> -> memref<80xi32, #tpu.memory_space<vmem>>
    %dma_wait3A_249 = tpu.memref_slice %arg4[%add3A_27] : memref<51200xi32, #tpu.memory_space<hbm>> -> memref<80xi32, #tpu.memory_space<hbm>>
    %dma_wait3A_250 = arith.constant 0 : i32
    %dma_wait3A_251 = tpu.memref_slice %arg13[%dma_wait3A_245, %dma_wait3A_250] : memref<20x80xi32, #tpu.memory_space<vmem>> -> memref<1x80xi32, #tpu.memory_space<vmem>>
    %dma_wait3A_252 = tpu.memref_squeeze %dma_wait3A_251 : memref<1x80xi32, #tpu.memory_space<vmem>> -> memref<80xi32, #tpu.memory_space<vmem>>
    %dma_wait3A_253 = tpu.memref_slice %arg4[%add3A_27] : memref<51200xi32, #tpu.memory_space<hbm>> -> memref<80xi32, #tpu.memory_space<hbm>>
    tpu.wait_dma2 semaphore(%arg15 : memref<!tpu.dma_semaphore, #tpu.memory_space<semaphore_mem>>) src(%dma_wait3A_253 : memref<80xi32, #tpu.memory_space<hbm>>) dst(%dma_wait3A_252 : memref<80xi32, #tpu.memory_space<vmem>>)
    %dma_wait3A_254 = arith.constant 2 : i32
    %dma_wait3A_255 = arith.constant 0 : i32
    %dma_wait3A_256 = tpu.memref_slice %arg13[%dma_wait3A_254, %dma_wait3A_255] : memref<20x80xi32, #tpu.memory_space<vmem>> -> memref<1x80xi32, #tpu.memory_space<vmem>>
    %dma_wait3A_257 = tpu.memref_squeeze %dma_wait3A_256 : memref<1x80xi32, #tpu.memory_space<vmem>> -> memref<80xi32, #tpu.memory_space<vmem>>
    %dma_wait3A_258 = tpu.memref_slice %arg4[%add3A_38] : memref<51200xi32, #tpu.memory_space<hbm>> -> memref<80xi32, #tpu.memory_space<hbm>>
    %dma_wait3A_259 = arith.constant 0 : i32
    %dma_wait3A_260 = tpu.memref_slice %arg13[%dma_wait3A_254, %dma_wait3A_259] : memref<20x80xi32, #tpu.memory_space<vmem>> -> memref<1x80xi32, #tpu.memory_space<vmem>>
    %dma_wait3A_261 = tpu.memref_squeeze %dma_wait3A_260 : memref<1x80xi32, #tpu.memory_space<vmem>> -> memref<80xi32, #tpu.memory_space<vmem>>
    %dma_wait3A_262 = tpu.memref_slice %arg4[%add3A_38] : memref<51200xi32, #tpu.memory_space<hbm>> -> memref<80xi32, #tpu.memory_space<hbm>>
    tpu.wait_dma2 semaphore(%arg15 : memref<!tpu.dma_semaphore, #tpu.memory_space<semaphore_mem>>) src(%dma_wait3A_262 : memref<80xi32, #tpu.memory_space<hbm>>) dst(%dma_wait3A_261 : memref<80xi32, #tpu.memory_space<vmem>>)
    %dma_wait3A_263 = arith.constant 3 : i32
    %dma_wait3A_264 = arith.constant 0 : i32
    %dma_wait3A_265 = tpu.memref_slice %arg13[%dma_wait3A_263, %dma_wait3A_264] : memref<20x80xi32, #tpu.memory_space<vmem>> -> memref<1x80xi32, #tpu.memory_space<vmem>>
    %dma_wait3A_266 = tpu.memref_squeeze %dma_wait3A_265 : memref<1x80xi32, #tpu.memory_space<vmem>> -> memref<80xi32, #tpu.memory_space<vmem>>
    %dma_wait3A_267 = tpu.memref_slice %arg4[%add3A_49] : memref<51200xi32, #tpu.memory_space<hbm>> -> memref<80xi32, #tpu.memory_space<hbm>>
    %dma_wait3A_268 = arith.constant 0 : i32
    %dma_wait3A_269 = tpu.memref_slice %arg13[%dma_wait3A_263, %dma_wait3A_268] : memref<20x80xi32, #tpu.memory_space<vmem>> -> memref<1x80xi32, #tpu.memory_space<vmem>>
    %dma_wait3A_270 = tpu.memref_squeeze %dma_wait3A_269 : memref<1x80xi32, #tpu.memory_space<vmem>> -> memref<80xi32, #tpu.memory_space<vmem>>
    %dma_wait3A_271 = tpu.memref_slice %arg4[%add3A_49] : memref<51200xi32, #tpu.memory_space<hbm>> -> memref<80xi32, #tpu.memory_space<hbm>>
    tpu.wait_dma2 semaphore(%arg15 : memref<!tpu.dma_semaphore, #tpu.memory_space<semaphore_mem>>) src(%dma_wait3A_271 : memref<80xi32, #tpu.memory_space<hbm>>) dst(%dma_wait3A_270 : memref<80xi32, #tpu.memory_space<vmem>>)
    %dma_wait3A_272 = arith.constant 4 : i32
    %dma_wait3A_273 = arith.constant 0 : i32
    %dma_wait3A_274 = tpu.memref_slice %arg13[%dma_wait3A_272, %dma_wait3A_273] : memref<20x80xi32, #tpu.memory_space<vmem>> -> memref<1x80xi32, #tpu.memory_space<vmem>>
    %dma_wait3A_275 = tpu.memref_squeeze %dma_wait3A_274 : memref<1x80xi32, #tpu.memory_space<vmem>> -> memref<80xi32, #tpu.memory_space<vmem>>
    %dma_wait3A_276 = tpu.memref_slice %arg4[%add3A_60] : memref<51200xi32, #tpu.memory_space<hbm>> -> memref<80xi32, #tpu.memory_space<hbm>>
    %dma_wait3A_277 = arith.constant 0 : i32
    %dma_wait3A_278 = tpu.memref_slice %arg13[%dma_wait3A_272, %dma_wait3A_277] : memref<20x80xi32, #tpu.memory_space<vmem>> -> memref<1x80xi32, #tpu.memory_space<vmem>>
    %dma_wait3A_279 = tpu.memref_squeeze %dma_wait3A_278 : memref<1x80xi32, #tpu.memory_space<vmem>> -> memref<80xi32, #tpu.memory_space<vmem>>
    %dma_wait3A_280 = tpu.memref_slice %arg4[%add3A_60] : memref<51200xi32, #tpu.memory_space<hbm>> -> memref<80xi32, #tpu.memory_space<hbm>>
    tpu.wait_dma2 semaphore(%arg15 : memref<!tpu.dma_semaphore, #tpu.memory_space<semaphore_mem>>) src(%dma_wait3A_280 : memref<80xi32, #tpu.memory_space<hbm>>) dst(%dma_wait3A_279 : memref<80xi32, #tpu.memory_space<vmem>>)
    %dma_wait3A_281 = arith.constant 5 : i32
    %dma_wait3A_282 = arith.constant 0 : i32
    %dma_wait3A_283 = tpu.memref_slice %arg13[%dma_wait3A_281, %dma_wait3A_282] : memref<20x80xi32, #tpu.memory_space<vmem>> -> memref<1x80xi32, #tpu.memory_space<vmem>>
    %dma_wait3A_284 = tpu.memref_squeeze %dma_wait3A_283 : memref<1x80xi32, #tpu.memory_space<vmem>> -> memref<80xi32, #tpu.memory_space<vmem>>
    %dma_wait3A_285 = tpu.memref_slice %arg4[%add3A_71] : memref<51200xi32, #tpu.memory_space<hbm>> -> memref<80xi32, #tpu.memory_space<hbm>>
    %dma_wait3A_286 = arith.constant 0 : i32
    %dma_wait3A_287 = tpu.memref_slice %arg13[%dma_wait3A_281, %dma_wait3A_286] : memref<20x80xi32, #tpu.memory_space<vmem>> -> memref<1x80xi32, #tpu.memory_space<vmem>>
    %dma_wait3A_288 = tpu.memref_squeeze %dma_wait3A_287 : memref<1x80xi32, #tpu.memory_space<vmem>> -> memref<80xi32, #tpu.memory_space<vmem>>
    %dma_wait3A_289 = tpu.memref_slice %arg4[%add3A_71] : memref<51200xi32, #tpu.memory_space<hbm>> -> memref<80xi32, #tpu.memory_space<hbm>>
    tpu.wait_dma2 semaphore(%arg15 : memref<!tpu.dma_semaphore, #tpu.memory_space<semaphore_mem>>) src(%dma_wait3A_289 : memref<80xi32, #tpu.memory_space<hbm>>) dst(%dma_wait3A_288 : memref<80xi32, #tpu.memory_space<vmem>>)
    %dma_wait3A_290 = arith.constant 6 : i32
    %dma_wait3A_291 = arith.constant 0 : i32
    %dma_wait3A_292 = tpu.memref_slice %arg13[%dma_wait3A_290, %dma_wait3A_291] : memref<20x80xi32, #tpu.memory_space<vmem>> -> memref<1x80xi32, #tpu.memory_space<vmem>>
    %dma_wait3A_293 = tpu.memref_squeeze %dma_wait3A_292 : memref<1x80xi32, #tpu.memory_space<vmem>> -> memref<80xi32, #tpu.memory_space<vmem>>
    %dma_wait3A_294 = tpu.memref_slice %arg4[%add3A_82] : memref<51200xi32, #tpu.memory_space<hbm>> -> memref<80xi32, #tpu.memory_space<hbm>>
    %dma_wait3A_295 = arith.constant 0 : i32
    %dma_wait3A_296 = tpu.memref_slice %arg13[%dma_wait3A_290, %dma_wait3A_295] : memref<20x80xi32, #tpu.memory_space<vmem>> -> memref<1x80xi32, #tpu.memory_space<vmem>>
    %dma_wait3A_297 = tpu.memref_squeeze %dma_wait3A_296 : memref<1x80xi32, #tpu.memory_space<vmem>> -> memref<80xi32, #tpu.memory_space<vmem>>
    %dma_wait3A_298 = tpu.memref_slice %arg4[%add3A_82] : memref<51200xi32, #tpu.memory_space<hbm>> -> memref<80xi32, #tpu.memory_space<hbm>>
    tpu.wait_dma2 semaphore(%arg15 : memref<!tpu.dma_semaphore, #tpu.memory_space<semaphore_mem>>) src(%dma_wait3A_298 : memref<80xi32, #tpu.memory_space<hbm>>) dst(%dma_wait3A_297 : memref<80xi32, #tpu.memory_space<vmem>>)
    %dma_wait3A_299 = arith.constant 7 : i32
    %dma_wait3A_300 = arith.constant 0 : i32
    %dma_wait3A_301 = tpu.memref_slice %arg13[%dma_wait3A_299, %dma_wait3A_300] : memref<20x80xi32, #tpu.memory_space<vmem>> -> memref<1x80xi32, #tpu.memory_space<vmem>>
    %dma_wait3A_302 = tpu.memref_squeeze %dma_wait3A_301 : memref<1x80xi32, #tpu.memory_space<vmem>> -> memref<80xi32, #tpu.memory_space<vmem>>
    %dma_wait3A_303 = tpu.memref_slice %arg4[%add3A_93] : memref<51200xi32, #tpu.memory_space<hbm>> -> memref<80xi32, #tpu.memory_space<hbm>>
    %dma_wait3A_304 = arith.constant 0 : i32
    %dma_wait3A_305 = tpu.memref_slice %arg13[%dma_wait3A_299, %dma_wait3A_304] : memref<20x80xi32, #tpu.memory_space<vmem>> -> memref<1x80xi32, #tpu.memory_space<vmem>>
    %dma_wait3A_306 = tpu.memref_squeeze %dma_wait3A_305 : memref<1x80xi32, #tpu.memory_space<vmem>> -> memref<80xi32, #tpu.memory_space<vmem>>
    %dma_wait3A_307 = tpu.memref_slice %arg4[%add3A_93] : memref<51200xi32, #tpu.memory_space<hbm>> -> memref<80xi32, #tpu.memory_space<hbm>>
    tpu.wait_dma2 semaphore(%arg15 : memref<!tpu.dma_semaphore, #tpu.memory_space<semaphore_mem>>) src(%dma_wait3A_307 : memref<80xi32, #tpu.memory_space<hbm>>) dst(%dma_wait3A_306 : memref<80xi32, #tpu.memory_space<vmem>>)
    %dma_wait3A_308 = arith.constant 8 : i32
    %dma_wait3A_309 = arith.constant 0 : i32
    %dma_wait3A_310 = tpu.memref_slice %arg13[%dma_wait3A_308, %dma_wait3A_309] : memref<20x80xi32, #tpu.memory_space<vmem>> -> memref<1x80xi32, #tpu.memory_space<vmem>>
    %dma_wait3A_311 = tpu.memref_squeeze %dma_wait3A_310 : memref<1x80xi32, #tpu.memory_space<vmem>> -> memref<80xi32, #tpu.memory_space<vmem>>
    %dma_wait3A_312 = tpu.memref_slice %arg4[%add3A_104] : memref<51200xi32, #tpu.memory_space<hbm>> -> memref<80xi32, #tpu.memory_space<hbm>>
    %dma_wait3A_313 = arith.constant 0 : i32
    %dma_wait3A_314 = tpu.memref_slice %arg13[%dma_wait3A_308, %dma_wait3A_313] : memref<20x80xi32, #tpu.memory_space<vmem>> -> memref<1x80xi32, #tpu.memory_space<vmem>>
    %dma_wait3A_315 = tpu.memref_squeeze %dma_wait3A_314 : memref<1x80xi32, #tpu.memory_space<vmem>> -> memref<80xi32, #tpu.memory_space<vmem>>
    %dma_wait3A_316 = tpu.memref_slice %arg4[%add3A_104] : memref<51200xi32, #tpu.memory_space<hbm>> -> memref<80xi32, #tpu.memory_space<hbm>>
    tpu.wait_dma2 semaphore(%arg15 : memref<!tpu.dma_semaphore, #tpu.memory_space<semaphore_mem>>) src(%dma_wait3A_316 : memref<80xi32, #tpu.memory_space<hbm>>) dst(%dma_wait3A_315 : memref<80xi32, #tpu.memory_space<vmem>>)
    %dma_wait3A_317 = arith.constant 9 : i32
    %dma_wait3A_318 = arith.constant 0 : i32
    %dma_wait3A_319 = tpu.memref_slice %arg13[%dma_wait3A_317, %dma_wait3A_318] : memref<20x80xi32, #tpu.memory_space<vmem>> -> memref<1x80xi32, #tpu.memory_space<vmem>>
    %dma_wait3A_320 = tpu.memref_squeeze %dma_wait3A_319 : memref<1x80xi32, #tpu.memory_space<vmem>> -> memref<80xi32, #tpu.memory_space<vmem>>
    %dma_wait3A_321 = tpu.memref_slice %arg4[%add3A_115] : memref<51200xi32, #tpu.memory_space<hbm>> -> memref<80xi32, #tpu.memory_space<hbm>>
    %dma_wait3A_322 = arith.constant 0 : i32
    %dma_wait3A_323 = tpu.memref_slice %arg13[%dma_wait3A_317, %dma_wait3A_322] : memref<20x80xi32, #tpu.memory_space<vmem>> -> memref<1x80xi32, #tpu.memory_space<vmem>>
    %dma_wait3A_324 = tpu.memref_squeeze %dma_wait3A_323 : memref<1x80xi32, #tpu.memory_space<vmem>> -> memref<80xi32, #tpu.memory_space<vmem>>
    %dma_wait3A_325 = tpu.memref_slice %arg4[%add3A_115] : memref<51200xi32, #tpu.memory_space<hbm>> -> memref<80xi32, #tpu.memory_space<hbm>>
    tpu.wait_dma2 semaphore(%arg15 : memref<!tpu.dma_semaphore, #tpu.memory_space<semaphore_mem>>) src(%dma_wait3A_325 : memref<80xi32, #tpu.memory_space<hbm>>) dst(%dma_wait3A_324 : memref<80xi32, #tpu.memory_space<vmem>>)
    %dma_wait3A_326 = arith.constant 10 : i32
    %dma_wait3A_327 = arith.constant 0 : i32
    %dma_wait3A_328 = tpu.memref_slice %arg13[%dma_wait3A_326, %dma_wait3A_327] : memref<20x80xi32, #tpu.memory_space<vmem>> -> memref<1x80xi32, #tpu.memory_space<vmem>>
    %dma_wait3A_329 = tpu.memref_squeeze %dma_wait3A_328 : memref<1x80xi32, #tpu.memory_space<vmem>> -> memref<80xi32, #tpu.memory_space<vmem>>
    %dma_wait3A_330 = tpu.memref_slice %arg4[%add3A_126] : memref<51200xi32, #tpu.memory_space<hbm>> -> memref<80xi32, #tpu.memory_space<hbm>>
    %dma_wait3A_331 = arith.constant 0 : i32
    %dma_wait3A_332 = tpu.memref_slice %arg13[%dma_wait3A_326, %dma_wait3A_331] : memref<20x80xi32, #tpu.memory_space<vmem>> -> memref<1x80xi32, #tpu.memory_space<vmem>>
    %dma_wait3A_333 = tpu.memref_squeeze %dma_wait3A_332 : memref<1x80xi32, #tpu.memory_space<vmem>> -> memref<80xi32, #tpu.memory_space<vmem>>
    %dma_wait3A_334 = tpu.memref_slice %arg4[%add3A_126] : memref<51200xi32, #tpu.memory_space<hbm>> -> memref<80xi32, #tpu.memory_space<hbm>>
    tpu.wait_dma2 semaphore(%arg15 : memref<!tpu.dma_semaphore, #tpu.memory_space<semaphore_mem>>) src(%dma_wait3A_334 : memref<80xi32, #tpu.memory_space<hbm>>) dst(%dma_wait3A_333 : memref<80xi32, #tpu.memory_space<vmem>>)
    %dma_wait3A_335 = arith.constant 11 : i32
    %dma_wait3A_336 = arith.constant 0 : i32
    %dma_wait3A_337 = tpu.memref_slice %arg13[%dma_wait3A_335, %dma_wait3A_336] : memref<20x80xi32, #tpu.memory_space<vmem>> -> memref<1x80xi32, #tpu.memory_space<vmem>>
    %dma_wait3A_338 = tpu.memref_squeeze %dma_wait3A_337 : memref<1x80xi32, #tpu.memory_space<vmem>> -> memref<80xi32, #tpu.memory_space<vmem>>
    %dma_wait3A_339 = tpu.memref_slice %arg4[%add3A_137] : memref<51200xi32, #tpu.memory_space<hbm>> -> memref<80xi32, #tpu.memory_space<hbm>>
    %dma_wait3A_340 = arith.constant 0 : i32
    %dma_wait3A_341 = tpu.memref_slice %arg13[%dma_wait3A_335, %dma_wait3A_340] : memref<20x80xi32, #tpu.memory_space<vmem>> -> memref<1x80xi32, #tpu.memory_space<vmem>>
    %dma_wait3A_342 = tpu.memref_squeeze %dma_wait3A_341 : memref<1x80xi32, #tpu.memory_space<vmem>> -> memref<80xi32, #tpu.memory_space<vmem>>
    %dma_wait3A_343 = tpu.memref_slice %arg4[%add3A_137] : memref<51200xi32, #tpu.memory_space<hbm>> -> memref<80xi32, #tpu.memory_space<hbm>>
    tpu.wait_dma2 semaphore(%arg15 : memref<!tpu.dma_semaphore, #tpu.memory_space<semaphore_mem>>) src(%dma_wait3A_343 : memref<80xi32, #tpu.memory_space<hbm>>) dst(%dma_wait3A_342 : memref<80xi32, #tpu.memory_space<vmem>>)
    %dma_wait3A_344 = arith.constant 12 : i32
    %dma_wait3A_345 = arith.constant 0 : i32
    %dma_wait3A_346 = tpu.memref_slice %arg13[%dma_wait3A_344, %dma_wait3A_345] : memref<20x80xi32, #tpu.memory_space<vmem>> -> memref<1x80xi32, #tpu.memory_space<vmem>>
    %dma_wait3A_347 = tpu.memref_squeeze %dma_wait3A_346 : memref<1x80xi32, #tpu.memory_space<vmem>> -> memref<80xi32, #tpu.memory_space<vmem>>
    %dma_wait3A_348 = tpu.memref_slice %arg4[%add3A_148] : memref<51200xi32, #tpu.memory_space<hbm>> -> memref<80xi32, #tpu.memory_space<hbm>>
    %dma_wait3A_349 = arith.constant 0 : i32
    %dma_wait3A_350 = tpu.memref_slice %arg13[%dma_wait3A_344, %dma_wait3A_349] : memref<20x80xi32, #tpu.memory_space<vmem>> -> memref<1x80xi32, #tpu.memory_space<vmem>>
    %dma_wait3A_351 = tpu.memref_squeeze %dma_wait3A_350 : memref<1x80xi32, #tpu.memory_space<vmem>> -> memref<80xi32, #tpu.memory_space<vmem>>
    %dma_wait3A_352 = tpu.memref_slice %arg4[%add3A_148] : memref<51200xi32, #tpu.memory_space<hbm>> -> memref<80xi32, #tpu.memory_space<hbm>>
    tpu.wait_dma2 semaphore(%arg15 : memref<!tpu.dma_semaphore, #tpu.memory_space<semaphore_mem>>) src(%dma_wait3A_352 : memref<80xi32, #tpu.memory_space<hbm>>) dst(%dma_wait3A_351 : memref<80xi32, #tpu.memory_space<vmem>>)
    %dma_wait3A_353 = arith.constant 13 : i32
    %dma_wait3A_354 = arith.constant 0 : i32
    %dma_wait3A_355 = tpu.memref_slice %arg13[%dma_wait3A_353, %dma_wait3A_354] : memref<20x80xi32, #tpu.memory_space<vmem>> -> memref<1x80xi32, #tpu.memory_space<vmem>>
    %dma_wait3A_356 = tpu.memref_squeeze %dma_wait3A_355 : memref<1x80xi32, #tpu.memory_space<vmem>> -> memref<80xi32, #tpu.memory_space<vmem>>
    %dma_wait3A_357 = tpu.memref_slice %arg4[%add3A_159] : memref<51200xi32, #tpu.memory_space<hbm>> -> memref<80xi32, #tpu.memory_space<hbm>>
    %dma_wait3A_358 = arith.constant 0 : i32
    %dma_wait3A_359 = tpu.memref_slice %arg13[%dma_wait3A_353, %dma_wait3A_358] : memref<20x80xi32, #tpu.memory_space<vmem>> -> memref<1x80xi32, #tpu.memory_space<vmem>>
    %dma_wait3A_360 = tpu.memref_squeeze %dma_wait3A_359 : memref<1x80xi32, #tpu.memory_space<vmem>> -> memref<80xi32, #tpu.memory_space<vmem>>
    %dma_wait3A_361 = tpu.memref_slice %arg4[%add3A_159] : memref<51200xi32, #tpu.memory_space<hbm>> -> memref<80xi32, #tpu.memory_space<hbm>>
    tpu.wait_dma2 semaphore(%arg15 : memref<!tpu.dma_semaphore, #tpu.memory_space<semaphore_mem>>) src(%dma_wait3A_361 : memref<80xi32, #tpu.memory_space<hbm>>) dst(%dma_wait3A_360 : memref<80xi32, #tpu.memory_space<vmem>>)
    %dma_wait3A_362 = arith.constant 14 : i32
    %dma_wait3A_363 = arith.constant 0 : i32
    %dma_wait3A_364 = tpu.memref_slice %arg13[%dma_wait3A_362, %dma_wait3A_363] : memref<20x80xi32, #tpu.memory_space<vmem>> -> memref<1x80xi32, #tpu.memory_space<vmem>>
    %dma_wait3A_365 = tpu.memref_squeeze %dma_wait3A_364 : memref<1x80xi32, #tpu.memory_space<vmem>> -> memref<80xi32, #tpu.memory_space<vmem>>
    %dma_wait3A_366 = tpu.memref_slice %arg4[%add3A_170] : memref<51200xi32, #tpu.memory_space<hbm>> -> memref<80xi32, #tpu.memory_space<hbm>>
    %dma_wait3A_367 = arith.constant 0 : i32
    %dma_wait3A_368 = tpu.memref_slice %arg13[%dma_wait3A_362, %dma_wait3A_367] : memref<20x80xi32, #tpu.memory_space<vmem>> -> memref<1x80xi32, #tpu.memory_space<vmem>>
    %dma_wait3A_369 = tpu.memref_squeeze %dma_wait3A_368 : memref<1x80xi32, #tpu.memory_space<vmem>> -> memref<80xi32, #tpu.memory_space<vmem>>
    %dma_wait3A_370 = tpu.memref_slice %arg4[%add3A_170] : memref<51200xi32, #tpu.memory_space<hbm>> -> memref<80xi32, #tpu.memory_space<hbm>>
    tpu.wait_dma2 semaphore(%arg15 : memref<!tpu.dma_semaphore, #tpu.memory_space<semaphore_mem>>) src(%dma_wait3A_370 : memref<80xi32, #tpu.memory_space<hbm>>) dst(%dma_wait3A_369 : memref<80xi32, #tpu.memory_space<vmem>>)
    %dma_wait3A_371 = arith.constant 15 : i32
    %dma_wait3A_372 = arith.constant 0 : i32
    %dma_wait3A_373 = tpu.memref_slice %arg13[%dma_wait3A_371, %dma_wait3A_372] : memref<20x80xi32, #tpu.memory_space<vmem>> -> memref<1x80xi32, #tpu.memory_space<vmem>>
    %dma_wait3A_374 = tpu.memref_squeeze %dma_wait3A_373 : memref<1x80xi32, #tpu.memory_space<vmem>> -> memref<80xi32, #tpu.memory_space<vmem>>
    %dma_wait3A_375 = tpu.memref_slice %arg4[%add3A_181] : memref<51200xi32, #tpu.memory_space<hbm>> -> memref<80xi32, #tpu.memory_space<hbm>>
    %dma_wait3A_376 = arith.constant 0 : i32
    %dma_wait3A_377 = tpu.memref_slice %arg13[%dma_wait3A_371, %dma_wait3A_376] : memref<20x80xi32, #tpu.memory_space<vmem>> -> memref<1x80xi32, #tpu.memory_space<vmem>>
    %dma_wait3A_378 = tpu.memref_squeeze %dma_wait3A_377 : memref<1x80xi32, #tpu.memory_space<vmem>> -> memref<80xi32, #tpu.memory_space<vmem>>
    %dma_wait3A_379 = tpu.memref_slice %arg4[%add3A_181] : memref<51200xi32, #tpu.memory_space<hbm>> -> memref<80xi32, #tpu.memory_space<hbm>>
    tpu.wait_dma2 semaphore(%arg15 : memref<!tpu.dma_semaphore, #tpu.memory_space<semaphore_mem>>) src(%dma_wait3A_379 : memref<80xi32, #tpu.memory_space<hbm>>) dst(%dma_wait3A_378 : memref<80xi32, #tpu.memory_space<vmem>>)
    %dma_wait3A_380 = arith.constant 16 : i32
    %dma_wait3A_381 = arith.constant 0 : i32
    %dma_wait3A_382 = tpu.memref_slice %arg13[%dma_wait3A_380, %dma_wait3A_381] : memref<20x80xi32, #tpu.memory_space<vmem>> -> memref<1x80xi32, #tpu.memory_space<vmem>>
    %dma_wait3A_383 = tpu.memref_squeeze %dma_wait3A_382 : memref<1x80xi32, #tpu.memory_space<vmem>> -> memref<80xi32, #tpu.memory_space<vmem>>
    %dma_wait3A_384 = tpu.memref_slice %arg4[%add3A_192] : memref<51200xi32, #tpu.memory_space<hbm>> -> memref<80xi32, #tpu.memory_space<hbm>>
    %dma_wait3A_385 = arith.constant 0 : i32
    %dma_wait3A_386 = tpu.memref_slice %arg13[%dma_wait3A_380, %dma_wait3A_385] : memref<20x80xi32, #tpu.memory_space<vmem>> -> memref<1x80xi32, #tpu.memory_space<vmem>>
    %dma_wait3A_387 = tpu.memref_squeeze %dma_wait3A_386 : memref<1x80xi32, #tpu.memory_space<vmem>> -> memref<80xi32, #tpu.memory_space<vmem>>
    %dma_wait3A_388 = tpu.memref_slice %arg4[%add3A_192] : memref<51200xi32, #tpu.memory_space<hbm>> -> memref<80xi32, #tpu.memory_space<hbm>>
    tpu.wait_dma2 semaphore(%arg15 : memref<!tpu.dma_semaphore, #tpu.memory_space<semaphore_mem>>) src(%dma_wait3A_388 : memref<80xi32, #tpu.memory_space<hbm>>) dst(%dma_wait3A_387 : memref<80xi32, #tpu.memory_space<vmem>>)
    %dma_wait3A_389 = arith.constant 17 : i32
    %dma_wait3A_390 = arith.constant 0 : i32
    %dma_wait3A_391 = tpu.memref_slice %arg13[%dma_wait3A_389, %dma_wait3A_390] : memref<20x80xi32, #tpu.memory_space<vmem>> -> memref<1x80xi32, #tpu.memory_space<vmem>>
    %dma_wait3A_392 = tpu.memref_squeeze %dma_wait3A_391 : memref<1x80xi32, #tpu.memory_space<vmem>> -> memref<80xi32, #tpu.memory_space<vmem>>
    %dma_wait3A_393 = tpu.memref_slice %arg4[%add3A_203] : memref<51200xi32, #tpu.memory_space<hbm>> -> memref<80xi32, #tpu.memory_space<hbm>>
    %dma_wait3A_394 = arith.constant 0 : i32
    %dma_wait3A_395 = tpu.memref_slice %arg13[%dma_wait3A_389, %dma_wait3A_394] : memref<20x80xi32, #tpu.memory_space<vmem>> -> memref<1x80xi32, #tpu.memory_space<vmem>>
    %dma_wait3A_396 = tpu.memref_squeeze %dma_wait3A_395 : memref<1x80xi32, #tpu.memory_space<vmem>> -> memref<80xi32, #tpu.memory_space<vmem>>
    %dma_wait3A_397 = tpu.memref_slice %arg4[%add3A_203] : memref<51200xi32, #tpu.memory_space<hbm>> -> memref<80xi32, #tpu.memory_space<hbm>>
    tpu.wait_dma2 semaphore(%arg15 : memref<!tpu.dma_semaphore, #tpu.memory_space<semaphore_mem>>) src(%dma_wait3A_397 : memref<80xi32, #tpu.memory_space<hbm>>) dst(%dma_wait3A_396 : memref<80xi32, #tpu.memory_space<vmem>>)
    %dma_wait3A_398 = arith.constant 18 : i32
    %dma_wait3A_399 = arith.constant 0 : i32
    %dma_wait3A_400 = tpu.memref_slice %arg13[%dma_wait3A_398, %dma_wait3A_399] : memref<20x80xi32, #tpu.memory_space<vmem>> -> memref<1x80xi32, #tpu.memory_space<vmem>>
    %dma_wait3A_401 = tpu.memref_squeeze %dma_wait3A_400 : memref<1x80xi32, #tpu.memory_space<vmem>> -> memref<80xi32, #tpu.memory_space<vmem>>
    %dma_wait3A_402 = tpu.memref_slice %arg4[%add3A_214] : memref<51200xi32, #tpu.memory_space<hbm>> -> memref<80xi32, #tpu.memory_space<hbm>>
    %dma_wait3A_403 = arith.constant 0 : i32
    %dma_wait3A_404 = tpu.memref_slice %arg13[%dma_wait3A_398, %dma_wait3A_403] : memref<20x80xi32, #tpu.memory_space<vmem>> -> memref<1x80xi32, #tpu.memory_space<vmem>>
    %dma_wait3A_405 = tpu.memref_squeeze %dma_wait3A_404 : memref<1x80xi32, #tpu.memory_space<vmem>> -> memref<80xi32, #tpu.memory_space<vmem>>
    %dma_wait3A_406 = tpu.memref_slice %arg4[%add3A_214] : memref<51200xi32, #tpu.memory_space<hbm>> -> memref<80xi32, #tpu.memory_space<hbm>>
    tpu.wait_dma2 semaphore(%arg15 : memref<!tpu.dma_semaphore, #tpu.memory_space<semaphore_mem>>) src(%dma_wait3A_406 : memref<80xi32, #tpu.memory_space<hbm>>) dst(%dma_wait3A_405 : memref<80xi32, #tpu.memory_space<vmem>>)
    %dma_wait3A_407 = arith.constant 19 : i32
    %dma_wait3A_408 = arith.constant 0 : i32
    %dma_wait3A_409 = tpu.memref_slice %arg13[%dma_wait3A_407, %dma_wait3A_408] : memref<20x80xi32, #tpu.memory_space<vmem>> -> memref<1x80xi32, #tpu.memory_space<vmem>>
    %dma_wait3A_410 = tpu.memref_squeeze %dma_wait3A_409 : memref<1x80xi32, #tpu.memory_space<vmem>> -> memref<80xi32, #tpu.memory_space<vmem>>
    %dma_wait3A_411 = tpu.memref_slice %arg4[%add3A_225] : memref<51200xi32, #tpu.memory_space<hbm>> -> memref<80xi32, #tpu.memory_space<hbm>>
    %dma_wait3A_412 = arith.constant 0 : i32
    %dma_wait3A_413 = tpu.memref_slice %arg13[%dma_wait3A_407, %dma_wait3A_412] : memref<20x80xi32, #tpu.memory_space<vmem>> -> memref<1x80xi32, #tpu.memory_space<vmem>>
    %dma_wait3A_414 = tpu.memref_squeeze %dma_wait3A_413 : memref<1x80xi32, #tpu.memory_space<vmem>> -> memref<80xi32, #tpu.memory_space<vmem>>
    %dma_wait3A_415 = tpu.memref_slice %arg4[%add3A_225] : memref<51200xi32, #tpu.memory_space<hbm>> -> memref<80xi32, #tpu.memory_space<hbm>>
    tpu.wait_dma2 semaphore(%arg15 : memref<!tpu.dma_semaphore, #tpu.memory_space<semaphore_mem>>) src(%dma_wait3A_415 : memref<80xi32, #tpu.memory_space<hbm>>) dst(%dma_wait3A_414 : memref<80xi32, #tpu.memory_space<vmem>>)
    %dma_wait3A_416 = tpu.memref_slice %arg5[%mul3A_15] : memref<51200xf32, #tpu.memory_space<hbm>> -> memref<1600xf32, #tpu.memory_space<hbm>>
    %dma_wait3A_417 = tpu.memref_slice %arg5[%mul3A_15] : memref<51200xf32, #tpu.memory_space<hbm>> -> memref<1600xf32, #tpu.memory_space<hbm>>
    tpu.wait_dma2 semaphore(%arg15 : memref<!tpu.dma_semaphore, #tpu.memory_space<semaphore_mem>>) src(%dma_wait3A_417 : memref<1600xf32, #tpu.memory_space<hbm>>) dst(%arg14 : memref<1600xf32, #tpu.memory_space<vmem>>)
    %dma_start3A_418 = arith.constant 0 : i32
    %dma_start3A_419 = arith.constant 0 : i32
    %dma_start3A_420 = tpu.memref_slice %arg14[%dma_start3A_419] : memref<1600xf32, #tpu.memory_space<vmem>> -> memref<80xf32, #tpu.memory_space<vmem>>
    %dma_start3A_421 = arith.constant 0 : i32
    %dma_start3A_422 = tpu.memref_slice %arg13[%dma_start3A_418, %dma_start3A_421] : memref<20x80xi32, #tpu.memory_space<vmem>> -> memref<1x80xi32, #tpu.memory_space<vmem>>
    %dma_start3A_423 = tpu.memref_squeeze %dma_start3A_422 : memref<1x80xi32, #tpu.memory_space<vmem>> -> memref<80xi32, #tpu.memory_space<vmem>>
    %dma_start3A_424 = arith.constant 0 : i32
    %dma_start3A_425 = tpu.memref_slice %arg10[%dma_start3A_424] : memref<128xf32, #tpu.memory_space<vmem_shared>> -> memref<128xf32, #tpu.memory_space<vmem_shared>>
    tpu.enqueue_indirect_dma source(%dma_start3A_420 : memref<80xf32, #tpu.memory_space<vmem>>) target(%dma_start3A_425 : memref<128xf32, #tpu.memory_space<vmem_shared>>) offsets(%dma_start3A_423 : memref<80xi32, #tpu.memory_space<vmem>>) semaphore(%arg15 : memref<!tpu.dma_semaphore, #tpu.memory_space<semaphore_mem>>) {add = true}
    %dma_start3A_426 = arith.constant 1 : i32
    %dma_start3A_427 = arith.constant 80 : i32
    %dma_start3A_428 = tpu.memref_slice %arg14[%dma_start3A_427] : memref<1600xf32, #tpu.memory_space<vmem>> -> memref<80xf32, #tpu.memory_space<vmem>>
    %dma_start3A_429 = arith.constant 0 : i32
    %dma_start3A_430 = tpu.memref_slice %arg13[%dma_start3A_426, %dma_start3A_429] : memref<20x80xi32, #tpu.memory_space<vmem>> -> memref<1x80xi32, #tpu.memory_space<vmem>>
    %dma_start3A_431 = tpu.memref_squeeze %dma_start3A_430 : memref<1x80xi32, #tpu.memory_space<vmem>> -> memref<80xi32, #tpu.memory_space<vmem>>
    %dma_start3A_432 = arith.constant 0 : i32
    %dma_start3A_433 = tpu.memref_slice %arg10[%dma_start3A_432] : memref<128xf32, #tpu.memory_space<vmem_shared>> -> memref<128xf32, #tpu.memory_space<vmem_shared>>
    tpu.enqueue_indirect_dma source(%dma_start3A_428 : memref<80xf32, #tpu.memory_space<vmem>>) target(%dma_start3A_433 : memref<128xf32, #tpu.memory_space<vmem_shared>>) offsets(%dma_start3A_431 : memref<80xi32, #tpu.memory_space<vmem>>) semaphore(%arg15 : memref<!tpu.dma_semaphore, #tpu.memory_space<semaphore_mem>>) {add = true}
    %dma_start3A_434 = arith.constant 2 : i32
    %dma_start3A_435 = arith.constant 160 : i32
    %dma_start3A_436 = tpu.memref_slice %arg14[%dma_start3A_435] : memref<1600xf32, #tpu.memory_space<vmem>> -> memref<80xf32, #tpu.memory_space<vmem>>
    %dma_start3A_437 = arith.constant 0 : i32
    %dma_start3A_438 = tpu.memref_slice %arg13[%dma_start3A_434, %dma_start3A_437] : memref<20x80xi32, #tpu.memory_space<vmem>> -> memref<1x80xi32, #tpu.memory_space<vmem>>
    %dma_start3A_439 = tpu.memref_squeeze %dma_start3A_438 : memref<1x80xi32, #tpu.memory_space<vmem>> -> memref<80xi32, #tpu.memory_space<vmem>>
    %dma_start3A_440 = arith.constant 0 : i32
    %dma_start3A_441 = tpu.memref_slice %arg10[%dma_start3A_440] : memref<128xf32, #tpu.memory_space<vmem_shared>> -> memref<128xf32, #tpu.memory_space<vmem_shared>>
    tpu.enqueue_indirect_dma source(%dma_start3A_436 : memref<80xf32, #tpu.memory_space<vmem>>) target(%dma_start3A_441 : memref<128xf32, #tpu.memory_space<vmem_shared>>) offsets(%dma_start3A_439 : memref<80xi32, #tpu.memory_space<vmem>>) semaphore(%arg15 : memref<!tpu.dma_semaphore, #tpu.memory_space<semaphore_mem>>) {add = true}
    %dma_start3A_442 = arith.constant 3 : i32
    %dma_start3A_443 = arith.constant 240 : i32
    %dma_start3A_444 = tpu.memref_slice %arg14[%dma_start3A_443] : memref<1600xf32, #tpu.memory_space<vmem>> -> memref<80xf32, #tpu.memory_space<vmem>>
    %dma_start3A_445 = arith.constant 0 : i32
    %dma_start3A_446 = tpu.memref_slice %arg13[%dma_start3A_442, %dma_start3A_445] : memref<20x80xi32, #tpu.memory_space<vmem>> -> memref<1x80xi32, #tpu.memory_space<vmem>>
    %dma_start3A_447 = tpu.memref_squeeze %dma_start3A_446 : memref<1x80xi32, #tpu.memory_space<vmem>> -> memref<80xi32, #tpu.memory_space<vmem>>
    %dma_start3A_448 = arith.constant 0 : i32
    %dma_start3A_449 = tpu.memref_slice %arg10[%dma_start3A_448] : memref<128xf32, #tpu.memory_space<vmem_shared>> -> memref<128xf32, #tpu.memory_space<vmem_shared>>
    tpu.enqueue_indirect_dma source(%dma_start3A_444 : memref<80xf32, #tpu.memory_space<vmem>>) target(%dma_start3A_449 : memref<128xf32, #tpu.memory_space<vmem_shared>>) offsets(%dma_start3A_447 : memref<80xi32, #tpu.memory_space<vmem>>) semaphore(%arg15 : memref<!tpu.dma_semaphore, #tpu.memory_space<semaphore_mem>>) {add = true}
    %dma_start3A_450 = arith.constant 4 : i32
    %dma_start3A_451 = arith.constant 320 : i32
    %dma_start3A_452 = tpu.memref_slice %arg14[%dma_start3A_451] : memref<1600xf32, #tpu.memory_space<vmem>> -> memref<80xf32, #tpu.memory_space<vmem>>
    %dma_start3A_453 = arith.constant 0 : i32
    %dma_start3A_454 = tpu.memref_slice %arg13[%dma_start3A_450, %dma_start3A_453] : memref<20x80xi32, #tpu.memory_space<vmem>> -> memref<1x80xi32, #tpu.memory_space<vmem>>
    %dma_start3A_455 = tpu.memref_squeeze %dma_start3A_454 : memref<1x80xi32, #tpu.memory_space<vmem>> -> memref<80xi32, #tpu.memory_space<vmem>>
    %dma_start3A_456 = arith.constant 0 : i32
    %dma_start3A_457 = tpu.memref_slice %arg10[%dma_start3A_456] : memref<128xf32, #tpu.memory_space<vmem_shared>> -> memref<128xf32, #tpu.memory_space<vmem_shared>>
    tpu.enqueue_indirect_dma source(%dma_start3A_452 : memref<80xf32, #tpu.memory_space<vmem>>) target(%dma_start3A_457 : memref<128xf32, #tpu.memory_space<vmem_shared>>) offsets(%dma_start3A_455 : memref<80xi32, #tpu.memory_space<vmem>>) semaphore(%arg15 : memref<!tpu.dma_semaphore, #tpu.memory_space<semaphore_mem>>) {add = true}
    %dma_start3A_458 = arith.constant 5 : i32
    %dma_start3A_459 = arith.constant 400 : i32
    %dma_start3A_460 = tpu.memref_slice %arg14[%dma_start3A_459] : memref<1600xf32, #tpu.memory_space<vmem>> -> memref<80xf32, #tpu.memory_space<vmem>>
    %dma_start3A_461 = arith.constant 0 : i32
    %dma_start3A_462 = tpu.memref_slice %arg13[%dma_start3A_458, %dma_start3A_461] : memref<20x80xi32, #tpu.memory_space<vmem>> -> memref<1x80xi32, #tpu.memory_space<vmem>>
    %dma_start3A_463 = tpu.memref_squeeze %dma_start3A_462 : memref<1x80xi32, #tpu.memory_space<vmem>> -> memref<80xi32, #tpu.memory_space<vmem>>
    %dma_start3A_464 = arith.constant 0 : i32
    %dma_start3A_465 = tpu.memref_slice %arg10[%dma_start3A_464] : memref<128xf32, #tpu.memory_space<vmem_shared>> -> memref<128xf32, #tpu.memory_space<vmem_shared>>
    tpu.enqueue_indirect_dma source(%dma_start3A_460 : memref<80xf32, #tpu.memory_space<vmem>>) target(%dma_start3A_465 : memref<128xf32, #tpu.memory_space<vmem_shared>>) offsets(%dma_start3A_463 : memref<80xi32, #tpu.memory_space<vmem>>) semaphore(%arg15 : memref<!tpu.dma_semaphore, #tpu.memory_space<semaphore_mem>>) {add = true}
    %dma_start3A_466 = arith.constant 6 : i32
    %dma_start3A_467 = arith.constant 480 : i32
    %dma_start3A_468 = tpu.memref_slice %arg14[%dma_start3A_467] : memref<1600xf32, #tpu.memory_space<vmem>> -> memref<80xf32, #tpu.memory_space<vmem>>
    %dma_start3A_469 = arith.constant 0 : i32
    %dma_start3A_470 = tpu.memref_slice %arg13[%dma_start3A_466, %dma_start3A_469] : memref<20x80xi32, #tpu.memory_space<vmem>> -> memref<1x80xi32, #tpu.memory_space<vmem>>
    %dma_start3A_471 = tpu.memref_squeeze %dma_start3A_470 : memref<1x80xi32, #tpu.memory_space<vmem>> -> memref<80xi32, #tpu.memory_space<vmem>>
    %dma_start3A_472 = arith.constant 0 : i32
    %dma_start3A_473 = tpu.memref_slice %arg10[%dma_start3A_472] : memref<128xf32, #tpu.memory_space<vmem_shared>> -> memref<128xf32, #tpu.memory_space<vmem_shared>>
    tpu.enqueue_indirect_dma source(%dma_start3A_468 : memref<80xf32, #tpu.memory_space<vmem>>) target(%dma_start3A_473 : memref<128xf32, #tpu.memory_space<vmem_shared>>) offsets(%dma_start3A_471 : memref<80xi32, #tpu.memory_space<vmem>>) semaphore(%arg15 : memref<!tpu.dma_semaphore, #tpu.memory_space<semaphore_mem>>) {add = true}
    %dma_start3A_474 = arith.constant 7 : i32
    %dma_start3A_475 = arith.constant 560 : i32
    %dma_start3A_476 = tpu.memref_slice %arg14[%dma_start3A_475] : memref<1600xf32, #tpu.memory_space<vmem>> -> memref<80xf32, #tpu.memory_space<vmem>>
    %dma_start3A_477 = arith.constant 0 : i32
    %dma_start3A_478 = tpu.memref_slice %arg13[%dma_start3A_474, %dma_start3A_477] : memref<20x80xi32, #tpu.memory_space<vmem>> -> memref<1x80xi32, #tpu.memory_space<vmem>>
    %dma_start3A_479 = tpu.memref_squeeze %dma_start3A_478 : memref<1x80xi32, #tpu.memory_space<vmem>> -> memref<80xi32, #tpu.memory_space<vmem>>
    %dma_start3A_480 = arith.constant 0 : i32
    %dma_start3A_481 = tpu.memref_slice %arg10[%dma_start3A_480] : memref<128xf32, #tpu.memory_space<vmem_shared>> -> memref<128xf32, #tpu.memory_space<vmem_shared>>
    tpu.enqueue_indirect_dma source(%dma_start3A_476 : memref<80xf32, #tpu.memory_space<vmem>>) target(%dma_start3A_481 : memref<128xf32, #tpu.memory_space<vmem_shared>>) offsets(%dma_start3A_479 : memref<80xi32, #tpu.memory_space<vmem>>) semaphore(%arg15 : memref<!tpu.dma_semaphore, #tpu.memory_space<semaphore_mem>>) {add = true}
    %dma_start3A_482 = arith.constant 8 : i32
    %dma_start3A_483 = arith.constant 640 : i32
    %dma_start3A_484 = tpu.memref_slice %arg14[%dma_start3A_483] : memref<1600xf32, #tpu.memory_space<vmem>> -> memref<80xf32, #tpu.memory_space<vmem>>
    %dma_start3A_485 = arith.constant 0 : i32
    %dma_start3A_486 = tpu.memref_slice %arg13[%dma_start3A_482, %dma_start3A_485] : memref<20x80xi32, #tpu.memory_space<vmem>> -> memref<1x80xi32, #tpu.memory_space<vmem>>
    %dma_start3A_487 = tpu.memref_squeeze %dma_start3A_486 : memref<1x80xi32, #tpu.memory_space<vmem>> -> memref<80xi32, #tpu.memory_space<vmem>>
    %dma_start3A_488 = arith.constant 0 : i32
    %dma_start3A_489 = tpu.memref_slice %arg10[%dma_start3A_488] : memref<128xf32, #tpu.memory_space<vmem_shared>> -> memref<128xf32, #tpu.memory_space<vmem_shared>>
    tpu.enqueue_indirect_dma source(%dma_start3A_484 : memref<80xf32, #tpu.memory_space<vmem>>) target(%dma_start3A_489 : memref<128xf32, #tpu.memory_space<vmem_shared>>) offsets(%dma_start3A_487 : memref<80xi32, #tpu.memory_space<vmem>>) semaphore(%arg15 : memref<!tpu.dma_semaphore, #tpu.memory_space<semaphore_mem>>) {add = true}
    %dma_start3A_490 = arith.constant 9 : i32
    %dma_start3A_491 = arith.constant 720 : i32
    %dma_start3A_492 = tpu.memref_slice %arg14[%dma_start3A_491] : memref<1600xf32, #tpu.memory_space<vmem>> -> memref<80xf32, #tpu.memory_space<vmem>>
    %dma_start3A_493 = arith.constant 0 : i32
    %dma_start3A_494 = tpu.memref_slice %arg13[%dma_start3A_490, %dma_start3A_493] : memref<20x80xi32, #tpu.memory_space<vmem>> -> memref<1x80xi32, #tpu.memory_space<vmem>>
    %dma_start3A_495 = tpu.memref_squeeze %dma_start3A_494 : memref<1x80xi32, #tpu.memory_space<vmem>> -> memref<80xi32, #tpu.memory_space<vmem>>
    %dma_start3A_496 = arith.constant 0 : i32
    %dma_start3A_497 = tpu.memref_slice %arg10[%dma_start3A_496] : memref<128xf32, #tpu.memory_space<vmem_shared>> -> memref<128xf32, #tpu.memory_space<vmem_shared>>
    tpu.enqueue_indirect_dma source(%dma_start3A_492 : memref<80xf32, #tpu.memory_space<vmem>>) target(%dma_start3A_497 : memref<128xf32, #tpu.memory_space<vmem_shared>>) offsets(%dma_start3A_495 : memref<80xi32, #tpu.memory_space<vmem>>) semaphore(%arg15 : memref<!tpu.dma_semaphore, #tpu.memory_space<semaphore_mem>>) {add = true}
    %dma_start3A_498 = arith.constant 10 : i32
    %dma_start3A_499 = arith.constant 800 : i32
    %dma_start3A_500 = tpu.memref_slice %arg14[%dma_start3A_499] : memref<1600xf32, #tpu.memory_space<vmem>> -> memref<80xf32, #tpu.memory_space<vmem>>
    %dma_start3A_501 = arith.constant 0 : i32
    %dma_start3A_502 = tpu.memref_slice %arg13[%dma_start3A_498, %dma_start3A_501] : memref<20x80xi32, #tpu.memory_space<vmem>> -> memref<1x80xi32, #tpu.memory_space<vmem>>
    %dma_start3A_503 = tpu.memref_squeeze %dma_start3A_502 : memref<1x80xi32, #tpu.memory_space<vmem>> -> memref<80xi32, #tpu.memory_space<vmem>>
    %dma_start3A_504 = arith.constant 0 : i32
    %dma_start3A_505 = tpu.memref_slice %arg10[%dma_start3A_504] : memref<128xf32, #tpu.memory_space<vmem_shared>> -> memref<128xf32, #tpu.memory_space<vmem_shared>>
    tpu.enqueue_indirect_dma source(%dma_start3A_500 : memref<80xf32, #tpu.memory_space<vmem>>) target(%dma_start3A_505 : memref<128xf32, #tpu.memory_space<vmem_shared>>) offsets(%dma_start3A_503 : memref<80xi32, #tpu.memory_space<vmem>>) semaphore(%arg15 : memref<!tpu.dma_semaphore, #tpu.memory_space<semaphore_mem>>) {add = true}
    %dma_start3A_506 = arith.constant 11 : i32
    %dma_start3A_507 = arith.constant 880 : i32
    %dma_start3A_508 = tpu.memref_slice %arg14[%dma_start3A_507] : memref<1600xf32, #tpu.memory_space<vmem>> -> memref<80xf32, #tpu.memory_space<vmem>>
    %dma_start3A_509 = arith.constant 0 : i32
    %dma_start3A_510 = tpu.memref_slice %arg13[%dma_start3A_506, %dma_start3A_509] : memref<20x80xi32, #tpu.memory_space<vmem>> -> memref<1x80xi32, #tpu.memory_space<vmem>>
    %dma_start3A_511 = tpu.memref_squeeze %dma_start3A_510 : memref<1x80xi32, #tpu.memory_space<vmem>> -> memref<80xi32, #tpu.memory_space<vmem>>
    %dma_start3A_512 = arith.constant 0 : i32
    %dma_start3A_513 = tpu.memref_slice %arg10[%dma_start3A_512] : memref<128xf32, #tpu.memory_space<vmem_shared>> -> memref<128xf32, #tpu.memory_space<vmem_shared>>
    tpu.enqueue_indirect_dma source(%dma_start3A_508 : memref<80xf32, #tpu.memory_space<vmem>>) target(%dma_start3A_513 : memref<128xf32, #tpu.memory_space<vmem_shared>>) offsets(%dma_start3A_511 : memref<80xi32, #tpu.memory_space<vmem>>) semaphore(%arg15 : memref<!tpu.dma_semaphore, #tpu.memory_space<semaphore_mem>>) {add = true}
    %dma_start3A_514 = arith.constant 12 : i32
    %dma_start3A_515 = arith.constant 960 : i32
    %dma_start3A_516 = tpu.memref_slice %arg14[%dma_start3A_515] : memref<1600xf32, #tpu.memory_space<vmem>> -> memref<80xf32, #tpu.memory_space<vmem>>
    %dma_start3A_517 = arith.constant 0 : i32
    %dma_start3A_518 = tpu.memref_slice %arg13[%dma_start3A_514, %dma_start3A_517] : memref<20x80xi32, #tpu.memory_space<vmem>> -> memref<1x80xi32, #tpu.memory_space<vmem>>
    %dma_start3A_519 = tpu.memref_squeeze %dma_start3A_518 : memref<1x80xi32, #tpu.memory_space<vmem>> -> memref<80xi32, #tpu.memory_space<vmem>>
    %dma_start3A_520 = arith.constant 0 : i32
    %dma_start3A_521 = tpu.memref_slice %arg10[%dma_start3A_520] : memref<128xf32, #tpu.memory_space<vmem_shared>> -> memref<128xf32, #tpu.memory_space<vmem_shared>>
    tpu.enqueue_indirect_dma source(%dma_start3A_516 : memref<80xf32, #tpu.memory_space<vmem>>) target(%dma_start3A_521 : memref<128xf32, #tpu.memory_space<vmem_shared>>) offsets(%dma_start3A_519 : memref<80xi32, #tpu.memory_space<vmem>>) semaphore(%arg15 : memref<!tpu.dma_semaphore, #tpu.memory_space<semaphore_mem>>) {add = true}
    %dma_start3A_522 = arith.constant 13 : i32
    %dma_start3A_523 = arith.constant 1040 : i32
    %dma_start3A_524 = tpu.memref_slice %arg14[%dma_start3A_523] : memref<1600xf32, #tpu.memory_space<vmem>> -> memref<80xf32, #tpu.memory_space<vmem>>
    %dma_start3A_525 = arith.constant 0 : i32
    %dma_start3A_526 = tpu.memref_slice %arg13[%dma_start3A_522, %dma_start3A_525] : memref<20x80xi32, #tpu.memory_space<vmem>> -> memref<1x80xi32, #tpu.memory_space<vmem>>
    %dma_start3A_527 = tpu.memref_squeeze %dma_start3A_526 : memref<1x80xi32, #tpu.memory_space<vmem>> -> memref<80xi32, #tpu.memory_space<vmem>>
    %dma_start3A_528 = arith.constant 0 : i32
    %dma_start3A_529 = tpu.memref_slice %arg10[%dma_start3A_528] : memref<128xf32, #tpu.memory_space<vmem_shared>> -> memref<128xf32, #tpu.memory_space<vmem_shared>>
    tpu.enqueue_indirect_dma source(%dma_start3A_524 : memref<80xf32, #tpu.memory_space<vmem>>) target(%dma_start3A_529 : memref<128xf32, #tpu.memory_space<vmem_shared>>) offsets(%dma_start3A_527 : memref<80xi32, #tpu.memory_space<vmem>>) semaphore(%arg15 : memref<!tpu.dma_semaphore, #tpu.memory_space<semaphore_mem>>) {add = true}
    %dma_start3A_530 = arith.constant 14 : i32
    %dma_start3A_531 = arith.constant 1120 : i32
    %dma_start3A_532 = tpu.memref_slice %arg14[%dma_start3A_531] : memref<1600xf32, #tpu.memory_space<vmem>> -> memref<80xf32, #tpu.memory_space<vmem>>
    %dma_start3A_533 = arith.constant 0 : i32
    %dma_start3A_534 = tpu.memref_slice %arg13[%dma_start3A_530, %dma_start3A_533] : memref<20x80xi32, #tpu.memory_space<vmem>> -> memref<1x80xi32, #tpu.memory_space<vmem>>
    %dma_start3A_535 = tpu.memref_squeeze %dma_start3A_534 : memref<1x80xi32, #tpu.memory_space<vmem>> -> memref<80xi32, #tpu.memory_space<vmem>>
    %dma_start3A_536 = arith.constant 0 : i32
    %dma_start3A_537 = tpu.memref_slice %arg10[%dma_start3A_536] : memref<128xf32, #tpu.memory_space<vmem_shared>> -> memref<128xf32, #tpu.memory_space<vmem_shared>>
    tpu.enqueue_indirect_dma source(%dma_start3A_532 : memref<80xf32, #tpu.memory_space<vmem>>) target(%dma_start3A_537 : memref<128xf32, #tpu.memory_space<vmem_shared>>) offsets(%dma_start3A_535 : memref<80xi32, #tpu.memory_space<vmem>>) semaphore(%arg15 : memref<!tpu.dma_semaphore, #tpu.memory_space<semaphore_mem>>) {add = true}
    %dma_start3A_538 = arith.constant 15 : i32
    %dma_start3A_539 = arith.constant 1200 : i32
    %dma_start3A_540 = tpu.memref_slice %arg14[%dma_start3A_539] : memref<1600xf32, #tpu.memory_space<vmem>> -> memref<80xf32, #tpu.memory_space<vmem>>
    %dma_start3A_541 = arith.constant 0 : i32
    %dma_start3A_542 = tpu.memref_slice %arg13[%dma_start3A_538, %dma_start3A_541] : memref<20x80xi32, #tpu.memory_space<vmem>> -> memref<1x80xi32, #tpu.memory_space<vmem>>
    %dma_start3A_543 = tpu.memref_squeeze %dma_start3A_542 : memref<1x80xi32, #tpu.memory_space<vmem>> -> memref<80xi32, #tpu.memory_space<vmem>>
    %dma_start3A_544 = arith.constant 0 : i32
    %dma_start3A_545 = tpu.memref_slice %arg10[%dma_start3A_544] : memref<128xf32, #tpu.memory_space<vmem_shared>> -> memref<128xf32, #tpu.memory_space<vmem_shared>>
    tpu.enqueue_indirect_dma source(%dma_start3A_540 : memref<80xf32, #tpu.memory_space<vmem>>) target(%dma_start3A_545 : memref<128xf32, #tpu.memory_space<vmem_shared>>) offsets(%dma_start3A_543 : memref<80xi32, #tpu.memory_space<vmem>>) semaphore(%arg15 : memref<!tpu.dma_semaphore, #tpu.memory_space<semaphore_mem>>) {add = true}
    %dma_start3A_546 = arith.constant 16 : i32
    %dma_start3A_547 = arith.constant 1280 : i32
    %dma_start3A_548 = tpu.memref_slice %arg14[%dma_start3A_547] : memref<1600xf32, #tpu.memory_space<vmem>> -> memref<80xf32, #tpu.memory_space<vmem>>
    %dma_start3A_549 = arith.constant 0 : i32
    %dma_start3A_550 = tpu.memref_slice %arg13[%dma_start3A_546, %dma_start3A_549] : memref<20x80xi32, #tpu.memory_space<vmem>> -> memref<1x80xi32, #tpu.memory_space<vmem>>
    %dma_start3A_551 = tpu.memref_squeeze %dma_start3A_550 : memref<1x80xi32, #tpu.memory_space<vmem>> -> memref<80xi32, #tpu.memory_space<vmem>>
    %dma_start3A_552 = arith.constant 0 : i32
    %dma_start3A_553 = tpu.memref_slice %arg10[%dma_start3A_552] : memref<128xf32, #tpu.memory_space<vmem_shared>> -> memref<128xf32, #tpu.memory_space<vmem_shared>>
    tpu.enqueue_indirect_dma source(%dma_start3A_548 : memref<80xf32, #tpu.memory_space<vmem>>) target(%dma_start3A_553 : memref<128xf32, #tpu.memory_space<vmem_shared>>) offsets(%dma_start3A_551 : memref<80xi32, #tpu.memory_space<vmem>>) semaphore(%arg15 : memref<!tpu.dma_semaphore, #tpu.memory_space<semaphore_mem>>) {add = true}
    %dma_start3A_554 = arith.constant 17 : i32
    %dma_start3A_555 = arith.constant 1360 : i32
    %dma_start3A_556 = tpu.memref_slice %arg14[%dma_start3A_555] : memref<1600xf32, #tpu.memory_space<vmem>> -> memref<80xf32, #tpu.memory_space<vmem>>
    %dma_start3A_557 = arith.constant 0 : i32
    %dma_start3A_558 = tpu.memref_slice %arg13[%dma_start3A_554, %dma_start3A_557] : memref<20x80xi32, #tpu.memory_space<vmem>> -> memref<1x80xi32, #tpu.memory_space<vmem>>
    %dma_start3A_559 = tpu.memref_squeeze %dma_start3A_558 : memref<1x80xi32, #tpu.memory_space<vmem>> -> memref<80xi32, #tpu.memory_space<vmem>>
    %dma_start3A_560 = arith.constant 0 : i32
    %dma_start3A_561 = tpu.memref_slice %arg10[%dma_start3A_560] : memref<128xf32, #tpu.memory_space<vmem_shared>> -> memref<128xf32, #tpu.memory_space<vmem_shared>>
    tpu.enqueue_indirect_dma source(%dma_start3A_556 : memref<80xf32, #tpu.memory_space<vmem>>) target(%dma_start3A_561 : memref<128xf32, #tpu.memory_space<vmem_shared>>) offsets(%dma_start3A_559 : memref<80xi32, #tpu.memory_space<vmem>>) semaphore(%arg15 : memref<!tpu.dma_semaphore, #tpu.memory_space<semaphore_mem>>) {add = true}
    %dma_start3A_562 = arith.constant 18 : i32
    %dma_start3A_563 = arith.constant 1440 : i32
    %dma_start3A_564 = tpu.memref_slice %arg14[%dma_start3A_563] : memref<1600xf32, #tpu.memory_space<vmem>> -> memref<80xf32, #tpu.memory_space<vmem>>
    %dma_start3A_565 = arith.constant 0 : i32
    %dma_start3A_566 = tpu.memref_slice %arg13[%dma_start3A_562, %dma_start3A_565] : memref<20x80xi32, #tpu.memory_space<vmem>> -> memref<1x80xi32, #tpu.memory_space<vmem>>
    %dma_start3A_567 = tpu.memref_squeeze %dma_start3A_566 : memref<1x80xi32, #tpu.memory_space<vmem>> -> memref<80xi32, #tpu.memory_space<vmem>>
    %dma_start3A_568 = arith.constant 0 : i32
    %dma_start3A_569 = tpu.memref_slice %arg10[%dma_start3A_568] : memref<128xf32, #tpu.memory_space<vmem_shared>> -> memref<128xf32, #tpu.memory_space<vmem_shared>>
    tpu.enqueue_indirect_dma source(%dma_start3A_564 : memref<80xf32, #tpu.memory_space<vmem>>) target(%dma_start3A_569 : memref<128xf32, #tpu.memory_space<vmem_shared>>) offsets(%dma_start3A_567 : memref<80xi32, #tpu.memory_space<vmem>>) semaphore(%arg15 : memref<!tpu.dma_semaphore, #tpu.memory_space<semaphore_mem>>) {add = true}
    %dma_start3A_570 = arith.constant 19 : i32
    %dma_start3A_571 = arith.constant 1520 : i32
    %dma_start3A_572 = tpu.memref_slice %arg14[%dma_start3A_571] : memref<1600xf32, #tpu.memory_space<vmem>> -> memref<80xf32, #tpu.memory_space<vmem>>
    %dma_start3A_573 = arith.constant 0 : i32
    %dma_start3A_574 = tpu.memref_slice %arg13[%dma_start3A_570, %dma_start3A_573] : memref<20x80xi32, #tpu.memory_space<vmem>> -> memref<1x80xi32, #tpu.memory_space<vmem>>
    %dma_start3A_575 = tpu.memref_squeeze %dma_start3A_574 : memref<1x80xi32, #tpu.memory_space<vmem>> -> memref<80xi32, #tpu.memory_space<vmem>>
    %dma_start3A_576 = arith.constant 0 : i32
    %dma_start3A_577 = tpu.memref_slice %arg10[%dma_start3A_576] : memref<128xf32, #tpu.memory_space<vmem_shared>> -> memref<128xf32, #tpu.memory_space<vmem_shared>>
    tpu.enqueue_indirect_dma source(%dma_start3A_572 : memref<80xf32, #tpu.memory_space<vmem>>) target(%dma_start3A_577 : memref<128xf32, #tpu.memory_space<vmem_shared>>) offsets(%dma_start3A_575 : memref<80xi32, #tpu.memory_space<vmem>>) semaphore(%arg15 : memref<!tpu.dma_semaphore, #tpu.memory_space<semaphore_mem>>) {add = true}
    %dma_wait3A_578 = arith.constant 0 : i32
    %dma_wait3A_579 = arith.constant 0 : i32
    %dma_wait3A_580 = tpu.memref_slice %arg14[%dma_wait3A_579] : memref<1600xf32, #tpu.memory_space<vmem>> -> memref<80xf32, #tpu.memory_space<vmem>>
    %dma_wait3A_581 = arith.constant 0 : i32
    %dma_wait3A_582 = tpu.memref_slice %arg13[%dma_wait3A_578, %dma_wait3A_581] : memref<20x80xi32, #tpu.memory_space<vmem>> -> memref<1x80xi32, #tpu.memory_space<vmem>>
    %dma_wait3A_583 = tpu.memref_squeeze %dma_wait3A_582 : memref<1x80xi32, #tpu.memory_space<vmem>> -> memref<80xi32, #tpu.memory_space<vmem>>
    %dma_wait3A_584 = arith.constant 0 : i32
    %dma_wait3A_585 = tpu.memref_slice %arg10[%dma_wait3A_584] : memref<128xf32, #tpu.memory_space<vmem_shared>> -> memref<128xf32, #tpu.memory_space<vmem_shared>>
    tpu.wait_indirect_dma semaphore(%arg15 : memref<!tpu.dma_semaphore, #tpu.memory_space<semaphore_mem>>) src(%dma_wait3A_580 : memref<80xf32, #tpu.memory_space<vmem>>) dst(%dma_wait3A_585 : memref<128xf32, #tpu.memory_space<vmem_shared>>)
    %dma_wait3A_586 = arith.constant 1 : i32
    %dma_wait3A_587 = arith.constant 80 : i32
    %dma_wait3A_588 = tpu.memref_slice %arg14[%dma_wait3A_587] : memref<1600xf32, #tpu.memory_space<vmem>> -> memref<80xf32, #tpu.memory_space<vmem>>
    %dma_wait3A_589 = arith.constant 0 : i32
    %dma_wait3A_590 = tpu.memref_slice %arg13[%dma_wait3A_586, %dma_wait3A_589] : memref<20x80xi32, #tpu.memory_space<vmem>> -> memref<1x80xi32, #tpu.memory_space<vmem>>
    %dma_wait3A_591 = tpu.memref_squeeze %dma_wait3A_590 : memref<1x80xi32, #tpu.memory_space<vmem>> -> memref<80xi32, #tpu.memory_space<vmem>>
    %dma_wait3A_592 = arith.constant 0 : i32
    %dma_wait3A_593 = tpu.memref_slice %arg10[%dma_wait3A_592] : memref<128xf32, #tpu.memory_space<vmem_shared>> -> memref<128xf32, #tpu.memory_space<vmem_shared>>
    tpu.wait_indirect_dma semaphore(%arg15 : memref<!tpu.dma_semaphore, #tpu.memory_space<semaphore_mem>>) src(%dma_wait3A_588 : memref<80xf32, #tpu.memory_space<vmem>>) dst(%dma_wait3A_593 : memref<128xf32, #tpu.memory_space<vmem_shared>>)
    %dma_wait3A_594 = arith.constant 2 : i32
    %dma_wait3A_595 = arith.constant 160 : i32
    %dma_wait3A_596 = tpu.memref_slice %arg14[%dma_wait3A_595] : memref<1600xf32, #tpu.memory_space<vmem>> -> memref<80xf32, #tpu.memory_space<vmem>>
    %dma_wait3A_597 = arith.constant 0 : i32
    %dma_wait3A_598 = tpu.memref_slice %arg13[%dma_wait3A_594, %dma_wait3A_597] : memref<20x80xi32, #tpu.memory_space<vmem>> -> memref<1x80xi32, #tpu.memory_space<vmem>>
    %dma_wait3A_599 = tpu.memref_squeeze %dma_wait3A_598 : memref<1x80xi32, #tpu.memory_space<vmem>> -> memref<80xi32, #tpu.memory_space<vmem>>
    %dma_wait3A_600 = arith.constant 0 : i32
    %dma_wait3A_601 = tpu.memref_slice %arg10[%dma_wait3A_600] : memref<128xf32, #tpu.memory_space<vmem_shared>> -> memref<128xf32, #tpu.memory_space<vmem_shared>>
    tpu.wait_indirect_dma semaphore(%arg15 : memref<!tpu.dma_semaphore, #tpu.memory_space<semaphore_mem>>) src(%dma_wait3A_596 : memref<80xf32, #tpu.memory_space<vmem>>) dst(%dma_wait3A_601 : memref<128xf32, #tpu.memory_space<vmem_shared>>)
    %dma_wait3A_602 = arith.constant 3 : i32
    %dma_wait3A_603 = arith.constant 240 : i32
    %dma_wait3A_604 = tpu.memref_slice %arg14[%dma_wait3A_603] : memref<1600xf32, #tpu.memory_space<vmem>> -> memref<80xf32, #tpu.memory_space<vmem>>
    %dma_wait3A_605 = arith.constant 0 : i32
    %dma_wait3A_606 = tpu.memref_slice %arg13[%dma_wait3A_602, %dma_wait3A_605] : memref<20x80xi32, #tpu.memory_space<vmem>> -> memref<1x80xi32, #tpu.memory_space<vmem>>
    %dma_wait3A_607 = tpu.memref_squeeze %dma_wait3A_606 : memref<1x80xi32, #tpu.memory_space<vmem>> -> memref<80xi32, #tpu.memory_space<vmem>>
    %dma_wait3A_608 = arith.constant 0 : i32
    %dma_wait3A_609 = tpu.memref_slice %arg10[%dma_wait3A_608] : memref<128xf32, #tpu.memory_space<vmem_shared>> -> memref<128xf32, #tpu.memory_space<vmem_shared>>
    tpu.wait_indirect_dma semaphore(%arg15 : memref<!tpu.dma_semaphore, #tpu.memory_space<semaphore_mem>>) src(%dma_wait3A_604 : memref<80xf32, #tpu.memory_space<vmem>>) dst(%dma_wait3A_609 : memref<128xf32, #tpu.memory_space<vmem_shared>>)
    %dma_wait3A_610 = arith.constant 4 : i32
    %dma_wait3A_611 = arith.constant 320 : i32
    %dma_wait3A_612 = tpu.memref_slice %arg14[%dma_wait3A_611] : memref<1600xf32, #tpu.memory_space<vmem>> -> memref<80xf32, #tpu.memory_space<vmem>>
    %dma_wait3A_613 = arith.constant 0 : i32
    %dma_wait3A_614 = tpu.memref_slice %arg13[%dma_wait3A_610, %dma_wait3A_613] : memref<20x80xi32, #tpu.memory_space<vmem>> -> memref<1x80xi32, #tpu.memory_space<vmem>>
    %dma_wait3A_615 = tpu.memref_squeeze %dma_wait3A_614 : memref<1x80xi32, #tpu.memory_space<vmem>> -> memref<80xi32, #tpu.memory_space<vmem>>
    %dma_wait3A_616 = arith.constant 0 : i32
    %dma_wait3A_617 = tpu.memref_slice %arg10[%dma_wait3A_616] : memref<128xf32, #tpu.memory_space<vmem_shared>> -> memref<128xf32, #tpu.memory_space<vmem_shared>>
    tpu.wait_indirect_dma semaphore(%arg15 : memref<!tpu.dma_semaphore, #tpu.memory_space<semaphore_mem>>) src(%dma_wait3A_612 : memref<80xf32, #tpu.memory_space<vmem>>) dst(%dma_wait3A_617 : memref<128xf32, #tpu.memory_space<vmem_shared>>)
    %dma_wait3A_618 = arith.constant 5 : i32
    %dma_wait3A_619 = arith.constant 400 : i32
    %dma_wait3A_620 = tpu.memref_slice %arg14[%dma_wait3A_619] : memref<1600xf32, #tpu.memory_space<vmem>> -> memref<80xf32, #tpu.memory_space<vmem>>
    %dma_wait3A_621 = arith.constant 0 : i32
    %dma_wait3A_622 = tpu.memref_slice %arg13[%dma_wait3A_618, %dma_wait3A_621] : memref<20x80xi32, #tpu.memory_space<vmem>> -> memref<1x80xi32, #tpu.memory_space<vmem>>
    %dma_wait3A_623 = tpu.memref_squeeze %dma_wait3A_622 : memref<1x80xi32, #tpu.memory_space<vmem>> -> memref<80xi32, #tpu.memory_space<vmem>>
    %dma_wait3A_624 = arith.constant 0 : i32
    %dma_wait3A_625 = tpu.memref_slice %arg10[%dma_wait3A_624] : memref<128xf32, #tpu.memory_space<vmem_shared>> -> memref<128xf32, #tpu.memory_space<vmem_shared>>
    tpu.wait_indirect_dma semaphore(%arg15 : memref<!tpu.dma_semaphore, #tpu.memory_space<semaphore_mem>>) src(%dma_wait3A_620 : memref<80xf32, #tpu.memory_space<vmem>>) dst(%dma_wait3A_625 : memref<128xf32, #tpu.memory_space<vmem_shared>>)
    %dma_wait3A_626 = arith.constant 6 : i32
    %dma_wait3A_627 = arith.constant 480 : i32
    %dma_wait3A_628 = tpu.memref_slice %arg14[%dma_wait3A_627] : memref<1600xf32, #tpu.memory_space<vmem>> -> memref<80xf32, #tpu.memory_space<vmem>>
    %dma_wait3A_629 = arith.constant 0 : i32
    %dma_wait3A_630 = tpu.memref_slice %arg13[%dma_wait3A_626, %dma_wait3A_629] : memref<20x80xi32, #tpu.memory_space<vmem>> -> memref<1x80xi32, #tpu.memory_space<vmem>>
    %dma_wait3A_631 = tpu.memref_squeeze %dma_wait3A_630 : memref<1x80xi32, #tpu.memory_space<vmem>> -> memref<80xi32, #tpu.memory_space<vmem>>
    %dma_wait3A_632 = arith.constant 0 : i32
    %dma_wait3A_633 = tpu.memref_slice %arg10[%dma_wait3A_632] : memref<128xf32, #tpu.memory_space<vmem_shared>> -> memref<128xf32, #tpu.memory_space<vmem_shared>>
    tpu.wait_indirect_dma semaphore(%arg15 : memref<!tpu.dma_semaphore, #tpu.memory_space<semaphore_mem>>) src(%dma_wait3A_628 : memref<80xf32, #tpu.memory_space<vmem>>) dst(%dma_wait3A_633 : memref<128xf32, #tpu.memory_space<vmem_shared>>)
    %dma_wait3A_634 = arith.constant 7 : i32
    %dma_wait3A_635 = arith.constant 560 : i32
    %dma_wait3A_636 = tpu.memref_slice %arg14[%dma_wait3A_635] : memref<1600xf32, #tpu.memory_space<vmem>> -> memref<80xf32, #tpu.memory_space<vmem>>
    %dma_wait3A_637 = arith.constant 0 : i32
    %dma_wait3A_638 = tpu.memref_slice %arg13[%dma_wait3A_634, %dma_wait3A_637] : memref<20x80xi32, #tpu.memory_space<vmem>> -> memref<1x80xi32, #tpu.memory_space<vmem>>
    %dma_wait3A_639 = tpu.memref_squeeze %dma_wait3A_638 : memref<1x80xi32, #tpu.memory_space<vmem>> -> memref<80xi32, #tpu.memory_space<vmem>>
    %dma_wait3A_640 = arith.constant 0 : i32
    %dma_wait3A_641 = tpu.memref_slice %arg10[%dma_wait3A_640] : memref<128xf32, #tpu.memory_space<vmem_shared>> -> memref<128xf32, #tpu.memory_space<vmem_shared>>
    tpu.wait_indirect_dma semaphore(%arg15 : memref<!tpu.dma_semaphore, #tpu.memory_space<semaphore_mem>>) src(%dma_wait3A_636 : memref<80xf32, #tpu.memory_space<vmem>>) dst(%dma_wait3A_641 : memref<128xf32, #tpu.memory_space<vmem_shared>>)
    %dma_wait3A_642 = arith.constant 8 : i32
    %dma_wait3A_643 = arith.constant 640 : i32
    %dma_wait3A_644 = tpu.memref_slice %arg14[%dma_wait3A_643] : memref<1600xf32, #tpu.memory_space<vmem>> -> memref<80xf32, #tpu.memory_space<vmem>>
    %dma_wait3A_645 = arith.constant 0 : i32
    %dma_wait3A_646 = tpu.memref_slice %arg13[%dma_wait3A_642, %dma_wait3A_645] : memref<20x80xi32, #tpu.memory_space<vmem>> -> memref<1x80xi32, #tpu.memory_space<vmem>>
    %dma_wait3A_647 = tpu.memref_squeeze %dma_wait3A_646 : memref<1x80xi32, #tpu.memory_space<vmem>> -> memref<80xi32, #tpu.memory_space<vmem>>
    %dma_wait3A_648 = arith.constant 0 : i32
    %dma_wait3A_649 = tpu.memref_slice %arg10[%dma_wait3A_648] : memref<128xf32, #tpu.memory_space<vmem_shared>> -> memref<128xf32, #tpu.memory_space<vmem_shared>>
    tpu.wait_indirect_dma semaphore(%arg15 : memref<!tpu.dma_semaphore, #tpu.memory_space<semaphore_mem>>) src(%dma_wait3A_644 : memref<80xf32, #tpu.memory_space<vmem>>) dst(%dma_wait3A_649 : memref<128xf32, #tpu.memory_space<vmem_shared>>)
    %dma_wait3A_650 = arith.constant 9 : i32
    %dma_wait3A_651 = arith.constant 720 : i32
    %dma_wait3A_652 = tpu.memref_slice %arg14[%dma_wait3A_651] : memref<1600xf32, #tpu.memory_space<vmem>> -> memref<80xf32, #tpu.memory_space<vmem>>
    %dma_wait3A_653 = arith.constant 0 : i32
    %dma_wait3A_654 = tpu.memref_slice %arg13[%dma_wait3A_650, %dma_wait3A_653] : memref<20x80xi32, #tpu.memory_space<vmem>> -> memref<1x80xi32, #tpu.memory_space<vmem>>
    %dma_wait3A_655 = tpu.memref_squeeze %dma_wait3A_654 : memref<1x80xi32, #tpu.memory_space<vmem>> -> memref<80xi32, #tpu.memory_space<vmem>>
    %dma_wait3A_656 = arith.constant 0 : i32
    %dma_wait3A_657 = tpu.memref_slice %arg10[%dma_wait3A_656] : memref<128xf32, #tpu.memory_space<vmem_shared>> -> memref<128xf32, #tpu.memory_space<vmem_shared>>
    tpu.wait_indirect_dma semaphore(%arg15 : memref<!tpu.dma_semaphore, #tpu.memory_space<semaphore_mem>>) src(%dma_wait3A_652 : memref<80xf32, #tpu.memory_space<vmem>>) dst(%dma_wait3A_657 : memref<128xf32, #tpu.memory_space<vmem_shared>>)
    %dma_wait3A_658 = arith.constant 10 : i32
    %dma_wait3A_659 = arith.constant 800 : i32
    %dma_wait3A_660 = tpu.memref_slice %arg14[%dma_wait3A_659] : memref<1600xf32, #tpu.memory_space<vmem>> -> memref<80xf32, #tpu.memory_space<vmem>>
    %dma_wait3A_661 = arith.constant 0 : i32
    %dma_wait3A_662 = tpu.memref_slice %arg13[%dma_wait3A_658, %dma_wait3A_661] : memref<20x80xi32, #tpu.memory_space<vmem>> -> memref<1x80xi32, #tpu.memory_space<vmem>>
    %dma_wait3A_663 = tpu.memref_squeeze %dma_wait3A_662 : memref<1x80xi32, #tpu.memory_space<vmem>> -> memref<80xi32, #tpu.memory_space<vmem>>
    %dma_wait3A_664 = arith.constant 0 : i32
    %dma_wait3A_665 = tpu.memref_slice %arg10[%dma_wait3A_664] : memref<128xf32, #tpu.memory_space<vmem_shared>> -> memref<128xf32, #tpu.memory_space<vmem_shared>>
    tpu.wait_indirect_dma semaphore(%arg15 : memref<!tpu.dma_semaphore, #tpu.memory_space<semaphore_mem>>) src(%dma_wait3A_660 : memref<80xf32, #tpu.memory_space<vmem>>) dst(%dma_wait3A_665 : memref<128xf32, #tpu.memory_space<vmem_shared>>)
    %dma_wait3A_666 = arith.constant 11 : i32
    %dma_wait3A_667 = arith.constant 880 : i32
    %dma_wait3A_668 = tpu.memref_slice %arg14[%dma_wait3A_667] : memref<1600xf32, #tpu.memory_space<vmem>> -> memref<80xf32, #tpu.memory_space<vmem>>
    %dma_wait3A_669 = arith.constant 0 : i32
    %dma_wait3A_670 = tpu.memref_slice %arg13[%dma_wait3A_666, %dma_wait3A_669] : memref<20x80xi32, #tpu.memory_space<vmem>> -> memref<1x80xi32, #tpu.memory_space<vmem>>
    %dma_wait3A_671 = tpu.memref_squeeze %dma_wait3A_670 : memref<1x80xi32, #tpu.memory_space<vmem>> -> memref<80xi32, #tpu.memory_space<vmem>>
    %dma_wait3A_672 = arith.constant 0 : i32
    %dma_wait3A_673 = tpu.memref_slice %arg10[%dma_wait3A_672] : memref<128xf32, #tpu.memory_space<vmem_shared>> -> memref<128xf32, #tpu.memory_space<vmem_shared>>
    tpu.wait_indirect_dma semaphore(%arg15 : memref<!tpu.dma_semaphore, #tpu.memory_space<semaphore_mem>>) src(%dma_wait3A_668 : memref<80xf32, #tpu.memory_space<vmem>>) dst(%dma_wait3A_673 : memref<128xf32, #tpu.memory_space<vmem_shared>>)
    %dma_wait3A_674 = arith.constant 12 : i32
    %dma_wait3A_675 = arith.constant 960 : i32
    %dma_wait3A_676 = tpu.memref_slice %arg14[%dma_wait3A_675] : memref<1600xf32, #tpu.memory_space<vmem>> -> memref<80xf32, #tpu.memory_space<vmem>>
    %dma_wait3A_677 = arith.constant 0 : i32
    %dma_wait3A_678 = tpu.memref_slice %arg13[%dma_wait3A_674, %dma_wait3A_677] : memref<20x80xi32, #tpu.memory_space<vmem>> -> memref<1x80xi32, #tpu.memory_space<vmem>>
    %dma_wait3A_679 = tpu.memref_squeeze %dma_wait3A_678 : memref<1x80xi32, #tpu.memory_space<vmem>> -> memref<80xi32, #tpu.memory_space<vmem>>
    %dma_wait3A_680 = arith.constant 0 : i32
    %dma_wait3A_681 = tpu.memref_slice %arg10[%dma_wait3A_680] : memref<128xf32, #tpu.memory_space<vmem_shared>> -> memref<128xf32, #tpu.memory_space<vmem_shared>>
    tpu.wait_indirect_dma semaphore(%arg15 : memref<!tpu.dma_semaphore, #tpu.memory_space<semaphore_mem>>) src(%dma_wait3A_676 : memref<80xf32, #tpu.memory_space<vmem>>) dst(%dma_wait3A_681 : memref<128xf32, #tpu.memory_space<vmem_shared>>)
    %dma_wait3A_682 = arith.constant 13 : i32
    %dma_wait3A_683 = arith.constant 1040 : i32
    %dma_wait3A_684 = tpu.memref_slice %arg14[%dma_wait3A_683] : memref<1600xf32, #tpu.memory_space<vmem>> -> memref<80xf32, #tpu.memory_space<vmem>>
    %dma_wait3A_685 = arith.constant 0 : i32
    %dma_wait3A_686 = tpu.memref_slice %arg13[%dma_wait3A_682, %dma_wait3A_685] : memref<20x80xi32, #tpu.memory_space<vmem>> -> memref<1x80xi32, #tpu.memory_space<vmem>>
    %dma_wait3A_687 = tpu.memref_squeeze %dma_wait3A_686 : memref<1x80xi32, #tpu.memory_space<vmem>> -> memref<80xi32, #tpu.memory_space<vmem>>
    %dma_wait3A_688 = arith.constant 0 : i32
    %dma_wait3A_689 = tpu.memref_slice %arg10[%dma_wait3A_688] : memref<128xf32, #tpu.memory_space<vmem_shared>> -> memref<128xf32, #tpu.memory_space<vmem_shared>>
    tpu.wait_indirect_dma semaphore(%arg15 : memref<!tpu.dma_semaphore, #tpu.memory_space<semaphore_mem>>) src(%dma_wait3A_684 : memref<80xf32, #tpu.memory_space<vmem>>) dst(%dma_wait3A_689 : memref<128xf32, #tpu.memory_space<vmem_shared>>)
    %dma_wait3A_690 = arith.constant 14 : i32
    %dma_wait3A_691 = arith.constant 1120 : i32
    %dma_wait3A_692 = tpu.memref_slice %arg14[%dma_wait3A_691] : memref<1600xf32, #tpu.memory_space<vmem>> -> memref<80xf32, #tpu.memory_space<vmem>>
    %dma_wait3A_693 = arith.constant 0 : i32
    %dma_wait3A_694 = tpu.memref_slice %arg13[%dma_wait3A_690, %dma_wait3A_693] : memref<20x80xi32, #tpu.memory_space<vmem>> -> memref<1x80xi32, #tpu.memory_space<vmem>>
    %dma_wait3A_695 = tpu.memref_squeeze %dma_wait3A_694 : memref<1x80xi32, #tpu.memory_space<vmem>> -> memref<80xi32, #tpu.memory_space<vmem>>
    %dma_wait3A_696 = arith.constant 0 : i32
    %dma_wait3A_697 = tpu.memref_slice %arg10[%dma_wait3A_696] : memref<128xf32, #tpu.memory_space<vmem_shared>> -> memref<128xf32, #tpu.memory_space<vmem_shared>>
    tpu.wait_indirect_dma semaphore(%arg15 : memref<!tpu.dma_semaphore, #tpu.memory_space<semaphore_mem>>) src(%dma_wait3A_692 : memref<80xf32, #tpu.memory_space<vmem>>) dst(%dma_wait3A_697 : memref<128xf32, #tpu.memory_space<vmem_shared>>)
    %dma_wait3A_698 = arith.constant 15 : i32
    %dma_wait3A_699 = arith.constant 1200 : i32
    %dma_wait3A_700 = tpu.memref_slice %arg14[%dma_wait3A_699] : memref<1600xf32, #tpu.memory_space<vmem>> -> memref<80xf32, #tpu.memory_space<vmem>>
    %dma_wait3A_701 = arith.constant 0 : i32
    %dma_wait3A_702 = tpu.memref_slice %arg13[%dma_wait3A_698, %dma_wait3A_701] : memref<20x80xi32, #tpu.memory_space<vmem>> -> memref<1x80xi32, #tpu.memory_space<vmem>>
    %dma_wait3A_703 = tpu.memref_squeeze %dma_wait3A_702 : memref<1x80xi32, #tpu.memory_space<vmem>> -> memref<80xi32, #tpu.memory_space<vmem>>
    %dma_wait3A_704 = arith.constant 0 : i32
    %dma_wait3A_705 = tpu.memref_slice %arg10[%dma_wait3A_704] : memref<128xf32, #tpu.memory_space<vmem_shared>> -> memref<128xf32, #tpu.memory_space<vmem_shared>>
    tpu.wait_indirect_dma semaphore(%arg15 : memref<!tpu.dma_semaphore, #tpu.memory_space<semaphore_mem>>) src(%dma_wait3A_700 : memref<80xf32, #tpu.memory_space<vmem>>) dst(%dma_wait3A_705 : memref<128xf32, #tpu.memory_space<vmem_shared>>)
    %dma_wait3A_706 = arith.constant 16 : i32
    %dma_wait3A_707 = arith.constant 1280 : i32
    %dma_wait3A_708 = tpu.memref_slice %arg14[%dma_wait3A_707] : memref<1600xf32, #tpu.memory_space<vmem>> -> memref<80xf32, #tpu.memory_space<vmem>>
    %dma_wait3A_709 = arith.constant 0 : i32
    %dma_wait3A_710 = tpu.memref_slice %arg13[%dma_wait3A_706, %dma_wait3A_709] : memref<20x80xi32, #tpu.memory_space<vmem>> -> memref<1x80xi32, #tpu.memory_space<vmem>>
    %dma_wait3A_711 = tpu.memref_squeeze %dma_wait3A_710 : memref<1x80xi32, #tpu.memory_space<vmem>> -> memref<80xi32, #tpu.memory_space<vmem>>
    %dma_wait3A_712 = arith.constant 0 : i32
    %dma_wait3A_713 = tpu.memref_slice %arg10[%dma_wait3A_712] : memref<128xf32, #tpu.memory_space<vmem_shared>> -> memref<128xf32, #tpu.memory_space<vmem_shared>>
    tpu.wait_indirect_dma semaphore(%arg15 : memref<!tpu.dma_semaphore, #tpu.memory_space<semaphore_mem>>) src(%dma_wait3A_708 : memref<80xf32, #tpu.memory_space<vmem>>) dst(%dma_wait3A_713 : memref<128xf32, #tpu.memory_space<vmem_shared>>)
    %dma_wait3A_714 = arith.constant 17 : i32
    %dma_wait3A_715 = arith.constant 1360 : i32
    %dma_wait3A_716 = tpu.memref_slice %arg14[%dma_wait3A_715] : memref<1600xf32, #tpu.memory_space<vmem>> -> memref<80xf32, #tpu.memory_space<vmem>>
    %dma_wait3A_717 = arith.constant 0 : i32
    %dma_wait3A_718 = tpu.memref_slice %arg13[%dma_wait3A_714, %dma_wait3A_717] : memref<20x80xi32, #tpu.memory_space<vmem>> -> memref<1x80xi32, #tpu.memory_space<vmem>>
    %dma_wait3A_719 = tpu.memref_squeeze %dma_wait3A_718 : memref<1x80xi32, #tpu.memory_space<vmem>> -> memref<80xi32, #tpu.memory_space<vmem>>
    %dma_wait3A_720 = arith.constant 0 : i32
    %dma_wait3A_721 = tpu.memref_slice %arg10[%dma_wait3A_720] : memref<128xf32, #tpu.memory_space<vmem_shared>> -> memref<128xf32, #tpu.memory_space<vmem_shared>>
    tpu.wait_indirect_dma semaphore(%arg15 : memref<!tpu.dma_semaphore, #tpu.memory_space<semaphore_mem>>) src(%dma_wait3A_716 : memref<80xf32, #tpu.memory_space<vmem>>) dst(%dma_wait3A_721 : memref<128xf32, #tpu.memory_space<vmem_shared>>)
    %dma_wait3A_722 = arith.constant 18 : i32
    %dma_wait3A_723 = arith.constant 1440 : i32
    %dma_wait3A_724 = tpu.memref_slice %arg14[%dma_wait3A_723] : memref<1600xf32, #tpu.memory_space<vmem>> -> memref<80xf32, #tpu.memory_space<vmem>>
    %dma_wait3A_725 = arith.constant 0 : i32
    %dma_wait3A_726 = tpu.memref_slice %arg13[%dma_wait3A_722, %dma_wait3A_725] : memref<20x80xi32, #tpu.memory_space<vmem>> -> memref<1x80xi32, #tpu.memory_space<vmem>>
    %dma_wait3A_727 = tpu.memref_squeeze %dma_wait3A_726 : memref<1x80xi32, #tpu.memory_space<vmem>> -> memref<80xi32, #tpu.memory_space<vmem>>
    %dma_wait3A_728 = arith.constant 0 : i32
    %dma_wait3A_729 = tpu.memref_slice %arg10[%dma_wait3A_728] : memref<128xf32, #tpu.memory_space<vmem_shared>> -> memref<128xf32, #tpu.memory_space<vmem_shared>>
    tpu.wait_indirect_dma semaphore(%arg15 : memref<!tpu.dma_semaphore, #tpu.memory_space<semaphore_mem>>) src(%dma_wait3A_724 : memref<80xf32, #tpu.memory_space<vmem>>) dst(%dma_wait3A_729 : memref<128xf32, #tpu.memory_space<vmem_shared>>)
    %dma_wait3A_730 = arith.constant 19 : i32
    %dma_wait3A_731 = arith.constant 1520 : i32
    %dma_wait3A_732 = tpu.memref_slice %arg14[%dma_wait3A_731] : memref<1600xf32, #tpu.memory_space<vmem>> -> memref<80xf32, #tpu.memory_space<vmem>>
    %dma_wait3A_733 = arith.constant 0 : i32
    %dma_wait3A_734 = tpu.memref_slice %arg13[%dma_wait3A_730, %dma_wait3A_733] : memref<20x80xi32, #tpu.memory_space<vmem>> -> memref<1x80xi32, #tpu.memory_space<vmem>>
    %dma_wait3A_735 = tpu.memref_squeeze %dma_wait3A_734 : memref<1x80xi32, #tpu.memory_space<vmem>> -> memref<80xi32, #tpu.memory_space<vmem>>
    %dma_wait3A_736 = arith.constant 0 : i32
    %dma_wait3A_737 = tpu.memref_slice %arg10[%dma_wait3A_736] : memref<128xf32, #tpu.memory_space<vmem_shared>> -> memref<128xf32, #tpu.memory_space<vmem_shared>>
    tpu.wait_indirect_dma semaphore(%arg15 : memref<!tpu.dma_semaphore, #tpu.memory_space<semaphore_mem>>) src(%dma_wait3A_732 : memref<80xf32, #tpu.memory_space<vmem>>) dst(%dma_wait3A_737 : memref<128xf32, #tpu.memory_space<vmem_shared>>)
    %barrier3A_738 = arith.constant 0 : index
    tpu.barrier barrier_id(%barrier3A_738)
    %mul3A_739 = arith.constant 3200 : i32
    %mul3A_740 = arith.muli %arg1, %mul3A_739 : i32
    %mul3A_741 = arith.constant 51200 : i32
    %mul3A_742 = arith.muli %arg0, %mul3A_741 : i32
    %mul3A_743 = arith.constant 3200 : i32
    %mul3A_744 = arith.muli %arg1, %mul3A_743 : i32
    %add3A_745 = arith.addi %mul3A_742, %mul3A_744 : i32
    "tpu.region"() ({
      %run_scoped3A = tpu.sem_alloc : memref<!tpu.dma_semaphore, #tpu.memory_space<semaphore_mem>>
      %dma_start3A_751 = tpu.memref_slice %arg7[%add3A_745] : memref<102400xf32, #tpu.memory_space<hbm>> -> memref<3200xf32, #tpu.memory_space<hbm>>
      %dma_start3A_752 = tpu.memref_slice %arg9[%mul3A_740] : memref<51200xf32, #tpu.memory_space<vmem_shared>> -> memref<3200xf32, #tpu.memory_space<vmem_shared>>
      tpu.enqueue_dma source(%dma_start3A_752 : memref<3200xf32, #tpu.memory_space<vmem_shared>>) target(%dma_start3A_751 : memref<3200xf32, #tpu.memory_space<hbm>>) target_semaphore(%run_scoped3A : memref<!tpu.dma_semaphore, #tpu.memory_space<semaphore_mem>>)
      %dma_wait3A_753 = tpu.memref_slice %arg7[%add3A_745] : memref<102400xf32, #tpu.memory_space<hbm>> -> memref<3200xf32, #tpu.memory_space<hbm>>
      %dma_wait3A_754 = tpu.memref_slice %arg9[%mul3A_740] : memref<51200xf32, #tpu.memory_space<vmem_shared>> -> memref<3200xf32, #tpu.memory_space<vmem_shared>>
      tpu.wait_dma2 semaphore(%run_scoped3A : memref<!tpu.dma_semaphore, #tpu.memory_space<semaphore_mem>>) src(%dma_wait3A_754 : memref<3200xf32, #tpu.memory_space<vmem_shared>>) dst(%dma_wait3A_753 : memref<3200xf32, #tpu.memory_space<hbm>>)
      tpu.yield
    }) : () -> ()
    %eq3A_746 = arith.constant 0 : i32
    %eq3A_747 = arith.cmpi eq, %arg1, %eq3A_746 : i32
    %convert_element_type3A_748 = arith.extui %eq3A_747 : i1 to i32
    %cond3A_749 = arith.constant 0 : i32
    %cond3A_750 = arith.cmpi ne, %convert_element_type3A_748, %cond3A_749 : i32
    scf.if %cond3A_750 {
      %mul3A_751 = arith.constant 128 : i32
      %mul3A_752 = arith.muli %arg0, %mul3A_751 : i32
      "tpu.region"() ({
        %run_scoped3A = tpu.sem_alloc : memref<!tpu.dma_semaphore, #tpu.memory_space<semaphore_mem>>
        %dma_start3A_753 = tpu.memref_slice %arg8[%mul3A_752] : memref<256xf32, #tpu.memory_space<hbm>> -> memref<128xf32, #tpu.memory_space<hbm>>
        tpu.enqueue_dma source(%arg10 : memref<128xf32, #tpu.memory_space<vmem_shared>>) target(%dma_start3A_753 : memref<128xf32, #tpu.memory_space<hbm>>) target_semaphore(%run_scoped3A : memref<!tpu.dma_semaphore, #tpu.memory_space<semaphore_mem>>)
        %dma_wait3A_754 = tpu.memref_slice %arg8[%mul3A_752] : memref<256xf32, #tpu.memory_space<hbm>> -> memref<128xf32, #tpu.memory_space<hbm>>
        tpu.wait_dma2 semaphore(%run_scoped3A : memref<!tpu.dma_semaphore, #tpu.memory_space<semaphore_mem>>) src(%arg10 : memref<128xf32, #tpu.memory_space<vmem_shared>>) dst(%dma_wait3A_754 : memref<128xf32, #tpu.memory_space<hbm>>)
        tpu.yield
      }) : () -> ()
    } else {
    }
    return
  }
}

</mosaic_0001>

<sc_bundles>
// kernel: _sc_prep.3.cloned.1.call-start
scs
__scs_entry_jumppad:
0x0: {  	(pc) =	sbr.rel $0x88, $3  }
0x1: {  	(tag) =	ssettag $0x0;
	lr =	simm.s32 $0x1  }
0x2: {  	[smem:$0x3F9C] =	sst lr;
	_ =	strace $0xD0000000  }
0x3: {  	_ = 	snop  }
0x4: {  	_ = 	snop  }
0x5: {  	_ = 	snop  }
0x6: {  	_ = 	snop  }
0x7: {  	_ = 	snop  }
__scs_overlays_trampoline_lowered:
0x8: {  	[smem:$0x3FAB] =	sst s0  }
0x9: {  	[smem:$0x3FAC] =	sst s1  }
0xa: {  	[smem:$0x3FAD] =	sst s2  }
0xb: {  	[smem:$0x3FAE] =	sst s3  }
0xc: {  	[smem:$0x3FAF] =	sst s4  }
0xd: {  	[smem:$0x3FB0] =	sst s5  }
0xe: {  	[smem:$0x3FB1] =	sst s6  }
0xf: {  	[smem:$0x3FB2] =	sst s7  }
0x10: {  	[smem:$0x3FB3] =	sst s8  }
0x11: {  	[smem:$0x3FB4] =	sst s9;
	s0 =	simm.s32 @!p0 $0x0  }
0x12: {  	s1 =	sld [smem:$0x3F9A];
	s0 =	simm.s32 @p0 $0x1  }
0x13: {  	[smem:$0x3FB5] =	sst s0;
	s0 =	simm.s32 @!p1 $0x0  }
0x14: {  	s2 =	sld [smem:$0x3F99];
	s0 =	simm.s32 @p1 $0x1  }
0x15: {  	[smem:$0x3FB6] =	sst s0;
	s0 =	simm.s32 @!p2 $0x0  }
0x16: {  	s3 =	sld [smem:$0x3FDB];
	s0 =	simm.s32 @p2 $0x1  }
0x17: {  	s4 =	simm.s32 $0x1BF5;
	[smem:$0x3FB8] =	sst s0  }
0x18: {  	s0 =	sld [smem:$0x3F9B];
	_ =	swait.ge [sflag:s4], $0x0  }
0x19: {  	s7 =	sld [smem:$0x3F9C]  }
0x1a: {  	s8 =	sadd.s32 $0xFFFFE003, lr  }
0x1b: {  	s9 =	sadd.s32 $0xFFFFFEF7, lr;
	s5 =	simm.s32 $0xFFFFFFFF;
	p2 =	slt.u32 s8, $0xFFFFF086  }
0x1c: {  	p1 =	slt.u32 s9, $0xF7A;
	s5 =	simm.s32 @!p2 $0x0  }
0x1d: {  	s5 =	simm.s32 @p1 $0x1;
	p0 =	seq.s32 s7, s2  }
0x1e: {  	s7 =	smul.u32 @!p0 $0xF7A, s2;
	p2 =	seq.s32 @!p0 s5, $0x0  }
0x1f: {  	s9 =	smul.u32 $0xF7A, s1;
	s8 =	simm.s32 @!p0 $0x1BF5;
	p2 =	por !p2, p0  }
0x20: {  	[sflag:s8] =	ssyncset.s32 @!p0 $0xFFFFF086;
	s6 =	sadd.s32 @!p0 s3, s7;
	s7 =	simm.s32 @!p0 $0x108  }
0x21: {  	s3 =	sadd.s32 s3, s9;
	s6 =	sadd.s32 @!p0 $0x88, s6;
	s7 =	simm.s32 @p2 $0x1082  }
0x22: {  	[simem:s7], [sflag:s8] =	dma.local @!p0 [hbm:s6], $0xF7A  }
0x23: {  	s9 =	sor.u32 $0xD0000000, s2;
	s6 =	simm.s32 $0x108;
	_ =	swait.ge @!p0 [sflag:s8], $0x0  }
0x24: {  	s3 =	sadd.s32 $0x88, s3;
	s6 =	simm.s32 @!p1 $0x1082;
	[sflag:s4] =	ssyncset.s32 $0xFFFFF086  }
0x25: {  	[simem:s6], [sflag:s4] =	dma.local [hbm:s3], $0xF7A  }
0x26: {  	[smem:$0x3F9C] =	sst s1;
	(tag) =	ssettag s2;
	_ =	strace s9  }
0x27: {  	s1 =	sld [smem:$0x3FAC]  }
0x28: {  	s2 =	sld [smem:$0x3FAD]  }
0x29: {  	s4 =	sld [smem:$0x3FAF]  }
0x2a: {  	p0 =	seq.s32 s5, $0x0;
	s5 =	sld [smem:$0x3FB0]  }
0x2b: {  	s6 =	sld [smem:$0x3FB1]  }
0x2c: {  	s7 =	sld [smem:$0x3FB2]  }
0x2d: {  	s3 =	simm.s32 $0x108;
	s8 =	sld [smem:$0x3FB3]  }
0x2e: {  	s3 =	simm.s32 @!p0 $0x1082;
	s9 =	sld [smem:$0x3FB4]  }
0x2f: {  	lr =	sadd.s32 s0, s3;
	s0 =	sld [smem:$0x3FAB]  }
0x30: {  	s3 =	sld [smem:$0x3FAE]  }
0x31: {  	[smem:$0x3FB7] =	sst s10  }
0x32: {  	s10 =	sld [smem:$0x3FB5];
	_ =	sdelay $0x3  }
0x33: {  	p0 =	seq.s32 s10, $0x1;
	s10 =	sld [smem:$0x3FB7];
	_ =	sdelay $0x3  }
0x34: {  	[smem:$0x3FB7] =	sst s10  }
0x35: {  	s10 =	sld [smem:$0x3FB6];
	_ =	sdelay $0x3  }
0x36: {  	p1 =	seq.s32 s10, $0x1;
	s10 =	sld [smem:$0x3FB7];
	_ =	sdelay $0x3  }
0x37: {  	[smem:$0x3FB7] =	sst s10  }
0x38: {  	s10 =	sld [smem:$0x3FB8]  }
0x39: {  	_ = 	snop;
	(pc) =	sbr.ind lr, $3  }
0x3a: {  	_ = 	snop  }
0x3b: {  	_ = 	snop  }
0x3c: {  	p2 =	seq.s32 s10, $0x1;
	s10 =	sld [smem:$0x3FB7]  }
0x3d: {  	_ =	shalt  }
0x3e: {  	_ =	shalt  }
0x3f: {  	_ =	shalt  }
0x40: {  	_ =	shalt  }
0x41: {  	_ =	shalt  }
0x42: {  	_ =	shalt  }
0x43: {  	_ =	shalt  }
0x44: {  	_ =	shalt  }
0x45: {  	_ =	shalt  }
0x46: {  	_ =	shalt  }
0x47: {  	_ =	shalt  }
0x48: {  	_ =	shalt  }
0x49: {  	_ =	shalt  }
0x4a: {  	_ =	shalt  }
0x4b: {  	_ =	shalt  }
0x4c: {  	_ =	shalt  }
0x4d: {  	_ =	shalt  }
0x4e: {  	_ =	shalt  }
0x4f: {  	_ =	shalt  }
0x50: {  	_ =	shalt  }
0x51: {  	_ =	shalt  }
0x52: {  	_ =	shalt  }
0x53: {  	_ =	shalt  }
0x54: {  	_ =	shalt  }
0x55: {  	_ =	shalt  }
0x56: {  	_ =	shalt  }
0x57: {  	_ =	shalt  }
0x58: {  	_ =	shalt  }
0x59: {  	_ =	shalt  }
0x5a: {  	_ =	shalt  }
0x5b: {  	_ =	shalt  }
0x5c: {  	_ =	shalt  }
0x5d: {  	_ =	shalt  }
0x5e: {  	_ =	shalt  }
0x5f: {  	_ =	shalt  }
0x60: {  	_ =	shalt  }
0x61: {  	_ =	shalt  }
0x62: {  	_ =	shalt  }
0x63: {  	_ =	shalt  }
0x64: {  	_ =	shalt  }
0x65: {  	_ =	shalt  }
0x66: {  	_ =	shalt  }
0x67: {  	_ =	shalt  }
0x68: {  	_ =	shalt  }
0x69: {  	_ =	shalt  }
0x6a: {  	_ =	shalt  }
0x6b: {  	_ =	shalt  }
0x6c: {  	_ =	shalt  }
0x6d: {  	_ =	shalt  }
0x6e: {  	_ =	shalt  }
0x6f: {  	_ =	shalt  }
0x70: {  	_ =	shalt  }
0x71: {  	_ =	shalt  }
0x72: {  	_ =	shalt  }
0x73: {  	_ =	shalt  }
0x74: {  	_ =	shalt  }
0x75: {  	_ =	shalt  }
0x76: {  	_ =	shalt  }
0x77: {  	_ =	shalt  }
0x78: {  	_ =	shalt  }
0x79: {  	_ =	shalt  }
0x7a: {  	_ =	shalt  }
0x7b: {  	_ =	shalt  }
0x7c: {  	_ =	shalt  }
0x7d: {  	_ =	shalt  }
0x7e: {  	_ =	shalt  }
0x7f: {  	_ =	shalt  }
0x80: {  	_ =	shalt  }
0x81: {  	_ =	shalt  }
0x82: {  	_ =	shalt  }
0x83: {  	_ =	shalt  }
0x84: {  	_ =	shalt  }
0x85: {  	_ =	shalt  }
0x86: {  	_ =	shalt  }
0x87: {  	_ =	shalt  }
.Lfunc_end0:
.L_simem_size_0:
called_computation_lowered:
.L_overlay_start_0:
0x88: {  	s2 =	sld [smem:$0x3FD9]  }
0x89: {  	s3 =	sld [smem:$0x3FFE];
	_ =	sdelay $0x1  }
0x8a: {  	s1 =	srdreg.scid  }
0x8b: {  	s0 =	sand.u32 $0x1, s1  }
0x8c: {  	s15 =	sshll.u32 s0, $0xA;
	s2 =	sadd.s32 s3, s2  }
0x8d: {  	s2 =	sadd.s32 s2, s15  }
0x8e: {  	[smem:$0x3FC3] =	sst s2  }
0x8f: {  	_ = 	snop  }
0x90: {  	s2 =	sld [smem:$0x3FC9]  }
0x91: {  	s16 =	sld [smem:$0x3FC8]  }
0x92: {  	s4 =	sld [smem:$0x3FD0]  }
0x93: {  	s5 =	sld [smem:$0x3FC7]  }
0x94: {  	s6 =	sld [smem:$0x3FC6]  }
0x95: {  	s8 =	simm.s32 $0xA;
	s9 =	simm.s32 $0x10;
	s7 =	sld [smem:$0x3FC5]  }
0x96: {  	[smem:s9], [sflag:s8] =	dma.local [hbm:s4], $0x1  }
0x97: {  	_ =	swait.eq [sflag:s8], $0x1  }
0x98: {  	[sflag:s8] =	ssyncset.done $0x0  }
0x99: {  	s17 =	sld [smem:$0x10];
	[sflag:s8] =	ssyncadd.s32 $0xFFFFFFFF  }
0x9a: {  	s18 =	sld [smem:$0x11];
	(tm) =	ssettm $0x1  }
0x9b: {  	s19 =	sld [smem:$0x3FFB];
	_ =	sdelay $0x3  }
0x9c: {  	_ =	strace s19  }
0x9d: {  	s9 =	sld [smem:$0x3FFC];
	_ =	sdelay $0x3  }
0x9e: {  	_ =	strace s9  }
0x9f: {  	s9 =	sld [smem:$0x3FFD];
	_ =	sdelay $0x3  }
0xa0: {  	_ =	strace s9  }
0xa1: {  	_ =	strace $0x8FFFFFFF  }
0xa2: {  	s20 =	sld [smem:$0x3FDB];
	_ =	sdelay $0x1  }
0xa3: {  	s10 =	simm.s32 $_scs_section_size  }
0xa4: {  	s11 =	simm.s32 $_size__tile_overlayer_lowered;
	s12 =	simm.s32 $_tile_overlayer_lowered  }
0xa5: {  	s23 =	simm.s32 $0x1BFF;
	s22 =	sshll.u32 s12, $0x1;
	s9 =	sadd.s32 s10, s20  }
0xa6: {  	s13 =	simm.s32 $0x0;
	s21 =	sshll.u32 s11, $0x1;
	s11 =	sadd.s32 s22, s9  }
0xa7: {  	[timem:s13], [sflag:s23] =	dma.local [hbm:s11], s21  }
0xa8: {  	_ =	swait.ge [sflag:s23], s21  }
0xa9: {  	s10 =	ssub.s32 $0x0, s21;
	[sflag:s23] =	ssyncset.done $0x0  }
0xaa: {  	[sflag:s23] =	ssyncadd.s32 s10;
	_ =	sdelay $0x1  }
0xab: {  	s24 =	simm.s32 $0x1B8B  }
0xac: {  	_ =	swait.ge [sflag:s24], $0x1  }
0xad: {  	[sflag:s24] =	ssyncset.done $0x0  }
0xae: {  	s25 =	simm.s32 $0x1B8E;
	[sflag:s24] =	ssyncadd.s32 $0xFFFFFFFF  }
0xaf: {  	s26 =	simm.s32 $execute0_lowered;
	[smem:$0x3FD2] =	sst s25  }
0xb0: {  	s10 =	sshll.u32 s26, $0x1;
	_ =	strace $0x80000046;
	[dreg:$0x1] =	wrdreg $0xFFFFFFFF  }
0xb1: {  	s28 =	simm.s32 $_size_execute0_lowered;
	s9 =	sadd.s32 s9, s10;
	[dreg:$0x0] =	wrdreg $0x0  }
0xb2: {  	s10 =	sshll.u32 s28, $0x1;
	[dreg:$0x2] =	wrdreg s9  }
0xb3: {  	[dreg:$0x3] =	wrdreg s10  }
0xb4: {  	[dreg:$0x4] =	wrdreg $0xC0  }
0xb5: {  	_ =	task [dreg:s13], $0x5FFFF  }
0xb6: {  	[dreg:$0x1] =	wrdreg $0xFFFFFFFF  }
0xb7: {  	[dreg:$0x0] =	wrdreg $0x60  }
0xb8: {  	[dreg:$0x2] =	wrdreg s2  }
0xb9: {  	[dreg:$0x3] =	wrdreg s16  }
0xba: {  	[dreg:$0x4] =	wrdreg s5  }
0xbb: {  	[dreg:$0x5] =	wrdreg s6  }
0xbc: {  	[dreg:$0x6] =	wrdreg s7  }
0xbd: {  	[dreg:$0x7] =	wrdreg s17  }
0xbe: {  	[dreg:$0x8] =	wrdreg s18  }
0xbf: {  	[dreg:$0x9] =	wrdreg $0x0  }
0xc0: {  	[dreg:$0xa] =	wrdreg $0xC800  }
0xc1: {  	[dreg:$0xb] =	wrdreg $0x9  }
0xc2: {  	_ =	task.clear_ibuf [dreg:s13], $0xCFFFF;
	_ =	strace $0x90000046  }
0xc3: {  	s29 =	simm.s32 $0x9;
	_ =	strace $0x80000048  }
0xc4: {  	_ =	swait.ge [sflag:s29], $0x1  }
0xc5: {  	[sflag:s29] =	ssyncadd.s32 $0xFFFFFFFF  }
0xc6: {  	_ =	strace $0x90000048  }
0xc7: {  	_ =	sfence  }
0xc8: {  	s30 =	sld [smem:$0x0];
	_ =	sdelay $0x2  }
0xc9: {  	s31 =	sshll.u32 s1, $0xD;
	s1 =	sshrl.u32 s1, $0x2  }
0xca: {  	s3 =	sand.u32 $0x4000, s31;
	s1 =	sadd.s32 s1, s30  }
0xcb: {  	s0 =	sor.u32 s3, s0;
	s1 =	sshll.u32 s1, $0x11  }
0xcc: {  	s0 =	sor.u32 s1, s0  }
0xcd: {  	s0 =	sadd.s32 $0x8F2B, s0  }
0xce: {  	[sflag:s0] =	ssyncadd.remote.s32 $0x1  }
0xcf: {  	_ =	sfence.sel $0xFFFF  }
0xd0: {  	[dreg:$0x0] =	wrdreg $0xFFFFFFFF;
	(pc) =	sbr.abs _section_cstart, $3  }
0xd1: {  	[dreg:$0x1] =	wrdreg $0xFFFFFFFF  }
0xd2: {  	_ =	task.clear_ibuf [dreg:s13], $0x2FFFF;
	_ =	strace $0x9FFFFFFF  }
0xd3: {  	(tm) =	ssettm $0x7FFFFFFF  }
tec
execute0_lowered:
.L_overlay_start_1:
0x0: {  	(tag) =	ssettag $0x1  }
0x1: {  	s7 =	rddreg [dreg:$0x0]  }
0x2: {  	s13 =	rddreg [dreg:$0x1]  }
0x3: {  	s14 =	rddreg [dreg:$0x2]  }
0x4: {  	s9 =	rddreg [dreg:$0x3]  }
0x5: {  	s3 =	rddreg [dreg:$0x4]  }
0x6: {  	s6 =	rddreg [dreg:$0x5]  }
0x7: {  	s0 =	rddreg [dreg:$0x6]  }
0x8: {  	s2 =	rddreg [dreg:$0x7]  }
0x9: {  	s31 =	rddreg [dreg:$0x8]  }
0xa: {  	s4 =	simm.s32 $0x0;
	s5 =	srdreg.scid;
	s1 =	stileid.u32  }
0xb: {  	[smem:$0x7FF] =	sst s4;
	s8 =	sand.u32 $0x1, s5;
	s10 =	smul.u32 $0xC80, s1  }
0xc: {  	s12 =	sshll.u32 s1, $0x1;
	s15 =	smul.u32 $0xC800, s1;
	s24 =	sshll.u32 s1, $0x6  }
0xd: {  	_ =	strace $0x80000047;
	s5 =	ssub.s32 $0x2, s8;
	s21 =	sor.u32 s8, s12  }
0xe: {  	s22 =	smul.u32 $0x6400, s8;
	s11 =	sshrl.u32 s5, $0x1;
	s16 =	sadd.s32 s10, s2  }
0xf: {  	s23 =	sshrl.u32 s10, $0x3;
	s5 =	ssub.s32 s5, s11;
	[smem:$0x7D4] =	sst s16  }
0x10: {  	s11 =	smul.u32 $0x640, s21;
	s3 =	sadd.s32 s3, s23;
	s12 =	sadd.s32 s22, s15  }
0x11: {  	[smem:$0x7D5] =	sst s3;
	s3 =	sor.u32 $0x1C02, s24;
	s15 =	sshrl.u32 s12, $0x3  }
0x12: {  	s26 =	sadd.s32 $0x980, s12;
	s19 =	sadd.s32 $0x900, s12;
	s21 =	sadd.s32 $0x880, s12  }
0x13: {  	s22 =	sadd.s32 $0x800, s12;
	s11 =	sshrl.u32 s11, $0x3;
	s25 =	sadd.s32 s15, s7  }
0x14: {  	s13 =	sadd.s32 s15, s13;
	s16 =	sshrl.u32 s26, $0x3;
	[smem:$0x7FD] =	sst s3  }
0x15: {  	s20 =	sshrl.u32 s19, $0x3;
	s24 =	sshrl.u32 s22, $0x3;
	[dreg:$0xa] =	wrdreg s25  }
0x16: {  	s26 =	sadd.s32 $0x780, s12;
	[dreg:$0xb] =	wrdreg s13;
	s18 =	sadd.s32 s16, s7  }
0x17: {  	s15 =	sadd.s32 $0x700, s12;
	s13 =	sadd.s32 s20, s7;
	[dreg:$0xc] =	wrdreg s18  }
0x18: {  	s17 =	sadd.s32 s14, s11;
	s25 =	sadd.s32 s24, s7;
	[dreg:$0xd] =	wrdreg s13  }
0x19: {  	s14 =	sshrl.u32 s21, $0x3;
	s9 =	sadd.s32 s9, s11;
	[dreg:$0xf] =	wrdreg s25  }
0x1a: {  	s16 =	sadd.s32 $0x680, s12;
	s11 =	simm.s32 $0x1E08;
	[smem:$0x7DE] =	sst s9  }
0x1b: {  	s21 =	sadd.s32 $0x600, s12;
	s24 =	sadd.s32 $0x500, s12;
	[smem:$0x7ED] =	sst s11  }
0x1c: {  	s23 =	sadd.s32 s14, s7;
	s14 =	sshrl.u32 s26, $0x3;
	[smem:$0x7FB] =	sst s17  }
0x1d: {  	s19 =	sshrl.u32 s16, $0x3;
	s22 =	sshrl.u32 s21, $0x3;
	[dreg:$0xe] =	wrdreg s23  }
0x1e: {  	s13 =	sadd.s32 s14, s7;
	s14 =	sshrl.u32 s15, $0x3;
	s20 =	sadd.s32 s19, s7  }
0x1f: {  	s23 =	sadd.s32 $0x580, s12;
	s15 =	sadd.s32 $0x480, s12;
	[dreg:$0x10] =	wrdreg s13  }
0x20: {  	s19 =	sor.u32 $0x380, s12;
	s18 =	sadd.s32 s14, s7;
	[dreg:$0x12] =	wrdreg s20  }
0x21: {  	s13 =	sadd.s32 s22, s7;
	s14 =	sshrl.u32 s23, $0x3;
	[dreg:$0x11] =	wrdreg s18  }
0x22: {  	s16 =	sshrl.u32 s15, $0x3;
	s15 =	sadd.s32 $0xA, s17;
	[dreg:$0x13] =	wrdreg s13  }
0x23: {  	s21 =	sshrl.u32 s19, $0x3;
	s19 =	sadd.s32 $0x1E, s17;
	[smem:$0x7D6] =	sst s15  }
0x24: {  	s26 =	sshrl.u32 s24, $0x3;
	s25 =	sadd.s32 s14, s7;
	[smem:$0x7D8] =	sst s19  }
0x25: {  	s14 =	sadd.s32 s26, s7;
	[dreg:$0x14] =	wrdreg s25  }
0x26: {  	s13 =	sadd.s32 s16, s7;
	[dreg:$0x15] =	wrdreg s14  }
0x27: {  	s22 =	sadd.s32 s21, s7;
	[dreg:$0x16] =	wrdreg s13  }
0x28: {  	s16 =	sadd.s32 $0x14, s17;
	[dreg:$0x18] =	wrdreg s22  }
0x29: {  	s23 =	sor.u32 $0x300, s12;
	s21 =	sadd.s32 $0x28, s17;
	[smem:$0x7D7] =	sst s16  }
0x2a: {  	s24 =	sshrl.u32 s23, $0x3;
	s23 =	sadd.s32 $0x32, s17;
	[smem:$0x7D9] =	sst s21  }
0x2b: {  	s15 =	simm.s32 $0x1A08;
	[smem:$0x7DA] =	sst s23  }
0x2c: {  	s19 =	sadd.s32 $0x50, s17;
	[smem:$0x7E0] =	sst s15  }
0x2d: {  	s18 =	sadd.s32 $0x400, s12;
	s13 =	sadd.s32 s24, s7;
	[smem:$0x7E1] =	sst s19  }
0x2e: {  	s14 =	sshrl.u32 s18, $0x3;
	s18 =	simm.s32 $0x1708;
	[dreg:$0x19] =	wrdreg s13  }
0x2f: {  	s22 =	simm.s32 $0x1808;
	[dreg:$0x1c] =	wrdreg s18  }
0x30: {  	s24 =	simm.s32 $0x1888;
	[dreg:$0x1e] =	wrdreg s22  }
0x31: {  	s21 =	simm.s32 $0x1B88;
	[dreg:$0x1f] =	wrdreg s24  }
0x32: {  	s23 =	simm.s32 $0x1C08;
	[smem:$0x7E5] =	sst s21  }
0x33: {  	s15 =	simm.s32 $0x1F88;
	[smem:$0x7E6] =	sst s23  }
0x34: {  	s19 =	sadd.s32 $0x82, s17;
	[smem:$0x7F2] =	sst s15  }
0x35: {  	s25 =	sor.u32 $0x280, s12;
	s20 =	sadd.s32 s14, s7;
	[smem:$0x7F4] =	sst s19  }
0x36: {  	s14 =	sshrl.u32 s25, $0x3;
	s25 =	sadd.s32 $0x3C, s17;
	[dreg:$0x17] =	wrdreg s20  }
0x37: {  	s28 =	simm.s32 $0x1688;
	s13 =	sadd.s32 $0x46, s17;
	[smem:$0x7DB] =	sst s25  }
0x38: {  	s29 =	simm.s32 $0x1;
	s18 =	simm.s32 $0x1A88;
	[smem:$0x7DC] =	sst s13  }
0x39: {  	s30 =	simm.s32 $0x80;
	s22 =	sadd.s32 $0x5A, s17;
	[smem:$0x7E2] =	sst s18  }
0x3a: {  	p0 =	sne.s32 s1, $0x0;
	s24 =	simm.s32 $0x1C88;
	[smem:$0x7E4] =	sst s22  }
0x3b: {  	s11 =	simm.s32 $0xE88;
	s21 =	sadd.s32 $0x8C, s17;
	[smem:$0x7E8] =	sst s24  }
0x3c: {  	s12 =	sor.u32 $0x200, s12;
	s23 =	sadd.s32 $0xA0, s17;
	[smem:$0x7F6] =	sst s21  }
0x3d: {  	s12 =	sshrl.u32 s12, $0x3;
	s26 =	sadd.s32 s14, s7;
	[smem:$0x7F8] =	sst s23  }
0x3e: {  	s16 =	smul.u32 $0xC800, s8;
	s7 =	sadd.s32 s12, s7;
	[dreg:$0x1a] =	wrdreg s26  }
0x3f: {  	s15 =	simm.s32 $0x1088;
	s20 =	simm.s32 $0x1788;
	[dreg:$0x1b] =	wrdreg s7  }
0x40: {  	s19 =	simm.s32 $0x1288;
	s14 =	simm.s32 $0x1988;
	[dreg:$0x1d] =	wrdreg s20  }
0x41: {  	s9 =	sadd.s32 s10, s16;
	s25 =	simm.s32 $0x1D08;
	[smem:$0x7DF] =	sst s14  }
0x42: {  	s10 =	sshll.u32 s8, $0x4;
	s13 =	sadd.s32 $0x6E, s17;
	[smem:$0x7EA] =	sst s25  }
0x43: {  	s12 =	simm.s32 $0x1E88;
	s16 =	sadd.s32 $0x78, s17;
	[smem:$0x7EE] =	sst s13  }
0x44: {  	s18 =	simm.s32 $0x2008;
	s22 =	sadd.s32 $0x96, s17;
	[smem:$0x7EF] =	sst s12  }
0x45: {  	s24 =	sadd.s32 $0xAA, s17;
	s21 =	simm.s32 $0x1388;
	[smem:$0x7F1] =	sst s16  }
0x46: {  	s23 =	simm.s32 $0x1488;
	s8 =	simm.s32 $0x0;
	[smem:$0x7F3] =	sst s18  }
0x47: {  	s26 =	simm.s32 $0x1908;
	s20 =	simm.s32 $0x1B08;
	[smem:$0x7F7] =	sst s22  }
0x48: {  	s9 =	sshrl.u32 s9, $0x3;
	s0 =	sadd.s32 s0, s10;
	[smem:$0x7F9] =	sst s24  }
0x49: {  	s14 =	simm.s32 $0x1F08;
	s25 =	sadd.s32 $0xB4, s17;
	[smem:$0x7DD] =	sst s26  }
0x4a: {  	s7 =	simm.s32 $0x2;
	s10 =	simm.s32 $0xE08;
	[smem:$0x7E3] =	sst s20  }
0x4b: {  	s12 =	simm.s32 $0xF08;
	s13 =	simm.s32 $0xF88;
	[smem:$0x7EC] =	sst s0  }
0x4c: {  	s16 =	simm.s32 $0x1108;
	s18 =	simm.s32 $0x1208;
	[smem:$0x7F0] =	sst s14  }
0x4d: {  	s22 =	simm.s32 $0x1408;
	s6 =	sadd.s32 s6, s9;
	[smem:$0x7FA] =	sst s25  }
0x4e: {  	s24 =	simm.s32 $0x1508;
	s26 =	sadd.s32 $0x64, s17;
	[smem:$0x7E7] =	sst s6  }
0x4f: {  	s9 =	simm.s32 $0x1D88;
	s20 =	smax.u32 s5, $0x1;
	[smem:$0x7E9] =	sst s26  }
0x50: {  	s5 =	simm.s32 $0xC88;
	s14 =	simm.s32 $0x1008;
	[smem:$0x7EB] =	sst s9  }
0x51: {  	s25 =	simm.s32 $0x1588;
	[smem:$0x7F5] =	sst s20;
	s26 =	sadd.s32 $0xBE, s17  }
0x52: {  	s6 =	simm.s32 $0xD08;
	s9 =	simm.s32 $0xD88;
	s17 =	simm.s32 $0x1188  }
0x53: {  	s20 =	simm.s32 $0x1308;
	[smem:$0x7FC] =	sst s26;
	s26 =	simm.s32 $0x1608  }
.LBB2_1:
0x54: {  	s0 =	sld [smem:$0x7D4]  }
0x55: {  	[smem:$0x7D1] =	sst s8  }
0x56: {  	s8 =	sld [smem:$0x7D5]  }
0x57: {  	s1 =	sshrl.u32 s0, $0x3  }
0x58: {  	[smem:$0x7D2] =	sst s1  }
0x59: {  	[spmem:s1], [sflag:s3] =	dma.local [hbm:s8], $0x190  }
0x5a: {  	_ =	swait.ge [sflag:s7], $0x190  }
0x5b: {  	s1 =	sshrl.u32 @!p0 s31, $0x3;
	[sflag:s7] =	ssyncset.done $0x0  }
0x5c: {  	[smem:$0x7D3] =	sst s1;
	[sflag:s7] =	ssyncadd.s32 $0xFFFFFE70  }
0x5d: {  	s0 =	rddreg [dreg:$0x4]  }
0x5e: {  	[spmem:s1], [sflag:s3] =	dma.local @!p0 [hbm:s0], $0x10  }
0x5f: {  	s1 =	simm.s32 @!p0 $0x2  }
0x60: {  	_ =	swait.ge @!p0 [sflag:s1], $0x10  }
0x61: {  	[sflag:s1] =	ssyncset.done @!p0 $0x0  }
0x62: {  	[sflag:s1] =	ssyncadd.s32 @!p0 $0xFFFFFFF0  }
0x63: {  	[bflag:$0x0] =	sbarrier.arrive $0xFFFF  }
0x64: {  	s7 =	rddreg [dreg:$0xa]  }
0x65: {  	s1 =	sadd.s32 $0x0, s7  }
0x66: {  	[tilespmem:s5], [sflag:$0x1] =	stream.linear.gather [hbm4b:s1+s4], $0x80, $0x38;
	[tilespmem:$0x2D08] =	vst v63  }
0x67: {  	s8 =	sadd.s32 $0x10, s1  }
0x68: {  	[tilespmem:s6], [sflag:$0x1] =	stream.linear.gather [hbm4b:s8+s4], $0x80, $0x38;
	[tilespmem:$0x2D08] =	vst v63  }
0x69: {  	s0 =	sadd.s32 $0x20, s1  }
0x6a: {  	[tilespmem:s9], [sflag:$0x1] =	stream.linear.gather [hbm4b:s0+s4], $0x80, $0x38;
	[tilespmem:$0x2D08] =	vst v63  }
0x6b: {  	s3 =	rddreg [dreg:$0x1b];
	s1 =	sadd.s32 $0x30, s1  }
0x6c: {  	[tilespmem:s10], [sflag:$0x1] =	stream.linear.gather [hbm4b:s1+s4], $0x80, $0x38;
	[tilespmem:$0x2D08] =	vst v63  }
0x6d: {  	s3 =	sadd.s32 $0x0, s3;
	s0 =	rddreg [dreg:$0x1a]  }
0x6e: {  	[tilespmem:s11], [sflag:$0x1] =	stream.linear.gather [hbm4b:s3+s4], $0x80, $0x38;
	[tilespmem:$0x2D08] =	vst v63  }
0x6f: {  	s8 =	rddreg [dreg:$0x19];
	s0 =	sadd.s32 $0x0, s0  }
0x70: {  	[tilespmem:s12], [sflag:$0x1] =	stream.linear.gather [hbm4b:s0+s4], $0x80, $0x38;
	[tilespmem:$0x2D08] =	vst v63  }
0x71: {  	s8 =	sadd.s32 $0x0, s8;
	s3 =	rddreg [dreg:$0x18]  }
0x72: {  	[tilespmem:s13], [sflag:$0x1] =	stream.linear.gather [hbm4b:s8+s4], $0x80, $0x38;
	[tilespmem:$0x2D08] =	vst v63  }
0x73: {  	s3 =	sadd.s32 $0x0, s3;
	s0 =	rddreg [dreg:$0x17]  }
0x74: {  	[tilespmem:s14], [sflag:$0x1] =	stream.linear.gather [hbm4b:s3+s4], $0x80, $0x38;
	[tilespmem:$0x2D08] =	vst v63  }
0x75: {  	s7 =	rddreg [dreg:$0x16];
	s0 =	sadd.s32 $0x0, s0  }
0x76: {  	[tilespmem:s15], [sflag:$0x1] =	stream.linear.gather [hbm4b:s0+s4], $0x80, $0x38;
	[tilespmem:$0x2D08] =	vst v63  }
0x77: {  	s7 =	sadd.s32 $0x0, s7;
	s3 =	rddreg [dreg:$0x15]  }
0x78: {  	[tilespmem:s16], [sflag:$0x1] =	stream.linear.gather [hbm4b:s7+s4], $0x80, $0x38;
	[tilespmem:$0x2D08] =	vst v63  }
0x79: {  	s3 =	sadd.s32 $0x0, s3;
	s0 =	rddreg [dreg:$0x14]  }
0x7a: {  	[tilespmem:s17], [sflag:$0x1] =	stream.linear.gather [hbm4b:s3+s4], $0x80, $0x38;
	[tilespmem:$0x2D08] =	vst v63  }
0x7b: {  	s8 =	rddreg [dreg:$0x13];
	s0 =	sadd.s32 $0x0, s0  }
0x7c: {  	[tilespmem:s18], [sflag:$0x1] =	stream.linear.gather [hbm4b:s0+s4], $0x80, $0x38;
	[tilespmem:$0x2D08] =	vst v63  }
0x7d: {  	s8 =	sadd.s32 $0x0, s8;
	s3 =	rddreg [dreg:$0x12]  }
0x7e: {  	[tilespmem:s19], [sflag:$0x1] =	stream.linear.gather [hbm4b:s8+s4], $0x80, $0x38;
	[tilespmem:$0x2D08] =	vst v63  }
0x7f: {  	s3 =	sadd.s32 $0x0, s3;
	s0 =	rddreg [dreg:$0x11]  }
0x80: {  	[tilespmem:s20], [sflag:$0x1] =	stream.linear.gather [hbm4b:s3+s4], $0x80, $0x38;
	[tilespmem:$0x2D08] =	vst v63  }
0x81: {  	s7 =	rddreg [dreg:$0x10];
	s0 =	sadd.s32 $0x0, s0  }
0x82: {  	[tilespmem:s21], [sflag:$0x1] =	stream.linear.gather [hbm4b:s0+s4], $0x80, $0x38;
	[tilespmem:$0x2D08] =	vst v63  }
0x83: {  	s7 =	sadd.s32 $0x0, s7;
	s3 =	rddreg [dreg:$0xf]  }
0x84: {  	[tilespmem:s22], [sflag:$0x1] =	stream.linear.gather [hbm4b:s7+s4], $0x80, $0x38;
	[tilespmem:$0x2D08] =	vst v63  }
0x85: {  	s3 =	sadd.s32 $0x0, s3;
	s0 =	rddreg [dreg:$0xe]  }
0x86: {  	[tilespmem:s23], [sflag:$0x1] =	stream.linear.gather [hbm4b:s3+s4], $0x80, $0x38;
	[tilespmem:$0x2D08] =	vst v63  }
0x87: {  	s8 =	rddreg [dreg:$0xd];
	s0 =	sadd.s32 $0x0, s0  }
0x88: {  	[tilespmem:s24], [sflag:$0x1] =	stream.linear.gather [hbm4b:s0+s4], $0x80, $0x38;
	[tilespmem:$0x2D08] =	vst v63  }
0x89: {  	s8 =	sadd.s32 $0x0, s8;
	s3 =	rddreg [dreg:$0xc]  }
0x8a: {  	[tilespmem:s25], [sflag:$0x1] =	stream.linear.gather [hbm4b:s8+s4], $0x80, $0x38;
	[tilespmem:$0x2D08] =	vst v63  }
0x8b: {  	s3 =	sadd.s32 $0x0, s3;
	s0 =	rddreg [dreg:$0xb]  }
0x8c: {  	[tilespmem:s26], [sflag:$0x1] =	stream.linear.gather [hbm4b:s3+s4], $0x80, $0x38;
	[tilespmem:$0x2D08] =	vst v63  }
0x8d: {  	s7 =	sadd.s32 $0x0, s0  }
0x8e: {  	[tilespmem:s28], [sflag:$0x1] =	stream.linear.gather [hbm4b:s7+s4], $0xA00, $0x38;
	[tilespmem:$0x2D08] =	vst v63  }
0x8f: {  	_ =	swait.ge [sflag:s29], $0x80  }
0x90: {  	[sflag:s29] =	ssyncset.done $0x0  }
0x91: {  	[sflag:s29] =	ssyncadd.s32 $0xFFFFFF80  }
0x92: {  	_ =	swait.ge [sflag:s29], $0x80  }
0x93: {  	[sflag:s29] =	ssyncset.done $0x0  }
0x94: {  	[sflag:s29] =	ssyncadd.s32 $0xFFFFFF80  }
0x95: {  	_ =	swait.ge [sflag:s29], $0x80  }
0x96: {  	[sflag:s29] =	ssyncset.done $0x0  }
0x97: {  	[sflag:s29] =	ssyncadd.s32 $0xFFFFFF80  }
0x98: {  	_ =	swait.ge [sflag:s29], $0x80  }
0x99: {  	[sflag:s29] =	ssyncset.done $0x0  }
0x9a: {  	[sflag:s29] =	ssyncadd.s32 $0xFFFFFF80  }
0x9b: {  	_ =	swait.ge [sflag:s29], $0x80  }
0x9c: {  	[sflag:s29] =	ssyncset.done $0x0  }
0x9d: {  	[sflag:s29] =	ssyncadd.s32 $0xFFFFFF80  }
0x9e: {  	_ =	swait.ge [sflag:s29], $0x80  }
0x9f: {  	[sflag:s29] =	ssyncset.done $0x0  }
0xa0: {  	[sflag:s29] =	ssyncadd.s32 $0xFFFFFF80  }
0xa1: {  	_ =	swait.ge [sflag:s29], $0x80  }
0xa2: {  	[sflag:s29] =	ssyncset.done $0x0  }
0xa3: {  	[sflag:s29] =	ssyncadd.s32 $0xFFFFFF80  }
0xa4: {  	_ =	swait.ge [sflag:s29], $0x80  }
0xa5: {  	[sflag:s29] =	ssyncset.done $0x0  }
0xa6: {  	[sflag:s29] =	ssyncadd.s32 $0xFFFFFF80  }
0xa7: {  	_ =	swait.ge [sflag:s29], $0x80  }
0xa8: {  	[sflag:s29] =	ssyncset.done $0x0  }
0xa9: {  	[sflag:s29] =	ssyncadd.s32 $0xFFFFFF80  }
0xaa: {  	_ =	swait.ge [sflag:s29], $0x80  }
0xab: {  	[sflag:s29] =	ssyncset.done $0x0  }
0xac: {  	[sflag:s29] =	ssyncadd.s32 $0xFFFFFF80  }
0xad: {  	_ =	swait.ge [sflag:s29], $0x80  }
0xae: {  	[sflag:s29] =	ssyncset.done $0x0  }
0xaf: {  	[sflag:s29] =	ssyncadd.s32 $0xFFFFFF80  }
0xb0: {  	_ =	swait.ge [sflag:s29], $0x80  }
0xb1: {  	[sflag:s29] =	ssyncset.done $0x0  }
0xb2: {  	[sflag:s29] =	ssyncadd.s32 $0xFFFFFF80  }
0xb3: {  	_ =	swait.ge [sflag:s29], $0x80  }
0xb4: {  	[sflag:s29] =	ssyncset.done $0x0  }
0xb5: {  	[sflag:s29] =	ssyncadd.s32 $0xFFFFFF80  }
0xb6: {  	_ =	swait.ge [sflag:s29], $0x80  }
0xb7: {  	[sflag:s29] =	ssyncset.done $0x0  }
0xb8: {  	[sflag:s29] =	ssyncadd.s32 $0xFFFFFF80  }
0xb9: {  	_ =	swait.ge [sflag:s29], $0x80  }
0xba: {  	[sflag:s29] =	ssyncset.done $0x0  }
0xbb: {  	[sflag:s29] =	ssyncadd.s32 $0xFFFFFF80  }
0xbc: {  	_ =	swait.ge [sflag:s29], $0x80  }
0xbd: {  	[sflag:s29] =	ssyncset.done $0x0  }
0xbe: {  	[sflag:s29] =	ssyncadd.s32 $0xFFFFFF80  }
0xbf: {  	_ =	swait.ge [sflag:s29], $0x80  }
0xc0: {  	[sflag:s29] =	ssyncset.done $0x0  }
0xc1: {  	[sflag:s29] =	ssyncadd.s32 $0xFFFFFF80  }
0xc2: {  	_ =	swait.ge [sflag:s29], $0x80  }
0xc3: {  	[sflag:s29] =	ssyncset.done $0x0  }
0xc4: {  	[sflag:s29] =	ssyncadd.s32 $0xFFFFFF80  }
0xc5: {  	_ =	swait.ge [sflag:s29], $0x80  }
0xc6: {  	[sflag:s29] =	ssyncset.done $0x0  }
0xc7: {  	[sflag:s29] =	ssyncadd.s32 $0xFFFFFF80  }
0xc8: {  	_ =	swait.ge [sflag:s29], $0x80  }
0xc9: {  	[sflag:s29] =	ssyncset.done $0x0  }
0xca: {  	[sflag:s29] =	ssyncadd.s32 $0xFFFFFF80  }
0xcb: {  	_ =	swait.ge [sflag:s29], $0xA00  }
0xcc: {  	[sflag:s29] =	ssyncset.done $0x0  }
0xcd: {  	s8 =	rddreg [dreg:$0x1c];
	[sflag:s29] =	ssyncadd.s32 $0xFFFFF600  }
0xce: {  	[spmem:s2] =	stream.indirect.scatter.add.f32 [tilespmem:s28], [sflag:$0x1], $0x1, s5, s30, $0xb8;
	[tilespmem:$0x2D08] =	vst v63  }
0xcf: {  	s0 =	rddreg [dreg:$0x1d]  }
0xd0: {  	[spmem:s2] =	stream.indirect.scatter.add.f32 [tilespmem:s8], [sflag:$0x1], $0x1, s6, s30, $0xb8;
	[tilespmem:$0x2D08] =	vst v63  }
0xd1: {  	s3 =	rddreg [dreg:$0x1e]  }
0xd2: {  	[spmem:s2] =	stream.indirect.scatter.add.f32 [tilespmem:s0], [sflag:$0x1], $0x1, s9, s30, $0xb8;
	[tilespmem:$0x2D08] =	vst v63  }
0xd3: {  	s8 =	rddreg [dreg:$0x1f]  }
0xd4: {  	[spmem:s2] =	stream.indirect.scatter.add.f32 [tilespmem:s3], [sflag:$0x1], $0x1, s10, s30, $0xb8;
	[tilespmem:$0x2D08] =	vst v63  }
0xd5: {  	s0 =	sld [smem:$0x7DD]  }
0xd6: {  	[spmem:s2] =	stream.indirect.scatter.add.f32 [tilespmem:s8], [sflag:$0x1], $0x1, s11, s30, $0xb8;
	[tilespmem:$0x2D08] =	vst v63  }
0xd7: {  	s3 =	sld [smem:$0x7DF]  }
0xd8: {  	[spmem:s2] =	stream.indirect.scatter.add.f32 [tilespmem:s0], [sflag:$0x1], $0x1, s12, s30, $0xb8;
	[tilespmem:$0x2D08] =	vst v63  }
0xd9: {  	s8 =	sld [smem:$0x7E0]  }
0xda: {  	[spmem:s2] =	stream.indirect.scatter.add.f32 [tilespmem:s3], [sflag:$0x1], $0x1, s13, s30, $0xb8;
	[tilespmem:$0x2D08] =	vst v63  }
0xdb: {  	s0 =	sld [smem:$0x7E2]  }
0xdc: {  	[spmem:s2] =	stream.indirect.scatter.add.f32 [tilespmem:s8], [sflag:$0x1], $0x1, s14, s30, $0xb8;
	[tilespmem:$0x2D08] =	vst v63  }
0xdd: {  	s3 =	sld [smem:$0x7E3]  }
0xde: {  	[spmem:s2] =	stream.indirect.scatter.add.f32 [tilespmem:s0], [sflag:$0x1], $0x1, s15, s30, $0xb8;
	[tilespmem:$0x2D08] =	vst v63  }
0xdf: {  	s8 =	sld [smem:$0x7E5]  }
0xe0: {  	[spmem:s2] =	stream.indirect.scatter.add.f32 [tilespmem:s3], [sflag:$0x1], $0x1, s16, s30, $0xb8;
	[tilespmem:$0x2D08] =	vst v63  }
0xe1: {  	s0 =	sld [smem:$0x7E6]  }
0xe2: {  	[spmem:s2] =	stream.indirect.scatter.add.f32 [tilespmem:s8], [sflag:$0x1], $0x1, s17, s30, $0xb8;
	[tilespmem:$0x2D08] =	vst v63  }
0xe3: {  	s3 =	sld [smem:$0x7E8]  }
0xe4: {  	[spmem:s2] =	stream.indirect.scatter.add.f32 [tilespmem:s0], [sflag:$0x1], $0x1, s18, s30, $0xb8;
	[tilespmem:$0x2D08] =	vst v63  }
0xe5: {  	s8 =	sld [smem:$0x7EA]  }
0xe6: {  	[spmem:s2] =	stream.indirect.scatter.add.f32 [tilespmem:s3], [sflag:$0x1], $0x1, s19, s30, $0xb8;
	[tilespmem:$0x2D08] =	vst v63  }
0xe7: {  	s0 =	sld [smem:$0x7EB]  }
0xe8: {  	[spmem:s2] =	stream.indirect.scatter.add.f32 [tilespmem:s8], [sflag:$0x1], $0x1, s20, s30, $0xb8;
	[tilespmem:$0x2D08] =	vst v63  }
0xe9: {  	s3 =	sld [smem:$0x7ED]  }
0xea: {  	[spmem:s2] =	stream.indirect.scatter.add.f32 [tilespmem:s0], [sflag:$0x1], $0x1, s21, s30, $0xb8;
	[tilespmem:$0x2D08] =	vst v63  }
0xeb: {  	s8 =	sld [smem:$0x7EF]  }
0xec: {  	[spmem:s2] =	stream.indirect.scatter.add.f32 [tilespmem:s3], [sflag:$0x1], $0x1, s22, s30, $0xb8;
	[tilespmem:$0x2D08] =	vst v63  }
0xed: {  	s0 =	sld [smem:$0x7F0]  }
0xee: {  	[spmem:s2] =	stream.indirect.scatter.add.f32 [tilespmem:s8], [sflag:$0x1], $0x1, s23, s30, $0xb8;
	[tilespmem:$0x2D08] =	vst v63  }
0xef: {  	s3 =	sld [smem:$0x7F2]  }
0xf0: {  	[spmem:s2] =	stream.indirect.scatter.add.f32 [tilespmem:s0], [sflag:$0x1], $0x1, s24, s30, $0xb8;
	[tilespmem:$0x2D08] =	vst v63  }
0xf1: {  	s8 =	sld [smem:$0x7F3]  }
0xf2: {  	[spmem:s2] =	stream.indirect.scatter.add.f32 [tilespmem:s3], [sflag:$0x1], $0x1, s25, s30, $0xb8;
	[tilespmem:$0x2D08] =	vst v63  }
0xf3: {  	_ = 	snop  }
0xf4: {  	[spmem:s2] =	stream.indirect.scatter.add.f32 [tilespmem:s8], [sflag:$0x1], $0x1, s26, s30, $0xb8;
	[tilespmem:$0x2D08] =	vst v63  }
0xf5: {  	_ =	swait.ge [sflag:s29], $0x80  }
0xf6: {  	[sflag:s29] =	ssyncset.done $0x0  }
0xf7: {  	[sflag:s29] =	ssyncadd.s32 $0xFFFFFF80  }
0xf8: {  	_ =	swait.ge [sflag:s29], $0x80  }
0xf9: {  	[sflag:s29] =	ssyncset.done $0x0  }
0xfa: {  	[sflag:s29] =	ssyncadd.s32 $0xFFFFFF80  }
0xfb: {  	_ =	swait.ge [sflag:s29], $0x80  }
0xfc: {  	[sflag:s29] =	ssyncset.done $0x0  }
0xfd: {  	[sflag:s29] =	ssyncadd.s32 $0xFFFFFF80  }
0xfe: {  	_ =	swait.ge [sflag:s29], $0x80  }
0xff: {  	[sflag:s29] =	ssyncset.done $0x0  }
0x100: {  	[sflag:s29] =	ssyncadd.s32 $0xFFFFFF80  }
0x101: {  	_ =	swait.ge [sflag:s29], $0x80  }
0x102: {  	[sflag:s29] =	ssyncset.done $0x0  }
0x103: {  	[sflag:s29] =	ssyncadd.s32 $0xFFFFFF80  }
0x104: {  	_ =	swait.ge [sflag:s29], $0x80  }
0x105: {  	[sflag:s29] =	ssyncset.done $0x0  }
0x106: {  	[sflag:s29] =	ssyncadd.s32 $0xFFFFFF80  }
0x107: {  	_ =	swait.ge [sflag:s29], $0x80  }
0x108: {  	[sflag:s29] =	ssyncset.done $0x0  }
0x109: {  	[sflag:s29] =	ssyncadd.s32 $0xFFFFFF80  }
0x10a: {  	_ =	swait.ge [sflag:s29], $0x80  }
0x10b: {  	[sflag:s29] =	ssyncset.done $0x0  }
0x10c: {  	[sflag:s29] =	ssyncadd.s32 $0xFFFFFF80  }
0x10d: {  	_ =	swait.ge [sflag:s29], $0x80  }
0x10e: {  	[sflag:s29] =	ssyncset.done $0x0  }
0x10f: {  	[sflag:s29] =	ssyncadd.s32 $0xFFFFFF80  }
0x110: {  	_ =	swait.ge [sflag:s29], $0x80  }
0x111: {  	[sflag:s29] =	ssyncset.done $0x0  }
0x112: {  	[sflag:s29] =	ssyncadd.s32 $0xFFFFFF80  }
0x113: {  	_ =	swait.ge [sflag:s29], $0x80  }
0x114: {  	[sflag:s29] =	ssyncset.done $0x0  }
0x115: {  	[sflag:s29] =	ssyncadd.s32 $0xFFFFFF80  }
0x116: {  	_ =	swait.ge [sflag:s29], $0x80  }
0x117: {  	[sflag:s29] =	ssyncset.done $0x0  }
0x118: {  	[sflag:s29] =	ssyncadd.s32 $0xFFFFFF80  }
0x119: {  	_ =	swait.ge [sflag:s29], $0x80  }
0x11a: {  	[sflag:s29] =	ssyncset.done $0x0  }
0x11b: {  	[sflag:s29] =	ssyncadd.s32 $0xFFFFFF80  }
0x11c: {  	_ =	swait.ge [sflag:s29], $0x80  }
0x11d: {  	[sflag:s29] =	ssyncset.done $0x0  }
0x11e: {  	[sflag:s29] =	ssyncadd.s32 $0xFFFFFF80  }
0x11f: {  	_ =	swait.ge [sflag:s29], $0x80  }
0x120: {  	[sflag:s29] =	ssyncset.done $0x0  }
0x121: {  	[sflag:s29] =	ssyncadd.s32 $0xFFFFFF80  }
0x122: {  	_ =	swait.ge [sflag:s29], $0x80  }
0x123: {  	[sflag:s29] =	ssyncset.done $0x0  }
0x124: {  	[sflag:s29] =	ssyncadd.s32 $0xFFFFFF80  }
0x125: {  	_ =	swait.ge [sflag:s29], $0x80  }
0x126: {  	[sflag:s29] =	ssyncset.done $0x0  }
0x127: {  	[sflag:s29] =	ssyncadd.s32 $0xFFFFFF80  }
0x128: {  	_ =	swait.ge [sflag:s29], $0x80  }
0x129: {  	[sflag:s29] =	ssyncset.done $0x0  }
0x12a: {  	[sflag:s29] =	ssyncadd.s32 $0xFFFFFF80  }
0x12b: {  	_ =	swait.ge [sflag:s29], $0x80  }
0x12c: {  	[sflag:s29] =	ssyncset.done $0x0  }
0x12d: {  	[sflag:s29] =	ssyncadd.s32 $0xFFFFFF80  }
0x12e: {  	s1 =	simm.s32 $0x280;
	_ =	swait.ge [sflag:s29], $0x80  }
0x12f: {  	s8 =	simm.s32 $0x140;
	s31 =	rddreg [dreg:$0xa];
	[sflag:s29] =	ssyncset.done $0x0  }
.LBB2_2:
0x130: {  	[sflag:s29] =	ssyncadd.s32 $0xFFFFFF80;
	s31 =	sadd.s32 s8, s31  }
0x131: {  	[tilespmem:s5], [sflag:$0x1] =	stream.linear.gather [hbm4b:s31+s4], $0x80, $0x38;
	[tilespmem:$0x2D08] =	vst v63  }
0x132: {  	s3 =	sadd.s32 $0x10, s31  }
0x133: {  	[tilespmem:s6], [sflag:$0x1] =	stream.linear.gather [hbm4b:s3+s4], $0x80, $0x38;
	[tilespmem:$0x2D08] =	vst v63  }
0x134: {  	s3 =	sadd.s32 $0x20, s31  }
0x135: {  	[tilespmem:s9], [sflag:$0x1] =	stream.linear.gather [hbm4b:s3+s4], $0x80, $0x38;
	[tilespmem:$0x2D08] =	vst v63  }
0x136: {  	s0 =	rddreg [dreg:$0x1b];
	s3 =	sadd.s32 $0x30, s31  }
0x137: {  	[tilespmem:s10], [sflag:$0x1] =	stream.linear.gather [hbm4b:s3+s4], $0x80, $0x38;
	[tilespmem:$0x2D08] =	vst v63  }
0x138: {  	s0 =	sadd.s32 s8, s0;
	s31 =	rddreg [dreg:$0x1a]  }
0x139: {  	[tilespmem:s11], [sflag:$0x1] =	stream.linear.gather [hbm4b:s0+s4], $0x80, $0x38;
	[tilespmem:$0x2D08] =	vst v63  }
0x13a: {  	s3 =	rddreg [dreg:$0x19];
	s0 =	sadd.s32 s8, s31  }
0x13b: {  	[tilespmem:s12], [sflag:$0x1] =	stream.linear.gather [hbm4b:s0+s4], $0x80, $0x38;
	[tilespmem:$0x2D08] =	vst v63  }
0x13c: {  	s31 =	rddreg [dreg:$0x18];
	s0 =	sadd.s32 s8, s3  }
0x13d: {  	[tilespmem:s13], [sflag:$0x1] =	stream.linear.gather [hbm4b:s0+s4], $0x80, $0x38;
	[tilespmem:$0x2D08] =	vst v63  }
0x13e: {  	s3 =	rddreg [dreg:$0x17];
	s0 =	sadd.s32 s8, s31  }
0x13f: {  	[tilespmem:s14], [sflag:$0x1] =	stream.linear.gather [hbm4b:s0+s4], $0x80, $0x38;
	[tilespmem:$0x2D08] =	vst v63  }
0x140: {  	s31 =	rddreg [dreg:$0x16];
	s0 =	sadd.s32 s8, s3  }
0x141: {  	[tilespmem:s15], [sflag:$0x1] =	stream.linear.gather [hbm4b:s0+s4], $0x80, $0x38;
	[tilespmem:$0x2D08] =	vst v63  }
0x142: {  	s3 =	rddreg [dreg:$0x15];
	s0 =	sadd.s32 s8, s31  }
0x143: {  	[tilespmem:s16], [sflag:$0x1] =	stream.linear.gather [hbm4b:s0+s4], $0x80, $0x38;
	[tilespmem:$0x2D08] =	vst v63  }
0x144: {  	s31 =	rddreg [dreg:$0x14];
	s0 =	sadd.s32 s8, s3  }
0x145: {  	[tilespmem:s17], [sflag:$0x1] =	stream.linear.gather [hbm4b:s0+s4], $0x80, $0x38;
	[tilespmem:$0x2D08] =	vst v63  }
0x146: {  	s3 =	rddreg [dreg:$0x13];
	s0 =	sadd.s32 s8, s31  }
0x147: {  	[tilespmem:s18], [sflag:$0x1] =	stream.linear.gather [hbm4b:s0+s4], $0x80, $0x38;
	[tilespmem:$0x2D08] =	vst v63  }
0x148: {  	s31 =	rddreg [dreg:$0x12];
	s0 =	sadd.s32 s8, s3  }
0x149: {  	[tilespmem:s19], [sflag:$0x1] =	stream.linear.gather [hbm4b:s0+s4], $0x80, $0x38;
	[tilespmem:$0x2D08] =	vst v63  }
0x14a: {  	s3 =	rddreg [dreg:$0x11];
	s0 =	sadd.s32 s8, s31  }
0x14b: {  	[tilespmem:s20], [sflag:$0x1] =	stream.linear.gather [hbm4b:s0+s4], $0x80, $0x38;
	[tilespmem:$0x2D08] =	vst v63  }
0x14c: {  	s31 =	rddreg [dreg:$0x10];
	s0 =	sadd.s32 s8, s3  }
0x14d: {  	[tilespmem:s21], [sflag:$0x1] =	stream.linear.gather [hbm4b:s0+s4], $0x80, $0x38;
	[tilespmem:$0x2D08] =	vst v63  }
0x14e: {  	s3 =	rddreg [dreg:$0xf];
	s0 =	sadd.s32 s8, s31  }
0x14f: {  	[tilespmem:s22], [sflag:$0x1] =	stream.linear.gather [hbm4b:s0+s4], $0x80, $0x38;
	[tilespmem:$0x2D08] =	vst v63  }
0x150: {  	s31 =	rddreg [dreg:$0xe];
	s0 =	sadd.s32 s8, s3  }
0x151: {  	[tilespmem:s23], [sflag:$0x1] =	stream.linear.gather [hbm4b:s0+s4], $0x80, $0x38;
	[tilespmem:$0x2D08] =	vst v63  }
0x152: {  	s3 =	rddreg [dreg:$0xd];
	s0 =	sadd.s32 s8, s31  }
0x153: {  	[tilespmem:s24], [sflag:$0x1] =	stream.linear.gather [hbm4b:s0+s4], $0x80, $0x38;
	[tilespmem:$0x2D08] =	vst v63  }
0x154: {  	s31 =	rddreg [dreg:$0xc];
	s0 =	sadd.s32 s8, s3  }
0x155: {  	[tilespmem:s25], [sflag:$0x1] =	stream.linear.gather [hbm4b:s0+s4], $0x80, $0x38;
	[tilespmem:$0x2D08] =	vst v63  }
0x156: {  	s3 =	rddreg [dreg:$0xb];
	s0 =	sadd.s32 s8, s31  }
0x157: {  	[tilespmem:s26], [sflag:$0x1] =	stream.linear.gather [hbm4b:s0+s4], $0x80, $0x38;
	[tilespmem:$0x2D08] =	vst v63  }
0x158: {  	s3 =	sadd.s32 s8, s3  }
0x159: {  	[tilespmem:s28], [sflag:$0x1] =	stream.linear.gather [hbm4b:s3+s4], $0xA00, $0x38;
	[tilespmem:$0x2D08] =	vst v63  }
0x15a: {  	_ =	swait.ge [sflag:s29], $0x80  }
0x15b: {  	[sflag:s29] =	ssyncset.done $0x0  }
0x15c: {  	[sflag:s29] =	ssyncadd.s32 $0xFFFFFF80  }
0x15d: {  	_ =	swait.ge [sflag:s29], $0x80  }
0x15e: {  	[sflag:s29] =	ssyncset.done $0x0  }
0x15f: {  	[sflag:s29] =	ssyncadd.s32 $0xFFFFFF80  }
0x160: {  	_ =	swait.ge [sflag:s29], $0x80  }
0x161: {  	[sflag:s29] =	ssyncset.done $0x0  }
0x162: {  	[sflag:s29] =	ssyncadd.s32 $0xFFFFFF80  }
0x163: {  	_ =	swait.ge [sflag:s29], $0x80  }
0x164: {  	[sflag:s29] =	ssyncset.done $0x0  }
0x165: {  	[sflag:s29] =	ssyncadd.s32 $0xFFFFFF80  }
0x166: {  	_ =	swait.ge [sflag:s29], $0x80  }
0x167: {  	[sflag:s29] =	ssyncset.done $0x0  }
0x168: {  	[sflag:s29] =	ssyncadd.s32 $0xFFFFFF80  }
0x169: {  	_ =	swait.ge [sflag:s29], $0x80  }
0x16a: {  	[sflag:s29] =	ssyncset.done $0x0  }
0x16b: {  	[sflag:s29] =	ssyncadd.s32 $0xFFFFFF80  }
0x16c: {  	_ =	swait.ge [sflag:s29], $0x80  }
0x16d: {  	[sflag:s29] =	ssyncset.done $0x0  }
0x16e: {  	[sflag:s29] =	ssyncadd.s32 $0xFFFFFF80  }
0x16f: {  	_ =	swait.ge [sflag:s29], $0x80  }
0x170: {  	[sflag:s29] =	ssyncset.done $0x0  }
0x171: {  	[sflag:s29] =	ssyncadd.s32 $0xFFFFFF80  }
0x172: {  	_ =	swait.ge [sflag:s29], $0x80  }
0x173: {  	[sflag:s29] =	ssyncset.done $0x0  }
0x174: {  	[sflag:s29] =	ssyncadd.s32 $0xFFFFFF80  }
0x175: {  	_ =	swait.ge [sflag:s29], $0x80  }
0x176: {  	[sflag:s29] =	ssyncset.done $0x0  }
0x177: {  	[sflag:s29] =	ssyncadd.s32 $0xFFFFFF80  }
0x178: {  	_ =	swait.ge [sflag:s29], $0x80  }
0x179: {  	[sflag:s29] =	ssyncset.done $0x0  }
0x17a: {  	[sflag:s29] =	ssyncadd.s32 $0xFFFFFF80  }
0x17b: {  	_ =	swait.ge [sflag:s29], $0x80  }
0x17c: {  	[sflag:s29] =	ssyncset.done $0x0  }
0x17d: {  	[sflag:s29] =	ssyncadd.s32 $0xFFFFFF80  }
0x17e: {  	_ =	swait.ge [sflag:s29], $0x80  }
0x17f: {  	[sflag:s29] =	ssyncset.done $0x0  }
0x180: {  	[sflag:s29] =	ssyncadd.s32 $0xFFFFFF80  }
0x181: {  	_ =	swait.ge [sflag:s29], $0x80  }
0x182: {  	[sflag:s29] =	ssyncset.done $0x0  }
0x183: {  	[sflag:s29] =	ssyncadd.s32 $0xFFFFFF80  }
0x184: {  	_ =	swait.ge [sflag:s29], $0x80  }
0x185: {  	[sflag:s29] =	ssyncset.done $0x0  }
0x186: {  	[sflag:s29] =	ssyncadd.s32 $0xFFFFFF80  }
0x187: {  	_ =	swait.ge [sflag:s29], $0x80  }
0x188: {  	[sflag:s29] =	ssyncset.done $0x0  }
0x189: {  	[sflag:s29] =	ssyncadd.s32 $0xFFFFFF80  }
0x18a: {  	_ =	swait.ge [sflag:s29], $0x80  }
0x18b: {  	[sflag:s29] =	ssyncset.done $0x0  }
0x18c: {  	[sflag:s29] =	ssyncadd.s32 $0xFFFFFF80  }
0x18d: {  	_ =	swait.ge [sflag:s29], $0x80  }
0x18e: {  	[sflag:s29] =	ssyncset.done $0x0  }
0x18f: {  	[sflag:s29] =	ssyncadd.s32 $0xFFFFFF80  }
0x190: {  	_ =	swait.ge [sflag:s29], $0x80  }
0x191: {  	[sflag:s29] =	ssyncset.done $0x0  }
0x192: {  	[sflag:s29] =	ssyncadd.s32 $0xFFFFFF80  }
0x193: {  	_ =	swait.ge [sflag:s29], $0x80  }
0x194: {  	[sflag:s29] =	ssyncset.done $0x0  }
0x195: {  	[sflag:s29] =	ssyncadd.s32 $0xFFFFFF80  }
0x196: {  	_ =	swait.ge [sflag:s29], $0xA00  }
0x197: {  	s7 =	smov.u32 s1;
	[sflag:s29] =	ssyncset.done $0x0  }
0x198: {  	s8 =	smov.u32 s7;
	s7 =	rddreg [dreg:$0x1c];
	[sflag:s29] =	ssyncadd.s32 $0xFFFFF600  }
0x199: {  	[spmem:s2] =	stream.indirect.scatter.add.f32 [tilespmem:s28], [sflag:$0x1], $0x1, s5, s30, $0xb8;
	[tilespmem:$0x2D08] =	vst v63  }
0x19a: {  	s3 =	rddreg [dreg:$0x1d]  }
0x19b: {  	[spmem:s2] =	stream.indirect.scatter.add.f32 [tilespmem:s7], [sflag:$0x1], $0x1, s6, s30, $0xb8;
	[tilespmem:$0x2D08] =	vst v63  }
0x19c: {  	s7 =	rddreg [dreg:$0x1e]  }
0x19d: {  	[spmem:s2] =	stream.indirect.scatter.add.f32 [tilespmem:s3], [sflag:$0x1], $0x1, s9, s30, $0xb8;
	[tilespmem:$0x2D08] =	vst v63  }
0x19e: {  	s3 =	rddreg [dreg:$0x1f]  }
0x19f: {  	[spmem:s2] =	stream.indirect.scatter.add.f32 [tilespmem:s7], [sflag:$0x1], $0x1, s10, s30, $0xb8;
	[tilespmem:$0x2D08] =	vst v63  }
0x1a0: {  	s7 =	sld [smem:$0x7DD]  }
0x1a1: {  	[spmem:s2] =	stream.indirect.scatter.add.f32 [tilespmem:s3], [sflag:$0x1], $0x1, s11, s30, $0xb8;
	[tilespmem:$0x2D08] =	vst v63  }
0x1a2: {  	s3 =	sld [smem:$0x7DF]  }
0x1a3: {  	[spmem:s2] =	stream.indirect.scatter.add.f32 [tilespmem:s7], [sflag:$0x1], $0x1, s12, s30, $0xb8;
	[tilespmem:$0x2D08] =	vst v63  }
0x1a4: {  	s7 =	sld [smem:$0x7E0]  }
0x1a5: {  	[spmem:s2] =	stream.indirect.scatter.add.f32 [tilespmem:s3], [sflag:$0x1], $0x1, s13, s30, $0xb8;
	[tilespmem:$0x2D08] =	vst v63  }
0x1a6: {  	s3 =	sld [smem:$0x7E2]  }
0x1a7: {  	[spmem:s2] =	stream.indirect.scatter.add.f32 [tilespmem:s7], [sflag:$0x1], $0x1, s14, s30, $0xb8;
	[tilespmem:$0x2D08] =	vst v63  }
0x1a8: {  	s7 =	sld [smem:$0x7E3]  }
0x1a9: {  	[spmem:s2] =	stream.indirect.scatter.add.f32 [tilespmem:s3], [sflag:$0x1], $0x1, s15, s30, $0xb8;
	[tilespmem:$0x2D08] =	vst v63  }
0x1aa: {  	s3 =	sld [smem:$0x7E5]  }
0x1ab: {  	[spmem:s2] =	stream.indirect.scatter.add.f32 [tilespmem:s7], [sflag:$0x1], $0x1, s16, s30, $0xb8;
	[tilespmem:$0x2D08] =	vst v63  }
0x1ac: {  	s7 =	sld [smem:$0x7E6]  }
0x1ad: {  	[spmem:s2] =	stream.indirect.scatter.add.f32 [tilespmem:s3], [sflag:$0x1], $0x1, s17, s30, $0xb8;
	[tilespmem:$0x2D08] =	vst v63  }
0x1ae: {  	s3 =	sld [smem:$0x7E8]  }
0x1af: {  	[spmem:s2] =	stream.indirect.scatter.add.f32 [tilespmem:s7], [sflag:$0x1], $0x1, s18, s30, $0xb8;
	[tilespmem:$0x2D08] =	vst v63  }
0x1b0: {  	s7 =	sld [smem:$0x7EA]  }
0x1b1: {  	[spmem:s2] =	stream.indirect.scatter.add.f32 [tilespmem:s3], [sflag:$0x1], $0x1, s19, s30, $0xb8;
	[tilespmem:$0x2D08] =	vst v63  }
0x1b2: {  	s3 =	sld [smem:$0x7EB]  }
0x1b3: {  	[spmem:s2] =	stream.indirect.scatter.add.f32 [tilespmem:s7], [sflag:$0x1], $0x1, s20, s30, $0xb8;
	[tilespmem:$0x2D08] =	vst v63  }
0x1b4: {  	s7 =	sld [smem:$0x7ED]  }
0x1b5: {  	[spmem:s2] =	stream.indirect.scatter.add.f32 [tilespmem:s3], [sflag:$0x1], $0x1, s21, s30, $0xb8;
	[tilespmem:$0x2D08] =	vst v63  }
0x1b6: {  	s3 =	sld [smem:$0x7EF]  }
0x1b7: {  	[spmem:s2] =	stream.indirect.scatter.add.f32 [tilespmem:s7], [sflag:$0x1], $0x1, s22, s30, $0xb8;
	[tilespmem:$0x2D08] =	vst v63  }
0x1b8: {  	s7 =	sld [smem:$0x7F0]  }
0x1b9: {  	[spmem:s2] =	stream.indirect.scatter.add.f32 [tilespmem:s3], [sflag:$0x1], $0x1, s23, s30, $0xb8;
	[tilespmem:$0x2D08] =	vst v63  }
0x1ba: {  	s3 =	sld [smem:$0x7F2]  }
0x1bb: {  	[spmem:s2] =	stream.indirect.scatter.add.f32 [tilespmem:s7], [sflag:$0x1], $0x1, s24, s30, $0xb8;
	[tilespmem:$0x2D08] =	vst v63  }
0x1bc: {  	s7 =	sld [smem:$0x7F3]  }
0x1bd: {  	[spmem:s2] =	stream.indirect.scatter.add.f32 [tilespmem:s3], [sflag:$0x1], $0x1, s25, s30, $0xb8;
	[tilespmem:$0x2D08] =	vst v63  }
0x1be: {  	_ = 	snop  }
0x1bf: {  	[spmem:s2] =	stream.indirect.scatter.add.f32 [tilespmem:s7], [sflag:$0x1], $0x1, s26, s30, $0xb8;
	[tilespmem:$0x2D08] =	vst v63  }
0x1c0: {  	_ =	swait.ge [sflag:s29], $0x80  }
0x1c1: {  	[sflag:s29] =	ssyncset.done $0x0  }
0x1c2: {  	[sflag:s29] =	ssyncadd.s32 $0xFFFFFF80  }
0x1c3: {  	_ =	swait.ge [sflag:s29], $0x80  }
0x1c4: {  	[sflag:s29] =	ssyncset.done $0x0  }
0x1c5: {  	[sflag:s29] =	ssyncadd.s32 $0xFFFFFF80  }
0x1c6: {  	_ =	swait.ge [sflag:s29], $0x80  }
0x1c7: {  	[sflag:s29] =	ssyncset.done $0x0  }
0x1c8: {  	[sflag:s29] =	ssyncadd.s32 $0xFFFFFF80  }
0x1c9: {  	_ =	swait.ge [sflag:s29], $0x80  }
0x1ca: {  	[sflag:s29] =	ssyncset.done $0x0  }
0x1cb: {  	[sflag:s29] =	ssyncadd.s32 $0xFFFFFF80  }
0x1cc: {  	_ =	swait.ge [sflag:s29], $0x80  }
0x1cd: {  	[sflag:s29] =	ssyncset.done $0x0  }
0x1ce: {  	[sflag:s29] =	ssyncadd.s32 $0xFFFFFF80  }
0x1cf: {  	_ =	swait.ge [sflag:s29], $0x80  }
0x1d0: {  	[sflag:s29] =	ssyncset.done $0x0  }
0x1d1: {  	[sflag:s29] =	ssyncadd.s32 $0xFFFFFF80  }
0x1d2: {  	_ =	swait.ge [sflag:s29], $0x80  }
0x1d3: {  	[sflag:s29] =	ssyncset.done $0x0  }
0x1d4: {  	[sflag:s29] =	ssyncadd.s32 $0xFFFFFF80  }
0x1d5: {  	_ =	swait.ge [sflag:s29], $0x80  }
0x1d6: {  	[sflag:s29] =	ssyncset.done $0x0  }
0x1d7: {  	[sflag:s29] =	ssyncadd.s32 $0xFFFFFF80  }
0x1d8: {  	_ =	swait.ge [sflag:s29], $0x80  }
0x1d9: {  	[sflag:s29] =	ssyncset.done $0x0  }
0x1da: {  	[sflag:s29] =	ssyncadd.s32 $0xFFFFFF80  }
0x1db: {  	_ =	swait.ge [sflag:s29], $0x80  }
0x1dc: {  	[sflag:s29] =	ssyncset.done $0x0  }
0x1dd: {  	[sflag:s29] =	ssyncadd.s32 $0xFFFFFF80  }
0x1de: {  	_ =	swait.ge [sflag:s29], $0x80  }
0x1df: {  	[sflag:s29] =	ssyncset.done $0x0  }
0x1e0: {  	[sflag:s29] =	ssyncadd.s32 $0xFFFFFF80  }
0x1e1: {  	_ =	swait.ge [sflag:s29], $0x80  }
0x1e2: {  	[sflag:s29] =	ssyncset.done $0x0  }
0x1e3: {  	[sflag:s29] =	ssyncadd.s32 $0xFFFFFF80  }
0x1e4: {  	_ =	swait.ge [sflag:s29], $0x80  }
0x1e5: {  	[sflag:s29] =	ssyncset.done $0x0  }
0x1e6: {  	[sflag:s29] =	ssyncadd.s32 $0xFFFFFF80  }
0x1e7: {  	_ =	swait.ge [sflag:s29], $0x80  }
0x1e8: {  	[sflag:s29] =	ssyncset.done $0x0  }
0x1e9: {  	[sflag:s29] =	ssyncadd.s32 $0xFFFFFF80  }
0x1ea: {  	_ =	swait.ge [sflag:s29], $0x80  }
0x1eb: {  	[sflag:s29] =	ssyncset.done $0x0  }
0x1ec: {  	[sflag:s29] =	ssyncadd.s32 $0xFFFFFF80  }
0x1ed: {  	_ =	swait.ge [sflag:s29], $0x80  }
0x1ee: {  	[sflag:s29] =	ssyncset.done $0x0  }
0x1ef: {  	[sflag:s29] =	ssyncadd.s32 $0xFFFFFF80  }
0x1f0: {  	_ =	swait.ge [sflag:s29], $0x80  }
0x1f1: {  	[sflag:s29] =	ssyncset.done $0x0  }
0x1f2: {  	[sflag:s29] =	ssyncadd.s32 $0xFFFFFF80  }
0x1f3: {  	_ =	swait.ge [sflag:s29], $0x80  }
0x1f4: {  	[sflag:s29] =	ssyncset.done $0x0  }
0x1f5: {  	p1 =	sne.s32 s1, $0xB40;
	[sflag:s29] =	ssyncadd.s32 $0xFFFFFF80  }
.Ltmp0:
0x1f6: {  	_ =	swait.ge [sflag:s29], $0x80;
	(pc) =	sbr.rel @p1 .LBB2_2-.Ltmp0, $4  }
0x1f7: {  	[sflag:s29] =	ssyncset.done $0x0  }
0x1f8: {  	[sflag:s29] =	ssyncadd.s32 $0xFFFFFF80  }
0x1f9: {  	_ =	swait.ge [sflag:s29], $0x80  }
0x1fa: {  	s1 =	sadd.s32 $0x140, s1;
	s31 =	rddreg [dreg:$0xa];
	[sflag:s29] =	ssyncset.done $0x0  }
0x1fb: {  	[sflag:s29] =	ssyncadd.s32 $0xFFFFFF80;
	s0 =	sadd.s32 s8, s31  }
0x1fc: {  	[tilespmem:s5], [sflag:$0x1] =	stream.linear.gather [hbm4b:s0+s4], $0x80, $0x38;
	[tilespmem:$0x2D08] =	vst v63  }
0x1fd: {  	s1 =	sadd.s32 $0x10, s0  }
0x1fe: {  	[tilespmem:s6], [sflag:$0x1] =	stream.linear.gather [hbm4b:s1+s4], $0x80, $0x38;
	[tilespmem:$0x2D08] =	vst v63  }
0x1ff: {  	s3 =	sadd.s32 $0x20, s0  }
0x200: {  	[tilespmem:s9], [sflag:$0x1] =	stream.linear.gather [hbm4b:s3+s4], $0x80, $0x38;
	[tilespmem:$0x2D08] =	vst v63  }
0x201: {  	s7 =	rddreg [dreg:$0x1b];
	s0 =	sadd.s32 $0x30, s0  }
0x202: {  	[tilespmem:s10], [sflag:$0x1] =	stream.linear.gather [hbm4b:s0+s4], $0x80, $0x38;
	[tilespmem:$0x2D08] =	vst v63  }
0x203: {  	s1 =	sadd.s32 s8, s7;
	s3 =	rddreg [dreg:$0x1a]  }
0x204: {  	[tilespmem:s11], [sflag:$0x1] =	stream.linear.gather [hbm4b:s1+s4], $0x80, $0x38;
	[tilespmem:$0x2D08] =	vst v63  }
0x205: {  	s7 =	rddreg [dreg:$0x19];
	s0 =	sadd.s32 s8, s3  }
0x206: {  	[tilespmem:s12], [sflag:$0x1] =	stream.linear.gather [hbm4b:s0+s4], $0x80, $0x38;
	[tilespmem:$0x2D08] =	vst v63  }
0x207: {  	s3 =	rddreg [dreg:$0x18];
	s1 =	sadd.s32 s8, s7  }
0x208: {  	[tilespmem:s13], [sflag:$0x1] =	stream.linear.gather [hbm4b:s1+s4], $0x80, $0x38;
	[tilespmem:$0x2D08] =	vst v63  }
0x209: {  	s7 =	rddreg [dreg:$0x17];
	s0 =	sadd.s32 s8, s3  }
0x20a: {  	[tilespmem:s14], [sflag:$0x1] =	stream.linear.gather [hbm4b:s0+s4], $0x80, $0x38;
	[tilespmem:$0x2D08] =	vst v63  }
0x20b: {  	s3 =	rddreg [dreg:$0x16];
	s1 =	sadd.s32 s8, s7  }
0x20c: {  	[tilespmem:s15], [sflag:$0x1] =	stream.linear.gather [hbm4b:s1+s4], $0x80, $0x38;
	[tilespmem:$0x2D08] =	vst v63  }
0x20d: {  	s7 =	rddreg [dreg:$0x15];
	s0 =	sadd.s32 s8, s3  }
0x20e: {  	[tilespmem:s16], [sflag:$0x1] =	stream.linear.gather [hbm4b:s0+s4], $0x80, $0x38;
	[tilespmem:$0x2D08] =	vst v63  }
0x20f: {  	s3 =	rddreg [dreg:$0x14];
	s1 =	sadd.s32 s8, s7  }
0x210: {  	[tilespmem:s17], [sflag:$0x1] =	stream.linear.gather [hbm4b:s1+s4], $0x80, $0x38;
	[tilespmem:$0x2D08] =	vst v63  }
0x211: {  	s7 =	rddreg [dreg:$0x13];
	s0 =	sadd.s32 s8, s3  }
0x212: {  	[tilespmem:s18], [sflag:$0x1] =	stream.linear.gather [hbm4b:s0+s4], $0x80, $0x38;
	[tilespmem:$0x2D08] =	vst v63  }
0x213: {  	s3 =	rddreg [dreg:$0x12];
	s1 =	sadd.s32 s8, s7  }
0x214: {  	[tilespmem:s19], [sflag:$0x1] =	stream.linear.gather [hbm4b:s1+s4], $0x80, $0x38;
	[tilespmem:$0x2D08] =	vst v63  }
0x215: {  	s7 =	rddreg [dreg:$0x11];
	s0 =	sadd.s32 s8, s3  }
0x216: {  	[tilespmem:s20], [sflag:$0x1] =	stream.linear.gather [hbm4b:s0+s4], $0x80, $0x38;
	[tilespmem:$0x2D08] =	vst v63  }
0x217: {  	s3 =	rddreg [dreg:$0x10];
	s1 =	sadd.s32 s8, s7  }
0x218: {  	[tilespmem:s21], [sflag:$0x1] =	stream.linear.gather [hbm4b:s1+s4], $0x80, $0x38;
	[tilespmem:$0x2D08] =	vst v63  }
0x219: {  	s7 =	rddreg [dreg:$0xf];
	s0 =	sadd.s32 s8, s3  }
0x21a: {  	[tilespmem:s22], [sflag:$0x1] =	stream.linear.gather [hbm4b:s0+s4], $0x80, $0x38;
	[tilespmem:$0x2D08] =	vst v63  }
0x21b: {  	s3 =	rddreg [dreg:$0xe];
	s1 =	sadd.s32 s8, s7  }
0x21c: {  	[tilespmem:s23], [sflag:$0x1] =	stream.linear.gather [hbm4b:s1+s4], $0x80, $0x38;
	[tilespmem:$0x2D08] =	vst v63  }
0x21d: {  	s7 =	rddreg [dreg:$0xd];
	s0 =	sadd.s32 s8, s3  }
0x21e: {  	[tilespmem:s24], [sflag:$0x1] =	stream.linear.gather [hbm4b:s0+s4], $0x80, $0x38;
	[tilespmem:$0x2D08] =	vst v63  }
0x21f: {  	s3 =	rddreg [dreg:$0xc];
	s1 =	sadd.s32 s8, s7  }
0x220: {  	[tilespmem:s25], [sflag:$0x1] =	stream.linear.gather [hbm4b:s1+s4], $0x80, $0x38;
	[tilespmem:$0x2D08] =	vst v63  }
0x221: {  	s7 =	rddreg [dreg:$0xb];
	s0 =	sadd.s32 s8, s3  }
0x222: {  	[tilespmem:s26], [sflag:$0x1] =	stream.linear.gather [hbm4b:s0+s4], $0x80, $0x38;
	[tilespmem:$0x2D08] =	vst v63  }
0x223: {  	s8 =	sadd.s32 s8, s7  }
0x224: {  	[tilespmem:s28], [sflag:$0x1] =	stream.linear.gather [hbm4b:s8+s4], $0xA00, $0x38;
	[tilespmem:$0x2D08] =	vst v63  }
0x225: {  	_ =	swait.ge [sflag:s29], $0x80  }
0x226: {  	[sflag:s29] =	ssyncset.done $0x0  }
0x227: {  	[sflag:s29] =	ssyncadd.s32 $0xFFFFFF80  }
0x228: {  	_ =	swait.ge [sflag:s29], $0x80  }
0x229: {  	[sflag:s29] =	ssyncset.done $0x0  }
0x22a: {  	[sflag:s29] =	ssyncadd.s32 $0xFFFFFF80  }
0x22b: {  	_ =	swait.ge [sflag:s29], $0x80  }
0x22c: {  	[sflag:s29] =	ssyncset.done $0x0  }
0x22d: {  	[sflag:s29] =	ssyncadd.s32 $0xFFFFFF80  }
0x22e: {  	_ =	swait.ge [sflag:s29], $0x80  }
0x22f: {  	[sflag:s29] =	ssyncset.done $0x0  }
0x230: {  	[sflag:s29] =	ssyncadd.s32 $0xFFFFFF80  }
0x231: {  	_ =	swait.ge [sflag:s29], $0x80  }
0x232: {  	[sflag:s29] =	ssyncset.done $0x0  }
0x233: {  	[sflag:s29] =	ssyncadd.s32 $0xFFFFFF80  }
0x234: {  	_ =	swait.ge [sflag:s29], $0x80  }
0x235: {  	[sflag:s29] =	ssyncset.done $0x0  }
0x236: {  	[sflag:s29] =	ssyncadd.s32 $0xFFFFFF80  }
0x237: {  	_ =	swait.ge [sflag:s29], $0x80  }
0x238: {  	[sflag:s29] =	ssyncset.done $0x0  }
0x239: {  	[sflag:s29] =	ssyncadd.s32 $0xFFFFFF80  }
0x23a: {  	_ =	swait.ge [sflag:s29], $0x80  }
0x23b: {  	[sflag:s29] =	ssyncset.done $0x0  }
0x23c: {  	[sflag:s29] =	ssyncadd.s32 $0xFFFFFF80  }
0x23d: {  	_ =	swait.ge [sflag:s29], $0x80  }
0x23e: {  	[sflag:s29] =	ssyncset.done $0x0  }
0x23f: {  	[sflag:s29] =	ssyncadd.s32 $0xFFFFFF80  }
0x240: {  	_ =	swait.ge [sflag:s29], $0x80  }
0x241: {  	[sflag:s29] =	ssyncset.done $0x0  }
0x242: {  	[sflag:s29] =	ssyncadd.s32 $0xFFFFFF80  }
0x243: {  	_ =	swait.ge [sflag:s29], $0x80  }
0x244: {  	[sflag:s29] =	ssyncset.done $0x0  }
0x245: {  	[sflag:s29] =	ssyncadd.s32 $0xFFFFFF80  }
0x246: {  	_ =	swait.ge [sflag:s29], $0x80  }
0x247: {  	[sflag:s29] =	ssyncset.done $0x0  }
0x248: {  	[sflag:s29] =	ssyncadd.s32 $0xFFFFFF80  }
0x249: {  	_ =	swait.ge [sflag:s29], $0x80  }
0x24a: {  	[sflag:s29] =	ssyncset.done $0x0  }
0x24b: {  	[sflag:s29] =	ssyncadd.s32 $0xFFFFFF80  }
0x24c: {  	_ =	swait.ge [sflag:s29], $0x80  }
0x24d: {  	[sflag:s29] =	ssyncset.done $0x0  }
0x24e: {  	[sflag:s29] =	ssyncadd.s32 $0xFFFFFF80  }
0x24f: {  	_ =	swait.ge [sflag:s29], $0x80  }
0x250: {  	[sflag:s29] =	ssyncset.done $0x0  }
0x251: {  	[sflag:s29] =	ssyncadd.s32 $0xFFFFFF80  }
0x252: {  	_ =	swait.ge [sflag:s29], $0x80  }
0x253: {  	[sflag:s29] =	ssyncset.done $0x0  }
0x254: {  	[sflag:s29] =	ssyncadd.s32 $0xFFFFFF80  }
0x255: {  	_ =	swait.ge [sflag:s29], $0x80  }
0x256: {  	[sflag:s29] =	ssyncset.done $0x0  }
0x257: {  	[sflag:s29] =	ssyncadd.s32 $0xFFFFFF80  }
0x258: {  	_ =	swait.ge [sflag:s29], $0x80  }
0x259: {  	[sflag:s29] =	ssyncset.done $0x0  }
0x25a: {  	[sflag:s29] =	ssyncadd.s32 $0xFFFFFF80  }
0x25b: {  	_ =	swait.ge [sflag:s29], $0x80  }
0x25c: {  	[sflag:s29] =	ssyncset.done $0x0  }
0x25d: {  	[sflag:s29] =	ssyncadd.s32 $0xFFFFFF80  }
0x25e: {  	_ =	swait.ge [sflag:s29], $0x80  }
0x25f: {  	[sflag:s29] =	ssyncset.done $0x0  }
0x260: {  	[sflag:s29] =	ssyncadd.s32 $0xFFFFFF80  }
0x261: {  	_ =	swait.ge [sflag:s29], $0xA00  }
0x262: {  	[sflag:s29] =	ssyncset.done $0x0  }
0x263: {  	s1 =	rddreg [dreg:$0x1c];
	[sflag:s29] =	ssyncadd.s32 $0xFFFFF600  }
0x264: {  	[spmem:s2] =	stream.indirect.scatter.add.f32 [tilespmem:s28], [sflag:$0x1], $0x1, s5, s30, $0xb8;
	[tilespmem:$0x2D08] =	vst v63  }
0x265: {  	s3 =	rddreg [dreg:$0x1d]  }
0x266: {  	[spmem:s2] =	stream.indirect.scatter.add.f32 [tilespmem:s1], [sflag:$0x1], $0x1, s6, s30, $0xb8;
	[tilespmem:$0x2D08] =	vst v63  }
0x267: {  	s7 =	rddreg [dreg:$0x1e]  }
0x268: {  	[spmem:s2] =	stream.indirect.scatter.add.f32 [tilespmem:s3], [sflag:$0x1], $0x1, s9, s30, $0xb8;
	[tilespmem:$0x2D08] =	vst v63  }
0x269: {  	s8 =	rddreg [dreg:$0x1f]  }
0x26a: {  	[spmem:s2] =	stream.indirect.scatter.add.f32 [tilespmem:s7], [sflag:$0x1], $0x1, s10, s30, $0xb8;
	[tilespmem:$0x2D08] =	vst v63  }
0x26b: {  	s3 =	sld [smem:$0x7DD]  }
0x26c: {  	[spmem:s2] =	stream.indirect.scatter.add.f32 [tilespmem:s8], [sflag:$0x1], $0x1, s11, s30, $0xb8;
	[tilespmem:$0x2D08] =	vst v63  }
0x26d: {  	s7 =	sld [smem:$0x7DF]  }
0x26e: {  	[spmem:s2] =	stream.indirect.scatter.add.f32 [tilespmem:s3], [sflag:$0x1], $0x1, s12, s30, $0xb8;
	[tilespmem:$0x2D08] =	vst v63  }
0x26f: {  	s8 =	sld [smem:$0x7E0]  }
0x270: {  	[spmem:s2] =	stream.indirect.scatter.add.f32 [tilespmem:s7], [sflag:$0x1], $0x1, s13, s30, $0xb8;
	[tilespmem:$0x2D08] =	vst v63  }
0x271: {  	s3 =	sld [smem:$0x7E2]  }
0x272: {  	[spmem:s2] =	stream.indirect.scatter.add.f32 [tilespmem:s8], [sflag:$0x1], $0x1, s14, s30, $0xb8;
	[tilespmem:$0x2D08] =	vst v63  }
0x273: {  	s7 =	sld [smem:$0x7E3]  }
0x274: {  	[spmem:s2] =	stream.indirect.scatter.add.f32 [tilespmem:s3], [sflag:$0x1], $0x1, s15, s30, $0xb8;
	[tilespmem:$0x2D08] =	vst v63  }
0x275: {  	s8 =	sld [smem:$0x7E5]  }
0x276: {  	[spmem:s2] =	stream.indirect.scatter.add.f32 [tilespmem:s7], [sflag:$0x1], $0x1, s16, s30, $0xb8;
	[tilespmem:$0x2D08] =	vst v63  }
0x277: {  	s3 =	sld [smem:$0x7E6]  }
0x278: {  	[spmem:s2] =	stream.indirect.scatter.add.f32 [tilespmem:s8], [sflag:$0x1], $0x1, s17, s30, $0xb8;
	[tilespmem:$0x2D08] =	vst v63  }
0x279: {  	s7 =	sld [smem:$0x7E8]  }
0x27a: {  	[spmem:s2] =	stream.indirect.scatter.add.f32 [tilespmem:s3], [sflag:$0x1], $0x1, s18, s30, $0xb8;
	[tilespmem:$0x2D08] =	vst v63  }
0x27b: {  	s8 =	sld [smem:$0x7EA]  }
0x27c: {  	[spmem:s2] =	stream.indirect.scatter.add.f32 [tilespmem:s7], [sflag:$0x1], $0x1, s19, s30, $0xb8;
	[tilespmem:$0x2D08] =	vst v63  }
0x27d: {  	s3 =	sld [smem:$0x7EB]  }
0x27e: {  	[spmem:s2] =	stream.indirect.scatter.add.f32 [tilespmem:s8], [sflag:$0x1], $0x1, s20, s30, $0xb8;
	[tilespmem:$0x2D08] =	vst v63  }
0x27f: {  	s7 =	sld [smem:$0x7ED]  }
0x280: {  	[spmem:s2] =	stream.indirect.scatter.add.f32 [tilespmem:s3], [sflag:$0x1], $0x1, s21, s30, $0xb8;
	[tilespmem:$0x2D08] =	vst v63  }
0x281: {  	s8 =	sld [smem:$0x7EF]  }
0x282: {  	[spmem:s2] =	stream.indirect.scatter.add.f32 [tilespmem:s7], [sflag:$0x1], $0x1, s22, s30, $0xb8;
	[tilespmem:$0x2D08] =	vst v63  }
0x283: {  	s3 =	sld [smem:$0x7F0]  }
0x284: {  	[spmem:s2] =	stream.indirect.scatter.add.f32 [tilespmem:s8], [sflag:$0x1], $0x1, s23, s30, $0xb8;
	[tilespmem:$0x2D08] =	vst v63  }
0x285: {  	s7 =	sld [smem:$0x7F2]  }
0x286: {  	[spmem:s2] =	stream.indirect.scatter.add.f32 [tilespmem:s3], [sflag:$0x1], $0x1, s24, s30, $0xb8;
	[tilespmem:$0x2D08] =	vst v63  }
0x287: {  	s8 =	sld [smem:$0x7F3]  }
0x288: {  	[spmem:s2] =	stream.indirect.scatter.add.f32 [tilespmem:s7], [sflag:$0x1], $0x1, s25, s30, $0xb8;
	[tilespmem:$0x2D08] =	vst v63  }
0x289: {  	_ = 	snop  }
0x28a: {  	[spmem:s2] =	stream.indirect.scatter.add.f32 [tilespmem:s8], [sflag:$0x1], $0x1, s26, s30, $0xb8;
	[tilespmem:$0x2D08] =	vst v63  }
0x28b: {  	_ =	swait.ge [sflag:s29], $0x80  }
0x28c: {  	[sflag:s29] =	ssyncset.done $0x0  }
0x28d: {  	[sflag:s29] =	ssyncadd.s32 $0xFFFFFF80  }
0x28e: {  	_ =	swait.ge [sflag:s29], $0x80  }
0x28f: {  	[sflag:s29] =	ssyncset.done $0x0  }
0x290: {  	[sflag:s29] =	ssyncadd.s32 $0xFFFFFF80  }
0x291: {  	_ =	swait.ge [sflag:s29], $0x80  }
0x292: {  	[sflag:s29] =	ssyncset.done $0x0  }
0x293: {  	[sflag:s29] =	ssyncadd.s32 $0xFFFFFF80  }
0x294: {  	_ =	swait.ge [sflag:s29], $0x80  }
0x295: {  	[sflag:s29] =	ssyncset.done $0x0  }
0x296: {  	[sflag:s29] =	ssyncadd.s32 $0xFFFFFF80  }
0x297: {  	_ =	swait.ge [sflag:s29], $0x80  }
0x298: {  	[sflag:s29] =	ssyncset.done $0x0  }
0x299: {  	[sflag:s29] =	ssyncadd.s32 $0xFFFFFF80  }
0x29a: {  	_ =	swait.ge [sflag:s29], $0x80  }
0x29b: {  	[sflag:s29] =	ssyncset.done $0x0  }
0x29c: {  	[sflag:s29] =	ssyncadd.s32 $0xFFFFFF80  }
0x29d: {  	_ =	swait.ge [sflag:s29], $0x80  }
0x29e: {  	[sflag:s29] =	ssyncset.done $0x0  }
0x29f: {  	[sflag:s29] =	ssyncadd.s32 $0xFFFFFF80  }
0x2a0: {  	_ =	swait.ge [sflag:s29], $0x80  }
0x2a1: {  	[sflag:s29] =	ssyncset.done $0x0  }
0x2a2: {  	[sflag:s29] =	ssyncadd.s32 $0xFFFFFF80  }
0x2a3: {  	_ =	swait.ge [sflag:s29], $0x80  }
0x2a4: {  	[sflag:s29] =	ssyncset.done $0x0  }
0x2a5: {  	[sflag:s29] =	ssyncadd.s32 $0xFFFFFF80  }
0x2a6: {  	_ =	swait.ge [sflag:s29], $0x80  }
0x2a7: {  	[sflag:s29] =	ssyncset.done $0x0  }
0x2a8: {  	[sflag:s29] =	ssyncadd.s32 $0xFFFFFF80  }
0x2a9: {  	_ =	swait.ge [sflag:s29], $0x80  }
0x2aa: {  	[sflag:s29] =	ssyncset.done $0x0  }
0x2ab: {  	[sflag:s29] =	ssyncadd.s32 $0xFFFFFF80  }
0x2ac: {  	_ =	swait.ge [sflag:s29], $0x80  }
0x2ad: {  	[sflag:s29] =	ssyncset.done $0x0  }
0x2ae: {  	[sflag:s29] =	ssyncadd.s32 $0xFFFFFF80  }
0x2af: {  	_ =	swait.ge [sflag:s29], $0x80  }
0x2b0: {  	[sflag:s29] =	ssyncset.done $0x0  }
0x2b1: {  	[sflag:s29] =	ssyncadd.s32 $0xFFFFFF80  }
0x2b2: {  	_ =	swait.ge [sflag:s29], $0x80  }
0x2b3: {  	[sflag:s29] =	ssyncset.done $0x0  }
0x2b4: {  	[sflag:s29] =	ssyncadd.s32 $0xFFFFFF80  }
0x2b5: {  	_ =	swait.ge [sflag:s29], $0x80  }
0x2b6: {  	[sflag:s29] =	ssyncset.done $0x0  }
0x2b7: {  	[sflag:s29] =	ssyncadd.s32 $0xFFFFFF80  }
0x2b8: {  	_ =	swait.ge [sflag:s29], $0x80  }
0x2b9: {  	[sflag:s29] =	ssyncset.done $0x0  }
0x2ba: {  	[sflag:s29] =	ssyncadd.s32 $0xFFFFFF80  }
0x2bb: {  	_ =	swait.ge [sflag:s29], $0x80  }
0x2bc: {  	[sflag:s29] =	ssyncset.done $0x0  }
0x2bd: {  	[sflag:s29] =	ssyncadd.s32 $0xFFFFFF80  }
0x2be: {  	_ =	swait.ge [sflag:s29], $0x80  }
0x2bf: {  	[sflag:s29] =	ssyncset.done $0x0  }
0x2c0: {  	[sflag:s29] =	ssyncadd.s32 $0xFFFFFF80  }
0x2c1: {  	_ =	swait.ge [sflag:s29], $0x80  }
0x2c2: {  	[sflag:s29] =	ssyncset.done $0x0  }
0x2c3: {  	[sflag:s29] =	ssyncadd.s32 $0xFFFFFF80  }
0x2c4: {  	_ =	swait.ge [sflag:s29], $0x80  }
0x2c5: {  	s1 =	sld [smem:$0x7FB]  }
0x2c6: {  	[sflag:s29] =	ssyncset.done $0x0  }
0x2c7: {  	s3 =	simm.s32 $0x2088;
	s7 =	sld [smem:$0x7D6];
	[sflag:s29] =	ssyncadd.s32 $0xFFFFFF80  }
0x2c8: {  	[tilespmem:s3], [sflag:$0x1] =	stream.linear.gather [hbm4b:s1+s4], $0x50, $0x38;
	[tilespmem:$0x2D08] =	vst v63  }
0x2c9: {  	s8 =	simm.s32 $0x20D8;
	s1 =	sld [smem:$0x7D7]  }
0x2ca: {  	[tilespmem:s8], [sflag:$0x1] =	stream.linear.gather [hbm4b:s7+s4], $0x50, $0x38;
	[tilespmem:$0x2D08] =	vst v63  }
0x2cb: {  	s3 =	sld [smem:$0x7D8];
	s7 =	simm.s32 $0x2128  }
0x2cc: {  	[tilespmem:s7], [sflag:$0x1] =	stream.linear.gather [hbm4b:s1+s4], $0x50, $0x38;
	[tilespmem:$0x2D08] =	vst v63  }
0x2cd: {  	s8 =	simm.s32 $0x2178;
	s1 =	sld [smem:$0x7D9]  }
0x2ce: {  	[tilespmem:s8], [sflag:$0x1] =	stream.linear.gather [hbm4b:s3+s4], $0x50, $0x38;
	[tilespmem:$0x2D08] =	vst v63  }
0x2cf: {  	s3 =	simm.s32 $0x21C8  }
0x2d0: {  	[tilespmem:s3], [sflag:$0x1] =	stream.linear.gather [hbm4b:s1+s4], $0x50, $0x38;
	[tilespmem:$0x2D08] =	vst v63  }
0x2d1: {  	s1 =	sld [smem:$0x7DA];
	_ =	sdelay $0x1  }
0x2d2: {  	s3 =	simm.s32 $0x2218  }
0x2d3: {  	[tilespmem:s3], [sflag:$0x1] =	stream.linear.gather [hbm4b:s1+s4], $0x50, $0x38;
	[tilespmem:$0x2D08] =	vst v63  }
0x2d4: {  	s1 =	sld [smem:$0x7DB];
	_ =	sdelay $0x1  }
0x2d5: {  	s3 =	simm.s32 $0x2268  }
0x2d6: {  	[tilespmem:s3], [sflag:$0x1] =	stream.linear.gather [hbm4b:s1+s4], $0x50, $0x38;
	[tilespmem:$0x2D08] =	vst v63  }
0x2d7: {  	s1 =	sld [smem:$0x7DC];
	_ =	sdelay $0x1  }
0x2d8: {  	s3 =	simm.s32 $0x22B8  }
0x2d9: {  	[tilespmem:s3], [sflag:$0x1] =	stream.linear.gather [hbm4b:s1+s4], $0x50, $0x38;
	[tilespmem:$0x2D08] =	vst v63  }
0x2da: {  	s1 =	sld [smem:$0x7E1];
	_ =	sdelay $0x1  }
0x2db: {  	s3 =	simm.s32 $0x2308  }
0x2dc: {  	[tilespmem:s3], [sflag:$0x1] =	stream.linear.gather [hbm4b:s1+s4], $0x50, $0x38;
	[tilespmem:$0x2D08] =	vst v63  }
0x2dd: {  	s1 =	sld [smem:$0x7E4];
	_ =	sdelay $0x1  }
0x2de: {  	s3 =	simm.s32 $0x2358  }
0x2df: {  	[tilespmem:s3], [sflag:$0x1] =	stream.linear.gather [hbm4b:s1+s4], $0x50, $0x38;
	[tilespmem:$0x2D08] =	vst v63  }
0x2e0: {  	s1 =	sld [smem:$0x7E9];
	_ =	sdelay $0x1  }
0x2e1: {  	s3 =	simm.s32 $0x23A8  }
0x2e2: {  	[tilespmem:s3], [sflag:$0x1] =	stream.linear.gather [hbm4b:s1+s4], $0x50, $0x38;
	[tilespmem:$0x2D08] =	vst v63  }
0x2e3: {  	s1 =	sld [smem:$0x7EE];
	_ =	sdelay $0x1  }
0x2e4: {  	s3 =	simm.s32 $0x23F8  }
0x2e5: {  	[tilespmem:s3], [sflag:$0x1] =	stream.linear.gather [hbm4b:s1+s4], $0x50, $0x38;
	[tilespmem:$0x2D08] =	vst v63  }
0x2e6: {  	s1 =	sld [smem:$0x7F1];
	_ =	sdelay $0x1  }
0x2e7: {  	s3 =	simm.s32 $0x2448  }
0x2e8: {  	[tilespmem:s3], [sflag:$0x1] =	stream.linear.gather [hbm4b:s1+s4], $0x50, $0x38;
	[tilespmem:$0x2D08] =	vst v63  }
0x2e9: {  	s1 =	sld [smem:$0x7F4];
	_ =	sdelay $0x1  }
0x2ea: {  	s3 =	simm.s32 $0x2498  }
0x2eb: {  	[tilespmem:s3], [sflag:$0x1] =	stream.linear.gather [hbm4b:s1+s4], $0x50, $0x38;
	[tilespmem:$0x2D08] =	vst v63  }
0x2ec: {  	s1 =	sld [smem:$0x7F6];
	_ =	sdelay $0x1  }
0x2ed: {  	s3 =	simm.s32 $0x24E8  }
0x2ee: {  	[tilespmem:s3], [sflag:$0x1] =	stream.linear.gather [hbm4b:s1+s4], $0x50, $0x38;
	[tilespmem:$0x2D08] =	vst v63  }
0x2ef: {  	s1 =	sld [smem:$0x7F7];
	_ =	sdelay $0x1  }
0x2f0: {  	s3 =	simm.s32 $0x2538  }
0x2f1: {  	[tilespmem:s3], [sflag:$0x1] =	stream.linear.gather [hbm4b:s1+s4], $0x50, $0x38;
	[tilespmem:$0x2D08] =	vst v63  }
0x2f2: {  	s1 =	sld [smem:$0x7F8];
	_ =	sdelay $0x1  }
0x2f3: {  	s3 =	simm.s32 $0x2588  }
0x2f4: {  	[tilespmem:s3], [sflag:$0x1] =	stream.linear.gather [hbm4b:s1+s4], $0x50, $0x38;
	[tilespmem:$0x2D08] =	vst v63  }
0x2f5: {  	s1 =	sld [smem:$0x7F9];
	_ =	sdelay $0x1  }
0x2f6: {  	s3 =	simm.s32 $0x25D8  }
0x2f7: {  	[tilespmem:s3], [sflag:$0x1] =	stream.linear.gather [hbm4b:s1+s4], $0x50, $0x38;
	[tilespmem:$0x2D08] =	vst v63  }
0x2f8: {  	s1 =	sld [smem:$0x7FA];
	_ =	sdelay $0x1  }
0x2f9: {  	s3 =	simm.s32 $0x2628  }
0x2fa: {  	[tilespmem:s3], [sflag:$0x1] =	stream.linear.gather [hbm4b:s1+s4], $0x50, $0x38;
	[tilespmem:$0x2D08] =	vst v63  }
0x2fb: {  	s1 =	sld [smem:$0x7FC];
	_ =	sdelay $0x1  }
0x2fc: {  	s3 =	simm.s32 $0x2678  }
0x2fd: {  	[tilespmem:s3], [sflag:$0x1] =	stream.linear.gather [hbm4b:s1+s4], $0x50, $0x38;
	[tilespmem:$0x2D08] =	vst v63  }
0x2fe: {  	s3 =	sld [smem:$0x7DE];
	_ =	sdelay $0x1  }
0x2ff: {  	s1 =	simm.s32 $0x26C8  }
0x300: {  	[tilespmem:s1], [sflag:$0x1] =	stream.linear.gather [hbm4b:s3+s4], $0x640, $0x38;
	[tilespmem:$0x2D08] =	vst v63  }
0x301: {  	_ =	swait.ge [sflag:s29], $0x50  }
0x302: {  	[sflag:s29] =	ssyncset.done $0x0  }
0x303: {  	[sflag:s29] =	ssyncadd.s32 $0xFFFFFFB0  }
0x304: {  	_ =	swait.ge [sflag:s29], $0x50  }
0x305: {  	[sflag:s29] =	ssyncset.done $0x0  }
0x306: {  	[sflag:s29] =	ssyncadd.s32 $0xFFFFFFB0  }
0x307: {  	_ =	swait.ge [sflag:s29], $0x50  }
0x308: {  	[sflag:s29] =	ssyncset.done $0x0  }
0x309: {  	[sflag:s29] =	ssyncadd.s32 $0xFFFFFFB0  }
0x30a: {  	_ =	swait.ge [sflag:s29], $0x50  }
0x30b: {  	[sflag:s29] =	ssyncset.done $0x0  }
0x30c: {  	[sflag:s29] =	ssyncadd.s32 $0xFFFFFFB0  }
0x30d: {  	_ =	swait.ge [sflag:s29], $0x50  }
0x30e: {  	[sflag:s29] =	ssyncset.done $0x0  }
0x30f: {  	[sflag:s29] =	ssyncadd.s32 $0xFFFFFFB0  }
0x310: {  	_ =	swait.ge [sflag:s29], $0x50  }
0x311: {  	[sflag:s29] =	ssyncset.done $0x0  }
0x312: {  	[sflag:s29] =	ssyncadd.s32 $0xFFFFFFB0  }
0x313: {  	_ =	swait.ge [sflag:s29], $0x50  }
0x314: {  	[sflag:s29] =	ssyncset.done $0x0  }
0x315: {  	[sflag:s29] =	ssyncadd.s32 $0xFFFFFFB0  }
0x316: {  	_ =	swait.ge [sflag:s29], $0x50  }
0x317: {  	[sflag:s29] =	ssyncset.done $0x0  }
0x318: {  	[sflag:s29] =	ssyncadd.s32 $0xFFFFFFB0  }
0x319: {  	_ =	swait.ge [sflag:s29], $0x50  }
0x31a: {  	[sflag:s29] =	ssyncset.done $0x0  }
0x31b: {  	[sflag:s29] =	ssyncadd.s32 $0xFFFFFFB0  }
0x31c: {  	_ =	swait.ge [sflag:s29], $0x50  }
0x31d: {  	[sflag:s29] =	ssyncset.done $0x0  }
0x31e: {  	[sflag:s29] =	ssyncadd.s32 $0xFFFFFFB0  }
0x31f: {  	_ =	swait.ge [sflag:s29], $0x50  }
0x320: {  	[sflag:s29] =	ssyncset.done $0x0  }
0x321: {  	[sflag:s29] =	ssyncadd.s32 $0xFFFFFFB0  }
0x322: {  	_ =	swait.ge [sflag:s29], $0x50  }
0x323: {  	[sflag:s29] =	ssyncset.done $0x0  }
0x324: {  	[sflag:s29] =	ssyncadd.s32 $0xFFFFFFB0  }
0x325: {  	_ =	swait.ge [sflag:s29], $0x50  }
0x326: {  	[sflag:s29] =	ssyncset.done $0x0  }
0x327: {  	[sflag:s29] =	ssyncadd.s32 $0xFFFFFFB0  }
0x328: {  	_ =	swait.ge [sflag:s29], $0x50  }
0x329: {  	[sflag:s29] =	ssyncset.done $0x0  }
0x32a: {  	[sflag:s29] =	ssyncadd.s32 $0xFFFFFFB0  }
0x32b: {  	_ =	swait.ge [sflag:s29], $0x50  }
0x32c: {  	[sflag:s29] =	ssyncset.done $0x0  }
0x32d: {  	[sflag:s29] =	ssyncadd.s32 $0xFFFFFFB0  }
0x32e: {  	_ =	swait.ge [sflag:s29], $0x50  }
0x32f: {  	[sflag:s29] =	ssyncset.done $0x0  }
0x330: {  	[sflag:s29] =	ssyncadd.s32 $0xFFFFFFB0  }
0x331: {  	_ =	swait.ge [sflag:s29], $0x50  }
0x332: {  	[sflag:s29] =	ssyncset.done $0x0  }
0x333: {  	[sflag:s29] =	ssyncadd.s32 $0xFFFFFFB0  }
0x334: {  	_ =	swait.ge [sflag:s29], $0x50  }
0x335: {  	[sflag:s29] =	ssyncset.done $0x0  }
0x336: {  	[sflag:s29] =	ssyncadd.s32 $0xFFFFFFB0  }
0x337: {  	_ =	swait.ge [sflag:s29], $0x50  }
0x338: {  	[sflag:s29] =	ssyncset.done $0x0  }
0x339: {  	[sflag:s29] =	ssyncadd.s32 $0xFFFFFFB0  }
0x33a: {  	_ =	swait.ge [sflag:s29], $0x50  }
0x33b: {  	[sflag:s29] =	ssyncset.done $0x0  }
0x33c: {  	[sflag:s29] =	ssyncadd.s32 $0xFFFFFFB0  }
0x33d: {  	_ =	swait.ge [sflag:s29], $0x640  }
0x33e: {  	[sflag:s29] =	ssyncset.done $0x0  }
0x33f: {  	[sflag:s29] =	ssyncadd.s32 $0xFFFFF9C0  }
0x340: {  	s0 =	simm.s32 $0x50;
	s3 =	simm.s32 $0x2088;
	s31 =	rddreg [dreg:$0x8]  }
0x341: {  	[spmem:s31] =	stream.indirect.scatter.add.f32 [tilespmem:s1], [sflag:$0x1], $0x1, s3, s0, $0xb8;
	[tilespmem:$0x2D08] =	vst v63  }
0x342: {  	s1 =	simm.s32 $0x2718;
	s3 =	simm.s32 $0x20D8  }
0x343: {  	[spmem:s31] =	stream.indirect.scatter.add.f32 [tilespmem:s1], [sflag:$0x1], $0x1, s3, s0, $0xb8;
	[tilespmem:$0x2D08] =	vst v63  }
0x344: {  	s3 =	simm.s32 $0x2768  }
0x345: {  	[spmem:s31] =	stream.indirect.scatter.add.f32 [tilespmem:s3], [sflag:$0x1], $0x1, s7, s0, $0xb8;
	[tilespmem:$0x2D08] =	vst v63  }
0x346: {  	s3 =	simm.s32 $0x27B8  }
0x347: {  	[spmem:s31] =	stream.indirect.scatter.add.f32 [tilespmem:s3], [sflag:$0x1], $0x1, s8, s0, $0xb8;
	[tilespmem:$0x2D08] =	vst v63  }
0x348: {  	s7 =	simm.s32 $0x2808;
	s8 =	simm.s32 $0x21C8  }
0x349: {  	[spmem:s31] =	stream.indirect.scatter.add.f32 [tilespmem:s7], [sflag:$0x1], $0x1, s8, s0, $0xb8;
	[tilespmem:$0x2D08] =	vst v63  }
0x34a: {  	s7 =	simm.s32 $0x2858;
	s8 =	simm.s32 $0x2218  }
0x34b: {  	[spmem:s31] =	stream.indirect.scatter.add.f32 [tilespmem:s7], [sflag:$0x1], $0x1, s8, s0, $0xb8;
	[tilespmem:$0x2D08] =	vst v63  }
0x34c: {  	s7 =	simm.s32 $0x28A8;
	s8 =	simm.s32 $0x2268  }
0x34d: {  	[spmem:s31] =	stream.indirect.scatter.add.f32 [tilespmem:s7], [sflag:$0x1], $0x1, s8, s0, $0xb8;
	[tilespmem:$0x2D08] =	vst v63  }
0x34e: {  	s7 =	simm.s32 $0x28F8;
	s8 =	simm.s32 $0x22B8  }
0x34f: {  	[spmem:s31] =	stream.indirect.scatter.add.f32 [tilespmem:s7], [sflag:$0x1], $0x1, s8, s0, $0xb8;
	[tilespmem:$0x2D08] =	vst v63  }
0x350: {  	s7 =	simm.s32 $0x2948;
	s8 =	simm.s32 $0x2308  }
0x351: {  	[spmem:s31] =	stream.indirect.scatter.add.f32 [tilespmem:s7], [sflag:$0x1], $0x1, s8, s0, $0xb8;
	[tilespmem:$0x2D08] =	vst v63  }
0x352: {  	s7 =	simm.s32 $0x2998;
	s8 =	simm.s32 $0x2358  }
0x353: {  	[spmem:s31] =	stream.indirect.scatter.add.f32 [tilespmem:s7], [sflag:$0x1], $0x1, s8, s0, $0xb8;
	[tilespmem:$0x2D08] =	vst v63  }
0x354: {  	s7 =	simm.s32 $0x29E8;
	s8 =	simm.s32 $0x23A8  }
0x355: {  	[spmem:s31] =	stream.indirect.scatter.add.f32 [tilespmem:s7], [sflag:$0x1], $0x1, s8, s0, $0xb8;
	[tilespmem:$0x2D08] =	vst v63  }
0x356: {  	s7 =	simm.s32 $0x2A38;
	s8 =	simm.s32 $0x23F8  }
0x357: {  	[spmem:s31] =	stream.indirect.scatter.add.f32 [tilespmem:s7], [sflag:$0x1], $0x1, s8, s0, $0xb8;
	[tilespmem:$0x2D08] =	vst v63  }
0x358: {  	s7 =	simm.s32 $0x2A88;
	s8 =	simm.s32 $0x2448  }
0x359: {  	[spmem:s31] =	stream.indirect.scatter.add.f32 [tilespmem:s7], [sflag:$0x1], $0x1, s8, s0, $0xb8;
	[tilespmem:$0x2D08] =	vst v63  }
0x35a: {  	s7 =	simm.s32 $0x2AD8;
	s8 =	simm.s32 $0x2498  }
0x35b: {  	[spmem:s31] =	stream.indirect.scatter.add.f32 [tilespmem:s7], [sflag:$0x1], $0x1, s8, s0, $0xb8;
	[tilespmem:$0x2D08] =	vst v63  }
0x35c: {  	s7 =	simm.s32 $0x2B28;
	s8 =	simm.s32 $0x24E8  }
0x35d: {  	[spmem:s31] =	stream.indirect.scatter.add.f32 [tilespmem:s7], [sflag:$0x1], $0x1, s8, s0, $0xb8;
	[tilespmem:$0x2D08] =	vst v63  }
0x35e: {  	s7 =	simm.s32 $0x2B78;
	s8 =	simm.s32 $0x2538  }
0x35f: {  	[spmem:s31] =	stream.indirect.scatter.add.f32 [tilespmem:s7], [sflag:$0x1], $0x1, s8, s0, $0xb8;
	[tilespmem:$0x2D08] =	vst v63  }
0x360: {  	s7 =	simm.s32 $0x2BC8;
	s8 =	simm.s32 $0x2588  }
0x361: {  	[spmem:s31] =	stream.indirect.scatter.add.f32 [tilespmem:s7], [sflag:$0x1], $0x1, s8, s0, $0xb8;
	[tilespmem:$0x2D08] =	vst v63  }
0x362: {  	s7 =	simm.s32 $0x2C18;
	s8 =	simm.s32 $0x25D8  }
0x363: {  	[spmem:s31] =	stream.indirect.scatter.add.f32 [tilespmem:s7], [sflag:$0x1], $0x1, s8, s0, $0xb8;
	[tilespmem:$0x2D08] =	vst v63  }
0x364: {  	s7 =	simm.s32 $0x2C68;
	s8 =	simm.s32 $0x2628  }
0x365: {  	[spmem:s31] =	stream.indirect.scatter.add.f32 [tilespmem:s7], [sflag:$0x1], $0x1, s8, s0, $0xb8;
	[tilespmem:$0x2D08] =	vst v63  }
0x366: {  	s7 =	simm.s32 $0x2CB8;
	s8 =	simm.s32 $0x2678  }
0x367: {  	[spmem:s31] =	stream.indirect.scatter.add.f32 [tilespmem:s7], [sflag:$0x1], $0x1, s8, s0, $0xb8;
	[tilespmem:$0x2D08] =	vst v63  }
0x368: {  	_ =	swait.ge [sflag:s29], $0x50  }
0x369: {  	[sflag:s29] =	ssyncset.done $0x0  }
0x36a: {  	[sflag:s29] =	ssyncadd.s32 $0xFFFFFFB0  }
0x36b: {  	_ =	swait.ge [sflag:s29], $0x50  }
0x36c: {  	[sflag:s29] =	ssyncset.done $0x0  }
0x36d: {  	[sflag:s29] =	ssyncadd.s32 $0xFFFFFFB0  }
0x36e: {  	_ =	swait.ge [sflag:s29], $0x50  }
0x36f: {  	[sflag:s29] =	ssyncset.done $0x0  }
0x370: {  	[sflag:s29] =	ssyncadd.s32 $0xFFFFFFB0  }
0x371: {  	_ =	swait.ge [sflag:s29], $0x50  }
0x372: {  	[sflag:s29] =	ssyncset.done $0x0  }
0x373: {  	[sflag:s29] =	ssyncadd.s32 $0xFFFFFFB0  }
0x374: {  	_ =	swait.ge [sflag:s29], $0x50  }
0x375: {  	[sflag:s29] =	ssyncset.done $0x0  }
0x376: {  	[sflag:s29] =	ssyncadd.s32 $0xFFFFFFB0  }
0x377: {  	_ =	swait.ge [sflag:s29], $0x50  }
0x378: {  	[sflag:s29] =	ssyncset.done $0x0  }
0x379: {  	[sflag:s29] =	ssyncadd.s32 $0xFFFFFFB0  }
0x37a: {  	_ =	swait.ge [sflag:s29], $0x50  }
0x37b: {  	[sflag:s29] =	ssyncset.done $0x0  }
0x37c: {  	[sflag:s29] =	ssyncadd.s32 $0xFFFFFFB0  }
0x37d: {  	_ =	swait.ge [sflag:s29], $0x50  }
0x37e: {  	[sflag:s29] =	ssyncset.done $0x0  }
0x37f: {  	[sflag:s29] =	ssyncadd.s32 $0xFFFFFFB0  }
0x380: {  	_ =	swait.ge [sflag:s29], $0x50  }
0x381: {  	[sflag:s29] =	ssyncset.done $0x0  }
0x382: {  	[sflag:s29] =	ssyncadd.s32 $0xFFFFFFB0  }
0x383: {  	_ =	swait.ge [sflag:s29], $0x50  }
0x384: {  	[sflag:s29] =	ssyncset.done $0x0  }
0x385: {  	[sflag:s29] =	ssyncadd.s32 $0xFFFFFFB0  }
0x386: {  	_ =	swait.ge [sflag:s29], $0x50  }
0x387: {  	[sflag:s29] =	ssyncset.done $0x0  }
0x388: {  	[sflag:s29] =	ssyncadd.s32 $0xFFFFFFB0  }
0x389: {  	_ =	swait.ge [sflag:s29], $0x50  }
0x38a: {  	[sflag:s29] =	ssyncset.done $0x0  }
0x38b: {  	[sflag:s29] =	ssyncadd.s32 $0xFFFFFFB0  }
0x38c: {  	_ =	swait.ge [sflag:s29], $0x50  }
0x38d: {  	[sflag:s29] =	ssyncset.done $0x0  }
0x38e: {  	[sflag:s29] =	ssyncadd.s32 $0xFFFFFFB0  }
0x38f: {  	_ =	swait.ge [sflag:s29], $0x50  }
0x390: {  	[sflag:s29] =	ssyncset.done $0x0  }
0x391: {  	[sflag:s29] =	ssyncadd.s32 $0xFFFFFFB0  }
0x392: {  	_ =	swait.ge [sflag:s29], $0x50  }
0x393: {  	[sflag:s29] =	ssyncset.done $0x0  }
0x394: {  	[sflag:s29] =	ssyncadd.s32 $0xFFFFFFB0  }
0x395: {  	_ =	swait.ge [sflag:s29], $0x50  }
0x396: {  	[sflag:s29] =	ssyncset.done $0x0  }
0x397: {  	[sflag:s29] =	ssyncadd.s32 $0xFFFFFFB0  }
0x398: {  	_ =	swait.ge [sflag:s29], $0x50  }
0x399: {  	[sflag:s29] =	ssyncset.done $0x0  }
0x39a: {  	[sflag:s29] =	ssyncadd.s32 $0xFFFFFFB0  }
0x39b: {  	_ =	swait.ge [sflag:s29], $0x50  }
0x39c: {  	[sflag:s29] =	ssyncset.done $0x0  }
0x39d: {  	[sflag:s29] =	ssyncadd.s32 $0xFFFFFFB0  }
0x39e: {  	_ =	swait.ge [sflag:s29], $0x50  }
0x39f: {  	[sflag:s29] =	ssyncset.done $0x0  }
0x3a0: {  	[sflag:s29] =	ssyncadd.s32 $0xFFFFFFB0  }
0x3a1: {  	_ =	swait.ge [sflag:s29], $0x50  }
0x3a2: {  	[sflag:s29] =	ssyncset.done $0x0  }
0x3a3: {  	[sflag:s29] =	ssyncadd.s32 $0xFFFFFFB0  }
0x3a4: {  	[bflag:$0x0] =	sbarrier.arrive $0xFFFF  }
0x3a5: {  	s3 =	sld [smem:$0x7FD]  }
0x3a6: {  	s7 =	sld [smem:$0x7E7]  }
0x3a7: {  	s8 =	sld [smem:$0x7D2];
	_ =	sdelay $0x2  }
0x3a8: {  	[hbm:s7], [sflag:s3] =	dma.local [spmem:s8], $0x190  }
0x3a9: {  	s7 =	simm.s32 $0x2  }
0x3aa: {  	_ =	swait.ge [sflag:s7], $0x190  }
0x3ab: {  	s0 =	sld [smem:$0x7EC]  }
0x3ac: {  	s1 =	sld [smem:$0x7D3]  }
0x3ad: {  	[sflag:s7] =	ssyncset.done $0x0  }
0x3ae: {  	[sflag:s7] =	ssyncadd.s32 $0xFFFFFE70  }
0x3af: {  	[hbm:s0], [sflag:s3] =	dma.local @!p0 [spmem:s1], $0x10  }
0x3b0: {  	s0 =	simm.s32 @!p0 $0x2  }
0x3b1: {  	_ =	swait.ge @!p0 [sflag:s0], $0x10  }
0x3b2: {  	s1 =	sld [smem:$0x7D1];
	_ =	sdelay $0x2  }
0x3b3: {  	s8 =	sadd.s32 $0x1, s1;
	s1 =	sld [smem:$0x7F5];
	_ =	sdelay $0x2  }
0x3b4: {  	p1 =	sne.s32 s8, s1  }
.Ltmp1:
0x3b5: {  	_ = 	snop;
	(pc) =	sbr.rel @p1 .LBB2_1-.Ltmp1, $3  }
0x3b6: {  	_ =	sdelay $0x1  }
0x3b7: {  	[sflag:s0] =	ssyncset.done @!p0 $0x0  }
0x3b8: {  	[sflag:s0] =	ssyncadd.s32 @!p0 $0xFFFFFFF0  }
0x3b9: {  	_ =	sfence.sel $0x180000  }
0x3ba: {  	[bflag:$0x0] =	sbarrier.arrive $0xFFFF  }
0x3bb: {  	_ =	strace $0x90000047  }
0x3bc: {  	[bflag:$0x2] =	sbarrier.arrive $0xFFFF  }
0x3bd: {  	s0 =	rddreg [dreg:$0x9]  }
0x3be: {  	s0 =	sadd.s32 @!p0 $0x100000, s0  }
0x3bf: {  	[sflag:s0] =	ssyncadd.tile.s32 @!p0 $0x1;
	_ =	shalt  }
.Lfunc_end2:
_tile_overlayer_lowered:
.L_overlay_start_2:
0x3c0: {  	(tag) =	ssettag $0x2  }
0x3c1: {  	s0 =	rddreg [dreg:$0x0];
	s2 =	stileid.u32  }
0x3c2: {  	s1 =	rddreg [dreg:$0x1];
	p0 =	sne.s32 s2, $0x0  }
0x3c3: {  	s3 =	rddreg [dreg:$0x2];
	[bflag:$0x3] =	sbarrier.arrive $0xFFFF;
	s2 =	simm.s32 @!p0 $0x1C02  }
0x3c4: {  	[timem:s3], [sflag:s2] =	dma.local @!p0 [hbm:s0], s1  }
0x3c5: {  	s0 =	simm.s32 @!p0 $0x2  }
0x3c6: {  	_ =	swait.ge @!p0 [sflag:s0], s1  }
0x3c7: {  	s1 =	ssub.s32 @!p0 $0x0, s1;
	[sflag:s0] =	ssyncset.done @!p0 $0x0  }
0x3c8: {  	[sflag:s0] =	ssyncadd.s32 @!p0 s1  }
0x3c9: {  	[bflag:$0x3] =	sbarrier.arrive $0xFFFF  }
0x3ca: {  	_ =	shalt  }

</sc_bundles>
